<compile_context>
chip_gen: v7x
topology: tpu7x:2x2x1
jax: 0.10.2.dev20260603
libtpu: 0.0.44.dev20260713+nightly
codegen_flags: <defaults>
</compile_context>

<pallas_src>
import functools

import jax
import jax.numpy as jnp
from jax import lax
from jax.experimental import pallas as pl
from jax.experimental.pallas import tpu as pltpu
from jax.experimental.pallas import tpu_sc as plsc

B = 16384
NI = 1000000
S = 20
D = 16
L = 16
NC, NS = 2, 16
NW = NC * NS
BPW = B // NW
CB = 128
NCH = BPW // CB
P = CB * S
NIDX = P // 128
NG = CB // L


def _body(table, act1, gum, zt,
          score_o, cidx_o, clk_o, ztn_o, rew_o,
          act_v, idx_v, rows_v, gum_v, zt_v, score_pk, cidx_v, clk_v,
          ztn_v, rew_v, sem):
    wid = lax.axis_index("s") * NC + lax.axis_index("c")
    lane = lax.iota(jnp.int32, L)
    rew_acc = jnp.zeros((L,), jnp.int32)

    for k in range(NCH):
        base_b = wid * BPW + k * CB
        base_p = base_b * S

        pltpu.sync_copy(act1.at[pl.ds(base_p, P)], act_v)
        pltpu.sync_copy(gum.at[pl.ds(base_p, P)], gum_v)
        pltpu.sync_copy(zt.at[pl.ds(base_b * D, CB * D)], zt_v)

        def mkidx(t, carry):
            av = act_v[pl.ds(t * L, L)]
            idx_v[pl.ds(t * L, L)] = ((av & ~2047) + ((av & 255) << 3)
                                      + ((av >> 8) & 7))
            return carry

        lax.fori_loop(0, P // L, mkidx, 0)
        cps = [pltpu.async_copy(table.at[idx_v.at[pl.ds(j * 128, 128)]],
                                rows_v.at[pl.ds(j * 128, 128)], sem)
               for j in range(NIDX)]
        for cp in cps:
            cp.wait()

        def group(g, rew):
            bvec = g * L + lane
            ztc = [plsc.load_gather(zt_v, [bvec * D + d]) for d in range(D)]

            def sbody(s, carry):
                bv, bi = carry
                rpos = bvec * S + s
                rbase = rpos * D
                acc = ztc[0] * plsc.load_gather(
                    rows_v, [rpos, jnp.zeros((L,), jnp.int32)])
                for d in range(1, D):
                    acc = acc + ztc[d] * plsc.load_gather(
                        rows_v, [rpos, jnp.full((L,), d, jnp.int32)])
                plsc.store_scatter(score_pk, [rpos], acc)
                comb = acc + plsc.load_gather(gum_v, [rpos])
                upd = comb > bv
                bv = jnp.where(upd, comb, bv)
                bi = jnp.where(upd, jnp.full((L,), s, jnp.int32), bi)
                return bv, bi

            bv0 = jnp.full((L,), -jnp.inf, jnp.float32)
            bi0 = jnp.zeros((L,), jnp.int32)
            _, bi = lax.fori_loop(0, S, sbody, (bv0, bi0))

            cpos = bvec * S + bi
            clicks = plsc.load_gather(act_v, [cpos])
            cidx_v[pl.ds(g * L, L)] = bi
            clk_v[pl.ds(g * L, L)] = clicks
            for d in range(D):
                r = plsc.load_gather(rows_v, [cpos, jnp.full((L,), d, jnp.int32)])
                plsc.store_scatter(ztn_v, [bvec * D + d], (ztc[d] + r) * 0.5)
            return rew + plsc.all_reduce_population_count(clicks > 1)

        rew_acc = lax.fori_loop(0, NG, group, rew_acc)

        pltpu.sync_copy(score_pk, score_o.at[pl.ds(base_p, P)])
        pltpu.sync_copy(cidx_v, cidx_o.at[pl.ds(base_b, CB)])
        pltpu.sync_copy(clk_v, clk_o.at[pl.ds(base_b, CB)])
        pltpu.sync_copy(ztn_v, ztn_o.at[pl.ds(base_b * D, CB * D)])

    rew_v[...] = rew_acc.astype(jnp.float32)
    pltpu.sync_copy(rew_v, rew_o.at[pl.ds(wid * L, L)])


_sc_call = pl.kernel(
    _body,
    out_type=(
        jax.ShapeDtypeStruct((B * S,), jnp.float32),
        jax.ShapeDtypeStruct((B,), jnp.int32),
        jax.ShapeDtypeStruct((B,), jnp.int32),
        jax.ShapeDtypeStruct((B * D,), jnp.float32),
        jax.ShapeDtypeStruct((NW * L,), jnp.float32),
    ),
    mesh=plsc.VectorSubcoreMesh(core_axis_name="c", subcore_axis_name="s",
                                num_cores=NC, num_subcores=NS),
    compiler_params=pltpu.CompilerParams(needs_layout_passes=False,
                                         use_tc_tiling_on_sc=False),
    scratch_types=(
        pltpu.VMEM((P,), jnp.int32),
        pltpu.VMEM((P,), jnp.int32),
        pltpu.VMEM((P, D), jnp.float32),
        pltpu.VMEM((P,), jnp.float32),
        pltpu.VMEM((CB * D,), jnp.float32),
        pltpu.VMEM((P,), jnp.float32),
        pltpu.VMEM((CB,), jnp.int32),
        pltpu.VMEM((CB,), jnp.int32),
        pltpu.VMEM((CB * D,), jnp.float32),
        pltpu.VMEM((L,), jnp.float32),
        pltpu.SemaphoreType.DMA,
    ),
)


TBLK = 2048
NBLK = (NI + TBLK - 1) // TBLK
NI_PAD = NBLK * TBLK


def _tp_body(src_ref, out_ref):
    x = src_ref[...]
    x = jnp.where(jnp.abs(x) < jnp.inf, x, 0.0)
    x2 = jnp.transpose(x.reshape(D, 8, 256), (1, 0, 2)).reshape(128, 256)
    eye = jnp.eye(128, dtype=jnp.float32)
    out_ref[...] = jax.lax.dot_general(
        x2, eye, (((0,), (0,)), ((), ())),
        precision=jax.lax.Precision.HIGHEST,
        preferred_element_type=jnp.float32)


_tp_call = pl.pallas_call(
    _tp_body,
    grid=(NBLK,),
    in_specs=[pl.BlockSpec((D, TBLK), lambda i: (0, i))],
    out_specs=pl.BlockSpec((TBLK * D // 128, 128), lambda i: (i, 0)),
    out_shape=jax.ShapeDtypeStruct((NI_PAD * D // 128, 128), jnp.float32),
)


@jax.jit
def kernel(action, zt, itemvec):
    act1 = action.reshape(-1)
    ztf = zt.reshape(-1)
    gum = jax.random.gumbel(jax.random.key(42), (B, S), jnp.float32).reshape(-1)
    table_rm = _tp_call(itemvec.T).reshape(-1).reshape(NI_PAD, D)
    score_f, cidx, clk, ztn, rew = _sc_call(table_rm, act1, gum, ztf)
    return (score_f.reshape(B, S), cidx, clk, ztn.reshape(B, 1, D),
            rew.reshape(NW, L)[:, 0].sum())

# --- scband reference (transcript-rebuilt; emitter-appended) ---
"""Pipeline reference for scband-simulator-14740327760183 (READ-ONLY COPY).

The authoritative reference and input builder live on the scoring server;
editing this copy changes nothing except your own understanding.
"""

import jax, jax.numpy as jnp
import numpy as np

NUM_ITEMS = 1000000
ITEM_DIM = 16
BATCH = 16384
SLATE = 20


def setup_inputs(seed: int = 0) -> dict:
    key = jax.random.key(seed)
    k1, k2, k3 = jax.random.split(key, 3)
    # itemvec embedding table: row-normalized gaussian, row 1 zeroed (per __init__)
    V = jax.random.normal(k1, (NUM_ITEMS, ITEM_DIM), dtype=jnp.float32)
    V = V / jnp.linalg.norm(V, axis=1, keepdims=True)
    V = V.at[1].set(0.0)
    # user latent state zt (set by reset()/previous steps; randn here for a mid-episode state)
    zt = jax.random.normal(k2, (BATCH, 1, ITEM_DIM), dtype=jnp.float32)
    # slate of recommended item ids per user
    action = jax.random.randint(k3, (BATCH, SLATE), 0, NUM_ITEMS, dtype=jnp.int32)
    return {"action": action, "zt": zt, "itemvec": V}


def reference(action, zt, itemvec):
    # Simulator.step(action): embed slate, score against user state, sample a click,
    # gather clicked item, update user state zt.
    action_vec = jnp.take(itemvec, action, axis=0)          # [B, S, D] embedding gather
    score = (zt * action_vec).sum(-1)                        # [B, S] logits
    # Categorical(logits=score).sample() via Gumbel-max with a fixed key
    gumbel = jax.random.gumbel(jax.random.key(42), score.shape, dtype=score.dtype)
    click_idx = jnp.argmax(score + gumbel, axis=-1)          # [B]
    click = jnp.take_along_axis(action, click_idx[:, None], axis=-1).squeeze(-1)  # [B]
    click_vec = jnp.take(itemvec, click[:, None], axis=0)    # [B, 1, D]
    zt_new = zt * 0.5 + click_vec * 0.5                      # state update
    reward = (click > 1).astype(jnp.float32).sum()           # scalar reward
    return (score, click_idx, click, zt_new, reward)

if __name__ == "__main__":
    import jax
    _d = setup_inputs()
    print(jax.jit(kernel)(*tuple(_d.values())))

</pallas_src>

<mosaic_0001>
#map = affine_map<(d0, d1) -> (0, 0)>
#map1 = affine_map<(d0, d1) -> (0)>
module attributes {stable_mosaic.version = 14 : i64} {
  func.func @_body(%arg0: i32, %arg1: i32, %arg2: memref<1001472x16xf32, #tpu.memory_space<hbm>>, %arg3: memref<327680xi32, #tpu.memory_space<hbm>>, %arg4: memref<327680xf32, #tpu.memory_space<hbm>>, %arg5: memref<262144xf32, #tpu.memory_space<hbm>>, %arg6: memref<327680xf32, #tpu.memory_space<hbm>>, %arg7: memref<16384xi32, #tpu.memory_space<hbm>>, %arg8: memref<16384xi32, #tpu.memory_space<hbm>>, %arg9: memref<262144xf32, #tpu.memory_space<hbm>>, %arg10: memref<512xf32, #tpu.memory_space<hbm>>, %arg11: memref<2560xi32, #tpu.memory_space<vmem>>, %arg12: memref<2560xi32, #tpu.memory_space<vmem>>, %arg13: memref<2560x16xf32, #tpu.memory_space<vmem>>, %arg14: memref<2560xf32, #tpu.memory_space<vmem>>, %arg15: memref<2048xf32, #tpu.memory_space<vmem>>, %arg16: memref<2560xf32, #tpu.memory_space<vmem>>, %arg17: memref<128xi32, #tpu.memory_space<vmem>>, %arg18: memref<128xi32, #tpu.memory_space<vmem>>, %arg19: memref<2048xf32, #tpu.memory_space<vmem>>, %arg20: memref<16xf32, #tpu.memory_space<vmem>>, %arg21: memref<!tpu.dma_semaphore, #tpu.memory_space<semaphore_mem>>) attributes {dimension_semantics = [#tpu.dimension_semantics<core_parallel>, #tpu.dimension_semantics<subcore_parallel>], iteration_bounds = array<i64: 2, 16>, scalar_prefetch = 0 : i64, scratch_operands = 11 : i64, tpu.core_type = #tpu.core_type<sc_vector_subcore>, window_params = [{transform_indices = #map}, {transform_indices = #map1}, {transform_indices = #map1}, {transform_indices = #map1}, {transform_indices = #map1}, {transform_indices = #map1}, {transform_indices = #map1}, {transform_indices = #map1}, {transform_indices = #map1}]} {
    %mul3A = arith.constant 2 : i32
    %mul3A_0 = arith.muli %arg1, %mul3A : i32
    %add3A = arith.addi %mul3A_0, %arg0 : i32
    %iota3A = tpu.iota {dimensions = array<i32: 0>} : vector<16xi32>
    %broadcast_in_dim3A = arith.constant 0 : i32
    %broadcast_in_dim3A_1 = vector.broadcast %broadcast_in_dim3A : i32 to vector<16xi32>
    %mul3A_2 = arith.constant 512 : i32
    %mul3A_3 = arith.muli %add3A, %mul3A_2 : i32
    %add3A_4 = arith.constant 0 : i32
    %add3A_5 = arith.addi %mul3A_3, %add3A_4 : i32
    %mul3A_6 = arith.constant 20 : i32
    %mul3A_7 = arith.muli %add3A_5, %mul3A_6 : i32
    "tpu.region"() ({
      %run_scoped3A = tpu.sem_alloc : memref<!tpu.dma_semaphore, #tpu.memory_space<semaphore_mem>>
      %dma_start3A_1370 = tpu.memref_slice %arg3[%mul3A_7] : memref<327680xi32, #tpu.memory_space<hbm>> -> memref<2560xi32, #tpu.memory_space<hbm>>
      %dma_start3A_1371 = tpu.memref_slice %arg3[%mul3A_7] : memref<327680xi32, #tpu.memory_space<hbm>> -> memref<2560xi32, #tpu.memory_space<hbm>>
      tpu.enqueue_dma source(%dma_start3A_1371 : memref<2560xi32, #tpu.memory_space<hbm>>) target(%arg11 : memref<2560xi32, #tpu.memory_space<vmem>>) target_semaphore(%run_scoped3A : memref<!tpu.dma_semaphore, #tpu.memory_space<semaphore_mem>>)
      %dma_wait3A_1372 = tpu.memref_slice %arg3[%mul3A_7] : memref<327680xi32, #tpu.memory_space<hbm>> -> memref<2560xi32, #tpu.memory_space<hbm>>
      %dma_wait3A_1373 = tpu.memref_slice %arg3[%mul3A_7] : memref<327680xi32, #tpu.memory_space<hbm>> -> memref<2560xi32, #tpu.memory_space<hbm>>
      tpu.wait_dma2 semaphore(%run_scoped3A : memref<!tpu.dma_semaphore, #tpu.memory_space<semaphore_mem>>) src(%dma_wait3A_1373 : memref<2560xi32, #tpu.memory_space<hbm>>) dst(%arg11 : memref<2560xi32, #tpu.memory_space<vmem>>)
      tpu.yield
    }) : () -> ()
    "tpu.region"() ({
      %run_scoped3A = tpu.sem_alloc : memref<!tpu.dma_semaphore, #tpu.memory_space<semaphore_mem>>
      %dma_start3A_1370 = tpu.memref_slice %arg4[%mul3A_7] : memref<327680xf32, #tpu.memory_space<hbm>> -> memref<2560xf32, #tpu.memory_space<hbm>>
      %dma_start3A_1371 = tpu.memref_slice %arg4[%mul3A_7] : memref<327680xf32, #tpu.memory_space<hbm>> -> memref<2560xf32, #tpu.memory_space<hbm>>
      tpu.enqueue_dma source(%dma_start3A_1371 : memref<2560xf32, #tpu.memory_space<hbm>>) target(%arg14 : memref<2560xf32, #tpu.memory_space<vmem>>) target_semaphore(%run_scoped3A : memref<!tpu.dma_semaphore, #tpu.memory_space<semaphore_mem>>)
      %dma_wait3A_1372 = tpu.memref_slice %arg4[%mul3A_7] : memref<327680xf32, #tpu.memory_space<hbm>> -> memref<2560xf32, #tpu.memory_space<hbm>>
      %dma_wait3A_1373 = tpu.memref_slice %arg4[%mul3A_7] : memref<327680xf32, #tpu.memory_space<hbm>> -> memref<2560xf32, #tpu.memory_space<hbm>>
      tpu.wait_dma2 semaphore(%run_scoped3A : memref<!tpu.dma_semaphore, #tpu.memory_space<semaphore_mem>>) src(%dma_wait3A_1373 : memref<2560xf32, #tpu.memory_space<hbm>>) dst(%arg14 : memref<2560xf32, #tpu.memory_space<vmem>>)
      tpu.yield
    }) : () -> ()
    %mul3A_8 = arith.constant 16 : i32
    %mul3A_9 = arith.muli %add3A_5, %mul3A_8 : i32
    "tpu.region"() ({
      %run_scoped3A = tpu.sem_alloc : memref<!tpu.dma_semaphore, #tpu.memory_space<semaphore_mem>>
      %dma_start3A_1370 = tpu.memref_slice %arg5[%mul3A_9] : memref<262144xf32, #tpu.memory_space<hbm>> -> memref<2048xf32, #tpu.memory_space<hbm>>
      %dma_start3A_1371 = tpu.memref_slice %arg5[%mul3A_9] : memref<262144xf32, #tpu.memory_space<hbm>> -> memref<2048xf32, #tpu.memory_space<hbm>>
      tpu.enqueue_dma source(%dma_start3A_1371 : memref<2048xf32, #tpu.memory_space<hbm>>) target(%arg15 : memref<2048xf32, #tpu.memory_space<vmem>>) target_semaphore(%run_scoped3A : memref<!tpu.dma_semaphore, #tpu.memory_space<semaphore_mem>>)
      %dma_wait3A_1372 = tpu.memref_slice %arg5[%mul3A_9] : memref<262144xf32, #tpu.memory_space<hbm>> -> memref<2048xf32, #tpu.memory_space<hbm>>
      %dma_wait3A_1373 = tpu.memref_slice %arg5[%mul3A_9] : memref<262144xf32, #tpu.memory_space<hbm>> -> memref<2048xf32, #tpu.memory_space<hbm>>
      tpu.wait_dma2 semaphore(%run_scoped3A : memref<!tpu.dma_semaphore, #tpu.memory_space<semaphore_mem>>) src(%dma_wait3A_1373 : memref<2048xf32, #tpu.memory_space<hbm>>) dst(%arg15 : memref<2048xf32, #tpu.memory_space<vmem>>)
      tpu.yield
    }) : () -> ()
    %scan3A = arith.constant 0 : i32
    %scan3A_10 = arith.constant 0 : i32
    %scan3A_11 = arith.constant 160 : i32
    %scan3A_12 = arith.addi %scan3A_10, %scan3A_11 : i32
    %scan3A_13 = arith.constant 1 : i32
    scf.for %scan3A_1370 = %scan3A_10 to %scan3A_12 step %scan3A_13  : i32 {
      %mul3A_1371 = arith.constant 16 : i32
      %mul3A_1372 = arith.muli %scan3A_1370, %mul3A_1371 : i32
      %get3A = arith.index_cast %mul3A_1372 : i32 to index
      %get3A_1373 = tpu.vector_load %arg11[%get3A] {strides = array<i32>} : memref<2560xi32, #tpu.memory_space<vmem>>, vector<16xi32>,
      %and3A = arith.constant -2048 : i32
      %and3A_1374 = vector.broadcast %and3A : i32 to vector<16xi32>
      %and3A_1375 = arith.andi %get3A_1373, %and3A_1374 : vector<16xi32>
      %and3A_1376 = arith.constant 255 : i32
      %and3A_1377 = vector.broadcast %and3A_1376 : i32 to vector<16xi32>
      %and3A_1378 = arith.andi %get3A_1373, %and3A_1377 : vector<16xi32>
      %shift_left3A = arith.constant 3 : i32
      %shift_left3A_1379 = vector.broadcast %shift_left3A : i32 to vector<16xi32>
      %shift_left3A_1380 = arith.shli %and3A_1378, %shift_left3A_1379 : vector<16xi32>
      %add3A_1381 = arith.addi %and3A_1375, %shift_left3A_1380 : vector<16xi32>
      %shift_right_arithmetic3A = arith.constant 8 : i32
      %shift_right_arithmetic3A_1382 = vector.broadcast %shift_right_arithmetic3A : i32 to vector<16xi32>
      %shift_right_arithmetic3A_1383 = arith.shrsi %get3A_1373, %shift_right_arithmetic3A_1382 : vector<16xi32>
      %and3A_1384 = arith.constant 7 : i32
      %and3A_1385 = vector.broadcast %and3A_1384 : i32 to vector<16xi32>
      %and3A_1386 = arith.andi %shift_right_arithmetic3A_1383, %and3A_1385 : vector<16xi32>
      %add3A_1387 = arith.addi %add3A_1381, %and3A_1386 : vector<16xi32>
      %mul3A_1388 = arith.constant 16 : i32
      %mul3A_1389 = arith.muli %scan3A_1370, %mul3A_1388 : i32
      %swap3A_1390 = arith.index_cast %mul3A_1389 : i32 to index
      %swap3A_1391 = tpu.vector_load %arg12[%swap3A_1390] {strides = array<i32>} : memref<2560xi32, #tpu.memory_space<vmem>>, vector<16xi32>,
      tpu.vector_store %arg12[%swap3A_1390], %add3A_1387 {strides = array<i32>} : memref<2560xi32, #tpu.memory_space<vmem>>, vector<16xi32>,
    }
    %scan3A_14 = arith.constant 160 : i32
    %dma_start3A = arith.constant 0 : i32
    %dma_start3A_15 = arith.constant 0 : i32
    %dma_start3A_16 = tpu.memref_slice %arg13[%dma_start3A, %dma_start3A_15] : memref<2560x16xf32, #tpu.memory_space<vmem>> -> memref<128x16xf32, #tpu.memory_space<vmem>>
    %dma_start3A_17 = arith.constant 0 : i32
    %dma_start3A_18 = tpu.memref_slice %arg12[%dma_start3A_17] : memref<2560xi32, #tpu.memory_space<vmem>> -> memref<128xi32, #tpu.memory_space<vmem>>
    %dma_start3A_19 = arith.constant 0 : i32
    %dma_start3A_20 = arith.constant 0 : i32
    %dma_start3A_21 = tpu.memref_slice %arg2[%dma_start3A_19, %dma_start3A_20] : memref<1001472x16xf32, #tpu.memory_space<hbm>> -> memref<1001472x16xf32, #tpu.memory_space<hbm>>
    tpu.enqueue_indirect_dma source(%dma_start3A_21 : memref<1001472x16xf32, #tpu.memory_space<hbm>>) target(%dma_start3A_16 : memref<128x16xf32, #tpu.memory_space<vmem>>) offsets(%dma_start3A_18 : memref<128xi32, #tpu.memory_space<vmem>>) semaphore(%arg21 : memref<!tpu.dma_semaphore, #tpu.memory_space<semaphore_mem>>)
    %dma_start3A_22 = arith.constant 128 : i32
    %dma_start3A_23 = arith.constant 0 : i32
    %dma_start3A_24 = tpu.memref_slice %arg13[%dma_start3A_22, %dma_start3A_23] : memref<2560x16xf32, #tpu.memory_space<vmem>> -> memref<128x16xf32, #tpu.memory_space<vmem>>
    %dma_start3A_25 = arith.constant 128 : i32
    %dma_start3A_26 = tpu.memref_slice %arg12[%dma_start3A_25] : memref<2560xi32, #tpu.memory_space<vmem>> -> memref<128xi32, #tpu.memory_space<vmem>>
    %dma_start3A_27 = arith.constant 0 : i32
    %dma_start3A_28 = arith.constant 0 : i32
    %dma_start3A_29 = tpu.memref_slice %arg2[%dma_start3A_27, %dma_start3A_28] : memref<1001472x16xf32, #tpu.memory_space<hbm>> -> memref<1001472x16xf32, #tpu.memory_space<hbm>>
    tpu.enqueue_indirect_dma source(%dma_start3A_29 : memref<1001472x16xf32, #tpu.memory_space<hbm>>) target(%dma_start3A_24 : memref<128x16xf32, #tpu.memory_space<vmem>>) offsets(%dma_start3A_26 : memref<128xi32, #tpu.memory_space<vmem>>) semaphore(%arg21 : memref<!tpu.dma_semaphore, #tpu.memory_space<semaphore_mem>>)
    %dma_start3A_30 = arith.constant 256 : i32
    %dma_start3A_31 = arith.constant 0 : i32
    %dma_start3A_32 = tpu.memref_slice %arg13[%dma_start3A_30, %dma_start3A_31] : memref<2560x16xf32, #tpu.memory_space<vmem>> -> memref<128x16xf32, #tpu.memory_space<vmem>>
    %dma_start3A_33 = arith.constant 256 : i32
    %dma_start3A_34 = tpu.memref_slice %arg12[%dma_start3A_33] : memref<2560xi32, #tpu.memory_space<vmem>> -> memref<128xi32, #tpu.memory_space<vmem>>
    %dma_start3A_35 = arith.constant 0 : i32
    %dma_start3A_36 = arith.constant 0 : i32
    %dma_start3A_37 = tpu.memref_slice %arg2[%dma_start3A_35, %dma_start3A_36] : memref<1001472x16xf32, #tpu.memory_space<hbm>> -> memref<1001472x16xf32, #tpu.memory_space<hbm>>
    tpu.enqueue_indirect_dma source(%dma_start3A_37 : memref<1001472x16xf32, #tpu.memory_space<hbm>>) target(%dma_start3A_32 : memref<128x16xf32, #tpu.memory_space<vmem>>) offsets(%dma_start3A_34 : memref<128xi32, #tpu.memory_space<vmem>>) semaphore(%arg21 : memref<!tpu.dma_semaphore, #tpu.memory_space<semaphore_mem>>)
    %dma_start3A_38 = arith.constant 384 : i32
    %dma_start3A_39 = arith.constant 0 : i32
    %dma_start3A_40 = tpu.memref_slice %arg13[%dma_start3A_38, %dma_start3A_39] : memref<2560x16xf32, #tpu.memory_space<vmem>> -> memref<128x16xf32, #tpu.memory_space<vmem>>
    %dma_start3A_41 = arith.constant 384 : i32
    %dma_start3A_42 = tpu.memref_slice %arg12[%dma_start3A_41] : memref<2560xi32, #tpu.memory_space<vmem>> -> memref<128xi32, #tpu.memory_space<vmem>>
    %dma_start3A_43 = arith.constant 0 : i32
    %dma_start3A_44 = arith.constant 0 : i32
    %dma_start3A_45 = tpu.memref_slice %arg2[%dma_start3A_43, %dma_start3A_44] : memref<1001472x16xf32, #tpu.memory_space<hbm>> -> memref<1001472x16xf32, #tpu.memory_space<hbm>>
    tpu.enqueue_indirect_dma source(%dma_start3A_45 : memref<1001472x16xf32, #tpu.memory_space<hbm>>) target(%dma_start3A_40 : memref<128x16xf32, #tpu.memory_space<vmem>>) offsets(%dma_start3A_42 : memref<128xi32, #tpu.memory_space<vmem>>) semaphore(%arg21 : memref<!tpu.dma_semaphore, #tpu.memory_space<semaphore_mem>>)
    %dma_start3A_46 = arith.constant 512 : i32
    %dma_start3A_47 = arith.constant 0 : i32
    %dma_start3A_48 = tpu.memref_slice %arg13[%dma_start3A_46, %dma_start3A_47] : memref<2560x16xf32, #tpu.memory_space<vmem>> -> memref<128x16xf32, #tpu.memory_space<vmem>>
    %dma_start3A_49 = arith.constant 512 : i32
    %dma_start3A_50 = tpu.memref_slice %arg12[%dma_start3A_49] : memref<2560xi32, #tpu.memory_space<vmem>> -> memref<128xi32, #tpu.memory_space<vmem>>
    %dma_start3A_51 = arith.constant 0 : i32
    %dma_start3A_52 = arith.constant 0 : i32
    %dma_start3A_53 = tpu.memref_slice %arg2[%dma_start3A_51, %dma_start3A_52] : memref<1001472x16xf32, #tpu.memory_space<hbm>> -> memref<1001472x16xf32, #tpu.memory_space<hbm>>
    tpu.enqueue_indirect_dma source(%dma_start3A_53 : memref<1001472x16xf32, #tpu.memory_space<hbm>>) target(%dma_start3A_48 : memref<128x16xf32, #tpu.memory_space<vmem>>) offsets(%dma_start3A_50 : memref<128xi32, #tpu.memory_space<vmem>>) semaphore(%arg21 : memref<!tpu.dma_semaphore, #tpu.memory_space<semaphore_mem>>)
    %dma_start3A_54 = arith.constant 640 : i32
    %dma_start3A_55 = arith.constant 0 : i32
    %dma_start3A_56 = tpu.memref_slice %arg13[%dma_start3A_54, %dma_start3A_55] : memref<2560x16xf32, #tpu.memory_space<vmem>> -> memref<128x16xf32, #tpu.memory_space<vmem>>
    %dma_start3A_57 = arith.constant 640 : i32
    %dma_start3A_58 = tpu.memref_slice %arg12[%dma_start3A_57] : memref<2560xi32, #tpu.memory_space<vmem>> -> memref<128xi32, #tpu.memory_space<vmem>>
    %dma_start3A_59 = arith.constant 0 : i32
    %dma_start3A_60 = arith.constant 0 : i32
    %dma_start3A_61 = tpu.memref_slice %arg2[%dma_start3A_59, %dma_start3A_60] : memref<1001472x16xf32, #tpu.memory_space<hbm>> -> memref<1001472x16xf32, #tpu.memory_space<hbm>>
    tpu.enqueue_indirect_dma source(%dma_start3A_61 : memref<1001472x16xf32, #tpu.memory_space<hbm>>) target(%dma_start3A_56 : memref<128x16xf32, #tpu.memory_space<vmem>>) offsets(%dma_start3A_58 : memref<128xi32, #tpu.memory_space<vmem>>) semaphore(%arg21 : memref<!tpu.dma_semaphore, #tpu.memory_space<semaphore_mem>>)
    %dma_start3A_62 = arith.constant 768 : i32
    %dma_start3A_63 = arith.constant 0 : i32
    %dma_start3A_64 = tpu.memref_slice %arg13[%dma_start3A_62, %dma_start3A_63] : memref<2560x16xf32, #tpu.memory_space<vmem>> -> memref<128x16xf32, #tpu.memory_space<vmem>>
    %dma_start3A_65 = arith.constant 768 : i32
    %dma_start3A_66 = tpu.memref_slice %arg12[%dma_start3A_65] : memref<2560xi32, #tpu.memory_space<vmem>> -> memref<128xi32, #tpu.memory_space<vmem>>
    %dma_start3A_67 = arith.constant 0 : i32
    %dma_start3A_68 = arith.constant 0 : i32
    %dma_start3A_69 = tpu.memref_slice %arg2[%dma_start3A_67, %dma_start3A_68] : memref<1001472x16xf32, #tpu.memory_space<hbm>> -> memref<1001472x16xf32, #tpu.memory_space<hbm>>
    tpu.enqueue_indirect_dma source(%dma_start3A_69 : memref<1001472x16xf32, #tpu.memory_space<hbm>>) target(%dma_start3A_64 : memref<128x16xf32, #tpu.memory_space<vmem>>) offsets(%dma_start3A_66 : memref<128xi32, #tpu.memory_space<vmem>>) semaphore(%arg21 : memref<!tpu.dma_semaphore, #tpu.memory_space<semaphore_mem>>)
    %dma_start3A_70 = arith.constant 896 : i32
    %dma_start3A_71 = arith.constant 0 : i32
    %dma_start3A_72 = tpu.memref_slice %arg13[%dma_start3A_70, %dma_start3A_71] : memref<2560x16xf32, #tpu.memory_space<vmem>> -> memref<128x16xf32, #tpu.memory_space<vmem>>
    %dma_start3A_73 = arith.constant 896 : i32
    %dma_start3A_74 = tpu.memref_slice %arg12[%dma_start3A_73] : memref<2560xi32, #tpu.memory_space<vmem>> -> memref<128xi32, #tpu.memory_space<vmem>>
    %dma_start3A_75 = arith.constant 0 : i32
    %dma_start3A_76 = arith.constant 0 : i32
    %dma_start3A_77 = tpu.memref_slice %arg2[%dma_start3A_75, %dma_start3A_76] : memref<1001472x16xf32, #tpu.memory_space<hbm>> -> memref<1001472x16xf32, #tpu.memory_space<hbm>>
    tpu.enqueue_indirect_dma source(%dma_start3A_77 : memref<1001472x16xf32, #tpu.memory_space<hbm>>) target(%dma_start3A_72 : memref<128x16xf32, #tpu.memory_space<vmem>>) offsets(%dma_start3A_74 : memref<128xi32, #tpu.memory_space<vmem>>) semaphore(%arg21 : memref<!tpu.dma_semaphore, #tpu.memory_space<semaphore_mem>>)
    %dma_start3A_78 = arith.constant 1024 : i32
    %dma_start3A_79 = arith.constant 0 : i32
    %dma_start3A_80 = tpu.memref_slice %arg13[%dma_start3A_78, %dma_start3A_79] : memref<2560x16xf32, #tpu.memory_space<vmem>> -> memref<128x16xf32, #tpu.memory_space<vmem>>
    %dma_start3A_81 = arith.constant 1024 : i32
    %dma_start3A_82 = tpu.memref_slice %arg12[%dma_start3A_81] : memref<2560xi32, #tpu.memory_space<vmem>> -> memref<128xi32, #tpu.memory_space<vmem>>
    %dma_start3A_83 = arith.constant 0 : i32
    %dma_start3A_84 = arith.constant 0 : i32
    %dma_start3A_85 = tpu.memref_slice %arg2[%dma_start3A_83, %dma_start3A_84] : memref<1001472x16xf32, #tpu.memory_space<hbm>> -> memref<1001472x16xf32, #tpu.memory_space<hbm>>
    tpu.enqueue_indirect_dma source(%dma_start3A_85 : memref<1001472x16xf32, #tpu.memory_space<hbm>>) target(%dma_start3A_80 : memref<128x16xf32, #tpu.memory_space<vmem>>) offsets(%dma_start3A_82 : memref<128xi32, #tpu.memory_space<vmem>>) semaphore(%arg21 : memref<!tpu.dma_semaphore, #tpu.memory_space<semaphore_mem>>)
    %dma_start3A_86 = arith.constant 1152 : i32
    %dma_start3A_87 = arith.constant 0 : i32
    %dma_start3A_88 = tpu.memref_slice %arg13[%dma_start3A_86, %dma_start3A_87] : memref<2560x16xf32, #tpu.memory_space<vmem>> -> memref<128x16xf32, #tpu.memory_space<vmem>>
    %dma_start3A_89 = arith.constant 1152 : i32
    %dma_start3A_90 = tpu.memref_slice %arg12[%dma_start3A_89] : memref<2560xi32, #tpu.memory_space<vmem>> -> memref<128xi32, #tpu.memory_space<vmem>>
    %dma_start3A_91 = arith.constant 0 : i32
    %dma_start3A_92 = arith.constant 0 : i32
    %dma_start3A_93 = tpu.memref_slice %arg2[%dma_start3A_91, %dma_start3A_92] : memref<1001472x16xf32, #tpu.memory_space<hbm>> -> memref<1001472x16xf32, #tpu.memory_space<hbm>>
    tpu.enqueue_indirect_dma source(%dma_start3A_93 : memref<1001472x16xf32, #tpu.memory_space<hbm>>) target(%dma_start3A_88 : memref<128x16xf32, #tpu.memory_space<vmem>>) offsets(%dma_start3A_90 : memref<128xi32, #tpu.memory_space<vmem>>) semaphore(%arg21 : memref<!tpu.dma_semaphore, #tpu.memory_space<semaphore_mem>>)
    %dma_start3A_94 = arith.constant 1280 : i32
    %dma_start3A_95 = arith.constant 0 : i32
    %dma_start3A_96 = tpu.memref_slice %arg13[%dma_start3A_94, %dma_start3A_95] : memref<2560x16xf32, #tpu.memory_space<vmem>> -> memref<128x16xf32, #tpu.memory_space<vmem>>
    %dma_start3A_97 = arith.constant 1280 : i32
    %dma_start3A_98 = tpu.memref_slice %arg12[%dma_start3A_97] : memref<2560xi32, #tpu.memory_space<vmem>> -> memref<128xi32, #tpu.memory_space<vmem>>
    %dma_start3A_99 = arith.constant 0 : i32
    %dma_start3A_100 = arith.constant 0 : i32
    %dma_start3A_101 = tpu.memref_slice %arg2[%dma_start3A_99, %dma_start3A_100] : memref<1001472x16xf32, #tpu.memory_space<hbm>> -> memref<1001472x16xf32, #tpu.memory_space<hbm>>
    tpu.enqueue_indirect_dma source(%dma_start3A_101 : memref<1001472x16xf32, #tpu.memory_space<hbm>>) target(%dma_start3A_96 : memref<128x16xf32, #tpu.memory_space<vmem>>) offsets(%dma_start3A_98 : memref<128xi32, #tpu.memory_space<vmem>>) semaphore(%arg21 : memref<!tpu.dma_semaphore, #tpu.memory_space<semaphore_mem>>)
    %dma_start3A_102 = arith.constant 1408 : i32
    %dma_start3A_103 = arith.constant 0 : i32
    %dma_start3A_104 = tpu.memref_slice %arg13[%dma_start3A_102, %dma_start3A_103] : memref<2560x16xf32, #tpu.memory_space<vmem>> -> memref<128x16xf32, #tpu.memory_space<vmem>>
    %dma_start3A_105 = arith.constant 1408 : i32
    %dma_start3A_106 = tpu.memref_slice %arg12[%dma_start3A_105] : memref<2560xi32, #tpu.memory_space<vmem>> -> memref<128xi32, #tpu.memory_space<vmem>>
    %dma_start3A_107 = arith.constant 0 : i32
    %dma_start3A_108 = arith.constant 0 : i32
    %dma_start3A_109 = tpu.memref_slice %arg2[%dma_start3A_107, %dma_start3A_108] : memref<1001472x16xf32, #tpu.memory_space<hbm>> -> memref<1001472x16xf32, #tpu.memory_space<hbm>>
    tpu.enqueue_indirect_dma source(%dma_start3A_109 : memref<1001472x16xf32, #tpu.memory_space<hbm>>) target(%dma_start3A_104 : memref<128x16xf32, #tpu.memory_space<vmem>>) offsets(%dma_start3A_106 : memref<128xi32, #tpu.memory_space<vmem>>) semaphore(%arg21 : memref<!tpu.dma_semaphore, #tpu.memory_space<semaphore_mem>>)
    %dma_start3A_110 = arith.constant 1536 : i32
    %dma_start3A_111 = arith.constant 0 : i32
    %dma_start3A_112 = tpu.memref_slice %arg13[%dma_start3A_110, %dma_start3A_111] : memref<2560x16xf32, #tpu.memory_space<vmem>> -> memref<128x16xf32, #tpu.memory_space<vmem>>
    %dma_start3A_113 = arith.constant 1536 : i32
    %dma_start3A_114 = tpu.memref_slice %arg12[%dma_start3A_113] : memref<2560xi32, #tpu.memory_space<vmem>> -> memref<128xi32, #tpu.memory_space<vmem>>
    %dma_start3A_115 = arith.constant 0 : i32
    %dma_start3A_116 = arith.constant 0 : i32
    %dma_start3A_117 = tpu.memref_slice %arg2[%dma_start3A_115, %dma_start3A_116] : memref<1001472x16xf32, #tpu.memory_space<hbm>> -> memref<1001472x16xf32, #tpu.memory_space<hbm>>
    tpu.enqueue_indirect_dma source(%dma_start3A_117 : memref<1001472x16xf32, #tpu.memory_space<hbm>>) target(%dma_start3A_112 : memref<128x16xf32, #tpu.memory_space<vmem>>) offsets(%dma_start3A_114 : memref<128xi32, #tpu.memory_space<vmem>>) semaphore(%arg21 : memref<!tpu.dma_semaphore, #tpu.memory_space<semaphore_mem>>)
    %dma_start3A_118 = arith.constant 1664 : i32
    %dma_start3A_119 = arith.constant 0 : i32
    %dma_start3A_120 = tpu.memref_slice %arg13[%dma_start3A_118, %dma_start3A_119] : memref<2560x16xf32, #tpu.memory_space<vmem>> -> memref<128x16xf32, #tpu.memory_space<vmem>>
    %dma_start3A_121 = arith.constant 1664 : i32
    %dma_start3A_122 = tpu.memref_slice %arg12[%dma_start3A_121] : memref<2560xi32, #tpu.memory_space<vmem>> -> memref<128xi32, #tpu.memory_space<vmem>>
    %dma_start3A_123 = arith.constant 0 : i32
    %dma_start3A_124 = arith.constant 0 : i32
    %dma_start3A_125 = tpu.memref_slice %arg2[%dma_start3A_123, %dma_start3A_124] : memref<1001472x16xf32, #tpu.memory_space<hbm>> -> memref<1001472x16xf32, #tpu.memory_space<hbm>>
    tpu.enqueue_indirect_dma source(%dma_start3A_125 : memref<1001472x16xf32, #tpu.memory_space<hbm>>) target(%dma_start3A_120 : memref<128x16xf32, #tpu.memory_space<vmem>>) offsets(%dma_start3A_122 : memref<128xi32, #tpu.memory_space<vmem>>) semaphore(%arg21 : memref<!tpu.dma_semaphore, #tpu.memory_space<semaphore_mem>>)
    %dma_start3A_126 = arith.constant 1792 : i32
    %dma_start3A_127 = arith.constant 0 : i32
    %dma_start3A_128 = tpu.memref_slice %arg13[%dma_start3A_126, %dma_start3A_127] : memref<2560x16xf32, #tpu.memory_space<vmem>> -> memref<128x16xf32, #tpu.memory_space<vmem>>
    %dma_start3A_129 = arith.constant 1792 : i32
    %dma_start3A_130 = tpu.memref_slice %arg12[%dma_start3A_129] : memref<2560xi32, #tpu.memory_space<vmem>> -> memref<128xi32, #tpu.memory_space<vmem>>
    %dma_start3A_131 = arith.constant 0 : i32
    %dma_start3A_132 = arith.constant 0 : i32
    %dma_start3A_133 = tpu.memref_slice %arg2[%dma_start3A_131, %dma_start3A_132] : memref<1001472x16xf32, #tpu.memory_space<hbm>> -> memref<1001472x16xf32, #tpu.memory_space<hbm>>
    tpu.enqueue_indirect_dma source(%dma_start3A_133 : memref<1001472x16xf32, #tpu.memory_space<hbm>>) target(%dma_start3A_128 : memref<128x16xf32, #tpu.memory_space<vmem>>) offsets(%dma_start3A_130 : memref<128xi32, #tpu.memory_space<vmem>>) semaphore(%arg21 : memref<!tpu.dma_semaphore, #tpu.memory_space<semaphore_mem>>)
    %dma_start3A_134 = arith.constant 1920 : i32
    %dma_start3A_135 = arith.constant 0 : i32
    %dma_start3A_136 = tpu.memref_slice %arg13[%dma_start3A_134, %dma_start3A_135] : memref<2560x16xf32, #tpu.memory_space<vmem>> -> memref<128x16xf32, #tpu.memory_space<vmem>>
    %dma_start3A_137 = arith.constant 1920 : i32
    %dma_start3A_138 = tpu.memref_slice %arg12[%dma_start3A_137] : memref<2560xi32, #tpu.memory_space<vmem>> -> memref<128xi32, #tpu.memory_space<vmem>>
    %dma_start3A_139 = arith.constant 0 : i32
    %dma_start3A_140 = arith.constant 0 : i32
    %dma_start3A_141 = tpu.memref_slice %arg2[%dma_start3A_139, %dma_start3A_140] : memref<1001472x16xf32, #tpu.memory_space<hbm>> -> memref<1001472x16xf32, #tpu.memory_space<hbm>>
    tpu.enqueue_indirect_dma source(%dma_start3A_141 : memref<1001472x16xf32, #tpu.memory_space<hbm>>) target(%dma_start3A_136 : memref<128x16xf32, #tpu.memory_space<vmem>>) offsets(%dma_start3A_138 : memref<128xi32, #tpu.memory_space<vmem>>) semaphore(%arg21 : memref<!tpu.dma_semaphore, #tpu.memory_space<semaphore_mem>>)
    %dma_start3A_142 = arith.constant 2048 : i32
    %dma_start3A_143 = arith.constant 0 : i32
    %dma_start3A_144 = tpu.memref_slice %arg13[%dma_start3A_142, %dma_start3A_143] : memref<2560x16xf32, #tpu.memory_space<vmem>> -> memref<128x16xf32, #tpu.memory_space<vmem>>
    %dma_start3A_145 = arith.constant 2048 : i32
    %dma_start3A_146 = tpu.memref_slice %arg12[%dma_start3A_145] : memref<2560xi32, #tpu.memory_space<vmem>> -> memref<128xi32, #tpu.memory_space<vmem>>
    %dma_start3A_147 = arith.constant 0 : i32
    %dma_start3A_148 = arith.constant 0 : i32
    %dma_start3A_149 = tpu.memref_slice %arg2[%dma_start3A_147, %dma_start3A_148] : memref<1001472x16xf32, #tpu.memory_space<hbm>> -> memref<1001472x16xf32, #tpu.memory_space<hbm>>
    tpu.enqueue_indirect_dma source(%dma_start3A_149 : memref<1001472x16xf32, #tpu.memory_space<hbm>>) target(%dma_start3A_144 : memref<128x16xf32, #tpu.memory_space<vmem>>) offsets(%dma_start3A_146 : memref<128xi32, #tpu.memory_space<vmem>>) semaphore(%arg21 : memref<!tpu.dma_semaphore, #tpu.memory_space<semaphore_mem>>)
    %dma_start3A_150 = arith.constant 2176 : i32
    %dma_start3A_151 = arith.constant 0 : i32
    %dma_start3A_152 = tpu.memref_slice %arg13[%dma_start3A_150, %dma_start3A_151] : memref<2560x16xf32, #tpu.memory_space<vmem>> -> memref<128x16xf32, #tpu.memory_space<vmem>>
    %dma_start3A_153 = arith.constant 2176 : i32
    %dma_start3A_154 = tpu.memref_slice %arg12[%dma_start3A_153] : memref<2560xi32, #tpu.memory_space<vmem>> -> memref<128xi32, #tpu.memory_space<vmem>>
    %dma_start3A_155 = arith.constant 0 : i32
    %dma_start3A_156 = arith.constant 0 : i32
    %dma_start3A_157 = tpu.memref_slice %arg2[%dma_start3A_155, %dma_start3A_156] : memref<1001472x16xf32, #tpu.memory_space<hbm>> -> memref<1001472x16xf32, #tpu.memory_space<hbm>>
    tpu.enqueue_indirect_dma source(%dma_start3A_157 : memref<1001472x16xf32, #tpu.memory_space<hbm>>) target(%dma_start3A_152 : memref<128x16xf32, #tpu.memory_space<vmem>>) offsets(%dma_start3A_154 : memref<128xi32, #tpu.memory_space<vmem>>) semaphore(%arg21 : memref<!tpu.dma_semaphore, #tpu.memory_space<semaphore_mem>>)
    %dma_start3A_158 = arith.constant 2304 : i32
    %dma_start3A_159 = arith.constant 0 : i32
    %dma_start3A_160 = tpu.memref_slice %arg13[%dma_start3A_158, %dma_start3A_159] : memref<2560x16xf32, #tpu.memory_space<vmem>> -> memref<128x16xf32, #tpu.memory_space<vmem>>
    %dma_start3A_161 = arith.constant 2304 : i32
    %dma_start3A_162 = tpu.memref_slice %arg12[%dma_start3A_161] : memref<2560xi32, #tpu.memory_space<vmem>> -> memref<128xi32, #tpu.memory_space<vmem>>
    %dma_start3A_163 = arith.constant 0 : i32
    %dma_start3A_164 = arith.constant 0 : i32
    %dma_start3A_165 = tpu.memref_slice %arg2[%dma_start3A_163, %dma_start3A_164] : memref<1001472x16xf32, #tpu.memory_space<hbm>> -> memref<1001472x16xf32, #tpu.memory_space<hbm>>
    tpu.enqueue_indirect_dma source(%dma_start3A_165 : memref<1001472x16xf32, #tpu.memory_space<hbm>>) target(%dma_start3A_160 : memref<128x16xf32, #tpu.memory_space<vmem>>) offsets(%dma_start3A_162 : memref<128xi32, #tpu.memory_space<vmem>>) semaphore(%arg21 : memref<!tpu.dma_semaphore, #tpu.memory_space<semaphore_mem>>)
    %dma_start3A_166 = arith.constant 2432 : i32
    %dma_start3A_167 = arith.constant 0 : i32
    %dma_start3A_168 = tpu.memref_slice %arg13[%dma_start3A_166, %dma_start3A_167] : memref<2560x16xf32, #tpu.memory_space<vmem>> -> memref<128x16xf32, #tpu.memory_space<vmem>>
    %dma_start3A_169 = arith.constant 2432 : i32
    %dma_start3A_170 = tpu.memref_slice %arg12[%dma_start3A_169] : memref<2560xi32, #tpu.memory_space<vmem>> -> memref<128xi32, #tpu.memory_space<vmem>>
    %dma_start3A_171 = arith.constant 0 : i32
    %dma_start3A_172 = arith.constant 0 : i32
    %dma_start3A_173 = tpu.memref_slice %arg2[%dma_start3A_171, %dma_start3A_172] : memref<1001472x16xf32, #tpu.memory_space<hbm>> -> memref<1001472x16xf32, #tpu.memory_space<hbm>>
    tpu.enqueue_indirect_dma source(%dma_start3A_173 : memref<1001472x16xf32, #tpu.memory_space<hbm>>) target(%dma_start3A_168 : memref<128x16xf32, #tpu.memory_space<vmem>>) offsets(%dma_start3A_170 : memref<128xi32, #tpu.memory_space<vmem>>) semaphore(%arg21 : memref<!tpu.dma_semaphore, #tpu.memory_space<semaphore_mem>>)
    %dma_wait3A = arith.constant 0 : i32
    %dma_wait3A_174 = arith.constant 0 : i32
    %dma_wait3A_175 = tpu.memref_slice %arg13[%dma_wait3A, %dma_wait3A_174] : memref<2560x16xf32, #tpu.memory_space<vmem>> -> memref<128x16xf32, #tpu.memory_space<vmem>>
    %dma_wait3A_176 = arith.constant 0 : i32
    %dma_wait3A_177 = tpu.memref_slice %arg12[%dma_wait3A_176] : memref<2560xi32, #tpu.memory_space<vmem>> -> memref<128xi32, #tpu.memory_space<vmem>>
    %dma_wait3A_178 = arith.constant 0 : i32
    %dma_wait3A_179 = arith.constant 0 : i32
    %dma_wait3A_180 = tpu.memref_slice %arg2[%dma_wait3A_178, %dma_wait3A_179] : memref<1001472x16xf32, #tpu.memory_space<hbm>> -> memref<1001472x16xf32, #tpu.memory_space<hbm>>
    tpu.wait_indirect_dma semaphore(%arg21 : memref<!tpu.dma_semaphore, #tpu.memory_space<semaphore_mem>>) src(%dma_wait3A_180 : memref<1001472x16xf32, #tpu.memory_space<hbm>>) dst(%dma_wait3A_175 : memref<128x16xf32, #tpu.memory_space<vmem>>)
    %dma_wait3A_181 = arith.constant 128 : i32
    %dma_wait3A_182 = arith.constant 0 : i32
    %dma_wait3A_183 = tpu.memref_slice %arg13[%dma_wait3A_181, %dma_wait3A_182] : memref<2560x16xf32, #tpu.memory_space<vmem>> -> memref<128x16xf32, #tpu.memory_space<vmem>>
    %dma_wait3A_184 = arith.constant 128 : i32
    %dma_wait3A_185 = tpu.memref_slice %arg12[%dma_wait3A_184] : memref<2560xi32, #tpu.memory_space<vmem>> -> memref<128xi32, #tpu.memory_space<vmem>>
    %dma_wait3A_186 = arith.constant 0 : i32
    %dma_wait3A_187 = arith.constant 0 : i32
    %dma_wait3A_188 = tpu.memref_slice %arg2[%dma_wait3A_186, %dma_wait3A_187] : memref<1001472x16xf32, #tpu.memory_space<hbm>> -> memref<1001472x16xf32, #tpu.memory_space<hbm>>
    tpu.wait_indirect_dma semaphore(%arg21 : memref<!tpu.dma_semaphore, #tpu.memory_space<semaphore_mem>>) src(%dma_wait3A_188 : memref<1001472x16xf32, #tpu.memory_space<hbm>>) dst(%dma_wait3A_183 : memref<128x16xf32, #tpu.memory_space<vmem>>)
    %dma_wait3A_189 = arith.constant 256 : i32
    %dma_wait3A_190 = arith.constant 0 : i32
    %dma_wait3A_191 = tpu.memref_slice %arg13[%dma_wait3A_189, %dma_wait3A_190] : memref<2560x16xf32, #tpu.memory_space<vmem>> -> memref<128x16xf32, #tpu.memory_space<vmem>>
    %dma_wait3A_192 = arith.constant 256 : i32
    %dma_wait3A_193 = tpu.memref_slice %arg12[%dma_wait3A_192] : memref<2560xi32, #tpu.memory_space<vmem>> -> memref<128xi32, #tpu.memory_space<vmem>>
    %dma_wait3A_194 = arith.constant 0 : i32
    %dma_wait3A_195 = arith.constant 0 : i32
    %dma_wait3A_196 = tpu.memref_slice %arg2[%dma_wait3A_194, %dma_wait3A_195] : memref<1001472x16xf32, #tpu.memory_space<hbm>> -> memref<1001472x16xf32, #tpu.memory_space<hbm>>
    tpu.wait_indirect_dma semaphore(%arg21 : memref<!tpu.dma_semaphore, #tpu.memory_space<semaphore_mem>>) src(%dma_wait3A_196 : memref<1001472x16xf32, #tpu.memory_space<hbm>>) dst(%dma_wait3A_191 : memref<128x16xf32, #tpu.memory_space<vmem>>)
    %dma_wait3A_197 = arith.constant 384 : i32
    %dma_wait3A_198 = arith.constant 0 : i32
    %dma_wait3A_199 = tpu.memref_slice %arg13[%dma_wait3A_197, %dma_wait3A_198] : memref<2560x16xf32, #tpu.memory_space<vmem>> -> memref<128x16xf32, #tpu.memory_space<vmem>>
    %dma_wait3A_200 = arith.constant 384 : i32
    %dma_wait3A_201 = tpu.memref_slice %arg12[%dma_wait3A_200] : memref<2560xi32, #tpu.memory_space<vmem>> -> memref<128xi32, #tpu.memory_space<vmem>>
    %dma_wait3A_202 = arith.constant 0 : i32
    %dma_wait3A_203 = arith.constant 0 : i32
    %dma_wait3A_204 = tpu.memref_slice %arg2[%dma_wait3A_202, %dma_wait3A_203] : memref<1001472x16xf32, #tpu.memory_space<hbm>> -> memref<1001472x16xf32, #tpu.memory_space<hbm>>
    tpu.wait_indirect_dma semaphore(%arg21 : memref<!tpu.dma_semaphore, #tpu.memory_space<semaphore_mem>>) src(%dma_wait3A_204 : memref<1001472x16xf32, #tpu.memory_space<hbm>>) dst(%dma_wait3A_199 : memref<128x16xf32, #tpu.memory_space<vmem>>)
    %dma_wait3A_205 = arith.constant 512 : i32
    %dma_wait3A_206 = arith.constant 0 : i32
    %dma_wait3A_207 = tpu.memref_slice %arg13[%dma_wait3A_205, %dma_wait3A_206] : memref<2560x16xf32, #tpu.memory_space<vmem>> -> memref<128x16xf32, #tpu.memory_space<vmem>>
    %dma_wait3A_208 = arith.constant 512 : i32
    %dma_wait3A_209 = tpu.memref_slice %arg12[%dma_wait3A_208] : memref<2560xi32, #tpu.memory_space<vmem>> -> memref<128xi32, #tpu.memory_space<vmem>>
    %dma_wait3A_210 = arith.constant 0 : i32
    %dma_wait3A_211 = arith.constant 0 : i32
    %dma_wait3A_212 = tpu.memref_slice %arg2[%dma_wait3A_210, %dma_wait3A_211] : memref<1001472x16xf32, #tpu.memory_space<hbm>> -> memref<1001472x16xf32, #tpu.memory_space<hbm>>
    tpu.wait_indirect_dma semaphore(%arg21 : memref<!tpu.dma_semaphore, #tpu.memory_space<semaphore_mem>>) src(%dma_wait3A_212 : memref<1001472x16xf32, #tpu.memory_space<hbm>>) dst(%dma_wait3A_207 : memref<128x16xf32, #tpu.memory_space<vmem>>)
    %dma_wait3A_213 = arith.constant 640 : i32
    %dma_wait3A_214 = arith.constant 0 : i32
    %dma_wait3A_215 = tpu.memref_slice %arg13[%dma_wait3A_213, %dma_wait3A_214] : memref<2560x16xf32, #tpu.memory_space<vmem>> -> memref<128x16xf32, #tpu.memory_space<vmem>>
    %dma_wait3A_216 = arith.constant 640 : i32
    %dma_wait3A_217 = tpu.memref_slice %arg12[%dma_wait3A_216] : memref<2560xi32, #tpu.memory_space<vmem>> -> memref<128xi32, #tpu.memory_space<vmem>>
    %dma_wait3A_218 = arith.constant 0 : i32
    %dma_wait3A_219 = arith.constant 0 : i32
    %dma_wait3A_220 = tpu.memref_slice %arg2[%dma_wait3A_218, %dma_wait3A_219] : memref<1001472x16xf32, #tpu.memory_space<hbm>> -> memref<1001472x16xf32, #tpu.memory_space<hbm>>
    tpu.wait_indirect_dma semaphore(%arg21 : memref<!tpu.dma_semaphore, #tpu.memory_space<semaphore_mem>>) src(%dma_wait3A_220 : memref<1001472x16xf32, #tpu.memory_space<hbm>>) dst(%dma_wait3A_215 : memref<128x16xf32, #tpu.memory_space<vmem>>)
    %dma_wait3A_221 = arith.constant 768 : i32
    %dma_wait3A_222 = arith.constant 0 : i32
    %dma_wait3A_223 = tpu.memref_slice %arg13[%dma_wait3A_221, %dma_wait3A_222] : memref<2560x16xf32, #tpu.memory_space<vmem>> -> memref<128x16xf32, #tpu.memory_space<vmem>>
    %dma_wait3A_224 = arith.constant 768 : i32
    %dma_wait3A_225 = tpu.memref_slice %arg12[%dma_wait3A_224] : memref<2560xi32, #tpu.memory_space<vmem>> -> memref<128xi32, #tpu.memory_space<vmem>>
    %dma_wait3A_226 = arith.constant 0 : i32
    %dma_wait3A_227 = arith.constant 0 : i32
    %dma_wait3A_228 = tpu.memref_slice %arg2[%dma_wait3A_226, %dma_wait3A_227] : memref<1001472x16xf32, #tpu.memory_space<hbm>> -> memref<1001472x16xf32, #tpu.memory_space<hbm>>
    tpu.wait_indirect_dma semaphore(%arg21 : memref<!tpu.dma_semaphore, #tpu.memory_space<semaphore_mem>>) src(%dma_wait3A_228 : memref<1001472x16xf32, #tpu.memory_space<hbm>>) dst(%dma_wait3A_223 : memref<128x16xf32, #tpu.memory_space<vmem>>)
    %dma_wait3A_229 = arith.constant 896 : i32
    %dma_wait3A_230 = arith.constant 0 : i32
    %dma_wait3A_231 = tpu.memref_slice %arg13[%dma_wait3A_229, %dma_wait3A_230] : memref<2560x16xf32, #tpu.memory_space<vmem>> -> memref<128x16xf32, #tpu.memory_space<vmem>>
    %dma_wait3A_232 = arith.constant 896 : i32
    %dma_wait3A_233 = tpu.memref_slice %arg12[%dma_wait3A_232] : memref<2560xi32, #tpu.memory_space<vmem>> -> memref<128xi32, #tpu.memory_space<vmem>>
    %dma_wait3A_234 = arith.constant 0 : i32
    %dma_wait3A_235 = arith.constant 0 : i32
    %dma_wait3A_236 = tpu.memref_slice %arg2[%dma_wait3A_234, %dma_wait3A_235] : memref<1001472x16xf32, #tpu.memory_space<hbm>> -> memref<1001472x16xf32, #tpu.memory_space<hbm>>
    tpu.wait_indirect_dma semaphore(%arg21 : memref<!tpu.dma_semaphore, #tpu.memory_space<semaphore_mem>>) src(%dma_wait3A_236 : memref<1001472x16xf32, #tpu.memory_space<hbm>>) dst(%dma_wait3A_231 : memref<128x16xf32, #tpu.memory_space<vmem>>)
    %dma_wait3A_237 = arith.constant 1024 : i32
    %dma_wait3A_238 = arith.constant 0 : i32
    %dma_wait3A_239 = tpu.memref_slice %arg13[%dma_wait3A_237, %dma_wait3A_238] : memref<2560x16xf32, #tpu.memory_space<vmem>> -> memref<128x16xf32, #tpu.memory_space<vmem>>
    %dma_wait3A_240 = arith.constant 1024 : i32
    %dma_wait3A_241 = tpu.memref_slice %arg12[%dma_wait3A_240] : memref<2560xi32, #tpu.memory_space<vmem>> -> memref<128xi32, #tpu.memory_space<vmem>>
    %dma_wait3A_242 = arith.constant 0 : i32
    %dma_wait3A_243 = arith.constant 0 : i32
    %dma_wait3A_244 = tpu.memref_slice %arg2[%dma_wait3A_242, %dma_wait3A_243] : memref<1001472x16xf32, #tpu.memory_space<hbm>> -> memref<1001472x16xf32, #tpu.memory_space<hbm>>
    tpu.wait_indirect_dma semaphore(%arg21 : memref<!tpu.dma_semaphore, #tpu.memory_space<semaphore_mem>>) src(%dma_wait3A_244 : memref<1001472x16xf32, #tpu.memory_space<hbm>>) dst(%dma_wait3A_239 : memref<128x16xf32, #tpu.memory_space<vmem>>)
    %dma_wait3A_245 = arith.constant 1152 : i32
    %dma_wait3A_246 = arith.constant 0 : i32
    %dma_wait3A_247 = tpu.memref_slice %arg13[%dma_wait3A_245, %dma_wait3A_246] : memref<2560x16xf32, #tpu.memory_space<vmem>> -> memref<128x16xf32, #tpu.memory_space<vmem>>
    %dma_wait3A_248 = arith.constant 1152 : i32
    %dma_wait3A_249 = tpu.memref_slice %arg12[%dma_wait3A_248] : memref<2560xi32, #tpu.memory_space<vmem>> -> memref<128xi32, #tpu.memory_space<vmem>>
    %dma_wait3A_250 = arith.constant 0 : i32
    %dma_wait3A_251 = arith.constant 0 : i32
    %dma_wait3A_252 = tpu.memref_slice %arg2[%dma_wait3A_250, %dma_wait3A_251] : memref<1001472x16xf32, #tpu.memory_space<hbm>> -> memref<1001472x16xf32, #tpu.memory_space<hbm>>
    tpu.wait_indirect_dma semaphore(%arg21 : memref<!tpu.dma_semaphore, #tpu.memory_space<semaphore_mem>>) src(%dma_wait3A_252 : memref<1001472x16xf32, #tpu.memory_space<hbm>>) dst(%dma_wait3A_247 : memref<128x16xf32, #tpu.memory_space<vmem>>)
    %dma_wait3A_253 = arith.constant 1280 : i32
    %dma_wait3A_254 = arith.constant 0 : i32
    %dma_wait3A_255 = tpu.memref_slice %arg13[%dma_wait3A_253, %dma_wait3A_254] : memref<2560x16xf32, #tpu.memory_space<vmem>> -> memref<128x16xf32, #tpu.memory_space<vmem>>
    %dma_wait3A_256 = arith.constant 1280 : i32
    %dma_wait3A_257 = tpu.memref_slice %arg12[%dma_wait3A_256] : memref<2560xi32, #tpu.memory_space<vmem>> -> memref<128xi32, #tpu.memory_space<vmem>>
    %dma_wait3A_258 = arith.constant 0 : i32
    %dma_wait3A_259 = arith.constant 0 : i32
    %dma_wait3A_260 = tpu.memref_slice %arg2[%dma_wait3A_258, %dma_wait3A_259] : memref<1001472x16xf32, #tpu.memory_space<hbm>> -> memref<1001472x16xf32, #tpu.memory_space<hbm>>
    tpu.wait_indirect_dma semaphore(%arg21 : memref<!tpu.dma_semaphore, #tpu.memory_space<semaphore_mem>>) src(%dma_wait3A_260 : memref<1001472x16xf32, #tpu.memory_space<hbm>>) dst(%dma_wait3A_255 : memref<128x16xf32, #tpu.memory_space<vmem>>)
    %dma_wait3A_261 = arith.constant 1408 : i32
    %dma_wait3A_262 = arith.constant 0 : i32
    %dma_wait3A_263 = tpu.memref_slice %arg13[%dma_wait3A_261, %dma_wait3A_262] : memref<2560x16xf32, #tpu.memory_space<vmem>> -> memref<128x16xf32, #tpu.memory_space<vmem>>
    %dma_wait3A_264 = arith.constant 1408 : i32
    %dma_wait3A_265 = tpu.memref_slice %arg12[%dma_wait3A_264] : memref<2560xi32, #tpu.memory_space<vmem>> -> memref<128xi32, #tpu.memory_space<vmem>>
    %dma_wait3A_266 = arith.constant 0 : i32
    %dma_wait3A_267 = arith.constant 0 : i32
    %dma_wait3A_268 = tpu.memref_slice %arg2[%dma_wait3A_266, %dma_wait3A_267] : memref<1001472x16xf32, #tpu.memory_space<hbm>> -> memref<1001472x16xf32, #tpu.memory_space<hbm>>
    tpu.wait_indirect_dma semaphore(%arg21 : memref<!tpu.dma_semaphore, #tpu.memory_space<semaphore_mem>>) src(%dma_wait3A_268 : memref<1001472x16xf32, #tpu.memory_space<hbm>>) dst(%dma_wait3A_263 : memref<128x16xf32, #tpu.memory_space<vmem>>)
    %dma_wait3A_269 = arith.constant 1536 : i32
    %dma_wait3A_270 = arith.constant 0 : i32
    %dma_wait3A_271 = tpu.memref_slice %arg13[%dma_wait3A_269, %dma_wait3A_270] : memref<2560x16xf32, #tpu.memory_space<vmem>> -> memref<128x16xf32, #tpu.memory_space<vmem>>
    %dma_wait3A_272 = arith.constant 1536 : i32
    %dma_wait3A_273 = tpu.memref_slice %arg12[%dma_wait3A_272] : memref<2560xi32, #tpu.memory_space<vmem>> -> memref<128xi32, #tpu.memory_space<vmem>>
    %dma_wait3A_274 = arith.constant 0 : i32
    %dma_wait3A_275 = arith.constant 0 : i32
    %dma_wait3A_276 = tpu.memref_slice %arg2[%dma_wait3A_274, %dma_wait3A_275] : memref<1001472x16xf32, #tpu.memory_space<hbm>> -> memref<1001472x16xf32, #tpu.memory_space<hbm>>
    tpu.wait_indirect_dma semaphore(%arg21 : memref<!tpu.dma_semaphore, #tpu.memory_space<semaphore_mem>>) src(%dma_wait3A_276 : memref<1001472x16xf32, #tpu.memory_space<hbm>>) dst(%dma_wait3A_271 : memref<128x16xf32, #tpu.memory_space<vmem>>)
    %dma_wait3A_277 = arith.constant 1664 : i32
    %dma_wait3A_278 = arith.constant 0 : i32
    %dma_wait3A_279 = tpu.memref_slice %arg13[%dma_wait3A_277, %dma_wait3A_278] : memref<2560x16xf32, #tpu.memory_space<vmem>> -> memref<128x16xf32, #tpu.memory_space<vmem>>
    %dma_wait3A_280 = arith.constant 1664 : i32
    %dma_wait3A_281 = tpu.memref_slice %arg12[%dma_wait3A_280] : memref<2560xi32, #tpu.memory_space<vmem>> -> memref<128xi32, #tpu.memory_space<vmem>>
    %dma_wait3A_282 = arith.constant 0 : i32
    %dma_wait3A_283 = arith.constant 0 : i32
    %dma_wait3A_284 = tpu.memref_slice %arg2[%dma_wait3A_282, %dma_wait3A_283] : memref<1001472x16xf32, #tpu.memory_space<hbm>> -> memref<1001472x16xf32, #tpu.memory_space<hbm>>
    tpu.wait_indirect_dma semaphore(%arg21 : memref<!tpu.dma_semaphore, #tpu.memory_space<semaphore_mem>>) src(%dma_wait3A_284 : memref<1001472x16xf32, #tpu.memory_space<hbm>>) dst(%dma_wait3A_279 : memref<128x16xf32, #tpu.memory_space<vmem>>)
    %dma_wait3A_285 = arith.constant 1792 : i32
    %dma_wait3A_286 = arith.constant 0 : i32
    %dma_wait3A_287 = tpu.memref_slice %arg13[%dma_wait3A_285, %dma_wait3A_286] : memref<2560x16xf32, #tpu.memory_space<vmem>> -> memref<128x16xf32, #tpu.memory_space<vmem>>
    %dma_wait3A_288 = arith.constant 1792 : i32
    %dma_wait3A_289 = tpu.memref_slice %arg12[%dma_wait3A_288] : memref<2560xi32, #tpu.memory_space<vmem>> -> memref<128xi32, #tpu.memory_space<vmem>>
    %dma_wait3A_290 = arith.constant 0 : i32
    %dma_wait3A_291 = arith.constant 0 : i32
    %dma_wait3A_292 = tpu.memref_slice %arg2[%dma_wait3A_290, %dma_wait3A_291] : memref<1001472x16xf32, #tpu.memory_space<hbm>> -> memref<1001472x16xf32, #tpu.memory_space<hbm>>
    tpu.wait_indirect_dma semaphore(%arg21 : memref<!tpu.dma_semaphore, #tpu.memory_space<semaphore_mem>>) src(%dma_wait3A_292 : memref<1001472x16xf32, #tpu.memory_space<hbm>>) dst(%dma_wait3A_287 : memref<128x16xf32, #tpu.memory_space<vmem>>)
    %dma_wait3A_293 = arith.constant 1920 : i32
    %dma_wait3A_294 = arith.constant 0 : i32
    %dma_wait3A_295 = tpu.memref_slice %arg13[%dma_wait3A_293, %dma_wait3A_294] : memref<2560x16xf32, #tpu.memory_space<vmem>> -> memref<128x16xf32, #tpu.memory_space<vmem>>
    %dma_wait3A_296 = arith.constant 1920 : i32
    %dma_wait3A_297 = tpu.memref_slice %arg12[%dma_wait3A_296] : memref<2560xi32, #tpu.memory_space<vmem>> -> memref<128xi32, #tpu.memory_space<vmem>>
    %dma_wait3A_298 = arith.constant 0 : i32
    %dma_wait3A_299 = arith.constant 0 : i32
    %dma_wait3A_300 = tpu.memref_slice %arg2[%dma_wait3A_298, %dma_wait3A_299] : memref<1001472x16xf32, #tpu.memory_space<hbm>> -> memref<1001472x16xf32, #tpu.memory_space<hbm>>
    tpu.wait_indirect_dma semaphore(%arg21 : memref<!tpu.dma_semaphore, #tpu.memory_space<semaphore_mem>>) src(%dma_wait3A_300 : memref<1001472x16xf32, #tpu.memory_space<hbm>>) dst(%dma_wait3A_295 : memref<128x16xf32, #tpu.memory_space<vmem>>)
    %dma_wait3A_301 = arith.constant 2048 : i32
    %dma_wait3A_302 = arith.constant 0 : i32
    %dma_wait3A_303 = tpu.memref_slice %arg13[%dma_wait3A_301, %dma_wait3A_302] : memref<2560x16xf32, #tpu.memory_space<vmem>> -> memref<128x16xf32, #tpu.memory_space<vmem>>
    %dma_wait3A_304 = arith.constant 2048 : i32
    %dma_wait3A_305 = tpu.memref_slice %arg12[%dma_wait3A_304] : memref<2560xi32, #tpu.memory_space<vmem>> -> memref<128xi32, #tpu.memory_space<vmem>>
    %dma_wait3A_306 = arith.constant 0 : i32
    %dma_wait3A_307 = arith.constant 0 : i32
    %dma_wait3A_308 = tpu.memref_slice %arg2[%dma_wait3A_306, %dma_wait3A_307] : memref<1001472x16xf32, #tpu.memory_space<hbm>> -> memref<1001472x16xf32, #tpu.memory_space<hbm>>
    tpu.wait_indirect_dma semaphore(%arg21 : memref<!tpu.dma_semaphore, #tpu.memory_space<semaphore_mem>>) src(%dma_wait3A_308 : memref<1001472x16xf32, #tpu.memory_space<hbm>>) dst(%dma_wait3A_303 : memref<128x16xf32, #tpu.memory_space<vmem>>)
    %dma_wait3A_309 = arith.constant 2176 : i32
    %dma_wait3A_310 = arith.constant 0 : i32
    %dma_wait3A_311 = tpu.memref_slice %arg13[%dma_wait3A_309, %dma_wait3A_310] : memref<2560x16xf32, #tpu.memory_space<vmem>> -> memref<128x16xf32, #tpu.memory_space<vmem>>
    %dma_wait3A_312 = arith.constant 2176 : i32
    %dma_wait3A_313 = tpu.memref_slice %arg12[%dma_wait3A_312] : memref<2560xi32, #tpu.memory_space<vmem>> -> memref<128xi32, #tpu.memory_space<vmem>>
    %dma_wait3A_314 = arith.constant 0 : i32
    %dma_wait3A_315 = arith.constant 0 : i32
    %dma_wait3A_316 = tpu.memref_slice %arg2[%dma_wait3A_314, %dma_wait3A_315] : memref<1001472x16xf32, #tpu.memory_space<hbm>> -> memref<1001472x16xf32, #tpu.memory_space<hbm>>
    tpu.wait_indirect_dma semaphore(%arg21 : memref<!tpu.dma_semaphore, #tpu.memory_space<semaphore_mem>>) src(%dma_wait3A_316 : memref<1001472x16xf32, #tpu.memory_space<hbm>>) dst(%dma_wait3A_311 : memref<128x16xf32, #tpu.memory_space<vmem>>)
    %dma_wait3A_317 = arith.constant 2304 : i32
    %dma_wait3A_318 = arith.constant 0 : i32
    %dma_wait3A_319 = tpu.memref_slice %arg13[%dma_wait3A_317, %dma_wait3A_318] : memref<2560x16xf32, #tpu.memory_space<vmem>> -> memref<128x16xf32, #tpu.memory_space<vmem>>
    %dma_wait3A_320 = arith.constant 2304 : i32
    %dma_wait3A_321 = tpu.memref_slice %arg12[%dma_wait3A_320] : memref<2560xi32, #tpu.memory_space<vmem>> -> memref<128xi32, #tpu.memory_space<vmem>>
    %dma_wait3A_322 = arith.constant 0 : i32
    %dma_wait3A_323 = arith.constant 0 : i32
    %dma_wait3A_324 = tpu.memref_slice %arg2[%dma_wait3A_322, %dma_wait3A_323] : memref<1001472x16xf32, #tpu.memory_space<hbm>> -> memref<1001472x16xf32, #tpu.memory_space<hbm>>
    tpu.wait_indirect_dma semaphore(%arg21 : memref<!tpu.dma_semaphore, #tpu.memory_space<semaphore_mem>>) src(%dma_wait3A_324 : memref<1001472x16xf32, #tpu.memory_space<hbm>>) dst(%dma_wait3A_319 : memref<128x16xf32, #tpu.memory_space<vmem>>)
    %dma_wait3A_325 = arith.constant 2432 : i32
    %dma_wait3A_326 = arith.constant 0 : i32
    %dma_wait3A_327 = tpu.memref_slice %arg13[%dma_wait3A_325, %dma_wait3A_326] : memref<2560x16xf32, #tpu.memory_space<vmem>> -> memref<128x16xf32, #tpu.memory_space<vmem>>
    %dma_wait3A_328 = arith.constant 2432 : i32
    %dma_wait3A_329 = tpu.memref_slice %arg12[%dma_wait3A_328] : memref<2560xi32, #tpu.memory_space<vmem>> -> memref<128xi32, #tpu.memory_space<vmem>>
    %dma_wait3A_330 = arith.constant 0 : i32
    %dma_wait3A_331 = arith.constant 0 : i32
    %dma_wait3A_332 = tpu.memref_slice %arg2[%dma_wait3A_330, %dma_wait3A_331] : memref<1001472x16xf32, #tpu.memory_space<hbm>> -> memref<1001472x16xf32, #tpu.memory_space<hbm>>
    tpu.wait_indirect_dma semaphore(%arg21 : memref<!tpu.dma_semaphore, #tpu.memory_space<semaphore_mem>>) src(%dma_wait3A_332 : memref<1001472x16xf32, #tpu.memory_space<hbm>>) dst(%dma_wait3A_327 : memref<128x16xf32, #tpu.memory_space<vmem>>)
    %scan3A_333 = arith.constant 0 : i32
    %scan3A_334 = arith.constant 8 : i32
    %scan3A_335 = arith.addi %scan3A_333, %scan3A_334 : i32
    %scan3A_336 = arith.constant 1 : i32
    %scan3A_337 = scf.for %scan3A_1370 = %scan3A_333 to %scan3A_335 step %scan3A_336 iter_args(%scan3A_1371 = %broadcast_in_dim3A_1) -> (vector<16xi32>)  : i32 {
      %mul3A_1372 = arith.constant 16 : i32
      %mul3A_1373 = arith.muli %scan3A_1370, %mul3A_1372 : i32
      %add3A_1374 = vector.broadcast %mul3A_1373 : i32 to vector<16xi32>
      %add3A_1375 = arith.addi %add3A_1374, %iota3A : vector<16xi32>
      %mul3A_1376 = arith.constant 16 : i32
      %mul3A_1377 = vector.broadcast %mul3A_1376 : i32 to vector<16xi32>
      %mul3A_1378 = arith.muli %add3A_1375, %mul3A_1377 : vector<16xi32>
      %add3A_1379 = arith.constant 0 : i32
      %add3A_1380 = vector.broadcast %add3A_1379 : i32 to vector<16xi32>
      %add3A_1381 = arith.addi %mul3A_1378, %add3A_1380 : vector<16xi32>
      %gather3A = tpu.vector_load_idx %arg15[%add3A_1381] : memref<2048xf32, #tpu.memory_space<vmem>>[vector<16xi32>], vector<16xf32>,
      %mul3A_1382 = arith.constant 16 : i32
      %mul3A_1383 = vector.broadcast %mul3A_1382 : i32 to vector<16xi32>
      %mul3A_1384 = arith.muli %add3A_1375, %mul3A_1383 : vector<16xi32>
      %add3A_1385 = arith.constant 1 : i32
      %add3A_1386 = vector.broadcast %add3A_1385 : i32 to vector<16xi32>
      %add3A_1387 = arith.addi %mul3A_1384, %add3A_1386 : vector<16xi32>
      %gather3A_1388 = tpu.vector_load_idx %arg15[%add3A_1387] : memref<2048xf32, #tpu.memory_space<vmem>>[vector<16xi32>], vector<16xf32>,
      %mul3A_1389 = arith.constant 16 : i32
      %mul3A_1390 = vector.broadcast %mul3A_1389 : i32 to vector<16xi32>
      %mul3A_1391 = arith.muli %add3A_1375, %mul3A_1390 : vector<16xi32>
      %add3A_1392 = arith.constant 2 : i32
      %add3A_1393 = vector.broadcast %add3A_1392 : i32 to vector<16xi32>
      %add3A_1394 = arith.addi %mul3A_1391, %add3A_1393 : vector<16xi32>
      %gather3A_1395 = tpu.vector_load_idx %arg15[%add3A_1394] : memref<2048xf32, #tpu.memory_space<vmem>>[vector<16xi32>], vector<16xf32>,
      %mul3A_1396 = arith.constant 16 : i32
      %mul3A_1397 = vector.broadcast %mul3A_1396 : i32 to vector<16xi32>
      %mul3A_1398 = arith.muli %add3A_1375, %mul3A_1397 : vector<16xi32>
      %add3A_1399 = arith.constant 3 : i32
      %add3A_1400 = vector.broadcast %add3A_1399 : i32 to vector<16xi32>
      %add3A_1401 = arith.addi %mul3A_1398, %add3A_1400 : vector<16xi32>
      %gather3A_1402 = tpu.vector_load_idx %arg15[%add3A_1401] : memref<2048xf32, #tpu.memory_space<vmem>>[vector<16xi32>], vector<16xf32>,
      %mul3A_1403 = arith.constant 16 : i32
      %mul3A_1404 = vector.broadcast %mul3A_1403 : i32 to vector<16xi32>
      %mul3A_1405 = arith.muli %add3A_1375, %mul3A_1404 : vector<16xi32>
      %add3A_1406 = arith.constant 4 : i32
      %add3A_1407 = vector.broadcast %add3A_1406 : i32 to vector<16xi32>
      %add3A_1408 = arith.addi %mul3A_1405, %add3A_1407 : vector<16xi32>
      %gather3A_1409 = tpu.vector_load_idx %arg15[%add3A_1408] : memref<2048xf32, #tpu.memory_space<vmem>>[vector<16xi32>], vector<16xf32>,
      %mul3A_1410 = arith.constant 16 : i32
      %mul3A_1411 = vector.broadcast %mul3A_1410 : i32 to vector<16xi32>
      %mul3A_1412 = arith.muli %add3A_1375, %mul3A_1411 : vector<16xi32>
      %add3A_1413 = arith.constant 5 : i32
      %add3A_1414 = vector.broadcast %add3A_1413 : i32 to vector<16xi32>
      %add3A_1415 = arith.addi %mul3A_1412, %add3A_1414 : vector<16xi32>
      %gather3A_1416 = tpu.vector_load_idx %arg15[%add3A_1415] : memref<2048xf32, #tpu.memory_space<vmem>>[vector<16xi32>], vector<16xf32>,
      %mul3A_1417 = arith.constant 16 : i32
      %mul3A_1418 = vector.broadcast %mul3A_1417 : i32 to vector<16xi32>
      %mul3A_1419 = arith.muli %add3A_1375, %mul3A_1418 : vector<16xi32>
      %add3A_1420 = arith.constant 6 : i32
      %add3A_1421 = vector.broadcast %add3A_1420 : i32 to vector<16xi32>
      %add3A_1422 = arith.addi %mul3A_1419, %add3A_1421 : vector<16xi32>
      %gather3A_1423 = tpu.vector_load_idx %arg15[%add3A_1422] : memref<2048xf32, #tpu.memory_space<vmem>>[vector<16xi32>], vector<16xf32>,
      %mul3A_1424 = arith.constant 16 : i32
      %mul3A_1425 = vector.broadcast %mul3A_1424 : i32 to vector<16xi32>
      %mul3A_1426 = arith.muli %add3A_1375, %mul3A_1425 : vector<16xi32>
      %add3A_1427 = arith.constant 7 : i32
      %add3A_1428 = vector.broadcast %add3A_1427 : i32 to vector<16xi32>
      %add3A_1429 = arith.addi %mul3A_1426, %add3A_1428 : vector<16xi32>
      %gather3A_1430 = tpu.vector_load_idx %arg15[%add3A_1429] : memref<2048xf32, #tpu.memory_space<vmem>>[vector<16xi32>], vector<16xf32>,
      %mul3A_1431 = arith.constant 16 : i32
      %mul3A_1432 = vector.broadcast %mul3A_1431 : i32 to vector<16xi32>
      %mul3A_1433 = arith.muli %add3A_1375, %mul3A_1432 : vector<16xi32>
      %add3A_1434 = arith.constant 8 : i32
      %add3A_1435 = vector.broadcast %add3A_1434 : i32 to vector<16xi32>
      %add3A_1436 = arith.addi %mul3A_1433, %add3A_1435 : vector<16xi32>
      %gather3A_1437 = tpu.vector_load_idx %arg15[%add3A_1436] : memref<2048xf32, #tpu.memory_space<vmem>>[vector<16xi32>], vector<16xf32>,
      %mul3A_1438 = arith.constant 16 : i32
      %mul3A_1439 = vector.broadcast %mul3A_1438 : i32 to vector<16xi32>
      %mul3A_1440 = arith.muli %add3A_1375, %mul3A_1439 : vector<16xi32>
      %add3A_1441 = arith.constant 9 : i32
      %add3A_1442 = vector.broadcast %add3A_1441 : i32 to vector<16xi32>
      %add3A_1443 = arith.addi %mul3A_1440, %add3A_1442 : vector<16xi32>
      %gather3A_1444 = tpu.vector_load_idx %arg15[%add3A_1443] : memref<2048xf32, #tpu.memory_space<vmem>>[vector<16xi32>], vector<16xf32>,
      %mul3A_1445 = arith.constant 16 : i32
      %mul3A_1446 = vector.broadcast %mul3A_1445 : i32 to vector<16xi32>
      %mul3A_1447 = arith.muli %add3A_1375, %mul3A_1446 : vector<16xi32>
      %add3A_1448 = arith.constant 10 : i32
      %add3A_1449 = vector.broadcast %add3A_1448 : i32 to vector<16xi32>
      %add3A_1450 = arith.addi %mul3A_1447, %add3A_1449 : vector<16xi32>
      %gather3A_1451 = tpu.vector_load_idx %arg15[%add3A_1450] : memref<2048xf32, #tpu.memory_space<vmem>>[vector<16xi32>], vector<16xf32>,
      %mul3A_1452 = arith.constant 16 : i32
      %mul3A_1453 = vector.broadcast %mul3A_1452 : i32 to vector<16xi32>
      %mul3A_1454 = arith.muli %add3A_1375, %mul3A_1453 : vector<16xi32>
      %add3A_1455 = arith.constant 11 : i32
      %add3A_1456 = vector.broadcast %add3A_1455 : i32 to vector<16xi32>
      %add3A_1457 = arith.addi %mul3A_1454, %add3A_1456 : vector<16xi32>
      %gather3A_1458 = tpu.vector_load_idx %arg15[%add3A_1457] : memref<2048xf32, #tpu.memory_space<vmem>>[vector<16xi32>], vector<16xf32>,
      %mul3A_1459 = arith.constant 16 : i32
      %mul3A_1460 = vector.broadcast %mul3A_1459 : i32 to vector<16xi32>
      %mul3A_1461 = arith.muli %add3A_1375, %mul3A_1460 : vector<16xi32>
      %add3A_1462 = arith.constant 12 : i32
      %add3A_1463 = vector.broadcast %add3A_1462 : i32 to vector<16xi32>
      %add3A_1464 = arith.addi %mul3A_1461, %add3A_1463 : vector<16xi32>
      %gather3A_1465 = tpu.vector_load_idx %arg15[%add3A_1464] : memref<2048xf32, #tpu.memory_space<vmem>>[vector<16xi32>], vector<16xf32>,
      %mul3A_1466 = arith.constant 16 : i32
      %mul3A_1467 = vector.broadcast %mul3A_1466 : i32 to vector<16xi32>
      %mul3A_1468 = arith.muli %add3A_1375, %mul3A_1467 : vector<16xi32>
      %add3A_1469 = arith.constant 13 : i32
      %add3A_1470 = vector.broadcast %add3A_1469 : i32 to vector<16xi32>
      %add3A_1471 = arith.addi %mul3A_1468, %add3A_1470 : vector<16xi32>
      %gather3A_1472 = tpu.vector_load_idx %arg15[%add3A_1471] : memref<2048xf32, #tpu.memory_space<vmem>>[vector<16xi32>], vector<16xf32>,
      %mul3A_1473 = arith.constant 16 : i32
      %mul3A_1474 = vector.broadcast %mul3A_1473 : i32 to vector<16xi32>
      %mul3A_1475 = arith.muli %add3A_1375, %mul3A_1474 : vector<16xi32>
      %add3A_1476 = arith.constant 14 : i32
      %add3A_1477 = vector.broadcast %add3A_1476 : i32 to vector<16xi32>
      %add3A_1478 = arith.addi %mul3A_1475, %add3A_1477 : vector<16xi32>
      %gather3A_1479 = tpu.vector_load_idx %arg15[%add3A_1478] : memref<2048xf32, #tpu.memory_space<vmem>>[vector<16xi32>], vector<16xf32>,
      %mul3A_1480 = arith.constant 16 : i32
      %mul3A_1481 = vector.broadcast %mul3A_1480 : i32 to vector<16xi32>
      %mul3A_1482 = arith.muli %add3A_1375, %mul3A_1481 : vector<16xi32>
      %add3A_1483 = arith.constant 15 : i32
      %add3A_1484 = vector.broadcast %add3A_1483 : i32 to vector<16xi32>
      %add3A_1485 = arith.addi %mul3A_1482, %add3A_1484 : vector<16xi32>
      %gather3A_1486 = tpu.vector_load_idx %arg15[%add3A_1485] : memref<2048xf32, #tpu.memory_space<vmem>>[vector<16xi32>], vector<16xf32>,
      %broadcast_in_dim3A_1487 = arith.constant 0xFF800000 : f32
      %broadcast_in_dim3A_1488 = vector.broadcast %broadcast_in_dim3A_1487 : f32 to vector<16xf32>
      %broadcast_in_dim3A_1489 = arith.constant 0 : i32
      %broadcast_in_dim3A_1490 = vector.broadcast %broadcast_in_dim3A_1489 : i32 to vector<16xi32>
      %scan3A_1491 = arith.constant 0 : i32
      %scan3A_1492 = arith.constant 20 : i32
      %scan3A_1493 = arith.addi %scan3A_1491, %scan3A_1492 : i32
      %scan3A_1494 = arith.constant 1 : i32
      %scan3A_1495:2 = scf.for %scan3A_1721 = %scan3A_1491 to %scan3A_1493 step %scan3A_1494 iter_args(%scan3A_1722 = %broadcast_in_dim3A_1488, %scan3A_1723 = %broadcast_in_dim3A_1490) -> (vector<16xf32>, vector<16xi32>)  : i32 {
        %mul3A_1724 = arith.constant 20 : i32
        %mul3A_1725 = vector.broadcast %mul3A_1724 : i32 to vector<16xi32>
        %mul3A_1726 = arith.muli %add3A_1375, %mul3A_1725 : vector<16xi32>
        %add3A_1727 = vector.broadcast %scan3A_1721 : i32 to vector<16xi32>
        %add3A_1728 = arith.addi %mul3A_1726, %add3A_1727 : vector<16xi32>
        %mul3A_1729 = arith.constant 16 : i32
        %mul3A_1730 = vector.broadcast %mul3A_1729 : i32 to vector<16xi32>
        %mul3A_1731 = arith.muli %add3A_1728, %mul3A_1730 : vector<16xi32>
        %broadcast_in_dim3A_1732 = arith.constant 0 : i32
        %broadcast_in_dim3A_1733 = vector.broadcast %broadcast_in_dim3A_1732 : i32 to vector<16xi32>
        %gather3A_1734 = tpu.vector_load_idx %arg13[%add3A_1728, %broadcast_in_dim3A_1733] : memref<2560x16xf32, #tpu.memory_space<vmem>>[vector<16xi32>, vector<16xi32>], vector<16xf32>,
        %mul3A_1735 = arith.mulf %gather3A, %gather3A_1734 : vector<16xf32>
        %broadcast_in_dim3A_1736 = arith.constant 1 : i32
        %broadcast_in_dim3A_1737 = vector.broadcast %broadcast_in_dim3A_1736 : i32 to vector<16xi32>
        %gather3A_1738 = tpu.vector_load_idx %arg13[%add3A_1728, %broadcast_in_dim3A_1737] : memref<2560x16xf32, #tpu.memory_space<vmem>>[vector<16xi32>, vector<16xi32>], vector<16xf32>,
        %mul3A_1739 = arith.mulf %gather3A_1388, %gather3A_1738 : vector<16xf32>
        %add3A_1740 = arith.addf %mul3A_1735, %mul3A_1739 : vector<16xf32>
        %broadcast_in_dim3A_1741 = arith.constant 2 : i32
        %broadcast_in_dim3A_1742 = vector.broadcast %broadcast_in_dim3A_1741 : i32 to vector<16xi32>
        %gather3A_1743 = tpu.vector_load_idx %arg13[%add3A_1728, %broadcast_in_dim3A_1742] : memref<2560x16xf32, #tpu.memory_space<vmem>>[vector<16xi32>, vector<16xi32>], vector<16xf32>,
        %mul3A_1744 = arith.mulf %gather3A_1395, %gather3A_1743 : vector<16xf32>
        %add3A_1745 = arith.addf %add3A_1740, %mul3A_1744 : vector<16xf32>
        %broadcast_in_dim3A_1746 = arith.constant 3 : i32
        %broadcast_in_dim3A_1747 = vector.broadcast %broadcast_in_dim3A_1746 : i32 to vector<16xi32>
        %gather3A_1748 = tpu.vector_load_idx %arg13[%add3A_1728, %broadcast_in_dim3A_1747] : memref<2560x16xf32, #tpu.memory_space<vmem>>[vector<16xi32>, vector<16xi32>], vector<16xf32>,
        %mul3A_1749 = arith.mulf %gather3A_1402, %gather3A_1748 : vector<16xf32>
        %add3A_1750 = arith.addf %add3A_1745, %mul3A_1749 : vector<16xf32>
        %broadcast_in_dim3A_1751 = arith.constant 4 : i32
        %broadcast_in_dim3A_1752 = vector.broadcast %broadcast_in_dim3A_1751 : i32 to vector<16xi32>
        %gather3A_1753 = tpu.vector_load_idx %arg13[%add3A_1728, %broadcast_in_dim3A_1752] : memref<2560x16xf32, #tpu.memory_space<vmem>>[vector<16xi32>, vector<16xi32>], vector<16xf32>,
        %mul3A_1754 = arith.mulf %gather3A_1409, %gather3A_1753 : vector<16xf32>
        %add3A_1755 = arith.addf %add3A_1750, %mul3A_1754 : vector<16xf32>
        %broadcast_in_dim3A_1756 = arith.constant 5 : i32
        %broadcast_in_dim3A_1757 = vector.broadcast %broadcast_in_dim3A_1756 : i32 to vector<16xi32>
        %gather3A_1758 = tpu.vector_load_idx %arg13[%add3A_1728, %broadcast_in_dim3A_1757] : memref<2560x16xf32, #tpu.memory_space<vmem>>[vector<16xi32>, vector<16xi32>], vector<16xf32>,
        %mul3A_1759 = arith.mulf %gather3A_1416, %gather3A_1758 : vector<16xf32>
        %add3A_1760 = arith.addf %add3A_1755, %mul3A_1759 : vector<16xf32>
        %broadcast_in_dim3A_1761 = arith.constant 6 : i32
        %broadcast_in_dim3A_1762 = vector.broadcast %broadcast_in_dim3A_1761 : i32 to vector<16xi32>
        %gather3A_1763 = tpu.vector_load_idx %arg13[%add3A_1728, %broadcast_in_dim3A_1762] : memref<2560x16xf32, #tpu.memory_space<vmem>>[vector<16xi32>, vector<16xi32>], vector<16xf32>,
        %mul3A_1764 = arith.mulf %gather3A_1423, %gather3A_1763 : vector<16xf32>
        %add3A_1765 = arith.addf %add3A_1760, %mul3A_1764 : vector<16xf32>
        %broadcast_in_dim3A_1766 = arith.constant 7 : i32
        %broadcast_in_dim3A_1767 = vector.broadcast %broadcast_in_dim3A_1766 : i32 to vector<16xi32>
        %gather3A_1768 = tpu.vector_load_idx %arg13[%add3A_1728, %broadcast_in_dim3A_1767] : memref<2560x16xf32, #tpu.memory_space<vmem>>[vector<16xi32>, vector<16xi32>], vector<16xf32>,
        %mul3A_1769 = arith.mulf %gather3A_1430, %gather3A_1768 : vector<16xf32>
        %add3A_1770 = arith.addf %add3A_1765, %mul3A_1769 : vector<16xf32>
        %broadcast_in_dim3A_1771 = arith.constant 8 : i32
        %broadcast_in_dim3A_1772 = vector.broadcast %broadcast_in_dim3A_1771 : i32 to vector<16xi32>
        %gather3A_1773 = tpu.vector_load_idx %arg13[%add3A_1728, %broadcast_in_dim3A_1772] : memref<2560x16xf32, #tpu.memory_space<vmem>>[vector<16xi32>, vector<16xi32>], vector<16xf32>,
        %mul3A_1774 = arith.mulf %gather3A_1437, %gather3A_1773 : vector<16xf32>
        %add3A_1775 = arith.addf %add3A_1770, %mul3A_1774 : vector<16xf32>
        %broadcast_in_dim3A_1776 = arith.constant 9 : i32
        %broadcast_in_dim3A_1777 = vector.broadcast %broadcast_in_dim3A_1776 : i32 to vector<16xi32>
        %gather3A_1778 = tpu.vector_load_idx %arg13[%add3A_1728, %broadcast_in_dim3A_1777] : memref<2560x16xf32, #tpu.memory_space<vmem>>[vector<16xi32>, vector<16xi32>], vector<16xf32>,
        %mul3A_1779 = arith.mulf %gather3A_1444, %gather3A_1778 : vector<16xf32>
        %add3A_1780 = arith.addf %add3A_1775, %mul3A_1779 : vector<16xf32>
        %broadcast_in_dim3A_1781 = arith.constant 10 : i32
        %broadcast_in_dim3A_1782 = vector.broadcast %broadcast_in_dim3A_1781 : i32 to vector<16xi32>
        %gather3A_1783 = tpu.vector_load_idx %arg13[%add3A_1728, %broadcast_in_dim3A_1782] : memref<2560x16xf32, #tpu.memory_space<vmem>>[vector<16xi32>, vector<16xi32>], vector<16xf32>,
        %mul3A_1784 = arith.mulf %gather3A_1451, %gather3A_1783 : vector<16xf32>
        %add3A_1785 = arith.addf %add3A_1780, %mul3A_1784 : vector<16xf32>
        %broadcast_in_dim3A_1786 = arith.constant 11 : i32
        %broadcast_in_dim3A_1787 = vector.broadcast %broadcast_in_dim3A_1786 : i32 to vector<16xi32>
        %gather3A_1788 = tpu.vector_load_idx %arg13[%add3A_1728, %broadcast_in_dim3A_1787] : memref<2560x16xf32, #tpu.memory_space<vmem>>[vector<16xi32>, vector<16xi32>], vector<16xf32>,
        %mul3A_1789 = arith.mulf %gather3A_1458, %gather3A_1788 : vector<16xf32>
        %add3A_1790 = arith.addf %add3A_1785, %mul3A_1789 : vector<16xf32>
        %broadcast_in_dim3A_1791 = arith.constant 12 : i32
        %broadcast_in_dim3A_1792 = vector.broadcast %broadcast_in_dim3A_1791 : i32 to vector<16xi32>
        %gather3A_1793 = tpu.vector_load_idx %arg13[%add3A_1728, %broadcast_in_dim3A_1792] : memref<2560x16xf32, #tpu.memory_space<vmem>>[vector<16xi32>, vector<16xi32>], vector<16xf32>,
        %mul3A_1794 = arith.mulf %gather3A_1465, %gather3A_1793 : vector<16xf32>
        %add3A_1795 = arith.addf %add3A_1790, %mul3A_1794 : vector<16xf32>
        %broadcast_in_dim3A_1796 = arith.constant 13 : i32
        %broadcast_in_dim3A_1797 = vector.broadcast %broadcast_in_dim3A_1796 : i32 to vector<16xi32>
        %gather3A_1798 = tpu.vector_load_idx %arg13[%add3A_1728, %broadcast_in_dim3A_1797] : memref<2560x16xf32, #tpu.memory_space<vmem>>[vector<16xi32>, vector<16xi32>], vector<16xf32>,
        %mul3A_1799 = arith.mulf %gather3A_1472, %gather3A_1798 : vector<16xf32>
        %add3A_1800 = arith.addf %add3A_1795, %mul3A_1799 : vector<16xf32>
        %broadcast_in_dim3A_1801 = arith.constant 14 : i32
        %broadcast_in_dim3A_1802 = vector.broadcast %broadcast_in_dim3A_1801 : i32 to vector<16xi32>
        %gather3A_1803 = tpu.vector_load_idx %arg13[%add3A_1728, %broadcast_in_dim3A_1802] : memref<2560x16xf32, #tpu.memory_space<vmem>>[vector<16xi32>, vector<16xi32>], vector<16xf32>,
        %mul3A_1804 = arith.mulf %gather3A_1479, %gather3A_1803 : vector<16xf32>
        %add3A_1805 = arith.addf %add3A_1800, %mul3A_1804 : vector<16xf32>
        %broadcast_in_dim3A_1806 = arith.constant 15 : i32
        %broadcast_in_dim3A_1807 = vector.broadcast %broadcast_in_dim3A_1806 : i32 to vector<16xi32>
        %gather3A_1808 = tpu.vector_load_idx %arg13[%add3A_1728, %broadcast_in_dim3A_1807] : memref<2560x16xf32, #tpu.memory_space<vmem>>[vector<16xi32>, vector<16xi32>], vector<16xf32>,
        %mul3A_1809 = arith.mulf %gather3A_1486, %gather3A_1808 : vector<16xf32>
        %add3A_1810 = arith.addf %add3A_1805, %mul3A_1809 : vector<16xf32>
        tpu.vector_store_idx %arg16[%add3A_1728], %add3A_1810 : memref<2560xf32, #tpu.memory_space<vmem>>[vector<16xi32>], vector<16xf32>,
        %gather3A_1811 = tpu.vector_load_idx %arg14[%add3A_1728] : memref<2560xf32, #tpu.memory_space<vmem>>[vector<16xi32>], vector<16xf32>,
        %add3A_1812 = arith.addf %add3A_1810, %gather3A_1811 : vector<16xf32>
        %gt3A_1813 = arith.cmpf ogt, %add3A_1812, %scan3A_1722 : vector<16xf32>
        %select_n3A = arith.select %gt3A_1813, %add3A_1812, %scan3A_1722 : vector<16xi1>, vector<16xf32>
        %broadcast_in_dim3A_1814 = vector.broadcast %scan3A_1721 : i32 to vector<16xi32>
        %select_n3A_1815 = arith.select %gt3A_1813, %broadcast_in_dim3A_1814, %scan3A_1723 : vector<16xi1>, vector<16xi32>
        scf.yield %select_n3A, %select_n3A_1815 : vector<16xf32>, vector<16xi32>
      }
      %scan3A_1496 = arith.constant 20 : i32
      %mul3A_1497 = arith.constant 20 : i32
      %mul3A_1498 = vector.broadcast %mul3A_1497 : i32 to vector<16xi32>
      %mul3A_1499 = arith.muli %add3A_1375, %mul3A_1498 : vector<16xi32>
      %add3A_1500 = arith.addi %mul3A_1499, %scan3A_1495#1 : vector<16xi32>
      %gather3A_1501 = tpu.vector_load_idx %arg11[%add3A_1500] : memref<2560xi32, #tpu.memory_space<vmem>>[vector<16xi32>], vector<16xi32>,
      %mul3A_1502 = arith.constant 16 : i32
      %mul3A_1503 = arith.muli %scan3A_1370, %mul3A_1502 : i32
      %swap3A_1504 = arith.index_cast %mul3A_1503 : i32 to index
      %swap3A_1505 = tpu.vector_load %arg17[%swap3A_1504] {strides = array<i32>} : memref<128xi32, #tpu.memory_space<vmem>>, vector<16xi32>,
      tpu.vector_store %arg17[%swap3A_1504], %scan3A_1495#1 {strides = array<i32>} : memref<128xi32, #tpu.memory_space<vmem>>, vector<16xi32>,
      %mul3A_1506 = arith.constant 16 : i32
      %mul3A_1507 = arith.muli %scan3A_1370, %mul3A_1506 : i32
      %swap3A_1508 = arith.index_cast %mul3A_1507 : i32 to index
      %swap3A_1509 = tpu.vector_load %arg18[%swap3A_1508] {strides = array<i32>} : memref<128xi32, #tpu.memory_space<vmem>>, vector<16xi32>,
      tpu.vector_store %arg18[%swap3A_1508], %gather3A_1501 {strides = array<i32>} : memref<128xi32, #tpu.memory_space<vmem>>, vector<16xi32>,
      %broadcast_in_dim3A_1510 = arith.constant 0 : i32
      %broadcast_in_dim3A_1511 = vector.broadcast %broadcast_in_dim3A_1510 : i32 to vector<16xi32>
      %gather3A_1512 = tpu.vector_load_idx %arg13[%add3A_1500, %broadcast_in_dim3A_1511] : memref<2560x16xf32, #tpu.memory_space<vmem>>[vector<16xi32>, vector<16xi32>], vector<16xf32>,
      %mul3A_1513 = arith.constant 16 : i32
      %mul3A_1514 = vector.broadcast %mul3A_1513 : i32 to vector<16xi32>
      %mul3A_1515 = arith.muli %add3A_1375, %mul3A_1514 : vector<16xi32>
      %add3A_1516 = arith.constant 0 : i32
      %add3A_1517 = vector.broadcast %add3A_1516 : i32 to vector<16xi32>
      %add3A_1518 = arith.addi %mul3A_1515, %add3A_1517 : vector<16xi32>
      %add3A_1519 = arith.addf %gather3A, %gather3A_1512 : vector<16xf32>
      %mul3A_1520 = arith.constant 5.000000e-01 : f32
      %mul3A_1521 = vector.broadcast %mul3A_1520 : f32 to vector<16xf32>
      %mul3A_1522 = arith.mulf %add3A_1519, %mul3A_1521 : vector<16xf32>
      tpu.vector_store_idx %arg19[%add3A_1518], %mul3A_1522 : memref<2048xf32, #tpu.memory_space<vmem>>[vector<16xi32>], vector<16xf32>,
      %broadcast_in_dim3A_1523 = arith.constant 1 : i32
      %broadcast_in_dim3A_1524 = vector.broadcast %broadcast_in_dim3A_1523 : i32 to vector<16xi32>
      %gather3A_1525 = tpu.vector_load_idx %arg13[%add3A_1500, %broadcast_in_dim3A_1524] : memref<2560x16xf32, #tpu.memory_space<vmem>>[vector<16xi32>, vector<16xi32>], vector<16xf32>,
      %mul3A_1526 = arith.constant 16 : i32
      %mul3A_1527 = vector.broadcast %mul3A_1526 : i32 to vector<16xi32>
      %mul3A_1528 = arith.muli %add3A_1375, %mul3A_1527 : vector<16xi32>
      %add3A_1529 = arith.constant 1 : i32
      %add3A_1530 = vector.broadcast %add3A_1529 : i32 to vector<16xi32>
      %add3A_1531 = arith.addi %mul3A_1528, %add3A_1530 : vector<16xi32>
      %add3A_1532 = arith.addf %gather3A_1388, %gather3A_1525 : vector<16xf32>
      %mul3A_1533 = arith.constant 5.000000e-01 : f32
      %mul3A_1534 = vector.broadcast %mul3A_1533 : f32 to vector<16xf32>
      %mul3A_1535 = arith.mulf %add3A_1532, %mul3A_1534 : vector<16xf32>
      tpu.vector_store_idx %arg19[%add3A_1531], %mul3A_1535 : memref<2048xf32, #tpu.memory_space<vmem>>[vector<16xi32>], vector<16xf32>,
      %broadcast_in_dim3A_1536 = arith.constant 2 : i32
      %broadcast_in_dim3A_1537 = vector.broadcast %broadcast_in_dim3A_1536 : i32 to vector<16xi32>
      %gather3A_1538 = tpu.vector_load_idx %arg13[%add3A_1500, %broadcast_in_dim3A_1537] : memref<2560x16xf32, #tpu.memory_space<vmem>>[vector<16xi32>, vector<16xi32>], vector<16xf32>,
      %mul3A_1539 = arith.constant 16 : i32
      %mul3A_1540 = vector.broadcast %mul3A_1539 : i32 to vector<16xi32>
      %mul3A_1541 = arith.muli %add3A_1375, %mul3A_1540 : vector<16xi32>
      %add3A_1542 = arith.constant 2 : i32
      %add3A_1543 = vector.broadcast %add3A_1542 : i32 to vector<16xi32>
      %add3A_1544 = arith.addi %mul3A_1541, %add3A_1543 : vector<16xi32>
      %add3A_1545 = arith.addf %gather3A_1395, %gather3A_1538 : vector<16xf32>
      %mul3A_1546 = arith.constant 5.000000e-01 : f32
      %mul3A_1547 = vector.broadcast %mul3A_1546 : f32 to vector<16xf32>
      %mul3A_1548 = arith.mulf %add3A_1545, %mul3A_1547 : vector<16xf32>
      tpu.vector_store_idx %arg19[%add3A_1544], %mul3A_1548 : memref<2048xf32, #tpu.memory_space<vmem>>[vector<16xi32>], vector<16xf32>,
      %broadcast_in_dim3A_1549 = arith.constant 3 : i32
      %broadcast_in_dim3A_1550 = vector.broadcast %broadcast_in_dim3A_1549 : i32 to vector<16xi32>
      %gather3A_1551 = tpu.vector_load_idx %arg13[%add3A_1500, %broadcast_in_dim3A_1550] : memref<2560x16xf32, #tpu.memory_space<vmem>>[vector<16xi32>, vector<16xi32>], vector<16xf32>,
      %mul3A_1552 = arith.constant 16 : i32
      %mul3A_1553 = vector.broadcast %mul3A_1552 : i32 to vector<16xi32>
      %mul3A_1554 = arith.muli %add3A_1375, %mul3A_1553 : vector<16xi32>
      %add3A_1555 = arith.constant 3 : i32
      %add3A_1556 = vector.broadcast %add3A_1555 : i32 to vector<16xi32>
      %add3A_1557 = arith.addi %mul3A_1554, %add3A_1556 : vector<16xi32>
      %add3A_1558 = arith.addf %gather3A_1402, %gather3A_1551 : vector<16xf32>
      %mul3A_1559 = arith.constant 5.000000e-01 : f32
      %mul3A_1560 = vector.broadcast %mul3A_1559 : f32 to vector<16xf32>
      %mul3A_1561 = arith.mulf %add3A_1558, %mul3A_1560 : vector<16xf32>
      tpu.vector_store_idx %arg19[%add3A_1557], %mul3A_1561 : memref<2048xf32, #tpu.memory_space<vmem>>[vector<16xi32>], vector<16xf32>,
      %broadcast_in_dim3A_1562 = arith.constant 4 : i32
      %broadcast_in_dim3A_1563 = vector.broadcast %broadcast_in_dim3A_1562 : i32 to vector<16xi32>
      %gather3A_1564 = tpu.vector_load_idx %arg13[%add3A_1500, %broadcast_in_dim3A_1563] : memref<2560x16xf32, #tpu.memory_space<vmem>>[vector<16xi32>, vector<16xi32>], vector<16xf32>,
      %mul3A_1565 = arith.constant 16 : i32
      %mul3A_1566 = vector.broadcast %mul3A_1565 : i32 to vector<16xi32>
      %mul3A_1567 = arith.muli %add3A_1375, %mul3A_1566 : vector<16xi32>
      %add3A_1568 = arith.constant 4 : i32
      %add3A_1569 = vector.broadcast %add3A_1568 : i32 to vector<16xi32>
      %add3A_1570 = arith.addi %mul3A_1567, %add3A_1569 : vector<16xi32>
      %add3A_1571 = arith.addf %gather3A_1409, %gather3A_1564 : vector<16xf32>
      %mul3A_1572 = arith.constant 5.000000e-01 : f32
      %mul3A_1573 = vector.broadcast %mul3A_1572 : f32 to vector<16xf32>
      %mul3A_1574 = arith.mulf %add3A_1571, %mul3A_1573 : vector<16xf32>
      tpu.vector_store_idx %arg19[%add3A_1570], %mul3A_1574 : memref<2048xf32, #tpu.memory_space<vmem>>[vector<16xi32>], vector<16xf32>,
      %broadcast_in_dim3A_1575 = arith.constant 5 : i32
      %broadcast_in_dim3A_1576 = vector.broadcast %broadcast_in_dim3A_1575 : i32 to vector<16xi32>
      %gather3A_1577 = tpu.vector_load_idx %arg13[%add3A_1500, %broadcast_in_dim3A_1576] : memref<2560x16xf32, #tpu.memory_space<vmem>>[vector<16xi32>, vector<16xi32>], vector<16xf32>,
      %mul3A_1578 = arith.constant 16 : i32
      %mul3A_1579 = vector.broadcast %mul3A_1578 : i32 to vector<16xi32>
      %mul3A_1580 = arith.muli %add3A_1375, %mul3A_1579 : vector<16xi32>
      %add3A_1581 = arith.constant 5 : i32
      %add3A_1582 = vector.broadcast %add3A_1581 : i32 to vector<16xi32>
      %add3A_1583 = arith.addi %mul3A_1580, %add3A_1582 : vector<16xi32>
      %add3A_1584 = arith.addf %gather3A_1416, %gather3A_1577 : vector<16xf32>
      %mul3A_1585 = arith.constant 5.000000e-01 : f32
      %mul3A_1586 = vector.broadcast %mul3A_1585 : f32 to vector<16xf32>
      %mul3A_1587 = arith.mulf %add3A_1584, %mul3A_1586 : vector<16xf32>
      tpu.vector_store_idx %arg19[%add3A_1583], %mul3A_1587 : memref<2048xf32, #tpu.memory_space<vmem>>[vector<16xi32>], vector<16xf32>,
      %broadcast_in_dim3A_1588 = arith.constant 6 : i32
      %broadcast_in_dim3A_1589 = vector.broadcast %broadcast_in_dim3A_1588 : i32 to vector<16xi32>
      %gather3A_1590 = tpu.vector_load_idx %arg13[%add3A_1500, %broadcast_in_dim3A_1589] : memref<2560x16xf32, #tpu.memory_space<vmem>>[vector<16xi32>, vector<16xi32>], vector<16xf32>,
      %mul3A_1591 = arith.constant 16 : i32
      %mul3A_1592 = vector.broadcast %mul3A_1591 : i32 to vector<16xi32>
      %mul3A_1593 = arith.muli %add3A_1375, %mul3A_1592 : vector<16xi32>
      %add3A_1594 = arith.constant 6 : i32
      %add3A_1595 = vector.broadcast %add3A_1594 : i32 to vector<16xi32>
      %add3A_1596 = arith.addi %mul3A_1593, %add3A_1595 : vector<16xi32>
      %add3A_1597 = arith.addf %gather3A_1423, %gather3A_1590 : vector<16xf32>
      %mul3A_1598 = arith.constant 5.000000e-01 : f32
      %mul3A_1599 = vector.broadcast %mul3A_1598 : f32 to vector<16xf32>
      %mul3A_1600 = arith.mulf %add3A_1597, %mul3A_1599 : vector<16xf32>
      tpu.vector_store_idx %arg19[%add3A_1596], %mul3A_1600 : memref<2048xf32, #tpu.memory_space<vmem>>[vector<16xi32>], vector<16xf32>,
      %broadcast_in_dim3A_1601 = arith.constant 7 : i32
      %broadcast_in_dim3A_1602 = vector.broadcast %broadcast_in_dim3A_1601 : i32 to vector<16xi32>
      %gather3A_1603 = tpu.vector_load_idx %arg13[%add3A_1500, %broadcast_in_dim3A_1602] : memref<2560x16xf32, #tpu.memory_space<vmem>>[vector<16xi32>, vector<16xi32>], vector<16xf32>,
      %mul3A_1604 = arith.constant 16 : i32
      %mul3A_1605 = vector.broadcast %mul3A_1604 : i32 to vector<16xi32>
      %mul3A_1606 = arith.muli %add3A_1375, %mul3A_1605 : vector<16xi32>
      %add3A_1607 = arith.constant 7 : i32
      %add3A_1608 = vector.broadcast %add3A_1607 : i32 to vector<16xi32>
      %add3A_1609 = arith.addi %mul3A_1606, %add3A_1608 : vector<16xi32>
      %add3A_1610 = arith.addf %gather3A_1430, %gather3A_1603 : vector<16xf32>
      %mul3A_1611 = arith.constant 5.000000e-01 : f32
      %mul3A_1612 = vector.broadcast %mul3A_1611 : f32 to vector<16xf32>
      %mul3A_1613 = arith.mulf %add3A_1610, %mul3A_1612 : vector<16xf32>
      tpu.vector_store_idx %arg19[%add3A_1609], %mul3A_1613 : memref<2048xf32, #tpu.memory_space<vmem>>[vector<16xi32>], vector<16xf32>,
      %broadcast_in_dim3A_1614 = arith.constant 8 : i32
      %broadcast_in_dim3A_1615 = vector.broadcast %broadcast_in_dim3A_1614 : i32 to vector<16xi32>
      %gather3A_1616 = tpu.vector_load_idx %arg13[%add3A_1500, %broadcast_in_dim3A_1615] : memref<2560x16xf32, #tpu.memory_space<vmem>>[vector<16xi32>, vector<16xi32>], vector<16xf32>,
      %mul3A_1617 = arith.constant 16 : i32
      %mul3A_1618 = vector.broadcast %mul3A_1617 : i32 to vector<16xi32>
      %mul3A_1619 = arith.muli %add3A_1375, %mul3A_1618 : vector<16xi32>
      %add3A_1620 = arith.constant 8 : i32
      %add3A_1621 = vector.broadcast %add3A_1620 : i32 to vector<16xi32>
      %add3A_1622 = arith.addi %mul3A_1619, %add3A_1621 : vector<16xi32>
      %add3A_1623 = arith.addf %gather3A_1437, %gather3A_1616 : vector<16xf32>
      %mul3A_1624 = arith.constant 5.000000e-01 : f32
      %mul3A_1625 = vector.broadcast %mul3A_1624 : f32 to vector<16xf32>
      %mul3A_1626 = arith.mulf %add3A_1623, %mul3A_1625 : vector<16xf32>
      tpu.vector_store_idx %arg19[%add3A_1622], %mul3A_1626 : memref<2048xf32, #tpu.memory_space<vmem>>[vector<16xi32>], vector<16xf32>,
      %broadcast_in_dim3A_1627 = arith.constant 9 : i32
      %broadcast_in_dim3A_1628 = vector.broadcast %broadcast_in_dim3A_1627 : i32 to vector<16xi32>
      %gather3A_1629 = tpu.vector_load_idx %arg13[%add3A_1500, %broadcast_in_dim3A_1628] : memref<2560x16xf32, #tpu.memory_space<vmem>>[vector<16xi32>, vector<16xi32>], vector<16xf32>,
      %mul3A_1630 = arith.constant 16 : i32
      %mul3A_1631 = vector.broadcast %mul3A_1630 : i32 to vector<16xi32>
      %mul3A_1632 = arith.muli %add3A_1375, %mul3A_1631 : vector<16xi32>
      %add3A_1633 = arith.constant 9 : i32
      %add3A_1634 = vector.broadcast %add3A_1633 : i32 to vector<16xi32>
      %add3A_1635 = arith.addi %mul3A_1632, %add3A_1634 : vector<16xi32>
      %add3A_1636 = arith.addf %gather3A_1444, %gather3A_1629 : vector<16xf32>
      %mul3A_1637 = arith.constant 5.000000e-01 : f32
      %mul3A_1638 = vector.broadcast %mul3A_1637 : f32 to vector<16xf32>
      %mul3A_1639 = arith.mulf %add3A_1636, %mul3A_1638 : vector<16xf32>
      tpu.vector_store_idx %arg19[%add3A_1635], %mul3A_1639 : memref<2048xf32, #tpu.memory_space<vmem>>[vector<16xi32>], vector<16xf32>,
      %broadcast_in_dim3A_1640 = arith.constant 10 : i32
      %broadcast_in_dim3A_1641 = vector.broadcast %broadcast_in_dim3A_1640 : i32 to vector<16xi32>
      %gather3A_1642 = tpu.vector_load_idx %arg13[%add3A_1500, %broadcast_in_dim3A_1641] : memref<2560x16xf32, #tpu.memory_space<vmem>>[vector<16xi32>, vector<16xi32>], vector<16xf32>,
      %mul3A_1643 = arith.constant 16 : i32
      %mul3A_1644 = vector.broadcast %mul3A_1643 : i32 to vector<16xi32>
      %mul3A_1645 = arith.muli %add3A_1375, %mul3A_1644 : vector<16xi32>
      %add3A_1646 = arith.constant 10 : i32
      %add3A_1647 = vector.broadcast %add3A_1646 : i32 to vector<16xi32>
      %add3A_1648 = arith.addi %mul3A_1645, %add3A_1647 : vector<16xi32>
      %add3A_1649 = arith.addf %gather3A_1451, %gather3A_1642 : vector<16xf32>
      %mul3A_1650 = arith.constant 5.000000e-01 : f32
      %mul3A_1651 = vector.broadcast %mul3A_1650 : f32 to vector<16xf32>
      %mul3A_1652 = arith.mulf %add3A_1649, %mul3A_1651 : vector<16xf32>
      tpu.vector_store_idx %arg19[%add3A_1648], %mul3A_1652 : memref<2048xf32, #tpu.memory_space<vmem>>[vector<16xi32>], vector<16xf32>,
      %broadcast_in_dim3A_1653 = arith.constant 11 : i32
      %broadcast_in_dim3A_1654 = vector.broadcast %broadcast_in_dim3A_1653 : i32 to vector<16xi32>
      %gather3A_1655 = tpu.vector_load_idx %arg13[%add3A_1500, %broadcast_in_dim3A_1654] : memref<2560x16xf32, #tpu.memory_space<vmem>>[vector<16xi32>, vector<16xi32>], vector<16xf32>,
      %mul3A_1656 = arith.constant 16 : i32
      %mul3A_1657 = vector.broadcast %mul3A_1656 : i32 to vector<16xi32>
      %mul3A_1658 = arith.muli %add3A_1375, %mul3A_1657 : vector<16xi32>
      %add3A_1659 = arith.constant 11 : i32
      %add3A_1660 = vector.broadcast %add3A_1659 : i32 to vector<16xi32>
      %add3A_1661 = arith.addi %mul3A_1658, %add3A_1660 : vector<16xi32>
      %add3A_1662 = arith.addf %gather3A_1458, %gather3A_1655 : vector<16xf32>
      %mul3A_1663 = arith.constant 5.000000e-01 : f32
      %mul3A_1664 = vector.broadcast %mul3A_1663 : f32 to vector<16xf32>
      %mul3A_1665 = arith.mulf %add3A_1662, %mul3A_1664 : vector<16xf32>
      tpu.vector_store_idx %arg19[%add3A_1661], %mul3A_1665 : memref<2048xf32, #tpu.memory_space<vmem>>[vector<16xi32>], vector<16xf32>,
      %broadcast_in_dim3A_1666 = arith.constant 12 : i32
      %broadcast_in_dim3A_1667 = vector.broadcast %broadcast_in_dim3A_1666 : i32 to vector<16xi32>
      %gather3A_1668 = tpu.vector_load_idx %arg13[%add3A_1500, %broadcast_in_dim3A_1667] : memref<2560x16xf32, #tpu.memory_space<vmem>>[vector<16xi32>, vector<16xi32>], vector<16xf32>,
      %mul3A_1669 = arith.constant 16 : i32
      %mul3A_1670 = vector.broadcast %mul3A_1669 : i32 to vector<16xi32>
      %mul3A_1671 = arith.muli %add3A_1375, %mul3A_1670 : vector<16xi32>
      %add3A_1672 = arith.constant 12 : i32
      %add3A_1673 = vector.broadcast %add3A_1672 : i32 to vector<16xi32>
      %add3A_1674 = arith.addi %mul3A_1671, %add3A_1673 : vector<16xi32>
      %add3A_1675 = arith.addf %gather3A_1465, %gather3A_1668 : vector<16xf32>
      %mul3A_1676 = arith.constant 5.000000e-01 : f32
      %mul3A_1677 = vector.broadcast %mul3A_1676 : f32 to vector<16xf32>
      %mul3A_1678 = arith.mulf %add3A_1675, %mul3A_1677 : vector<16xf32>
      tpu.vector_store_idx %arg19[%add3A_1674], %mul3A_1678 : memref<2048xf32, #tpu.memory_space<vmem>>[vector<16xi32>], vector<16xf32>,
      %broadcast_in_dim3A_1679 = arith.constant 13 : i32
      %broadcast_in_dim3A_1680 = vector.broadcast %broadcast_in_dim3A_1679 : i32 to vector<16xi32>
      %gather3A_1681 = tpu.vector_load_idx %arg13[%add3A_1500, %broadcast_in_dim3A_1680] : memref<2560x16xf32, #tpu.memory_space<vmem>>[vector<16xi32>, vector<16xi32>], vector<16xf32>,
      %mul3A_1682 = arith.constant 16 : i32
      %mul3A_1683 = vector.broadcast %mul3A_1682 : i32 to vector<16xi32>
      %mul3A_1684 = arith.muli %add3A_1375, %mul3A_1683 : vector<16xi32>
      %add3A_1685 = arith.constant 13 : i32
      %add3A_1686 = vector.broadcast %add3A_1685 : i32 to vector<16xi32>
      %add3A_1687 = arith.addi %mul3A_1684, %add3A_1686 : vector<16xi32>
      %add3A_1688 = arith.addf %gather3A_1472, %gather3A_1681 : vector<16xf32>
      %mul3A_1689 = arith.constant 5.000000e-01 : f32
      %mul3A_1690 = vector.broadcast %mul3A_1689 : f32 to vector<16xf32>
      %mul3A_1691 = arith.mulf %add3A_1688, %mul3A_1690 : vector<16xf32>
      tpu.vector_store_idx %arg19[%add3A_1687], %mul3A_1691 : memref<2048xf32, #tpu.memory_space<vmem>>[vector<16xi32>], vector<16xf32>,
      %broadcast_in_dim3A_1692 = arith.constant 14 : i32
      %broadcast_in_dim3A_1693 = vector.broadcast %broadcast_in_dim3A_1692 : i32 to vector<16xi32>
      %gather3A_1694 = tpu.vector_load_idx %arg13[%add3A_1500, %broadcast_in_dim3A_1693] : memref<2560x16xf32, #tpu.memory_space<vmem>>[vector<16xi32>, vector<16xi32>], vector<16xf32>,
      %mul3A_1695 = arith.constant 16 : i32
      %mul3A_1696 = vector.broadcast %mul3A_1695 : i32 to vector<16xi32>
      %mul3A_1697 = arith.muli %add3A_1375, %mul3A_1696 : vector<16xi32>
      %add3A_1698 = arith.constant 14 : i32
      %add3A_1699 = vector.broadcast %add3A_1698 : i32 to vector<16xi32>
      %add3A_1700 = arith.addi %mul3A_1697, %add3A_1699 : vector<16xi32>
      %add3A_1701 = arith.addf %gather3A_1479, %gather3A_1694 : vector<16xf32>
      %mul3A_1702 = arith.constant 5.000000e-01 : f32
      %mul3A_1703 = vector.broadcast %mul3A_1702 : f32 to vector<16xf32>
      %mul3A_1704 = arith.mulf %add3A_1701, %mul3A_1703 : vector<16xf32>
      tpu.vector_store_idx %arg19[%add3A_1700], %mul3A_1704 : memref<2048xf32, #tpu.memory_space<vmem>>[vector<16xi32>], vector<16xf32>,
      %broadcast_in_dim3A_1705 = arith.constant 15 : i32
      %broadcast_in_dim3A_1706 = vector.broadcast %broadcast_in_dim3A_1705 : i32 to vector<16xi32>
      %gather3A_1707 = tpu.vector_load_idx %arg13[%add3A_1500, %broadcast_in_dim3A_1706] : memref<2560x16xf32, #tpu.memory_space<vmem>>[vector<16xi32>, vector<16xi32>], vector<16xf32>,
      %mul3A_1708 = arith.constant 16 : i32
      %mul3A_1709 = vector.broadcast %mul3A_1708 : i32 to vector<16xi32>
      %mul3A_1710 = arith.muli %add3A_1375, %mul3A_1709 : vector<16xi32>
      %add3A_1711 = arith.constant 15 : i32
      %add3A_1712 = vector.broadcast %add3A_1711 : i32 to vector<16xi32>
      %add3A_1713 = arith.addi %mul3A_1710, %add3A_1712 : vector<16xi32>
      %add3A_1714 = arith.addf %gather3A_1486, %gather3A_1707 : vector<16xf32>
      %mul3A_1715 = arith.constant 5.000000e-01 : f32
      %mul3A_1716 = vector.broadcast %mul3A_1715 : f32 to vector<16xf32>
      %mul3A_1717 = arith.mulf %add3A_1714, %mul3A_1716 : vector<16xf32>
      tpu.vector_store_idx %arg19[%add3A_1713], %mul3A_1717 : memref<2048xf32, #tpu.memory_space<vmem>>[vector<16xi32>], vector<16xf32>,
      %gt3A = arith.constant 1 : i32
      %gt3A_1718 = vector.broadcast %gt3A : i32 to vector<16xi32>
      %gt3A_1719 = arith.cmpi sgt, %gather3A_1501, %gt3A_1718 : vector<16xi32>
      %all_reduce_population_count3A = tpu.all_reduce %gt3A_1719 {dim = 0 : i64, kind = #tpu.reduction_kind<sum>} : vector<16xi1> -> vector<16xi32>
      %add3A_1720 = arith.addi %scan3A_1371, %all_reduce_population_count3A : vector<16xi32>
      scf.yield %add3A_1720 : vector<16xi32>
    }
    %scan3A_338 = arith.constant 8 : i32
    "tpu.region"() ({
      %run_scoped3A = tpu.sem_alloc : memref<!tpu.dma_semaphore, #tpu.memory_space<semaphore_mem>>
      %dma_start3A_1370 = tpu.memref_slice %arg6[%mul3A_7] : memref<327680xf32, #tpu.memory_space<hbm>> -> memref<2560xf32, #tpu.memory_space<hbm>>
      %dma_start3A_1371 = tpu.memref_slice %arg6[%mul3A_7] : memref<327680xf32, #tpu.memory_space<hbm>> -> memref<2560xf32, #tpu.memory_space<hbm>>
      tpu.enqueue_dma source(%arg16 : memref<2560xf32, #tpu.memory_space<vmem>>) target(%dma_start3A_1371 : memref<2560xf32, #tpu.memory_space<hbm>>) target_semaphore(%run_scoped3A : memref<!tpu.dma_semaphore, #tpu.memory_space<semaphore_mem>>)
      %dma_wait3A_1372 = tpu.memref_slice %arg6[%mul3A_7] : memref<327680xf32, #tpu.memory_space<hbm>> -> memref<2560xf32, #tpu.memory_space<hbm>>
      %dma_wait3A_1373 = tpu.memref_slice %arg6[%mul3A_7] : memref<327680xf32, #tpu.memory_space<hbm>> -> memref<2560xf32, #tpu.memory_space<hbm>>
      tpu.wait_dma2 semaphore(%run_scoped3A : memref<!tpu.dma_semaphore, #tpu.memory_space<semaphore_mem>>) src(%arg16 : memref<2560xf32, #tpu.memory_space<vmem>>) dst(%dma_wait3A_1373 : memref<2560xf32, #tpu.memory_space<hbm>>)
      tpu.yield
    }) : () -> ()
    "tpu.region"() ({
      %run_scoped3A = tpu.sem_alloc : memref<!tpu.dma_semaphore, #tpu.memory_space<semaphore_mem>>
      %dma_start3A_1370 = tpu.memref_slice %arg7[%add3A_5] : memref<16384xi32, #tpu.memory_space<hbm>> -> memref<128xi32, #tpu.memory_space<hbm>>
      %dma_start3A_1371 = tpu.memref_slice %arg7[%add3A_5] : memref<16384xi32, #tpu.memory_space<hbm>> -> memref<128xi32, #tpu.memory_space<hbm>>
      tpu.enqueue_dma source(%arg17 : memref<128xi32, #tpu.memory_space<vmem>>) target(%dma_start3A_1371 : memref<128xi32, #tpu.memory_space<hbm>>) target_semaphore(%run_scoped3A : memref<!tpu.dma_semaphore, #tpu.memory_space<semaphore_mem>>)
      %dma_wait3A_1372 = tpu.memref_slice %arg7[%add3A_5] : memref<16384xi32, #tpu.memory_space<hbm>> -> memref<128xi32, #tpu.memory_space<hbm>>
      %dma_wait3A_1373 = tpu.memref_slice %arg7[%add3A_5] : memref<16384xi32, #tpu.memory_space<hbm>> -> memref<128xi32, #tpu.memory_space<hbm>>
      tpu.wait_dma2 semaphore(%run_scoped3A : memref<!tpu.dma_semaphore, #tpu.memory_space<semaphore_mem>>) src(%arg17 : memref<128xi32, #tpu.memory_space<vmem>>) dst(%dma_wait3A_1373 : memref<128xi32, #tpu.memory_space<hbm>>)
      tpu.yield
    }) : () -> ()
    "tpu.region"() ({
      %run_scoped3A = tpu.sem_alloc : memref<!tpu.dma_semaphore, #tpu.memory_space<semaphore_mem>>
      %dma_start3A_1370 = tpu.memref_slice %arg8[%add3A_5] : memref<16384xi32, #tpu.memory_space<hbm>> -> memref<128xi32, #tpu.memory_space<hbm>>
      %dma_start3A_1371 = tpu.memref_slice %arg8[%add3A_5] : memref<16384xi32, #tpu.memory_space<hbm>> -> memref<128xi32, #tpu.memory_space<hbm>>
      tpu.enqueue_dma source(%arg18 : memref<128xi32, #tpu.memory_space<vmem>>) target(%dma_start3A_1371 : memref<128xi32, #tpu.memory_space<hbm>>) target_semaphore(%run_scoped3A : memref<!tpu.dma_semaphore, #tpu.memory_space<semaphore_mem>>)
      %dma_wait3A_1372 = tpu.memref_slice %arg8[%add3A_5] : memref<16384xi32, #tpu.memory_space<hbm>> -> memref<128xi32, #tpu.memory_space<hbm>>
      %dma_wait3A_1373 = tpu.memref_slice %arg8[%add3A_5] : memref<16384xi32, #tpu.memory_space<hbm>> -> memref<128xi32, #tpu.memory_space<hbm>>
      tpu.wait_dma2 semaphore(%run_scoped3A : memref<!tpu.dma_semaphore, #tpu.memory_space<semaphore_mem>>) src(%arg18 : memref<128xi32, #tpu.memory_space<vmem>>) dst(%dma_wait3A_1373 : memref<128xi32, #tpu.memory_space<hbm>>)
      tpu.yield
    }) : () -> ()
    %mul3A_339 = arith.constant 16 : i32
    %mul3A_340 = arith.muli %add3A_5, %mul3A_339 : i32
    "tpu.region"() ({
      %run_scoped3A = tpu.sem_alloc : memref<!tpu.dma_semaphore, #tpu.memory_space<semaphore_mem>>
      %dma_start3A_1370 = tpu.memref_slice %arg9[%mul3A_340] : memref<262144xf32, #tpu.memory_space<hbm>> -> memref<2048xf32, #tpu.memory_space<hbm>>
      %dma_start3A_1371 = tpu.memref_slice %arg9[%mul3A_340] : memref<262144xf32, #tpu.memory_space<hbm>> -> memref<2048xf32, #tpu.memory_space<hbm>>
      tpu.enqueue_dma source(%arg19 : memref<2048xf32, #tpu.memory_space<vmem>>) target(%dma_start3A_1371 : memref<2048xf32, #tpu.memory_space<hbm>>) target_semaphore(%run_scoped3A : memref<!tpu.dma_semaphore, #tpu.memory_space<semaphore_mem>>)
      %dma_wait3A_1372 = tpu.memref_slice %arg9[%mul3A_340] : memref<262144xf32, #tpu.memory_space<hbm>> -> memref<2048xf32, #tpu.memory_space<hbm>>
      %dma_wait3A_1373 = tpu.memref_slice %arg9[%mul3A_340] : memref<262144xf32, #tpu.memory_space<hbm>> -> memref<2048xf32, #tpu.memory_space<hbm>>
      tpu.wait_dma2 semaphore(%run_scoped3A : memref<!tpu.dma_semaphore, #tpu.memory_space<semaphore_mem>>) src(%arg19 : memref<2048xf32, #tpu.memory_space<vmem>>) dst(%dma_wait3A_1373 : memref<2048xf32, #tpu.memory_space<hbm>>)
      tpu.yield
    }) : () -> ()
    %mul3A_341 = arith.constant 512 : i32
    %mul3A_342 = arith.muli %add3A, %mul3A_341 : i32
    %add3A_343 = arith.constant 128 : i32
    %add3A_344 = arith.addi %mul3A_342, %add3A_343 : i32
    %mul3A_345 = arith.constant 20 : i32
    %mul3A_346 = arith.muli %add3A_344, %mul3A_345 : i32
    "tpu.region"() ({
      %run_scoped3A = tpu.sem_alloc : memref<!tpu.dma_semaphore, #tpu.memory_space<semaphore_mem>>
      %dma_start3A_1370 = tpu.memref_slice %arg3[%mul3A_346] : memref<327680xi32, #tpu.memory_space<hbm>> -> memref<2560xi32, #tpu.memory_space<hbm>>
      %dma_start3A_1371 = tpu.memref_slice %arg3[%mul3A_346] : memref<327680xi32, #tpu.memory_space<hbm>> -> memref<2560xi32, #tpu.memory_space<hbm>>
      tpu.enqueue_dma source(%dma_start3A_1371 : memref<2560xi32, #tpu.memory_space<hbm>>) target(%arg11 : memref<2560xi32, #tpu.memory_space<vmem>>) target_semaphore(%run_scoped3A : memref<!tpu.dma_semaphore, #tpu.memory_space<semaphore_mem>>)
      %dma_wait3A_1372 = tpu.memref_slice %arg3[%mul3A_346] : memref<327680xi32, #tpu.memory_space<hbm>> -> memref<2560xi32, #tpu.memory_space<hbm>>
      %dma_wait3A_1373 = tpu.memref_slice %arg3[%mul3A_346] : memref<327680xi32, #tpu.memory_space<hbm>> -> memref<2560xi32, #tpu.memory_space<hbm>>
      tpu.wait_dma2 semaphore(%run_scoped3A : memref<!tpu.dma_semaphore, #tpu.memory_space<semaphore_mem>>) src(%dma_wait3A_1373 : memref<2560xi32, #tpu.memory_space<hbm>>) dst(%arg11 : memref<2560xi32, #tpu.memory_space<vmem>>)
      tpu.yield
    }) : () -> ()
    "tpu.region"() ({
      %run_scoped3A = tpu.sem_alloc : memref<!tpu.dma_semaphore, #tpu.memory_space<semaphore_mem>>
      %dma_start3A_1370 = tpu.memref_slice %arg4[%mul3A_346] : memref<327680xf32, #tpu.memory_space<hbm>> -> memref<2560xf32, #tpu.memory_space<hbm>>
      %dma_start3A_1371 = tpu.memref_slice %arg4[%mul3A_346] : memref<327680xf32, #tpu.memory_space<hbm>> -> memref<2560xf32, #tpu.memory_space<hbm>>
      tpu.enqueue_dma source(%dma_start3A_1371 : memref<2560xf32, #tpu.memory_space<hbm>>) target(%arg14 : memref<2560xf32, #tpu.memory_space<vmem>>) target_semaphore(%run_scoped3A : memref<!tpu.dma_semaphore, #tpu.memory_space<semaphore_mem>>)
      %dma_wait3A_1372 = tpu.memref_slice %arg4[%mul3A_346] : memref<327680xf32, #tpu.memory_space<hbm>> -> memref<2560xf32, #tpu.memory_space<hbm>>
      %dma_wait3A_1373 = tpu.memref_slice %arg4[%mul3A_346] : memref<327680xf32, #tpu.memory_space<hbm>> -> memref<2560xf32, #tpu.memory_space<hbm>>
      tpu.wait_dma2 semaphore(%run_scoped3A : memref<!tpu.dma_semaphore, #tpu.memory_space<semaphore_mem>>) src(%dma_wait3A_1373 : memref<2560xf32, #tpu.memory_space<hbm>>) dst(%arg14 : memref<2560xf32, #tpu.memory_space<vmem>>)
      tpu.yield
    }) : () -> ()
    %mul3A_347 = arith.constant 16 : i32
    %mul3A_348 = arith.muli %add3A_344, %mul3A_347 : i32
    "tpu.region"() ({
      %run_scoped3A = tpu.sem_alloc : memref<!tpu.dma_semaphore, #tpu.memory_space<semaphore_mem>>
      %dma_start3A_1370 = tpu.memref_slice %arg5[%mul3A_348] : memref<262144xf32, #tpu.memory_space<hbm>> -> memref<2048xf32, #tpu.memory_space<hbm>>
      %dma_start3A_1371 = tpu.memref_slice %arg5[%mul3A_348] : memref<262144xf32, #tpu.memory_space<hbm>> -> memref<2048xf32, #tpu.memory_space<hbm>>
      tpu.enqueue_dma source(%dma_start3A_1371 : memref<2048xf32, #tpu.memory_space<hbm>>) target(%arg15 : memref<2048xf32, #tpu.memory_space<vmem>>) target_semaphore(%run_scoped3A : memref<!tpu.dma_semaphore, #tpu.memory_space<semaphore_mem>>)
      %dma_wait3A_1372 = tpu.memref_slice %arg5[%mul3A_348] : memref<262144xf32, #tpu.memory_space<hbm>> -> memref<2048xf32, #tpu.memory_space<hbm>>
      %dma_wait3A_1373 = tpu.memref_slice %arg5[%mul3A_348] : memref<262144xf32, #tpu.memory_space<hbm>> -> memref<2048xf32, #tpu.memory_space<hbm>>
      tpu.wait_dma2 semaphore(%run_scoped3A : memref<!tpu.dma_semaphore, #tpu.memory_space<semaphore_mem>>) src(%dma_wait3A_1373 : memref<2048xf32, #tpu.memory_space<hbm>>) dst(%arg15 : memref<2048xf32, #tpu.memory_space<vmem>>)
      tpu.yield
    }) : () -> ()
    %scan3A_349 = arith.constant 0 : i32
    %scan3A_350 = arith.constant 0 : i32
    %scan3A_351 = arith.constant 160 : i32
    %scan3A_352 = arith.addi %scan3A_350, %scan3A_351 : i32
    %scan3A_353 = arith.constant 1 : i32
    scf.for %scan3A_1370 = %scan3A_350 to %scan3A_352 step %scan3A_353  : i32 {
      %mul3A_1371 = arith.constant 16 : i32
      %mul3A_1372 = arith.muli %scan3A_1370, %mul3A_1371 : i32
      %get3A = arith.index_cast %mul3A_1372 : i32 to index
      %get3A_1373 = tpu.vector_load %arg11[%get3A] {strides = array<i32>} : memref<2560xi32, #tpu.memory_space<vmem>>, vector<16xi32>,
      %and3A = arith.constant -2048 : i32
      %and3A_1374 = vector.broadcast %and3A : i32 to vector<16xi32>
      %and3A_1375 = arith.andi %get3A_1373, %and3A_1374 : vector<16xi32>
      %and3A_1376 = arith.constant 255 : i32
      %and3A_1377 = vector.broadcast %and3A_1376 : i32 to vector<16xi32>
      %and3A_1378 = arith.andi %get3A_1373, %and3A_1377 : vector<16xi32>
      %shift_left3A = arith.constant 3 : i32
      %shift_left3A_1379 = vector.broadcast %shift_left3A : i32 to vector<16xi32>
      %shift_left3A_1380 = arith.shli %and3A_1378, %shift_left3A_1379 : vector<16xi32>
      %add3A_1381 = arith.addi %and3A_1375, %shift_left3A_1380 : vector<16xi32>
      %shift_right_arithmetic3A = arith.constant 8 : i32
      %shift_right_arithmetic3A_1382 = vector.broadcast %shift_right_arithmetic3A : i32 to vector<16xi32>
      %shift_right_arithmetic3A_1383 = arith.shrsi %get3A_1373, %shift_right_arithmetic3A_1382 : vector<16xi32>
      %and3A_1384 = arith.constant 7 : i32
      %and3A_1385 = vector.broadcast %and3A_1384 : i32 to vector<16xi32>
      %and3A_1386 = arith.andi %shift_right_arithmetic3A_1383, %and3A_1385 : vector<16xi32>
      %add3A_1387 = arith.addi %add3A_1381, %and3A_1386 : vector<16xi32>
      %mul3A_1388 = arith.constant 16 : i32
      %mul3A_1389 = arith.muli %scan3A_1370, %mul3A_1388 : i32
      %swap3A_1390 = arith.index_cast %mul3A_1389 : i32 to index
      %swap3A_1391 = tpu.vector_load %arg12[%swap3A_1390] {strides = array<i32>} : memref<2560xi32, #tpu.memory_space<vmem>>, vector<16xi32>,
      tpu.vector_store %arg12[%swap3A_1390], %add3A_1387 {strides = array<i32>} : memref<2560xi32, #tpu.memory_space<vmem>>, vector<16xi32>,
    }
    %scan3A_354 = arith.constant 160 : i32
    %dma_start3A_355 = arith.constant 0 : i32
    %dma_start3A_356 = arith.constant 0 : i32
    %dma_start3A_357 = tpu.memref_slice %arg13[%dma_start3A_355, %dma_start3A_356] : memref<2560x16xf32, #tpu.memory_space<vmem>> -> memref<128x16xf32, #tpu.memory_space<vmem>>
    %dma_start3A_358 = arith.constant 0 : i32
    %dma_start3A_359 = tpu.memref_slice %arg12[%dma_start3A_358] : memref<2560xi32, #tpu.memory_space<vmem>> -> memref<128xi32, #tpu.memory_space<vmem>>
    %dma_start3A_360 = arith.constant 0 : i32
    %dma_start3A_361 = arith.constant 0 : i32
    %dma_start3A_362 = tpu.memref_slice %arg2[%dma_start3A_360, %dma_start3A_361] : memref<1001472x16xf32, #tpu.memory_space<hbm>> -> memref<1001472x16xf32, #tpu.memory_space<hbm>>
    tpu.enqueue_indirect_dma source(%dma_start3A_362 : memref<1001472x16xf32, #tpu.memory_space<hbm>>) target(%dma_start3A_357 : memref<128x16xf32, #tpu.memory_space<vmem>>) offsets(%dma_start3A_359 : memref<128xi32, #tpu.memory_space<vmem>>) semaphore(%arg21 : memref<!tpu.dma_semaphore, #tpu.memory_space<semaphore_mem>>)
    %dma_start3A_363 = arith.constant 128 : i32
    %dma_start3A_364 = arith.constant 0 : i32
    %dma_start3A_365 = tpu.memref_slice %arg13[%dma_start3A_363, %dma_start3A_364] : memref<2560x16xf32, #tpu.memory_space<vmem>> -> memref<128x16xf32, #tpu.memory_space<vmem>>
    %dma_start3A_366 = arith.constant 128 : i32
    %dma_start3A_367 = tpu.memref_slice %arg12[%dma_start3A_366] : memref<2560xi32, #tpu.memory_space<vmem>> -> memref<128xi32, #tpu.memory_space<vmem>>
    %dma_start3A_368 = arith.constant 0 : i32
    %dma_start3A_369 = arith.constant 0 : i32
    %dma_start3A_370 = tpu.memref_slice %arg2[%dma_start3A_368, %dma_start3A_369] : memref<1001472x16xf32, #tpu.memory_space<hbm>> -> memref<1001472x16xf32, #tpu.memory_space<hbm>>
    tpu.enqueue_indirect_dma source(%dma_start3A_370 : memref<1001472x16xf32, #tpu.memory_space<hbm>>) target(%dma_start3A_365 : memref<128x16xf32, #tpu.memory_space<vmem>>) offsets(%dma_start3A_367 : memref<128xi32, #tpu.memory_space<vmem>>) semaphore(%arg21 : memref<!tpu.dma_semaphore, #tpu.memory_space<semaphore_mem>>)
    %dma_start3A_371 = arith.constant 256 : i32
    %dma_start3A_372 = arith.constant 0 : i32
    %dma_start3A_373 = tpu.memref_slice %arg13[%dma_start3A_371, %dma_start3A_372] : memref<2560x16xf32, #tpu.memory_space<vmem>> -> memref<128x16xf32, #tpu.memory_space<vmem>>
    %dma_start3A_374 = arith.constant 256 : i32
    %dma_start3A_375 = tpu.memref_slice %arg12[%dma_start3A_374] : memref<2560xi32, #tpu.memory_space<vmem>> -> memref<128xi32, #tpu.memory_space<vmem>>
    %dma_start3A_376 = arith.constant 0 : i32
    %dma_start3A_377 = arith.constant 0 : i32
    %dma_start3A_378 = tpu.memref_slice %arg2[%dma_start3A_376, %dma_start3A_377] : memref<1001472x16xf32, #tpu.memory_space<hbm>> -> memref<1001472x16xf32, #tpu.memory_space<hbm>>
    tpu.enqueue_indirect_dma source(%dma_start3A_378 : memref<1001472x16xf32, #tpu.memory_space<hbm>>) target(%dma_start3A_373 : memref<128x16xf32, #tpu.memory_space<vmem>>) offsets(%dma_start3A_375 : memref<128xi32, #tpu.memory_space<vmem>>) semaphore(%arg21 : memref<!tpu.dma_semaphore, #tpu.memory_space<semaphore_mem>>)
    %dma_start3A_379 = arith.constant 384 : i32
    %dma_start3A_380 = arith.constant 0 : i32
    %dma_start3A_381 = tpu.memref_slice %arg13[%dma_start3A_379, %dma_start3A_380] : memref<2560x16xf32, #tpu.memory_space<vmem>> -> memref<128x16xf32, #tpu.memory_space<vmem>>
    %dma_start3A_382 = arith.constant 384 : i32
    %dma_start3A_383 = tpu.memref_slice %arg12[%dma_start3A_382] : memref<2560xi32, #tpu.memory_space<vmem>> -> memref<128xi32, #tpu.memory_space<vmem>>
    %dma_start3A_384 = arith.constant 0 : i32
    %dma_start3A_385 = arith.constant 0 : i32
    %dma_start3A_386 = tpu.memref_slice %arg2[%dma_start3A_384, %dma_start3A_385] : memref<1001472x16xf32, #tpu.memory_space<hbm>> -> memref<1001472x16xf32, #tpu.memory_space<hbm>>
    tpu.enqueue_indirect_dma source(%dma_start3A_386 : memref<1001472x16xf32, #tpu.memory_space<hbm>>) target(%dma_start3A_381 : memref<128x16xf32, #tpu.memory_space<vmem>>) offsets(%dma_start3A_383 : memref<128xi32, #tpu.memory_space<vmem>>) semaphore(%arg21 : memref<!tpu.dma_semaphore, #tpu.memory_space<semaphore_mem>>)
    %dma_start3A_387 = arith.constant 512 : i32
    %dma_start3A_388 = arith.constant 0 : i32
    %dma_start3A_389 = tpu.memref_slice %arg13[%dma_start3A_387, %dma_start3A_388] : memref<2560x16xf32, #tpu.memory_space<vmem>> -> memref<128x16xf32, #tpu.memory_space<vmem>>
    %dma_start3A_390 = arith.constant 512 : i32
    %dma_start3A_391 = tpu.memref_slice %arg12[%dma_start3A_390] : memref<2560xi32, #tpu.memory_space<vmem>> -> memref<128xi32, #tpu.memory_space<vmem>>
    %dma_start3A_392 = arith.constant 0 : i32
    %dma_start3A_393 = arith.constant 0 : i32
    %dma_start3A_394 = tpu.memref_slice %arg2[%dma_start3A_392, %dma_start3A_393] : memref<1001472x16xf32, #tpu.memory_space<hbm>> -> memref<1001472x16xf32, #tpu.memory_space<hbm>>
    tpu.enqueue_indirect_dma source(%dma_start3A_394 : memref<1001472x16xf32, #tpu.memory_space<hbm>>) target(%dma_start3A_389 : memref<128x16xf32, #tpu.memory_space<vmem>>) offsets(%dma_start3A_391 : memref<128xi32, #tpu.memory_space<vmem>>) semaphore(%arg21 : memref<!tpu.dma_semaphore, #tpu.memory_space<semaphore_mem>>)
    %dma_start3A_395 = arith.constant 640 : i32
    %dma_start3A_396 = arith.constant 0 : i32
    %dma_start3A_397 = tpu.memref_slice %arg13[%dma_start3A_395, %dma_start3A_396] : memref<2560x16xf32, #tpu.memory_space<vmem>> -> memref<128x16xf32, #tpu.memory_space<vmem>>
    %dma_start3A_398 = arith.constant 640 : i32
    %dma_start3A_399 = tpu.memref_slice %arg12[%dma_start3A_398] : memref<2560xi32, #tpu.memory_space<vmem>> -> memref<128xi32, #tpu.memory_space<vmem>>
    %dma_start3A_400 = arith.constant 0 : i32
    %dma_start3A_401 = arith.constant 0 : i32
    %dma_start3A_402 = tpu.memref_slice %arg2[%dma_start3A_400, %dma_start3A_401] : memref<1001472x16xf32, #tpu.memory_space<hbm>> -> memref<1001472x16xf32, #tpu.memory_space<hbm>>
    tpu.enqueue_indirect_dma source(%dma_start3A_402 : memref<1001472x16xf32, #tpu.memory_space<hbm>>) target(%dma_start3A_397 : memref<128x16xf32, #tpu.memory_space<vmem>>) offsets(%dma_start3A_399 : memref<128xi32, #tpu.memory_space<vmem>>) semaphore(%arg21 : memref<!tpu.dma_semaphore, #tpu.memory_space<semaphore_mem>>)
    %dma_start3A_403 = arith.constant 768 : i32
    %dma_start3A_404 = arith.constant 0 : i32
    %dma_start3A_405 = tpu.memref_slice %arg13[%dma_start3A_403, %dma_start3A_404] : memref<2560x16xf32, #tpu.memory_space<vmem>> -> memref<128x16xf32, #tpu.memory_space<vmem>>
    %dma_start3A_406 = arith.constant 768 : i32
    %dma_start3A_407 = tpu.memref_slice %arg12[%dma_start3A_406] : memref<2560xi32, #tpu.memory_space<vmem>> -> memref<128xi32, #tpu.memory_space<vmem>>
    %dma_start3A_408 = arith.constant 0 : i32
    %dma_start3A_409 = arith.constant 0 : i32
    %dma_start3A_410 = tpu.memref_slice %arg2[%dma_start3A_408, %dma_start3A_409] : memref<1001472x16xf32, #tpu.memory_space<hbm>> -> memref<1001472x16xf32, #tpu.memory_space<hbm>>
    tpu.enqueue_indirect_dma source(%dma_start3A_410 : memref<1001472x16xf32, #tpu.memory_space<hbm>>) target(%dma_start3A_405 : memref<128x16xf32, #tpu.memory_space<vmem>>) offsets(%dma_start3A_407 : memref<128xi32, #tpu.memory_space<vmem>>) semaphore(%arg21 : memref<!tpu.dma_semaphore, #tpu.memory_space<semaphore_mem>>)
    %dma_start3A_411 = arith.constant 896 : i32
    %dma_start3A_412 = arith.constant 0 : i32
    %dma_start3A_413 = tpu.memref_slice %arg13[%dma_start3A_411, %dma_start3A_412] : memref<2560x16xf32, #tpu.memory_space<vmem>> -> memref<128x16xf32, #tpu.memory_space<vmem>>
    %dma_start3A_414 = arith.constant 896 : i32
    %dma_start3A_415 = tpu.memref_slice %arg12[%dma_start3A_414] : memref<2560xi32, #tpu.memory_space<vmem>> -> memref<128xi32, #tpu.memory_space<vmem>>
    %dma_start3A_416 = arith.constant 0 : i32
    %dma_start3A_417 = arith.constant 0 : i32
    %dma_start3A_418 = tpu.memref_slice %arg2[%dma_start3A_416, %dma_start3A_417] : memref<1001472x16xf32, #tpu.memory_space<hbm>> -> memref<1001472x16xf32, #tpu.memory_space<hbm>>
    tpu.enqueue_indirect_dma source(%dma_start3A_418 : memref<1001472x16xf32, #tpu.memory_space<hbm>>) target(%dma_start3A_413 : memref<128x16xf32, #tpu.memory_space<vmem>>) offsets(%dma_start3A_415 : memref<128xi32, #tpu.memory_space<vmem>>) semaphore(%arg21 : memref<!tpu.dma_semaphore, #tpu.memory_space<semaphore_mem>>)
    %dma_start3A_419 = arith.constant 1024 : i32
    %dma_start3A_420 = arith.constant 0 : i32
    %dma_start3A_421 = tpu.memref_slice %arg13[%dma_start3A_419, %dma_start3A_420] : memref<2560x16xf32, #tpu.memory_space<vmem>> -> memref<128x16xf32, #tpu.memory_space<vmem>>
    %dma_start3A_422 = arith.constant 1024 : i32
    %dma_start3A_423 = tpu.memref_slice %arg12[%dma_start3A_422] : memref<2560xi32, #tpu.memory_space<vmem>> -> memref<128xi32, #tpu.memory_space<vmem>>
    %dma_start3A_424 = arith.constant 0 : i32
    %dma_start3A_425 = arith.constant 0 : i32
    %dma_start3A_426 = tpu.memref_slice %arg2[%dma_start3A_424, %dma_start3A_425] : memref<1001472x16xf32, #tpu.memory_space<hbm>> -> memref<1001472x16xf32, #tpu.memory_space<hbm>>
    tpu.enqueue_indirect_dma source(%dma_start3A_426 : memref<1001472x16xf32, #tpu.memory_space<hbm>>) target(%dma_start3A_421 : memref<128x16xf32, #tpu.memory_space<vmem>>) offsets(%dma_start3A_423 : memref<128xi32, #tpu.memory_space<vmem>>) semaphore(%arg21 : memref<!tpu.dma_semaphore, #tpu.memory_space<semaphore_mem>>)
    %dma_start3A_427 = arith.constant 1152 : i32
    %dma_start3A_428 = arith.constant 0 : i32
    %dma_start3A_429 = tpu.memref_slice %arg13[%dma_start3A_427, %dma_start3A_428] : memref<2560x16xf32, #tpu.memory_space<vmem>> -> memref<128x16xf32, #tpu.memory_space<vmem>>
    %dma_start3A_430 = arith.constant 1152 : i32
    %dma_start3A_431 = tpu.memref_slice %arg12[%dma_start3A_430] : memref<2560xi32, #tpu.memory_space<vmem>> -> memref<128xi32, #tpu.memory_space<vmem>>
    %dma_start3A_432 = arith.constant 0 : i32
    %dma_start3A_433 = arith.constant 0 : i32
    %dma_start3A_434 = tpu.memref_slice %arg2[%dma_start3A_432, %dma_start3A_433] : memref<1001472x16xf32, #tpu.memory_space<hbm>> -> memref<1001472x16xf32, #tpu.memory_space<hbm>>
    tpu.enqueue_indirect_dma source(%dma_start3A_434 : memref<1001472x16xf32, #tpu.memory_space<hbm>>) target(%dma_start3A_429 : memref<128x16xf32, #tpu.memory_space<vmem>>) offsets(%dma_start3A_431 : memref<128xi32, #tpu.memory_space<vmem>>) semaphore(%arg21 : memref<!tpu.dma_semaphore, #tpu.memory_space<semaphore_mem>>)
    %dma_start3A_435 = arith.constant 1280 : i32
    %dma_start3A_436 = arith.constant 0 : i32
    %dma_start3A_437 = tpu.memref_slice %arg13[%dma_start3A_435, %dma_start3A_436] : memref<2560x16xf32, #tpu.memory_space<vmem>> -> memref<128x16xf32, #tpu.memory_space<vmem>>
    %dma_start3A_438 = arith.constant 1280 : i32
    %dma_start3A_439 = tpu.memref_slice %arg12[%dma_start3A_438] : memref<2560xi32, #tpu.memory_space<vmem>> -> memref<128xi32, #tpu.memory_space<vmem>>
    %dma_start3A_440 = arith.constant 0 : i32
    %dma_start3A_441 = arith.constant 0 : i32
    %dma_start3A_442 = tpu.memref_slice %arg2[%dma_start3A_440, %dma_start3A_441] : memref<1001472x16xf32, #tpu.memory_space<hbm>> -> memref<1001472x16xf32, #tpu.memory_space<hbm>>
    tpu.enqueue_indirect_dma source(%dma_start3A_442 : memref<1001472x16xf32, #tpu.memory_space<hbm>>) target(%dma_start3A_437 : memref<128x16xf32, #tpu.memory_space<vmem>>) offsets(%dma_start3A_439 : memref<128xi32, #tpu.memory_space<vmem>>) semaphore(%arg21 : memref<!tpu.dma_semaphore, #tpu.memory_space<semaphore_mem>>)
    %dma_start3A_443 = arith.constant 1408 : i32
    %dma_start3A_444 = arith.constant 0 : i32
    %dma_start3A_445 = tpu.memref_slice %arg13[%dma_start3A_443, %dma_start3A_444] : memref<2560x16xf32, #tpu.memory_space<vmem>> -> memref<128x16xf32, #tpu.memory_space<vmem>>
    %dma_start3A_446 = arith.constant 1408 : i32
    %dma_start3A_447 = tpu.memref_slice %arg12[%dma_start3A_446] : memref<2560xi32, #tpu.memory_space<vmem>> -> memref<128xi32, #tpu.memory_space<vmem>>
    %dma_start3A_448 = arith.constant 0 : i32
    %dma_start3A_449 = arith.constant 0 : i32
    %dma_start3A_450 = tpu.memref_slice %arg2[%dma_start3A_448, %dma_start3A_449] : memref<1001472x16xf32, #tpu.memory_space<hbm>> -> memref<1001472x16xf32, #tpu.memory_space<hbm>>
    tpu.enqueue_indirect_dma source(%dma_start3A_450 : memref<1001472x16xf32, #tpu.memory_space<hbm>>) target(%dma_start3A_445 : memref<128x16xf32, #tpu.memory_space<vmem>>) offsets(%dma_start3A_447 : memref<128xi32, #tpu.memory_space<vmem>>) semaphore(%arg21 : memref<!tpu.dma_semaphore, #tpu.memory_space<semaphore_mem>>)
    %dma_start3A_451 = arith.constant 1536 : i32
    %dma_start3A_452 = arith.constant 0 : i32
    %dma_start3A_453 = tpu.memref_slice %arg13[%dma_start3A_451, %dma_start3A_452] : memref<2560x16xf32, #tpu.memory_space<vmem>> -> memref<128x16xf32, #tpu.memory_space<vmem>>
    %dma_start3A_454 = arith.constant 1536 : i32
    %dma_start3A_455 = tpu.memref_slice %arg12[%dma_start3A_454] : memref<2560xi32, #tpu.memory_space<vmem>> -> memref<128xi32, #tpu.memory_space<vmem>>
    %dma_start3A_456 = arith.constant 0 : i32
    %dma_start3A_457 = arith.constant 0 : i32
    %dma_start3A_458 = tpu.memref_slice %arg2[%dma_start3A_456, %dma_start3A_457] : memref<1001472x16xf32, #tpu.memory_space<hbm>> -> memref<1001472x16xf32, #tpu.memory_space<hbm>>
    tpu.enqueue_indirect_dma source(%dma_start3A_458 : memref<1001472x16xf32, #tpu.memory_space<hbm>>) target(%dma_start3A_453 : memref<128x16xf32, #tpu.memory_space<vmem>>) offsets(%dma_start3A_455 : memref<128xi32, #tpu.memory_space<vmem>>) semaphore(%arg21 : memref<!tpu.dma_semaphore, #tpu.memory_space<semaphore_mem>>)
    %dma_start3A_459 = arith.constant 1664 : i32
    %dma_start3A_460 = arith.constant 0 : i32
    %dma_start3A_461 = tpu.memref_slice %arg13[%dma_start3A_459, %dma_start3A_460] : memref<2560x16xf32, #tpu.memory_space<vmem>> -> memref<128x16xf32, #tpu.memory_space<vmem>>
    %dma_start3A_462 = arith.constant 1664 : i32
    %dma_start3A_463 = tpu.memref_slice %arg12[%dma_start3A_462] : memref<2560xi32, #tpu.memory_space<vmem>> -> memref<128xi32, #tpu.memory_space<vmem>>
    %dma_start3A_464 = arith.constant 0 : i32
    %dma_start3A_465 = arith.constant 0 : i32
    %dma_start3A_466 = tpu.memref_slice %arg2[%dma_start3A_464, %dma_start3A_465] : memref<1001472x16xf32, #tpu.memory_space<hbm>> -> memref<1001472x16xf32, #tpu.memory_space<hbm>>
    tpu.enqueue_indirect_dma source(%dma_start3A_466 : memref<1001472x16xf32, #tpu.memory_space<hbm>>) target(%dma_start3A_461 : memref<128x16xf32, #tpu.memory_space<vmem>>) offsets(%dma_start3A_463 : memref<128xi32, #tpu.memory_space<vmem>>) semaphore(%arg21 : memref<!tpu.dma_semaphore, #tpu.memory_space<semaphore_mem>>)
    %dma_start3A_467 = arith.constant 1792 : i32
    %dma_start3A_468 = arith.constant 0 : i32
    %dma_start3A_469 = tpu.memref_slice %arg13[%dma_start3A_467, %dma_start3A_468] : memref<2560x16xf32, #tpu.memory_space<vmem>> -> memref<128x16xf32, #tpu.memory_space<vmem>>
    %dma_start3A_470 = arith.constant 1792 : i32
    %dma_start3A_471 = tpu.memref_slice %arg12[%dma_start3A_470] : memref<2560xi32, #tpu.memory_space<vmem>> -> memref<128xi32, #tpu.memory_space<vmem>>
    %dma_start3A_472 = arith.constant 0 : i32
    %dma_start3A_473 = arith.constant 0 : i32
    %dma_start3A_474 = tpu.memref_slice %arg2[%dma_start3A_472, %dma_start3A_473] : memref<1001472x16xf32, #tpu.memory_space<hbm>> -> memref<1001472x16xf32, #tpu.memory_space<hbm>>
    tpu.enqueue_indirect_dma source(%dma_start3A_474 : memref<1001472x16xf32, #tpu.memory_space<hbm>>) target(%dma_start3A_469 : memref<128x16xf32, #tpu.memory_space<vmem>>) offsets(%dma_start3A_471 : memref<128xi32, #tpu.memory_space<vmem>>) semaphore(%arg21 : memref<!tpu.dma_semaphore, #tpu.memory_space<semaphore_mem>>)
    %dma_start3A_475 = arith.constant 1920 : i32
    %dma_start3A_476 = arith.constant 0 : i32
    %dma_start3A_477 = tpu.memref_slice %arg13[%dma_start3A_475, %dma_start3A_476] : memref<2560x16xf32, #tpu.memory_space<vmem>> -> memref<128x16xf32, #tpu.memory_space<vmem>>
    %dma_start3A_478 = arith.constant 1920 : i32
    %dma_start3A_479 = tpu.memref_slice %arg12[%dma_start3A_478] : memref<2560xi32, #tpu.memory_space<vmem>> -> memref<128xi32, #tpu.memory_space<vmem>>
    %dma_start3A_480 = arith.constant 0 : i32
    %dma_start3A_481 = arith.constant 0 : i32
    %dma_start3A_482 = tpu.memref_slice %arg2[%dma_start3A_480, %dma_start3A_481] : memref<1001472x16xf32, #tpu.memory_space<hbm>> -> memref<1001472x16xf32, #tpu.memory_space<hbm>>
    tpu.enqueue_indirect_dma source(%dma_start3A_482 : memref<1001472x16xf32, #tpu.memory_space<hbm>>) target(%dma_start3A_477 : memref<128x16xf32, #tpu.memory_space<vmem>>) offsets(%dma_start3A_479 : memref<128xi32, #tpu.memory_space<vmem>>) semaphore(%arg21 : memref<!tpu.dma_semaphore, #tpu.memory_space<semaphore_mem>>)
    %dma_start3A_483 = arith.constant 2048 : i32
    %dma_start3A_484 = arith.constant 0 : i32
    %dma_start3A_485 = tpu.memref_slice %arg13[%dma_start3A_483, %dma_start3A_484] : memref<2560x16xf32, #tpu.memory_space<vmem>> -> memref<128x16xf32, #tpu.memory_space<vmem>>
    %dma_start3A_486 = arith.constant 2048 : i32
    %dma_start3A_487 = tpu.memref_slice %arg12[%dma_start3A_486] : memref<2560xi32, #tpu.memory_space<vmem>> -> memref<128xi32, #tpu.memory_space<vmem>>
    %dma_start3A_488 = arith.constant 0 : i32
    %dma_start3A_489 = arith.constant 0 : i32
    %dma_start3A_490 = tpu.memref_slice %arg2[%dma_start3A_488, %dma_start3A_489] : memref<1001472x16xf32, #tpu.memory_space<hbm>> -> memref<1001472x16xf32, #tpu.memory_space<hbm>>
    tpu.enqueue_indirect_dma source(%dma_start3A_490 : memref<1001472x16xf32, #tpu.memory_space<hbm>>) target(%dma_start3A_485 : memref<128x16xf32, #tpu.memory_space<vmem>>) offsets(%dma_start3A_487 : memref<128xi32, #tpu.memory_space<vmem>>) semaphore(%arg21 : memref<!tpu.dma_semaphore, #tpu.memory_space<semaphore_mem>>)
    %dma_start3A_491 = arith.constant 2176 : i32
    %dma_start3A_492 = arith.constant 0 : i32
    %dma_start3A_493 = tpu.memref_slice %arg13[%dma_start3A_491, %dma_start3A_492] : memref<2560x16xf32, #tpu.memory_space<vmem>> -> memref<128x16xf32, #tpu.memory_space<vmem>>
    %dma_start3A_494 = arith.constant 2176 : i32
    %dma_start3A_495 = tpu.memref_slice %arg12[%dma_start3A_494] : memref<2560xi32, #tpu.memory_space<vmem>> -> memref<128xi32, #tpu.memory_space<vmem>>
    %dma_start3A_496 = arith.constant 0 : i32
    %dma_start3A_497 = arith.constant 0 : i32
    %dma_start3A_498 = tpu.memref_slice %arg2[%dma_start3A_496, %dma_start3A_497] : memref<1001472x16xf32, #tpu.memory_space<hbm>> -> memref<1001472x16xf32, #tpu.memory_space<hbm>>
    tpu.enqueue_indirect_dma source(%dma_start3A_498 : memref<1001472x16xf32, #tpu.memory_space<hbm>>) target(%dma_start3A_493 : memref<128x16xf32, #tpu.memory_space<vmem>>) offsets(%dma_start3A_495 : memref<128xi32, #tpu.memory_space<vmem>>) semaphore(%arg21 : memref<!tpu.dma_semaphore, #tpu.memory_space<semaphore_mem>>)
    %dma_start3A_499 = arith.constant 2304 : i32
    %dma_start3A_500 = arith.constant 0 : i32
    %dma_start3A_501 = tpu.memref_slice %arg13[%dma_start3A_499, %dma_start3A_500] : memref<2560x16xf32, #tpu.memory_space<vmem>> -> memref<128x16xf32, #tpu.memory_space<vmem>>
    %dma_start3A_502 = arith.constant 2304 : i32
    %dma_start3A_503 = tpu.memref_slice %arg12[%dma_start3A_502] : memref<2560xi32, #tpu.memory_space<vmem>> -> memref<128xi32, #tpu.memory_space<vmem>>
    %dma_start3A_504 = arith.constant 0 : i32
    %dma_start3A_505 = arith.constant 0 : i32
    %dma_start3A_506 = tpu.memref_slice %arg2[%dma_start3A_504, %dma_start3A_505] : memref<1001472x16xf32, #tpu.memory_space<hbm>> -> memref<1001472x16xf32, #tpu.memory_space<hbm>>
    tpu.enqueue_indirect_dma source(%dma_start3A_506 : memref<1001472x16xf32, #tpu.memory_space<hbm>>) target(%dma_start3A_501 : memref<128x16xf32, #tpu.memory_space<vmem>>) offsets(%dma_start3A_503 : memref<128xi32, #tpu.memory_space<vmem>>) semaphore(%arg21 : memref<!tpu.dma_semaphore, #tpu.memory_space<semaphore_mem>>)
    %dma_start3A_507 = arith.constant 2432 : i32
    %dma_start3A_508 = arith.constant 0 : i32
    %dma_start3A_509 = tpu.memref_slice %arg13[%dma_start3A_507, %dma_start3A_508] : memref<2560x16xf32, #tpu.memory_space<vmem>> -> memref<128x16xf32, #tpu.memory_space<vmem>>
    %dma_start3A_510 = arith.constant 2432 : i32
    %dma_start3A_511 = tpu.memref_slice %arg12[%dma_start3A_510] : memref<2560xi32, #tpu.memory_space<vmem>> -> memref<128xi32, #tpu.memory_space<vmem>>
    %dma_start3A_512 = arith.constant 0 : i32
    %dma_start3A_513 = arith.constant 0 : i32
    %dma_start3A_514 = tpu.memref_slice %arg2[%dma_start3A_512, %dma_start3A_513] : memref<1001472x16xf32, #tpu.memory_space<hbm>> -> memref<1001472x16xf32, #tpu.memory_space<hbm>>
    tpu.enqueue_indirect_dma source(%dma_start3A_514 : memref<1001472x16xf32, #tpu.memory_space<hbm>>) target(%dma_start3A_509 : memref<128x16xf32, #tpu.memory_space<vmem>>) offsets(%dma_start3A_511 : memref<128xi32, #tpu.memory_space<vmem>>) semaphore(%arg21 : memref<!tpu.dma_semaphore, #tpu.memory_space<semaphore_mem>>)
    %dma_wait3A_515 = arith.constant 0 : i32
    %dma_wait3A_516 = arith.constant 0 : i32
    %dma_wait3A_517 = tpu.memref_slice %arg13[%dma_wait3A_515, %dma_wait3A_516] : memref<2560x16xf32, #tpu.memory_space<vmem>> -> memref<128x16xf32, #tpu.memory_space<vmem>>
    %dma_wait3A_518 = arith.constant 0 : i32
    %dma_wait3A_519 = tpu.memref_slice %arg12[%dma_wait3A_518] : memref<2560xi32, #tpu.memory_space<vmem>> -> memref<128xi32, #tpu.memory_space<vmem>>
    %dma_wait3A_520 = arith.constant 0 : i32
    %dma_wait3A_521 = arith.constant 0 : i32
    %dma_wait3A_522 = tpu.memref_slice %arg2[%dma_wait3A_520, %dma_wait3A_521] : memref<1001472x16xf32, #tpu.memory_space<hbm>> -> memref<1001472x16xf32, #tpu.memory_space<hbm>>
    tpu.wait_indirect_dma semaphore(%arg21 : memref<!tpu.dma_semaphore, #tpu.memory_space<semaphore_mem>>) src(%dma_wait3A_522 : memref<1001472x16xf32, #tpu.memory_space<hbm>>) dst(%dma_wait3A_517 : memref<128x16xf32, #tpu.memory_space<vmem>>)
    %dma_wait3A_523 = arith.constant 128 : i32
    %dma_wait3A_524 = arith.constant 0 : i32
    %dma_wait3A_525 = tpu.memref_slice %arg13[%dma_wait3A_523, %dma_wait3A_524] : memref<2560x16xf32, #tpu.memory_space<vmem>> -> memref<128x16xf32, #tpu.memory_space<vmem>>
    %dma_wait3A_526 = arith.constant 128 : i32
    %dma_wait3A_527 = tpu.memref_slice %arg12[%dma_wait3A_526] : memref<2560xi32, #tpu.memory_space<vmem>> -> memref<128xi32, #tpu.memory_space<vmem>>
    %dma_wait3A_528 = arith.constant 0 : i32
    %dma_wait3A_529 = arith.constant 0 : i32
    %dma_wait3A_530 = tpu.memref_slice %arg2[%dma_wait3A_528, %dma_wait3A_529] : memref<1001472x16xf32, #tpu.memory_space<hbm>> -> memref<1001472x16xf32, #tpu.memory_space<hbm>>
    tpu.wait_indirect_dma semaphore(%arg21 : memref<!tpu.dma_semaphore, #tpu.memory_space<semaphore_mem>>) src(%dma_wait3A_530 : memref<1001472x16xf32, #tpu.memory_space<hbm>>) dst(%dma_wait3A_525 : memref<128x16xf32, #tpu.memory_space<vmem>>)
    %dma_wait3A_531 = arith.constant 256 : i32
    %dma_wait3A_532 = arith.constant 0 : i32
    %dma_wait3A_533 = tpu.memref_slice %arg13[%dma_wait3A_531, %dma_wait3A_532] : memref<2560x16xf32, #tpu.memory_space<vmem>> -> memref<128x16xf32, #tpu.memory_space<vmem>>
    %dma_wait3A_534 = arith.constant 256 : i32
    %dma_wait3A_535 = tpu.memref_slice %arg12[%dma_wait3A_534] : memref<2560xi32, #tpu.memory_space<vmem>> -> memref<128xi32, #tpu.memory_space<vmem>>
    %dma_wait3A_536 = arith.constant 0 : i32
    %dma_wait3A_537 = arith.constant 0 : i32
    %dma_wait3A_538 = tpu.memref_slice %arg2[%dma_wait3A_536, %dma_wait3A_537] : memref<1001472x16xf32, #tpu.memory_space<hbm>> -> memref<1001472x16xf32, #tpu.memory_space<hbm>>
    tpu.wait_indirect_dma semaphore(%arg21 : memref<!tpu.dma_semaphore, #tpu.memory_space<semaphore_mem>>) src(%dma_wait3A_538 : memref<1001472x16xf32, #tpu.memory_space<hbm>>) dst(%dma_wait3A_533 : memref<128x16xf32, #tpu.memory_space<vmem>>)
    %dma_wait3A_539 = arith.constant 384 : i32
    %dma_wait3A_540 = arith.constant 0 : i32
    %dma_wait3A_541 = tpu.memref_slice %arg13[%dma_wait3A_539, %dma_wait3A_540] : memref<2560x16xf32, #tpu.memory_space<vmem>> -> memref<128x16xf32, #tpu.memory_space<vmem>>
    %dma_wait3A_542 = arith.constant 384 : i32
    %dma_wait3A_543 = tpu.memref_slice %arg12[%dma_wait3A_542] : memref<2560xi32, #tpu.memory_space<vmem>> -> memref<128xi32, #tpu.memory_space<vmem>>
    %dma_wait3A_544 = arith.constant 0 : i32
    %dma_wait3A_545 = arith.constant 0 : i32
    %dma_wait3A_546 = tpu.memref_slice %arg2[%dma_wait3A_544, %dma_wait3A_545] : memref<1001472x16xf32, #tpu.memory_space<hbm>> -> memref<1001472x16xf32, #tpu.memory_space<hbm>>
    tpu.wait_indirect_dma semaphore(%arg21 : memref<!tpu.dma_semaphore, #tpu.memory_space<semaphore_mem>>) src(%dma_wait3A_546 : memref<1001472x16xf32, #tpu.memory_space<hbm>>) dst(%dma_wait3A_541 : memref<128x16xf32, #tpu.memory_space<vmem>>)
    %dma_wait3A_547 = arith.constant 512 : i32
    %dma_wait3A_548 = arith.constant 0 : i32
    %dma_wait3A_549 = tpu.memref_slice %arg13[%dma_wait3A_547, %dma_wait3A_548] : memref<2560x16xf32, #tpu.memory_space<vmem>> -> memref<128x16xf32, #tpu.memory_space<vmem>>
    %dma_wait3A_550 = arith.constant 512 : i32
    %dma_wait3A_551 = tpu.memref_slice %arg12[%dma_wait3A_550] : memref<2560xi32, #tpu.memory_space<vmem>> -> memref<128xi32, #tpu.memory_space<vmem>>
    %dma_wait3A_552 = arith.constant 0 : i32
    %dma_wait3A_553 = arith.constant 0 : i32
    %dma_wait3A_554 = tpu.memref_slice %arg2[%dma_wait3A_552, %dma_wait3A_553] : memref<1001472x16xf32, #tpu.memory_space<hbm>> -> memref<1001472x16xf32, #tpu.memory_space<hbm>>
    tpu.wait_indirect_dma semaphore(%arg21 : memref<!tpu.dma_semaphore, #tpu.memory_space<semaphore_mem>>) src(%dma_wait3A_554 : memref<1001472x16xf32, #tpu.memory_space<hbm>>) dst(%dma_wait3A_549 : memref<128x16xf32, #tpu.memory_space<vmem>>)
    %dma_wait3A_555 = arith.constant 640 : i32
    %dma_wait3A_556 = arith.constant 0 : i32
    %dma_wait3A_557 = tpu.memref_slice %arg13[%dma_wait3A_555, %dma_wait3A_556] : memref<2560x16xf32, #tpu.memory_space<vmem>> -> memref<128x16xf32, #tpu.memory_space<vmem>>
    %dma_wait3A_558 = arith.constant 640 : i32
    %dma_wait3A_559 = tpu.memref_slice %arg12[%dma_wait3A_558] : memref<2560xi32, #tpu.memory_space<vmem>> -> memref<128xi32, #tpu.memory_space<vmem>>
    %dma_wait3A_560 = arith.constant 0 : i32
    %dma_wait3A_561 = arith.constant 0 : i32
    %dma_wait3A_562 = tpu.memref_slice %arg2[%dma_wait3A_560, %dma_wait3A_561] : memref<1001472x16xf32, #tpu.memory_space<hbm>> -> memref<1001472x16xf32, #tpu.memory_space<hbm>>
    tpu.wait_indirect_dma semaphore(%arg21 : memref<!tpu.dma_semaphore, #tpu.memory_space<semaphore_mem>>) src(%dma_wait3A_562 : memref<1001472x16xf32, #tpu.memory_space<hbm>>) dst(%dma_wait3A_557 : memref<128x16xf32, #tpu.memory_space<vmem>>)
    %dma_wait3A_563 = arith.constant 768 : i32
    %dma_wait3A_564 = arith.constant 0 : i32
    %dma_wait3A_565 = tpu.memref_slice %arg13[%dma_wait3A_563, %dma_wait3A_564] : memref<2560x16xf32, #tpu.memory_space<vmem>> -> memref<128x16xf32, #tpu.memory_space<vmem>>
    %dma_wait3A_566 = arith.constant 768 : i32
    %dma_wait3A_567 = tpu.memref_slice %arg12[%dma_wait3A_566] : memref<2560xi32, #tpu.memory_space<vmem>> -> memref<128xi32, #tpu.memory_space<vmem>>
    %dma_wait3A_568 = arith.constant 0 : i32
    %dma_wait3A_569 = arith.constant 0 : i32
    %dma_wait3A_570 = tpu.memref_slice %arg2[%dma_wait3A_568, %dma_wait3A_569] : memref<1001472x16xf32, #tpu.memory_space<hbm>> -> memref<1001472x16xf32, #tpu.memory_space<hbm>>
    tpu.wait_indirect_dma semaphore(%arg21 : memref<!tpu.dma_semaphore, #tpu.memory_space<semaphore_mem>>) src(%dma_wait3A_570 : memref<1001472x16xf32, #tpu.memory_space<hbm>>) dst(%dma_wait3A_565 : memref<128x16xf32, #tpu.memory_space<vmem>>)
    %dma_wait3A_571 = arith.constant 896 : i32
    %dma_wait3A_572 = arith.constant 0 : i32
    %dma_wait3A_573 = tpu.memref_slice %arg13[%dma_wait3A_571, %dma_wait3A_572] : memref<2560x16xf32, #tpu.memory_space<vmem>> -> memref<128x16xf32, #tpu.memory_space<vmem>>
    %dma_wait3A_574 = arith.constant 896 : i32
    %dma_wait3A_575 = tpu.memref_slice %arg12[%dma_wait3A_574] : memref<2560xi32, #tpu.memory_space<vmem>> -> memref<128xi32, #tpu.memory_space<vmem>>
    %dma_wait3A_576 = arith.constant 0 : i32
    %dma_wait3A_577 = arith.constant 0 : i32
    %dma_wait3A_578 = tpu.memref_slice %arg2[%dma_wait3A_576, %dma_wait3A_577] : memref<1001472x16xf32, #tpu.memory_space<hbm>> -> memref<1001472x16xf32, #tpu.memory_space<hbm>>
    tpu.wait_indirect_dma semaphore(%arg21 : memref<!tpu.dma_semaphore, #tpu.memory_space<semaphore_mem>>) src(%dma_wait3A_578 : memref<1001472x16xf32, #tpu.memory_space<hbm>>) dst(%dma_wait3A_573 : memref<128x16xf32, #tpu.memory_space<vmem>>)
    %dma_wait3A_579 = arith.constant 1024 : i32
    %dma_wait3A_580 = arith.constant 0 : i32
    %dma_wait3A_581 = tpu.memref_slice %arg13[%dma_wait3A_579, %dma_wait3A_580] : memref<2560x16xf32, #tpu.memory_space<vmem>> -> memref<128x16xf32, #tpu.memory_space<vmem>>
    %dma_wait3A_582 = arith.constant 1024 : i32
    %dma_wait3A_583 = tpu.memref_slice %arg12[%dma_wait3A_582] : memref<2560xi32, #tpu.memory_space<vmem>> -> memref<128xi32, #tpu.memory_space<vmem>>
    %dma_wait3A_584 = arith.constant 0 : i32
    %dma_wait3A_585 = arith.constant 0 : i32
    %dma_wait3A_586 = tpu.memref_slice %arg2[%dma_wait3A_584, %dma_wait3A_585] : memref<1001472x16xf32, #tpu.memory_space<hbm>> -> memref<1001472x16xf32, #tpu.memory_space<hbm>>
    tpu.wait_indirect_dma semaphore(%arg21 : memref<!tpu.dma_semaphore, #tpu.memory_space<semaphore_mem>>) src(%dma_wait3A_586 : memref<1001472x16xf32, #tpu.memory_space<hbm>>) dst(%dma_wait3A_581 : memref<128x16xf32, #tpu.memory_space<vmem>>)
    %dma_wait3A_587 = arith.constant 1152 : i32
    %dma_wait3A_588 = arith.constant 0 : i32
    %dma_wait3A_589 = tpu.memref_slice %arg13[%dma_wait3A_587, %dma_wait3A_588] : memref<2560x16xf32, #tpu.memory_space<vmem>> -> memref<128x16xf32, #tpu.memory_space<vmem>>
    %dma_wait3A_590 = arith.constant 1152 : i32
    %dma_wait3A_591 = tpu.memref_slice %arg12[%dma_wait3A_590] : memref<2560xi32, #tpu.memory_space<vmem>> -> memref<128xi32, #tpu.memory_space<vmem>>
    %dma_wait3A_592 = arith.constant 0 : i32
    %dma_wait3A_593 = arith.constant 0 : i32
    %dma_wait3A_594 = tpu.memref_slice %arg2[%dma_wait3A_592, %dma_wait3A_593] : memref<1001472x16xf32, #tpu.memory_space<hbm>> -> memref<1001472x16xf32, #tpu.memory_space<hbm>>
    tpu.wait_indirect_dma semaphore(%arg21 : memref<!tpu.dma_semaphore, #tpu.memory_space<semaphore_mem>>) src(%dma_wait3A_594 : memref<1001472x16xf32, #tpu.memory_space<hbm>>) dst(%dma_wait3A_589 : memref<128x16xf32, #tpu.memory_space<vmem>>)
    %dma_wait3A_595 = arith.constant 1280 : i32
    %dma_wait3A_596 = arith.constant 0 : i32
    %dma_wait3A_597 = tpu.memref_slice %arg13[%dma_wait3A_595, %dma_wait3A_596] : memref<2560x16xf32, #tpu.memory_space<vmem>> -> memref<128x16xf32, #tpu.memory_space<vmem>>
    %dma_wait3A_598 = arith.constant 1280 : i32
    %dma_wait3A_599 = tpu.memref_slice %arg12[%dma_wait3A_598] : memref<2560xi32, #tpu.memory_space<vmem>> -> memref<128xi32, #tpu.memory_space<vmem>>
    %dma_wait3A_600 = arith.constant 0 : i32
    %dma_wait3A_601 = arith.constant 0 : i32
    %dma_wait3A_602 = tpu.memref_slice %arg2[%dma_wait3A_600, %dma_wait3A_601] : memref<1001472x16xf32, #tpu.memory_space<hbm>> -> memref<1001472x16xf32, #tpu.memory_space<hbm>>
    tpu.wait_indirect_dma semaphore(%arg21 : memref<!tpu.dma_semaphore, #tpu.memory_space<semaphore_mem>>) src(%dma_wait3A_602 : memref<1001472x16xf32, #tpu.memory_space<hbm>>) dst(%dma_wait3A_597 : memref<128x16xf32, #tpu.memory_space<vmem>>)
    %dma_wait3A_603 = arith.constant 1408 : i32
    %dma_wait3A_604 = arith.constant 0 : i32
    %dma_wait3A_605 = tpu.memref_slice %arg13[%dma_wait3A_603, %dma_wait3A_604] : memref<2560x16xf32, #tpu.memory_space<vmem>> -> memref<128x16xf32, #tpu.memory_space<vmem>>
    %dma_wait3A_606 = arith.constant 1408 : i32
    %dma_wait3A_607 = tpu.memref_slice %arg12[%dma_wait3A_606] : memref<2560xi32, #tpu.memory_space<vmem>> -> memref<128xi32, #tpu.memory_space<vmem>>
    %dma_wait3A_608 = arith.constant 0 : i32
    %dma_wait3A_609 = arith.constant 0 : i32
    %dma_wait3A_610 = tpu.memref_slice %arg2[%dma_wait3A_608, %dma_wait3A_609] : memref<1001472x16xf32, #tpu.memory_space<hbm>> -> memref<1001472x16xf32, #tpu.memory_space<hbm>>
    tpu.wait_indirect_dma semaphore(%arg21 : memref<!tpu.dma_semaphore, #tpu.memory_space<semaphore_mem>>) src(%dma_wait3A_610 : memref<1001472x16xf32, #tpu.memory_space<hbm>>) dst(%dma_wait3A_605 : memref<128x16xf32, #tpu.memory_space<vmem>>)
    %dma_wait3A_611 = arith.constant 1536 : i32
    %dma_wait3A_612 = arith.constant 0 : i32
    %dma_wait3A_613 = tpu.memref_slice %arg13[%dma_wait3A_611, %dma_wait3A_612] : memref<2560x16xf32, #tpu.memory_space<vmem>> -> memref<128x16xf32, #tpu.memory_space<vmem>>
    %dma_wait3A_614 = arith.constant 1536 : i32
    %dma_wait3A_615 = tpu.memref_slice %arg12[%dma_wait3A_614] : memref<2560xi32, #tpu.memory_space<vmem>> -> memref<128xi32, #tpu.memory_space<vmem>>
    %dma_wait3A_616 = arith.constant 0 : i32
    %dma_wait3A_617 = arith.constant 0 : i32
    %dma_wait3A_618 = tpu.memref_slice %arg2[%dma_wait3A_616, %dma_wait3A_617] : memref<1001472x16xf32, #tpu.memory_space<hbm>> -> memref<1001472x16xf32, #tpu.memory_space<hbm>>
    tpu.wait_indirect_dma semaphore(%arg21 : memref<!tpu.dma_semaphore, #tpu.memory_space<semaphore_mem>>) src(%dma_wait3A_618 : memref<1001472x16xf32, #tpu.memory_space<hbm>>) dst(%dma_wait3A_613 : memref<128x16xf32, #tpu.memory_space<vmem>>)
    %dma_wait3A_619 = arith.constant 1664 : i32
    %dma_wait3A_620 = arith.constant 0 : i32
    %dma_wait3A_621 = tpu.memref_slice %arg13[%dma_wait3A_619, %dma_wait3A_620] : memref<2560x16xf32, #tpu.memory_space<vmem>> -> memref<128x16xf32, #tpu.memory_space<vmem>>
    %dma_wait3A_622 = arith.constant 1664 : i32
    %dma_wait3A_623 = tpu.memref_slice %arg12[%dma_wait3A_622] : memref<2560xi32, #tpu.memory_space<vmem>> -> memref<128xi32, #tpu.memory_space<vmem>>
    %dma_wait3A_624 = arith.constant 0 : i32
    %dma_wait3A_625 = arith.constant 0 : i32
    %dma_wait3A_626 = tpu.memref_slice %arg2[%dma_wait3A_624, %dma_wait3A_625] : memref<1001472x16xf32, #tpu.memory_space<hbm>> -> memref<1001472x16xf32, #tpu.memory_space<hbm>>
    tpu.wait_indirect_dma semaphore(%arg21 : memref<!tpu.dma_semaphore, #tpu.memory_space<semaphore_mem>>) src(%dma_wait3A_626 : memref<1001472x16xf32, #tpu.memory_space<hbm>>) dst(%dma_wait3A_621 : memref<128x16xf32, #tpu.memory_space<vmem>>)
    %dma_wait3A_627 = arith.constant 1792 : i32
    %dma_wait3A_628 = arith.constant 0 : i32
    %dma_wait3A_629 = tpu.memref_slice %arg13[%dma_wait3A_627, %dma_wait3A_628] : memref<2560x16xf32, #tpu.memory_space<vmem>> -> memref<128x16xf32, #tpu.memory_space<vmem>>
    %dma_wait3A_630 = arith.constant 1792 : i32
    %dma_wait3A_631 = tpu.memref_slice %arg12[%dma_wait3A_630] : memref<2560xi32, #tpu.memory_space<vmem>> -> memref<128xi32, #tpu.memory_space<vmem>>
    %dma_wait3A_632 = arith.constant 0 : i32
    %dma_wait3A_633 = arith.constant 0 : i32
    %dma_wait3A_634 = tpu.memref_slice %arg2[%dma_wait3A_632, %dma_wait3A_633] : memref<1001472x16xf32, #tpu.memory_space<hbm>> -> memref<1001472x16xf32, #tpu.memory_space<hbm>>
    tpu.wait_indirect_dma semaphore(%arg21 : memref<!tpu.dma_semaphore, #tpu.memory_space<semaphore_mem>>) src(%dma_wait3A_634 : memref<1001472x16xf32, #tpu.memory_space<hbm>>) dst(%dma_wait3A_629 : memref<128x16xf32, #tpu.memory_space<vmem>>)
    %dma_wait3A_635 = arith.constant 1920 : i32
    %dma_wait3A_636 = arith.constant 0 : i32
    %dma_wait3A_637 = tpu.memref_slice %arg13[%dma_wait3A_635, %dma_wait3A_636] : memref<2560x16xf32, #tpu.memory_space<vmem>> -> memref<128x16xf32, #tpu.memory_space<vmem>>
    %dma_wait3A_638 = arith.constant 1920 : i32
    %dma_wait3A_639 = tpu.memref_slice %arg12[%dma_wait3A_638] : memref<2560xi32, #tpu.memory_space<vmem>> -> memref<128xi32, #tpu.memory_space<vmem>>
    %dma_wait3A_640 = arith.constant 0 : i32
    %dma_wait3A_641 = arith.constant 0 : i32
    %dma_wait3A_642 = tpu.memref_slice %arg2[%dma_wait3A_640, %dma_wait3A_641] : memref<1001472x16xf32, #tpu.memory_space<hbm>> -> memref<1001472x16xf32, #tpu.memory_space<hbm>>
    tpu.wait_indirect_dma semaphore(%arg21 : memref<!tpu.dma_semaphore, #tpu.memory_space<semaphore_mem>>) src(%dma_wait3A_642 : memref<1001472x16xf32, #tpu.memory_space<hbm>>) dst(%dma_wait3A_637 : memref<128x16xf32, #tpu.memory_space<vmem>>)
    %dma_wait3A_643 = arith.constant 2048 : i32
    %dma_wait3A_644 = arith.constant 0 : i32
    %dma_wait3A_645 = tpu.memref_slice %arg13[%dma_wait3A_643, %dma_wait3A_644] : memref<2560x16xf32, #tpu.memory_space<vmem>> -> memref<128x16xf32, #tpu.memory_space<vmem>>
    %dma_wait3A_646 = arith.constant 2048 : i32
    %dma_wait3A_647 = tpu.memref_slice %arg12[%dma_wait3A_646] : memref<2560xi32, #tpu.memory_space<vmem>> -> memref<128xi32, #tpu.memory_space<vmem>>
    %dma_wait3A_648 = arith.constant 0 : i32
    %dma_wait3A_649 = arith.constant 0 : i32
    %dma_wait3A_650 = tpu.memref_slice %arg2[%dma_wait3A_648, %dma_wait3A_649] : memref<1001472x16xf32, #tpu.memory_space<hbm>> -> memref<1001472x16xf32, #tpu.memory_space<hbm>>
    tpu.wait_indirect_dma semaphore(%arg21 : memref<!tpu.dma_semaphore, #tpu.memory_space<semaphore_mem>>) src(%dma_wait3A_650 : memref<1001472x16xf32, #tpu.memory_space<hbm>>) dst(%dma_wait3A_645 : memref<128x16xf32, #tpu.memory_space<vmem>>)
    %dma_wait3A_651 = arith.constant 2176 : i32
    %dma_wait3A_652 = arith.constant 0 : i32
    %dma_wait3A_653 = tpu.memref_slice %arg13[%dma_wait3A_651, %dma_wait3A_652] : memref<2560x16xf32, #tpu.memory_space<vmem>> -> memref<128x16xf32, #tpu.memory_space<vmem>>
    %dma_wait3A_654 = arith.constant 2176 : i32
    %dma_wait3A_655 = tpu.memref_slice %arg12[%dma_wait3A_654] : memref<2560xi32, #tpu.memory_space<vmem>> -> memref<128xi32, #tpu.memory_space<vmem>>
    %dma_wait3A_656 = arith.constant 0 : i32
    %dma_wait3A_657 = arith.constant 0 : i32
    %dma_wait3A_658 = tpu.memref_slice %arg2[%dma_wait3A_656, %dma_wait3A_657] : memref<1001472x16xf32, #tpu.memory_space<hbm>> -> memref<1001472x16xf32, #tpu.memory_space<hbm>>
    tpu.wait_indirect_dma semaphore(%arg21 : memref<!tpu.dma_semaphore, #tpu.memory_space<semaphore_mem>>) src(%dma_wait3A_658 : memref<1001472x16xf32, #tpu.memory_space<hbm>>) dst(%dma_wait3A_653 : memref<128x16xf32, #tpu.memory_space<vmem>>)
    %dma_wait3A_659 = arith.constant 2304 : i32
    %dma_wait3A_660 = arith.constant 0 : i32
    %dma_wait3A_661 = tpu.memref_slice %arg13[%dma_wait3A_659, %dma_wait3A_660] : memref<2560x16xf32, #tpu.memory_space<vmem>> -> memref<128x16xf32, #tpu.memory_space<vmem>>
    %dma_wait3A_662 = arith.constant 2304 : i32
    %dma_wait3A_663 = tpu.memref_slice %arg12[%dma_wait3A_662] : memref<2560xi32, #tpu.memory_space<vmem>> -> memref<128xi32, #tpu.memory_space<vmem>>
    %dma_wait3A_664 = arith.constant 0 : i32
    %dma_wait3A_665 = arith.constant 0 : i32
    %dma_wait3A_666 = tpu.memref_slice %arg2[%dma_wait3A_664, %dma_wait3A_665] : memref<1001472x16xf32, #tpu.memory_space<hbm>> -> memref<1001472x16xf32, #tpu.memory_space<hbm>>
    tpu.wait_indirect_dma semaphore(%arg21 : memref<!tpu.dma_semaphore, #tpu.memory_space<semaphore_mem>>) src(%dma_wait3A_666 : memref<1001472x16xf32, #tpu.memory_space<hbm>>) dst(%dma_wait3A_661 : memref<128x16xf32, #tpu.memory_space<vmem>>)
    %dma_wait3A_667 = arith.constant 2432 : i32
    %dma_wait3A_668 = arith.constant 0 : i32
    %dma_wait3A_669 = tpu.memref_slice %arg13[%dma_wait3A_667, %dma_wait3A_668] : memref<2560x16xf32, #tpu.memory_space<vmem>> -> memref<128x16xf32, #tpu.memory_space<vmem>>
    %dma_wait3A_670 = arith.constant 2432 : i32
    %dma_wait3A_671 = tpu.memref_slice %arg12[%dma_wait3A_670] : memref<2560xi32, #tpu.memory_space<vmem>> -> memref<128xi32, #tpu.memory_space<vmem>>
    %dma_wait3A_672 = arith.constant 0 : i32
    %dma_wait3A_673 = arith.constant 0 : i32
    %dma_wait3A_674 = tpu.memref_slice %arg2[%dma_wait3A_672, %dma_wait3A_673] : memref<1001472x16xf32, #tpu.memory_space<hbm>> -> memref<1001472x16xf32, #tpu.memory_space<hbm>>
    tpu.wait_indirect_dma semaphore(%arg21 : memref<!tpu.dma_semaphore, #tpu.memory_space<semaphore_mem>>) src(%dma_wait3A_674 : memref<1001472x16xf32, #tpu.memory_space<hbm>>) dst(%dma_wait3A_669 : memref<128x16xf32, #tpu.memory_space<vmem>>)
    %scan3A_675 = arith.constant 0 : i32
    %scan3A_676 = arith.constant 8 : i32
    %scan3A_677 = arith.addi %scan3A_675, %scan3A_676 : i32
    %scan3A_678 = arith.constant 1 : i32
    %scan3A_679 = scf.for %scan3A_1370 = %scan3A_675 to %scan3A_677 step %scan3A_678 iter_args(%scan3A_1371 = %scan3A_337) -> (vector<16xi32>)  : i32 {
      %mul3A_1372 = arith.constant 16 : i32
      %mul3A_1373 = arith.muli %scan3A_1370, %mul3A_1372 : i32
      %add3A_1374 = vector.broadcast %mul3A_1373 : i32 to vector<16xi32>
      %add3A_1375 = arith.addi %add3A_1374, %iota3A : vector<16xi32>
      %mul3A_1376 = arith.constant 16 : i32
      %mul3A_1377 = vector.broadcast %mul3A_1376 : i32 to vector<16xi32>
      %mul3A_1378 = arith.muli %add3A_1375, %mul3A_1377 : vector<16xi32>
      %add3A_1379 = arith.constant 0 : i32
      %add3A_1380 = vector.broadcast %add3A_1379 : i32 to vector<16xi32>
      %add3A_1381 = arith.addi %mul3A_1378, %add3A_1380 : vector<16xi32>
      %gather3A = tpu.vector_load_idx %arg15[%add3A_1381] : memref<2048xf32, #tpu.memory_space<vmem>>[vector<16xi32>], vector<16xf32>,
      %mul3A_1382 = arith.constant 16 : i32
      %mul3A_1383 = vector.broadcast %mul3A_1382 : i32 to vector<16xi32>
      %mul3A_1384 = arith.muli %add3A_1375, %mul3A_1383 : vector<16xi32>
      %add3A_1385 = arith.constant 1 : i32
      %add3A_1386 = vector.broadcast %add3A_1385 : i32 to vector<16xi32>
      %add3A_1387 = arith.addi %mul3A_1384, %add3A_1386 : vector<16xi32>
      %gather3A_1388 = tpu.vector_load_idx %arg15[%add3A_1387] : memref<2048xf32, #tpu.memory_space<vmem>>[vector<16xi32>], vector<16xf32>,
      %mul3A_1389 = arith.constant 16 : i32
      %mul3A_1390 = vector.broadcast %mul3A_1389 : i32 to vector<16xi32>
      %mul3A_1391 = arith.muli %add3A_1375, %mul3A_1390 : vector<16xi32>
      %add3A_1392 = arith.constant 2 : i32
      %add3A_1393 = vector.broadcast %add3A_1392 : i32 to vector<16xi32>
      %add3A_1394 = arith.addi %mul3A_1391, %add3A_1393 : vector<16xi32>
      %gather3A_1395 = tpu.vector_load_idx %arg15[%add3A_1394] : memref<2048xf32, #tpu.memory_space<vmem>>[vector<16xi32>], vector<16xf32>,
      %mul3A_1396 = arith.constant 16 : i32
      %mul3A_1397 = vector.broadcast %mul3A_1396 : i32 to vector<16xi32>
      %mul3A_1398 = arith.muli %add3A_1375, %mul3A_1397 : vector<16xi32>
      %add3A_1399 = arith.constant 3 : i32
      %add3A_1400 = vector.broadcast %add3A_1399 : i32 to vector<16xi32>
      %add3A_1401 = arith.addi %mul3A_1398, %add3A_1400 : vector<16xi32>
      %gather3A_1402 = tpu.vector_load_idx %arg15[%add3A_1401] : memref<2048xf32, #tpu.memory_space<vmem>>[vector<16xi32>], vector<16xf32>,
      %mul3A_1403 = arith.constant 16 : i32
      %mul3A_1404 = vector.broadcast %mul3A_1403 : i32 to vector<16xi32>
      %mul3A_1405 = arith.muli %add3A_1375, %mul3A_1404 : vector<16xi32>
      %add3A_1406 = arith.constant 4 : i32
      %add3A_1407 = vector.broadcast %add3A_1406 : i32 to vector<16xi32>
      %add3A_1408 = arith.addi %mul3A_1405, %add3A_1407 : vector<16xi32>
      %gather3A_1409 = tpu.vector_load_idx %arg15[%add3A_1408] : memref<2048xf32, #tpu.memory_space<vmem>>[vector<16xi32>], vector<16xf32>,
      %mul3A_1410 = arith.constant 16 : i32
      %mul3A_1411 = vector.broadcast %mul3A_1410 : i32 to vector<16xi32>
      %mul3A_1412 = arith.muli %add3A_1375, %mul3A_1411 : vector<16xi32>
      %add3A_1413 = arith.constant 5 : i32
      %add3A_1414 = vector.broadcast %add3A_1413 : i32 to vector<16xi32>
      %add3A_1415 = arith.addi %mul3A_1412, %add3A_1414 : vector<16xi32>
      %gather3A_1416 = tpu.vector_load_idx %arg15[%add3A_1415] : memref<2048xf32, #tpu.memory_space<vmem>>[vector<16xi32>], vector<16xf32>,
      %mul3A_1417 = arith.constant 16 : i32
      %mul3A_1418 = vector.broadcast %mul3A_1417 : i32 to vector<16xi32>
      %mul3A_1419 = arith.muli %add3A_1375, %mul3A_1418 : vector<16xi32>
      %add3A_1420 = arith.constant 6 : i32
      %add3A_1421 = vector.broadcast %add3A_1420 : i32 to vector<16xi32>
      %add3A_1422 = arith.addi %mul3A_1419, %add3A_1421 : vector<16xi32>
      %gather3A_1423 = tpu.vector_load_idx %arg15[%add3A_1422] : memref<2048xf32, #tpu.memory_space<vmem>>[vector<16xi32>], vector<16xf32>,
      %mul3A_1424 = arith.constant 16 : i32
      %mul3A_1425 = vector.broadcast %mul3A_1424 : i32 to vector<16xi32>
      %mul3A_1426 = arith.muli %add3A_1375, %mul3A_1425 : vector<16xi32>
      %add3A_1427 = arith.constant 7 : i32
      %add3A_1428 = vector.broadcast %add3A_1427 : i32 to vector<16xi32>
      %add3A_1429 = arith.addi %mul3A_1426, %add3A_1428 : vector<16xi32>
      %gather3A_1430 = tpu.vector_load_idx %arg15[%add3A_1429] : memref<2048xf32, #tpu.memory_space<vmem>>[vector<16xi32>], vector<16xf32>,
      %mul3A_1431 = arith.constant 16 : i32
      %mul3A_1432 = vector.broadcast %mul3A_1431 : i32 to vector<16xi32>
      %mul3A_1433 = arith.muli %add3A_1375, %mul3A_1432 : vector<16xi32>
      %add3A_1434 = arith.constant 8 : i32
      %add3A_1435 = vector.broadcast %add3A_1434 : i32 to vector<16xi32>
      %add3A_1436 = arith.addi %mul3A_1433, %add3A_1435 : vector<16xi32>
      %gather3A_1437 = tpu.vector_load_idx %arg15[%add3A_1436] : memref<2048xf32, #tpu.memory_space<vmem>>[vector<16xi32>], vector<16xf32>,
      %mul3A_1438 = arith.constant 16 : i32
      %mul3A_1439 = vector.broadcast %mul3A_1438 : i32 to vector<16xi32>
      %mul3A_1440 = arith.muli %add3A_1375, %mul3A_1439 : vector<16xi32>
      %add3A_1441 = arith.constant 9 : i32
      %add3A_1442 = vector.broadcast %add3A_1441 : i32 to vector<16xi32>
      %add3A_1443 = arith.addi %mul3A_1440, %add3A_1442 : vector<16xi32>
      %gather3A_1444 = tpu.vector_load_idx %arg15[%add3A_1443] : memref<2048xf32, #tpu.memory_space<vmem>>[vector<16xi32>], vector<16xf32>,
      %mul3A_1445 = arith.constant 16 : i32
      %mul3A_1446 = vector.broadcast %mul3A_1445 : i32 to vector<16xi32>
      %mul3A_1447 = arith.muli %add3A_1375, %mul3A_1446 : vector<16xi32>
      %add3A_1448 = arith.constant 10 : i32
      %add3A_1449 = vector.broadcast %add3A_1448 : i32 to vector<16xi32>
      %add3A_1450 = arith.addi %mul3A_1447, %add3A_1449 : vector<16xi32>
      %gather3A_1451 = tpu.vector_load_idx %arg15[%add3A_1450] : memref<2048xf32, #tpu.memory_space<vmem>>[vector<16xi32>], vector<16xf32>,
      %mul3A_1452 = arith.constant 16 : i32
      %mul3A_1453 = vector.broadcast %mul3A_1452 : i32 to vector<16xi32>
      %mul3A_1454 = arith.muli %add3A_1375, %mul3A_1453 : vector<16xi32>
      %add3A_1455 = arith.constant 11 : i32
      %add3A_1456 = vector.broadcast %add3A_1455 : i32 to vector<16xi32>
      %add3A_1457 = arith.addi %mul3A_1454, %add3A_1456 : vector<16xi32>
      %gather3A_1458 = tpu.vector_load_idx %arg15[%add3A_1457] : memref<2048xf32, #tpu.memory_space<vmem>>[vector<16xi32>], vector<16xf32>,
      %mul3A_1459 = arith.constant 16 : i32
      %mul3A_1460 = vector.broadcast %mul3A_1459 : i32 to vector<16xi32>
      %mul3A_1461 = arith.muli %add3A_1375, %mul3A_1460 : vector<16xi32>
      %add3A_1462 = arith.constant 12 : i32
      %add3A_1463 = vector.broadcast %add3A_1462 : i32 to vector<16xi32>
      %add3A_1464 = arith.addi %mul3A_1461, %add3A_1463 : vector<16xi32>
      %gather3A_1465 = tpu.vector_load_idx %arg15[%add3A_1464] : memref<2048xf32, #tpu.memory_space<vmem>>[vector<16xi32>], vector<16xf32>,
      %mul3A_1466 = arith.constant 16 : i32
      %mul3A_1467 = vector.broadcast %mul3A_1466 : i32 to vector<16xi32>
      %mul3A_1468 = arith.muli %add3A_1375, %mul3A_1467 : vector<16xi32>
      %add3A_1469 = arith.constant 13 : i32
      %add3A_1470 = vector.broadcast %add3A_1469 : i32 to vector<16xi32>
      %add3A_1471 = arith.addi %mul3A_1468, %add3A_1470 : vector<16xi32>
      %gather3A_1472 = tpu.vector_load_idx %arg15[%add3A_1471] : memref<2048xf32, #tpu.memory_space<vmem>>[vector<16xi32>], vector<16xf32>,
      %mul3A_1473 = arith.constant 16 : i32
      %mul3A_1474 = vector.broadcast %mul3A_1473 : i32 to vector<16xi32>
      %mul3A_1475 = arith.muli %add3A_1375, %mul3A_1474 : vector<16xi32>
      %add3A_1476 = arith.constant 14 : i32
      %add3A_1477 = vector.broadcast %add3A_1476 : i32 to vector<16xi32>
      %add3A_1478 = arith.addi %mul3A_1475, %add3A_1477 : vector<16xi32>
      %gather3A_1479 = tpu.vector_load_idx %arg15[%add3A_1478] : memref<2048xf32, #tpu.memory_space<vmem>>[vector<16xi32>], vector<16xf32>,
      %mul3A_1480 = arith.constant 16 : i32
      %mul3A_1481 = vector.broadcast %mul3A_1480 : i32 to vector<16xi32>
      %mul3A_1482 = arith.muli %add3A_1375, %mul3A_1481 : vector<16xi32>
      %add3A_1483 = arith.constant 15 : i32
      %add3A_1484 = vector.broadcast %add3A_1483 : i32 to vector<16xi32>
      %add3A_1485 = arith.addi %mul3A_1482, %add3A_1484 : vector<16xi32>
      %gather3A_1486 = tpu.vector_load_idx %arg15[%add3A_1485] : memref<2048xf32, #tpu.memory_space<vmem>>[vector<16xi32>], vector<16xf32>,
      %broadcast_in_dim3A_1487 = arith.constant 0xFF800000 : f32
      %broadcast_in_dim3A_1488 = vector.broadcast %broadcast_in_dim3A_1487 : f32 to vector<16xf32>
      %broadcast_in_dim3A_1489 = arith.constant 0 : i32
      %broadcast_in_dim3A_1490 = vector.broadcast %broadcast_in_dim3A_1489 : i32 to vector<16xi32>
      %scan3A_1491 = arith.constant 0 : i32
      %scan3A_1492 = arith.constant 20 : i32
      %scan3A_1493 = arith.addi %scan3A_1491, %scan3A_1492 : i32
      %scan3A_1494 = arith.constant 1 : i32
      %scan3A_1495:2 = scf.for %scan3A_1721 = %scan3A_1491 to %scan3A_1493 step %scan3A_1494 iter_args(%scan3A_1722 = %broadcast_in_dim3A_1488, %scan3A_1723 = %broadcast_in_dim3A_1490) -> (vector<16xf32>, vector<16xi32>)  : i32 {
        %mul3A_1724 = arith.constant 20 : i32
        %mul3A_1725 = vector.broadcast %mul3A_1724 : i32 to vector<16xi32>
        %mul3A_1726 = arith.muli %add3A_1375, %mul3A_1725 : vector<16xi32>
        %add3A_1727 = vector.broadcast %scan3A_1721 : i32 to vector<16xi32>
        %add3A_1728 = arith.addi %mul3A_1726, %add3A_1727 : vector<16xi32>
        %mul3A_1729 = arith.constant 16 : i32
        %mul3A_1730 = vector.broadcast %mul3A_1729 : i32 to vector<16xi32>
        %mul3A_1731 = arith.muli %add3A_1728, %mul3A_1730 : vector<16xi32>
        %broadcast_in_dim3A_1732 = arith.constant 0 : i32
        %broadcast_in_dim3A_1733 = vector.broadcast %broadcast_in_dim3A_1732 : i32 to vector<16xi32>
        %gather3A_1734 = tpu.vector_load_idx %arg13[%add3A_1728, %broadcast_in_dim3A_1733] : memref<2560x16xf32, #tpu.memory_space<vmem>>[vector<16xi32>, vector<16xi32>], vector<16xf32>,
        %mul3A_1735 = arith.mulf %gather3A, %gather3A_1734 : vector<16xf32>
        %broadcast_in_dim3A_1736 = arith.constant 1 : i32
        %broadcast_in_dim3A_1737 = vector.broadcast %broadcast_in_dim3A_1736 : i32 to vector<16xi32>
        %gather3A_1738 = tpu.vector_load_idx %arg13[%add3A_1728, %broadcast_in_dim3A_1737] : memref<2560x16xf32, #tpu.memory_space<vmem>>[vector<16xi32>, vector<16xi32>], vector<16xf32>,
        %mul3A_1739 = arith.mulf %gather3A_1388, %gather3A_1738 : vector<16xf32>
        %add3A_1740 = arith.addf %mul3A_1735, %mul3A_1739 : vector<16xf32>
        %broadcast_in_dim3A_1741 = arith.constant 2 : i32
        %broadcast_in_dim3A_1742 = vector.broadcast %broadcast_in_dim3A_1741 : i32 to vector<16xi32>
        %gather3A_1743 = tpu.vector_load_idx %arg13[%add3A_1728, %broadcast_in_dim3A_1742] : memref<2560x16xf32, #tpu.memory_space<vmem>>[vector<16xi32>, vector<16xi32>], vector<16xf32>,
        %mul3A_1744 = arith.mulf %gather3A_1395, %gather3A_1743 : vector<16xf32>
        %add3A_1745 = arith.addf %add3A_1740, %mul3A_1744 : vector<16xf32>
        %broadcast_in_dim3A_1746 = arith.constant 3 : i32
        %broadcast_in_dim3A_1747 = vector.broadcast %broadcast_in_dim3A_1746 : i32 to vector<16xi32>
        %gather3A_1748 = tpu.vector_load_idx %arg13[%add3A_1728, %broadcast_in_dim3A_1747] : memref<2560x16xf32, #tpu.memory_space<vmem>>[vector<16xi32>, vector<16xi32>], vector<16xf32>,
        %mul3A_1749 = arith.mulf %gather3A_1402, %gather3A_1748 : vector<16xf32>
        %add3A_1750 = arith.addf %add3A_1745, %mul3A_1749 : vector<16xf32>
        %broadcast_in_dim3A_1751 = arith.constant 4 : i32
        %broadcast_in_dim3A_1752 = vector.broadcast %broadcast_in_dim3A_1751 : i32 to vector<16xi32>
        %gather3A_1753 = tpu.vector_load_idx %arg13[%add3A_1728, %broadcast_in_dim3A_1752] : memref<2560x16xf32, #tpu.memory_space<vmem>>[vector<16xi32>, vector<16xi32>], vector<16xf32>,
        %mul3A_1754 = arith.mulf %gather3A_1409, %gather3A_1753 : vector<16xf32>
        %add3A_1755 = arith.addf %add3A_1750, %mul3A_1754 : vector<16xf32>
        %broadcast_in_dim3A_1756 = arith.constant 5 : i32
        %broadcast_in_dim3A_1757 = vector.broadcast %broadcast_in_dim3A_1756 : i32 to vector<16xi32>
        %gather3A_1758 = tpu.vector_load_idx %arg13[%add3A_1728, %broadcast_in_dim3A_1757] : memref<2560x16xf32, #tpu.memory_space<vmem>>[vector<16xi32>, vector<16xi32>], vector<16xf32>,
        %mul3A_1759 = arith.mulf %gather3A_1416, %gather3A_1758 : vector<16xf32>
        %add3A_1760 = arith.addf %add3A_1755, %mul3A_1759 : vector<16xf32>
        %broadcast_in_dim3A_1761 = arith.constant 6 : i32
        %broadcast_in_dim3A_1762 = vector.broadcast %broadcast_in_dim3A_1761 : i32 to vector<16xi32>
        %gather3A_1763 = tpu.vector_load_idx %arg13[%add3A_1728, %broadcast_in_dim3A_1762] : memref<2560x16xf32, #tpu.memory_space<vmem>>[vector<16xi32>, vector<16xi32>], vector<16xf32>,
        %mul3A_1764 = arith.mulf %gather3A_1423, %gather3A_1763 : vector<16xf32>
        %add3A_1765 = arith.addf %add3A_1760, %mul3A_1764 : vector<16xf32>
        %broadcast_in_dim3A_1766 = arith.constant 7 : i32
        %broadcast_in_dim3A_1767 = vector.broadcast %broadcast_in_dim3A_1766 : i32 to vector<16xi32>
        %gather3A_1768 = tpu.vector_load_idx %arg13[%add3A_1728, %broadcast_in_dim3A_1767] : memref<2560x16xf32, #tpu.memory_space<vmem>>[vector<16xi32>, vector<16xi32>], vector<16xf32>,
        %mul3A_1769 = arith.mulf %gather3A_1430, %gather3A_1768 : vector<16xf32>
        %add3A_1770 = arith.addf %add3A_1765, %mul3A_1769 : vector<16xf32>
        %broadcast_in_dim3A_1771 = arith.constant 8 : i32
        %broadcast_in_dim3A_1772 = vector.broadcast %broadcast_in_dim3A_1771 : i32 to vector<16xi32>
        %gather3A_1773 = tpu.vector_load_idx %arg13[%add3A_1728, %broadcast_in_dim3A_1772] : memref<2560x16xf32, #tpu.memory_space<vmem>>[vector<16xi32>, vector<16xi32>], vector<16xf32>,
        %mul3A_1774 = arith.mulf %gather3A_1437, %gather3A_1773 : vector<16xf32>
        %add3A_1775 = arith.addf %add3A_1770, %mul3A_1774 : vector<16xf32>
        %broadcast_in_dim3A_1776 = arith.constant 9 : i32
        %broadcast_in_dim3A_1777 = vector.broadcast %broadcast_in_dim3A_1776 : i32 to vector<16xi32>
        %gather3A_1778 = tpu.vector_load_idx %arg13[%add3A_1728, %broadcast_in_dim3A_1777] : memref<2560x16xf32, #tpu.memory_space<vmem>>[vector<16xi32>, vector<16xi32>], vector<16xf32>,
        %mul3A_1779 = arith.mulf %gather3A_1444, %gather3A_1778 : vector<16xf32>
        %add3A_1780 = arith.addf %add3A_1775, %mul3A_1779 : vector<16xf32>
        %broadcast_in_dim3A_1781 = arith.constant 10 : i32
        %broadcast_in_dim3A_1782 = vector.broadcast %broadcast_in_dim3A_1781 : i32 to vector<16xi32>
        %gather3A_1783 = tpu.vector_load_idx %arg13[%add3A_1728, %broadcast_in_dim3A_1782] : memref<2560x16xf32, #tpu.memory_space<vmem>>[vector<16xi32>, vector<16xi32>], vector<16xf32>,
        %mul3A_1784 = arith.mulf %gather3A_1451, %gather3A_1783 : vector<16xf32>
        %add3A_1785 = arith.addf %add3A_1780, %mul3A_1784 : vector<16xf32>
        %broadcast_in_dim3A_1786 = arith.constant 11 : i32
        %broadcast_in_dim3A_1787 = vector.broadcast %broadcast_in_dim3A_1786 : i32 to vector<16xi32>
        %gather3A_1788 = tpu.vector_load_idx %arg13[%add3A_1728, %broadcast_in_dim3A_1787] : memref<2560x16xf32, #tpu.memory_space<vmem>>[vector<16xi32>, vector<16xi32>], vector<16xf32>,
        %mul3A_1789 = arith.mulf %gather3A_1458, %gather3A_1788 : vector<16xf32>
        %add3A_1790 = arith.addf %add3A_1785, %mul3A_1789 : vector<16xf32>
        %broadcast_in_dim3A_1791 = arith.constant 12 : i32
        %broadcast_in_dim3A_1792 = vector.broadcast %broadcast_in_dim3A_1791 : i32 to vector<16xi32>
        %gather3A_1793 = tpu.vector_load_idx %arg13[%add3A_1728, %broadcast_in_dim3A_1792] : memref<2560x16xf32, #tpu.memory_space<vmem>>[vector<16xi32>, vector<16xi32>], vector<16xf32>,
        %mul3A_1794 = arith.mulf %gather3A_1465, %gather3A_1793 : vector<16xf32>
        %add3A_1795 = arith.addf %add3A_1790, %mul3A_1794 : vector<16xf32>
        %broadcast_in_dim3A_1796 = arith.constant 13 : i32
        %broadcast_in_dim3A_1797 = vector.broadcast %broadcast_in_dim3A_1796 : i32 to vector<16xi32>
        %gather3A_1798 = tpu.vector_load_idx %arg13[%add3A_1728, %broadcast_in_dim3A_1797] : memref<2560x16xf32, #tpu.memory_space<vmem>>[vector<16xi32>, vector<16xi32>], vector<16xf32>,
        %mul3A_1799 = arith.mulf %gather3A_1472, %gather3A_1798 : vector<16xf32>
        %add3A_1800 = arith.addf %add3A_1795, %mul3A_1799 : vector<16xf32>
        %broadcast_in_dim3A_1801 = arith.constant 14 : i32
        %broadcast_in_dim3A_1802 = vector.broadcast %broadcast_in_dim3A_1801 : i32 to vector<16xi32>
        %gather3A_1803 = tpu.vector_load_idx %arg13[%add3A_1728, %broadcast_in_dim3A_1802] : memref<2560x16xf32, #tpu.memory_space<vmem>>[vector<16xi32>, vector<16xi32>], vector<16xf32>,
        %mul3A_1804 = arith.mulf %gather3A_1479, %gather3A_1803 : vector<16xf32>
        %add3A_1805 = arith.addf %add3A_1800, %mul3A_1804 : vector<16xf32>
        %broadcast_in_dim3A_1806 = arith.constant 15 : i32
        %broadcast_in_dim3A_1807 = vector.broadcast %broadcast_in_dim3A_1806 : i32 to vector<16xi32>
        %gather3A_1808 = tpu.vector_load_idx %arg13[%add3A_1728, %broadcast_in_dim3A_1807] : memref<2560x16xf32, #tpu.memory_space<vmem>>[vector<16xi32>, vector<16xi32>], vector<16xf32>,
        %mul3A_1809 = arith.mulf %gather3A_1486, %gather3A_1808 : vector<16xf32>
        %add3A_1810 = arith.addf %add3A_1805, %mul3A_1809 : vector<16xf32>
        tpu.vector_store_idx %arg16[%add3A_1728], %add3A_1810 : memref<2560xf32, #tpu.memory_space<vmem>>[vector<16xi32>], vector<16xf32>,
        %gather3A_1811 = tpu.vector_load_idx %arg14[%add3A_1728] : memref<2560xf32, #tpu.memory_space<vmem>>[vector<16xi32>], vector<16xf32>,
        %add3A_1812 = arith.addf %add3A_1810, %gather3A_1811 : vector<16xf32>
        %gt3A_1813 = arith.cmpf ogt, %add3A_1812, %scan3A_1722 : vector<16xf32>
        %select_n3A = arith.select %gt3A_1813, %add3A_1812, %scan3A_1722 : vector<16xi1>, vector<16xf32>
        %broadcast_in_dim3A_1814 = vector.broadcast %scan3A_1721 : i32 to vector<16xi32>
        %select_n3A_1815 = arith.select %gt3A_1813, %broadcast_in_dim3A_1814, %scan3A_1723 : vector<16xi1>, vector<16xi32>
        scf.yield %select_n3A, %select_n3A_1815 : vector<16xf32>, vector<16xi32>
      }
      %scan3A_1496 = arith.constant 20 : i32
      %mul3A_1497 = arith.constant 20 : i32
      %mul3A_1498 = vector.broadcast %mul3A_1497 : i32 to vector<16xi32>
      %mul3A_1499 = arith.muli %add3A_1375, %mul3A_1498 : vector<16xi32>
      %add3A_1500 = arith.addi %mul3A_1499, %scan3A_1495#1 : vector<16xi32>
      %gather3A_1501 = tpu.vector_load_idx %arg11[%add3A_1500] : memref<2560xi32, #tpu.memory_space<vmem>>[vector<16xi32>], vector<16xi32>,
      %mul3A_1502 = arith.constant 16 : i32
      %mul3A_1503 = arith.muli %scan3A_1370, %mul3A_1502 : i32
      %swap3A_1504 = arith.index_cast %mul3A_1503 : i32 to index
      %swap3A_1505 = tpu.vector_load %arg17[%swap3A_1504] {strides = array<i32>} : memref<128xi32, #tpu.memory_space<vmem>>, vector<16xi32>,
      tpu.vector_store %arg17[%swap3A_1504], %scan3A_1495#1 {strides = array<i32>} : memref<128xi32, #tpu.memory_space<vmem>>, vector<16xi32>,
      %mul3A_1506 = arith.constant 16 : i32
      %mul3A_1507 = arith.muli %scan3A_1370, %mul3A_1506 : i32
      %swap3A_1508 = arith.index_cast %mul3A_1507 : i32 to index
      %swap3A_1509 = tpu.vector_load %arg18[%swap3A_1508] {strides = array<i32>} : memref<128xi32, #tpu.memory_space<vmem>>, vector<16xi32>,
      tpu.vector_store %arg18[%swap3A_1508], %gather3A_1501 {strides = array<i32>} : memref<128xi32, #tpu.memory_space<vmem>>, vector<16xi32>,
      %broadcast_in_dim3A_1510 = arith.constant 0 : i32
      %broadcast_in_dim3A_1511 = vector.broadcast %broadcast_in_dim3A_1510 : i32 to vector<16xi32>
      %gather3A_1512 = tpu.vector_load_idx %arg13[%add3A_1500, %broadcast_in_dim3A_1511] : memref<2560x16xf32, #tpu.memory_space<vmem>>[vector<16xi32>, vector<16xi32>], vector<16xf32>,
      %mul3A_1513 = arith.constant 16 : i32
      %mul3A_1514 = vector.broadcast %mul3A_1513 : i32 to vector<16xi32>
      %mul3A_1515 = arith.muli %add3A_1375, %mul3A_1514 : vector<16xi32>
      %add3A_1516 = arith.constant 0 : i32
      %add3A_1517 = vector.broadcast %add3A_1516 : i32 to vector<16xi32>
      %add3A_1518 = arith.addi %mul3A_1515, %add3A_1517 : vector<16xi32>
      %add3A_1519 = arith.addf %gather3A, %gather3A_1512 : vector<16xf32>
      %mul3A_1520 = arith.constant 5.000000e-01 : f32
      %mul3A_1521 = vector.broadcast %mul3A_1520 : f32 to vector<16xf32>
      %mul3A_1522 = arith.mulf %add3A_1519, %mul3A_1521 : vector<16xf32>
      tpu.vector_store_idx %arg19[%add3A_1518], %mul3A_1522 : memref<2048xf32, #tpu.memory_space<vmem>>[vector<16xi32>], vector<16xf32>,
      %broadcast_in_dim3A_1523 = arith.constant 1 : i32
      %broadcast_in_dim3A_1524 = vector.broadcast %broadcast_in_dim3A_1523 : i32 to vector<16xi32>
      %gather3A_1525 = tpu.vector_load_idx %arg13[%add3A_1500, %broadcast_in_dim3A_1524] : memref<2560x16xf32, #tpu.memory_space<vmem>>[vector<16xi32>, vector<16xi32>], vector<16xf32>,
      %mul3A_1526 = arith.constant 16 : i32
      %mul3A_1527 = vector.broadcast %mul3A_1526 : i32 to vector<16xi32>
      %mul3A_1528 = arith.muli %add3A_1375, %mul3A_1527 : vector<16xi32>
      %add3A_1529 = arith.constant 1 : i32
      %add3A_1530 = vector.broadcast %add3A_1529 : i32 to vector<16xi32>
      %add3A_1531 = arith.addi %mul3A_1528, %add3A_1530 : vector<16xi32>
      %add3A_1532 = arith.addf %gather3A_1388, %gather3A_1525 : vector<16xf32>
      %mul3A_1533 = arith.constant 5.000000e-01 : f32
      %mul3A_1534 = vector.broadcast %mul3A_1533 : f32 to vector<16xf32>
      %mul3A_1535 = arith.mulf %add3A_1532, %mul3A_1534 : vector<16xf32>
      tpu.vector_store_idx %arg19[%add3A_1531], %mul3A_1535 : memref<2048xf32, #tpu.memory_space<vmem>>[vector<16xi32>], vector<16xf32>,
      %broadcast_in_dim3A_1536 = arith.constant 2 : i32
      %broadcast_in_dim3A_1537 = vector.broadcast %broadcast_in_dim3A_1536 : i32 to vector<16xi32>
      %gather3A_1538 = tpu.vector_load_idx %arg13[%add3A_1500, %broadcast_in_dim3A_1537] : memref<2560x16xf32, #tpu.memory_space<vmem>>[vector<16xi32>, vector<16xi32>], vector<16xf32>,
      %mul3A_1539 = arith.constant 16 : i32
      %mul3A_1540 = vector.broadcast %mul3A_1539 : i32 to vector<16xi32>
      %mul3A_1541 = arith.muli %add3A_1375, %mul3A_1540 : vector<16xi32>
      %add3A_1542 = arith.constant 2 : i32
      %add3A_1543 = vector.broadcast %add3A_1542 : i32 to vector<16xi32>
      %add3A_1544 = arith.addi %mul3A_1541, %add3A_1543 : vector<16xi32>
      %add3A_1545 = arith.addf %gather3A_1395, %gather3A_1538 : vector<16xf32>
      %mul3A_1546 = arith.constant 5.000000e-01 : f32
      %mul3A_1547 = vector.broadcast %mul3A_1546 : f32 to vector<16xf32>
      %mul3A_1548 = arith.mulf %add3A_1545, %mul3A_1547 : vector<16xf32>
      tpu.vector_store_idx %arg19[%add3A_1544], %mul3A_1548 : memref<2048xf32, #tpu.memory_space<vmem>>[vector<16xi32>], vector<16xf32>,
      %broadcast_in_dim3A_1549 = arith.constant 3 : i32
      %broadcast_in_dim3A_1550 = vector.broadcast %broadcast_in_dim3A_1549 : i32 to vector<16xi32>
      %gather3A_1551 = tpu.vector_load_idx %arg13[%add3A_1500, %broadcast_in_dim3A_1550] : memref<2560x16xf32, #tpu.memory_space<vmem>>[vector<16xi32>, vector<16xi32>], vector<16xf32>,
      %mul3A_1552 = arith.constant 16 : i32
      %mul3A_1553 = vector.broadcast %mul3A_1552 : i32 to vector<16xi32>
      %mul3A_1554 = arith.muli %add3A_1375, %mul3A_1553 : vector<16xi32>
      %add3A_1555 = arith.constant 3 : i32
      %add3A_1556 = vector.broadcast %add3A_1555 : i32 to vector<16xi32>
      %add3A_1557 = arith.addi %mul3A_1554, %add3A_1556 : vector<16xi32>
      %add3A_1558 = arith.addf %gather3A_1402, %gather3A_1551 : vector<16xf32>
      %mul3A_1559 = arith.constant 5.000000e-01 : f32
      %mul3A_1560 = vector.broadcast %mul3A_1559 : f32 to vector<16xf32>
      %mul3A_1561 = arith.mulf %add3A_1558, %mul3A_1560 : vector<16xf32>
      tpu.vector_store_idx %arg19[%add3A_1557], %mul3A_1561 : memref<2048xf32, #tpu.memory_space<vmem>>[vector<16xi32>], vector<16xf32>,
      %broadcast_in_dim3A_1562 = arith.constant 4 : i32
      %broadcast_in_dim3A_1563 = vector.broadcast %broadcast_in_dim3A_1562 : i32 to vector<16xi32>
      %gather3A_1564 = tpu.vector_load_idx %arg13[%add3A_1500, %broadcast_in_dim3A_1563] : memref<2560x16xf32, #tpu.memory_space<vmem>>[vector<16xi32>, vector<16xi32>], vector<16xf32>,
      %mul3A_1565 = arith.constant 16 : i32
      %mul3A_1566 = vector.broadcast %mul3A_1565 : i32 to vector<16xi32>
      %mul3A_1567 = arith.muli %add3A_1375, %mul3A_1566 : vector<16xi32>
      %add3A_1568 = arith.constant 4 : i32
      %add3A_1569 = vector.broadcast %add3A_1568 : i32 to vector<16xi32>
      %add3A_1570 = arith.addi %mul3A_1567, %add3A_1569 : vector<16xi32>
      %add3A_1571 = arith.addf %gather3A_1409, %gather3A_1564 : vector<16xf32>
      %mul3A_1572 = arith.constant 5.000000e-01 : f32
      %mul3A_1573 = vector.broadcast %mul3A_1572 : f32 to vector<16xf32>
      %mul3A_1574 = arith.mulf %add3A_1571, %mul3A_1573 : vector<16xf32>
      tpu.vector_store_idx %arg19[%add3A_1570], %mul3A_1574 : memref<2048xf32, #tpu.memory_space<vmem>>[vector<16xi32>], vector<16xf32>,
      %broadcast_in_dim3A_1575 = arith.constant 5 : i32
      %broadcast_in_dim3A_1576 = vector.broadcast %broadcast_in_dim3A_1575 : i32 to vector<16xi32>
      %gather3A_1577 = tpu.vector_load_idx %arg13[%add3A_1500, %broadcast_in_dim3A_1576] : memref<2560x16xf32, #tpu.memory_space<vmem>>[vector<16xi32>, vector<16xi32>], vector<16xf32>,
      %mul3A_1578 = arith.constant 16 : i32
      %mul3A_1579 = vector.broadcast %mul3A_1578 : i32 to vector<16xi32>
      %mul3A_1580 = arith.muli %add3A_1375, %mul3A_1579 : vector<16xi32>
      %add3A_1581 = arith.constant 5 : i32
      %add3A_1582 = vector.broadcast %add3A_1581 : i32 to vector<16xi32>
      %add3A_1583 = arith.addi %mul3A_1580, %add3A_1582 : vector<16xi32>
      %add3A_1584 = arith.addf %gather3A_1416, %gather3A_1577 : vector<16xf32>
      %mul3A_1585 = arith.constant 5.000000e-01 : f32
      %mul3A_1586 = vector.broadcast %mul3A_1585 : f32 to vector<16xf32>
      %mul3A_1587 = arith.mulf %add3A_1584, %mul3A_1586 : vector<16xf32>
      tpu.vector_store_idx %arg19[%add3A_1583], %mul3A_1587 : memref<2048xf32, #tpu.memory_space<vmem>>[vector<16xi32>], vector<16xf32>,
      %broadcast_in_dim3A_1588 = arith.constant 6 : i32
      %broadcast_in_dim3A_1589 = vector.broadcast %broadcast_in_dim3A_1588 : i32 to vector<16xi32>
      %gather3A_1590 = tpu.vector_load_idx %arg13[%add3A_1500, %broadcast_in_dim3A_1589] : memref<2560x16xf32, #tpu.memory_space<vmem>>[vector<16xi32>, vector<16xi32>], vector<16xf32>,
      %mul3A_1591 = arith.constant 16 : i32
      %mul3A_1592 = vector.broadcast %mul3A_1591 : i32 to vector<16xi32>
      %mul3A_1593 = arith.muli %add3A_1375, %mul3A_1592 : vector<16xi32>
      %add3A_1594 = arith.constant 6 : i32
      %add3A_1595 = vector.broadcast %add3A_1594 : i32 to vector<16xi32>
      %add3A_1596 = arith.addi %mul3A_1593, %add3A_1595 : vector<16xi32>
      %add3A_1597 = arith.addf %gather3A_1423, %gather3A_1590 : vector<16xf32>
      %mul3A_1598 = arith.constant 5.000000e-01 : f32
      %mul3A_1599 = vector.broadcast %mul3A_1598 : f32 to vector<16xf32>
      %mul3A_1600 = arith.mulf %add3A_1597, %mul3A_1599 : vector<16xf32>
      tpu.vector_store_idx %arg19[%add3A_1596], %mul3A_1600 : memref<2048xf32, #tpu.memory_space<vmem>>[vector<16xi32>], vector<16xf32>,
      %broadcast_in_dim3A_1601 = arith.constant 7 : i32
      %broadcast_in_dim3A_1602 = vector.broadcast %broadcast_in_dim3A_1601 : i32 to vector<16xi32>
      %gather3A_1603 = tpu.vector_load_idx %arg13[%add3A_1500, %broadcast_in_dim3A_1602] : memref<2560x16xf32, #tpu.memory_space<vmem>>[vector<16xi32>, vector<16xi32>], vector<16xf32>,
      %mul3A_1604 = arith.constant 16 : i32
      %mul3A_1605 = vector.broadcast %mul3A_1604 : i32 to vector<16xi32>
      %mul3A_1606 = arith.muli %add3A_1375, %mul3A_1605 : vector<16xi32>
      %add3A_1607 = arith.constant 7 : i32
      %add3A_1608 = vector.broadcast %add3A_1607 : i32 to vector<16xi32>
      %add3A_1609 = arith.addi %mul3A_1606, %add3A_1608 : vector<16xi32>
      %add3A_1610 = arith.addf %gather3A_1430, %gather3A_1603 : vector<16xf32>
      %mul3A_1611 = arith.constant 5.000000e-01 : f32
      %mul3A_1612 = vector.broadcast %mul3A_1611 : f32 to vector<16xf32>
      %mul3A_1613 = arith.mulf %add3A_1610, %mul3A_1612 : vector<16xf32>
      tpu.vector_store_idx %arg19[%add3A_1609], %mul3A_1613 : memref<2048xf32, #tpu.memory_space<vmem>>[vector<16xi32>], vector<16xf32>,
      %broadcast_in_dim3A_1614 = arith.constant 8 : i32
      %broadcast_in_dim3A_1615 = vector.broadcast %broadcast_in_dim3A_1614 : i32 to vector<16xi32>
      %gather3A_1616 = tpu.vector_load_idx %arg13[%add3A_1500, %broadcast_in_dim3A_1615] : memref<2560x16xf32, #tpu.memory_space<vmem>>[vector<16xi32>, vector<16xi32>], vector<16xf32>,
      %mul3A_1617 = arith.constant 16 : i32
      %mul3A_1618 = vector.broadcast %mul3A_1617 : i32 to vector<16xi32>
      %mul3A_1619 = arith.muli %add3A_1375, %mul3A_1618 : vector<16xi32>
      %add3A_1620 = arith.constant 8 : i32
      %add3A_1621 = vector.broadcast %add3A_1620 : i32 to vector<16xi32>
      %add3A_1622 = arith.addi %mul3A_1619, %add3A_1621 : vector<16xi32>
      %add3A_1623 = arith.addf %gather3A_1437, %gather3A_1616 : vector<16xf32>
      %mul3A_1624 = arith.constant 5.000000e-01 : f32
      %mul3A_1625 = vector.broadcast %mul3A_1624 : f32 to vector<16xf32>
      %mul3A_1626 = arith.mulf %add3A_1623, %mul3A_1625 : vector<16xf32>
      tpu.vector_store_idx %arg19[%add3A_1622], %mul3A_1626 : memref<2048xf32, #tpu.memory_space<vmem>>[vector<16xi32>], vector<16xf32>,
      %broadcast_in_dim3A_1627 = arith.constant 9 : i32
      %broadcast_in_dim3A_1628 = vector.broadcast %broadcast_in_dim3A_1627 : i32 to vector<16xi32>
      %gather3A_1629 = tpu.vector_load_idx %arg13[%add3A_1500, %broadcast_in_dim3A_1628] : memref<2560x16xf32, #tpu.memory_space<vmem>>[vector<16xi32>, vector<16xi32>], vector<16xf32>,
      %mul3A_1630 = arith.constant 16 : i32
      %mul3A_1631 = vector.broadcast %mul3A_1630 : i32 to vector<16xi32>
      %mul3A_1632 = arith.muli %add3A_1375, %mul3A_1631 : vector<16xi32>
      %add3A_1633 = arith.constant 9 : i32
      %add3A_1634 = vector.broadcast %add3A_1633 : i32 to vector<16xi32>
      %add3A_1635 = arith.addi %mul3A_1632, %add3A_1634 : vector<16xi32>
      %add3A_1636 = arith.addf %gather3A_1444, %gather3A_1629 : vector<16xf32>
      %mul3A_1637 = arith.constant 5.000000e-01 : f32
      %mul3A_1638 = vector.broadcast %mul3A_1637 : f32 to vector<16xf32>
      %mul3A_1639 = arith.mulf %add3A_1636, %mul3A_1638 : vector<16xf32>
      tpu.vector_store_idx %arg19[%add3A_1635], %mul3A_1639 : memref<2048xf32, #tpu.memory_space<vmem>>[vector<16xi32>], vector<16xf32>,
      %broadcast_in_dim3A_1640 = arith.constant 10 : i32
      %broadcast_in_dim3A_1641 = vector.broadcast %broadcast_in_dim3A_1640 : i32 to vector<16xi32>
      %gather3A_1642 = tpu.vector_load_idx %arg13[%add3A_1500, %broadcast_in_dim3A_1641] : memref<2560x16xf32, #tpu.memory_space<vmem>>[vector<16xi32>, vector<16xi32>], vector<16xf32>,
      %mul3A_1643 = arith.constant 16 : i32
      %mul3A_1644 = vector.broadcast %mul3A_1643 : i32 to vector<16xi32>
      %mul3A_1645 = arith.muli %add3A_1375, %mul3A_1644 : vector<16xi32>
      %add3A_1646 = arith.constant 10 : i32
      %add3A_1647 = vector.broadcast %add3A_1646 : i32 to vector<16xi32>
      %add3A_1648 = arith.addi %mul3A_1645, %add3A_1647 : vector<16xi32>
      %add3A_1649 = arith.addf %gather3A_1451, %gather3A_1642 : vector<16xf32>
      %mul3A_1650 = arith.constant 5.000000e-01 : f32
      %mul3A_1651 = vector.broadcast %mul3A_1650 : f32 to vector<16xf32>
      %mul3A_1652 = arith.mulf %add3A_1649, %mul3A_1651 : vector<16xf32>
      tpu.vector_store_idx %arg19[%add3A_1648], %mul3A_1652 : memref<2048xf32, #tpu.memory_space<vmem>>[vector<16xi32>], vector<16xf32>,
      %broadcast_in_dim3A_1653 = arith.constant 11 : i32
      %broadcast_in_dim3A_1654 = vector.broadcast %broadcast_in_dim3A_1653 : i32 to vector<16xi32>
      %gather3A_1655 = tpu.vector_load_idx %arg13[%add3A_1500, %broadcast_in_dim3A_1654] : memref<2560x16xf32, #tpu.memory_space<vmem>>[vector<16xi32>, vector<16xi32>], vector<16xf32>,
      %mul3A_1656 = arith.constant 16 : i32
      %mul3A_1657 = vector.broadcast %mul3A_1656 : i32 to vector<16xi32>
      %mul3A_1658 = arith.muli %add3A_1375, %mul3A_1657 : vector<16xi32>
      %add3A_1659 = arith.constant 11 : i32
      %add3A_1660 = vector.broadcast %add3A_1659 : i32 to vector<16xi32>
      %add3A_1661 = arith.addi %mul3A_1658, %add3A_1660 : vector<16xi32>
      %add3A_1662 = arith.addf %gather3A_1458, %gather3A_1655 : vector<16xf32>
      %mul3A_1663 = arith.constant 5.000000e-01 : f32
      %mul3A_1664 = vector.broadcast %mul3A_1663 : f32 to vector<16xf32>
      %mul3A_1665 = arith.mulf %add3A_1662, %mul3A_1664 : vector<16xf32>
      tpu.vector_store_idx %arg19[%add3A_1661], %mul3A_1665 : memref<2048xf32, #tpu.memory_space<vmem>>[vector<16xi32>], vector<16xf32>,
      %broadcast_in_dim3A_1666 = arith.constant 12 : i32
      %broadcast_in_dim3A_1667 = vector.broadcast %broadcast_in_dim3A_1666 : i32 to vector<16xi32>
      %gather3A_1668 = tpu.vector_load_idx %arg13[%add3A_1500, %broadcast_in_dim3A_1667] : memref<2560x16xf32, #tpu.memory_space<vmem>>[vector<16xi32>, vector<16xi32>], vector<16xf32>,
      %mul3A_1669 = arith.constant 16 : i32
      %mul3A_1670 = vector.broadcast %mul3A_1669 : i32 to vector<16xi32>
      %mul3A_1671 = arith.muli %add3A_1375, %mul3A_1670 : vector<16xi32>
      %add3A_1672 = arith.constant 12 : i32
      %add3A_1673 = vector.broadcast %add3A_1672 : i32 to vector<16xi32>
      %add3A_1674 = arith.addi %mul3A_1671, %add3A_1673 : vector<16xi32>
      %add3A_1675 = arith.addf %gather3A_1465, %gather3A_1668 : vector<16xf32>
      %mul3A_1676 = arith.constant 5.000000e-01 : f32
      %mul3A_1677 = vector.broadcast %mul3A_1676 : f32 to vector<16xf32>
      %mul3A_1678 = arith.mulf %add3A_1675, %mul3A_1677 : vector<16xf32>
      tpu.vector_store_idx %arg19[%add3A_1674], %mul3A_1678 : memref<2048xf32, #tpu.memory_space<vmem>>[vector<16xi32>], vector<16xf32>,
      %broadcast_in_dim3A_1679 = arith.constant 13 : i32
      %broadcast_in_dim3A_1680 = vector.broadcast %broadcast_in_dim3A_1679 : i32 to vector<16xi32>
      %gather3A_1681 = tpu.vector_load_idx %arg13[%add3A_1500, %broadcast_in_dim3A_1680] : memref<2560x16xf32, #tpu.memory_space<vmem>>[vector<16xi32>, vector<16xi32>], vector<16xf32>,
      %mul3A_1682 = arith.constant 16 : i32
      %mul3A_1683 = vector.broadcast %mul3A_1682 : i32 to vector<16xi32>
      %mul3A_1684 = arith.muli %add3A_1375, %mul3A_1683 : vector<16xi32>
      %add3A_1685 = arith.constant 13 : i32
      %add3A_1686 = vector.broadcast %add3A_1685 : i32 to vector<16xi32>
      %add3A_1687 = arith.addi %mul3A_1684, %add3A_1686 : vector<16xi32>
      %add3A_1688 = arith.addf %gather3A_1472, %gather3A_1681 : vector<16xf32>
      %mul3A_1689 = arith.constant 5.000000e-01 : f32
      %mul3A_1690 = vector.broadcast %mul3A_1689 : f32 to vector<16xf32>
      %mul3A_1691 = arith.mulf %add3A_1688, %mul3A_1690 : vector<16xf32>
      tpu.vector_store_idx %arg19[%add3A_1687], %mul3A_1691 : memref<2048xf32, #tpu.memory_space<vmem>>[vector<16xi32>], vector<16xf32>,
      %broadcast_in_dim3A_1692 = arith.constant 14 : i32
      %broadcast_in_dim3A_1693 = vector.broadcast %broadcast_in_dim3A_1692 : i32 to vector<16xi32>
      %gather3A_1694 = tpu.vector_load_idx %arg13[%add3A_1500, %broadcast_in_dim3A_1693] : memref<2560x16xf32, #tpu.memory_space<vmem>>[vector<16xi32>, vector<16xi32>], vector<16xf32>,
      %mul3A_1695 = arith.constant 16 : i32
      %mul3A_1696 = vector.broadcast %mul3A_1695 : i32 to vector<16xi32>
      %mul3A_1697 = arith.muli %add3A_1375, %mul3A_1696 : vector<16xi32>
      %add3A_1698 = arith.constant 14 : i32
      %add3A_1699 = vector.broadcast %add3A_1698 : i32 to vector<16xi32>
      %add3A_1700 = arith.addi %mul3A_1697, %add3A_1699 : vector<16xi32>
      %add3A_1701 = arith.addf %gather3A_1479, %gather3A_1694 : vector<16xf32>
      %mul3A_1702 = arith.constant 5.000000e-01 : f32
      %mul3A_1703 = vector.broadcast %mul3A_1702 : f32 to vector<16xf32>
      %mul3A_1704 = arith.mulf %add3A_1701, %mul3A_1703 : vector<16xf32>
      tpu.vector_store_idx %arg19[%add3A_1700], %mul3A_1704 : memref<2048xf32, #tpu.memory_space<vmem>>[vector<16xi32>], vector<16xf32>,
      %broadcast_in_dim3A_1705 = arith.constant 15 : i32
      %broadcast_in_dim3A_1706 = vector.broadcast %broadcast_in_dim3A_1705 : i32 to vector<16xi32>
      %gather3A_1707 = tpu.vector_load_idx %arg13[%add3A_1500, %broadcast_in_dim3A_1706] : memref<2560x16xf32, #tpu.memory_space<vmem>>[vector<16xi32>, vector<16xi32>], vector<16xf32>,
      %mul3A_1708 = arith.constant 16 : i32
      %mul3A_1709 = vector.broadcast %mul3A_1708 : i32 to vector<16xi32>
      %mul3A_1710 = arith.muli %add3A_1375, %mul3A_1709 : vector<16xi32>
      %add3A_1711 = arith.constant 15 : i32
      %add3A_1712 = vector.broadcast %add3A_1711 : i32 to vector<16xi32>
      %add3A_1713 = arith.addi %mul3A_1710, %add3A_1712 : vector<16xi32>
      %add3A_1714 = arith.addf %gather3A_1486, %gather3A_1707 : vector<16xf32>
      %mul3A_1715 = arith.constant 5.000000e-01 : f32
      %mul3A_1716 = vector.broadcast %mul3A_1715 : f32 to vector<16xf32>
      %mul3A_1717 = arith.mulf %add3A_1714, %mul3A_1716 : vector<16xf32>
      tpu.vector_store_idx %arg19[%add3A_1713], %mul3A_1717 : memref<2048xf32, #tpu.memory_space<vmem>>[vector<16xi32>], vector<16xf32>,
      %gt3A = arith.constant 1 : i32
      %gt3A_1718 = vector.broadcast %gt3A : i32 to vector<16xi32>
      %gt3A_1719 = arith.cmpi sgt, %gather3A_1501, %gt3A_1718 : vector<16xi32>
      %all_reduce_population_count3A = tpu.all_reduce %gt3A_1719 {dim = 0 : i64, kind = #tpu.reduction_kind<sum>} : vector<16xi1> -> vector<16xi32>
      %add3A_1720 = arith.addi %scan3A_1371, %all_reduce_population_count3A : vector<16xi32>
      scf.yield %add3A_1720 : vector<16xi32>
    }
    %scan3A_680 = arith.constant 8 : i32
    "tpu.region"() ({
      %run_scoped3A = tpu.sem_alloc : memref<!tpu.dma_semaphore, #tpu.memory_space<semaphore_mem>>
      %dma_start3A_1370 = tpu.memref_slice %arg6[%mul3A_346] : memref<327680xf32, #tpu.memory_space<hbm>> -> memref<2560xf32, #tpu.memory_space<hbm>>
      %dma_start3A_1371 = tpu.memref_slice %arg6[%mul3A_346] : memref<327680xf32, #tpu.memory_space<hbm>> -> memref<2560xf32, #tpu.memory_space<hbm>>
      tpu.enqueue_dma source(%arg16 : memref<2560xf32, #tpu.memory_space<vmem>>) target(%dma_start3A_1371 : memref<2560xf32, #tpu.memory_space<hbm>>) target_semaphore(%run_scoped3A : memref<!tpu.dma_semaphore, #tpu.memory_space<semaphore_mem>>)
      %dma_wait3A_1372 = tpu.memref_slice %arg6[%mul3A_346] : memref<327680xf32, #tpu.memory_space<hbm>> -> memref<2560xf32, #tpu.memory_space<hbm>>
      %dma_wait3A_1373 = tpu.memref_slice %arg6[%mul3A_346] : memref<327680xf32, #tpu.memory_space<hbm>> -> memref<2560xf32, #tpu.memory_space<hbm>>
      tpu.wait_dma2 semaphore(%run_scoped3A : memref<!tpu.dma_semaphore, #tpu.memory_space<semaphore_mem>>) src(%arg16 : memref<2560xf32, #tpu.memory_space<vmem>>) dst(%dma_wait3A_1373 : memref<2560xf32, #tpu.memory_space<hbm>>)
      tpu.yield
    }) : () -> ()
    "tpu.region"() ({
      %run_scoped3A = tpu.sem_alloc : memref<!tpu.dma_semaphore, #tpu.memory_space<semaphore_mem>>
      %dma_start3A_1370 = tpu.memref_slice %arg7[%add3A_344] : memref<16384xi32, #tpu.memory_space<hbm>> -> memref<128xi32, #tpu.memory_space<hbm>>
      %dma_start3A_1371 = tpu.memref_slice %arg7[%add3A_344] : memref<16384xi32, #tpu.memory_space<hbm>> -> memref<128xi32, #tpu.memory_space<hbm>>
      tpu.enqueue_dma source(%arg17 : memref<128xi32, #tpu.memory_space<vmem>>) target(%dma_start3A_1371 : memref<128xi32, #tpu.memory_space<hbm>>) target_semaphore(%run_scoped3A : memref<!tpu.dma_semaphore, #tpu.memory_space<semaphore_mem>>)
      %dma_wait3A_1372 = tpu.memref_slice %arg7[%add3A_344] : memref<16384xi32, #tpu.memory_space<hbm>> -> memref<128xi32, #tpu.memory_space<hbm>>
      %dma_wait3A_1373 = tpu.memref_slice %arg7[%add3A_344] : memref<16384xi32, #tpu.memory_space<hbm>> -> memref<128xi32, #tpu.memory_space<hbm>>
      tpu.wait_dma2 semaphore(%run_scoped3A : memref<!tpu.dma_semaphore, #tpu.memory_space<semaphore_mem>>) src(%arg17 : memref<128xi32, #tpu.memory_space<vmem>>) dst(%dma_wait3A_1373 : memref<128xi32, #tpu.memory_space<hbm>>)
      tpu.yield
    }) : () -> ()
    "tpu.region"() ({
      %run_scoped3A = tpu.sem_alloc : memref<!tpu.dma_semaphore, #tpu.memory_space<semaphore_mem>>
      %dma_start3A_1370 = tpu.memref_slice %arg8[%add3A_344] : memref<16384xi32, #tpu.memory_space<hbm>> -> memref<128xi32, #tpu.memory_space<hbm>>
      %dma_start3A_1371 = tpu.memref_slice %arg8[%add3A_344] : memref<16384xi32, #tpu.memory_space<hbm>> -> memref<128xi32, #tpu.memory_space<hbm>>
      tpu.enqueue_dma source(%arg18 : memref<128xi32, #tpu.memory_space<vmem>>) target(%dma_start3A_1371 : memref<128xi32, #tpu.memory_space<hbm>>) target_semaphore(%run_scoped3A : memref<!tpu.dma_semaphore, #tpu.memory_space<semaphore_mem>>)
      %dma_wait3A_1372 = tpu.memref_slice %arg8[%add3A_344] : memref<16384xi32, #tpu.memory_space<hbm>> -> memref<128xi32, #tpu.memory_space<hbm>>
      %dma_wait3A_1373 = tpu.memref_slice %arg8[%add3A_344] : memref<16384xi32, #tpu.memory_space<hbm>> -> memref<128xi32, #tpu.memory_space<hbm>>
      tpu.wait_dma2 semaphore(%run_scoped3A : memref<!tpu.dma_semaphore, #tpu.memory_space<semaphore_mem>>) src(%arg18 : memref<128xi32, #tpu.memory_space<vmem>>) dst(%dma_wait3A_1373 : memref<128xi32, #tpu.memory_space<hbm>>)
      tpu.yield
    }) : () -> ()
    %mul3A_681 = arith.constant 16 : i32
    %mul3A_682 = arith.muli %add3A_344, %mul3A_681 : i32
    "tpu.region"() ({
      %run_scoped3A = tpu.sem_alloc : memref<!tpu.dma_semaphore, #tpu.memory_space<semaphore_mem>>
      %dma_start3A_1370 = tpu.memref_slice %arg9[%mul3A_682] : memref<262144xf32, #tpu.memory_space<hbm>> -> memref<2048xf32, #tpu.memory_space<hbm>>
      %dma_start3A_1371 = tpu.memref_slice %arg9[%mul3A_682] : memref<262144xf32, #tpu.memory_space<hbm>> -> memref<2048xf32, #tpu.memory_space<hbm>>
      tpu.enqueue_dma source(%arg19 : memref<2048xf32, #tpu.memory_space<vmem>>) target(%dma_start3A_1371 : memref<2048xf32, #tpu.memory_space<hbm>>) target_semaphore(%run_scoped3A : memref<!tpu.dma_semaphore, #tpu.memory_space<semaphore_mem>>)
      %dma_wait3A_1372 = tpu.memref_slice %arg9[%mul3A_682] : memref<262144xf32, #tpu.memory_space<hbm>> -> memref<2048xf32, #tpu.memory_space<hbm>>
      %dma_wait3A_1373 = tpu.memref_slice %arg9[%mul3A_682] : memref<262144xf32, #tpu.memory_space<hbm>> -> memref<2048xf32, #tpu.memory_space<hbm>>
      tpu.wait_dma2 semaphore(%run_scoped3A : memref<!tpu.dma_semaphore, #tpu.memory_space<semaphore_mem>>) src(%arg19 : memref<2048xf32, #tpu.memory_space<vmem>>) dst(%dma_wait3A_1373 : memref<2048xf32, #tpu.memory_space<hbm>>)
      tpu.yield
    }) : () -> ()
    %mul3A_683 = arith.constant 512 : i32
    %mul3A_684 = arith.muli %add3A, %mul3A_683 : i32
    %add3A_685 = arith.constant 256 : i32
    %add3A_686 = arith.addi %mul3A_684, %add3A_685 : i32
    %mul3A_687 = arith.constant 20 : i32
    %mul3A_688 = arith.muli %add3A_686, %mul3A_687 : i32
    "tpu.region"() ({
      %run_scoped3A = tpu.sem_alloc : memref<!tpu.dma_semaphore, #tpu.memory_space<semaphore_mem>>
      %dma_start3A_1370 = tpu.memref_slice %arg3[%mul3A_688] : memref<327680xi32, #tpu.memory_space<hbm>> -> memref<2560xi32, #tpu.memory_space<hbm>>
      %dma_start3A_1371 = tpu.memref_slice %arg3[%mul3A_688] : memref<327680xi32, #tpu.memory_space<hbm>> -> memref<2560xi32, #tpu.memory_space<hbm>>
      tpu.enqueue_dma source(%dma_start3A_1371 : memref<2560xi32, #tpu.memory_space<hbm>>) target(%arg11 : memref<2560xi32, #tpu.memory_space<vmem>>) target_semaphore(%run_scoped3A : memref<!tpu.dma_semaphore, #tpu.memory_space<semaphore_mem>>)
      %dma_wait3A_1372 = tpu.memref_slice %arg3[%mul3A_688] : memref<327680xi32, #tpu.memory_space<hbm>> -> memref<2560xi32, #tpu.memory_space<hbm>>
      %dma_wait3A_1373 = tpu.memref_slice %arg3[%mul3A_688] : memref<327680xi32, #tpu.memory_space<hbm>> -> memref<2560xi32, #tpu.memory_space<hbm>>
      tpu.wait_dma2 semaphore(%run_scoped3A : memref<!tpu.dma_semaphore, #tpu.memory_space<semaphore_mem>>) src(%dma_wait3A_1373 : memref<2560xi32, #tpu.memory_space<hbm>>) dst(%arg11 : memref<2560xi32, #tpu.memory_space<vmem>>)
      tpu.yield
    }) : () -> ()
    "tpu.region"() ({
      %run_scoped3A = tpu.sem_alloc : memref<!tpu.dma_semaphore, #tpu.memory_space<semaphore_mem>>
      %dma_start3A_1370 = tpu.memref_slice %arg4[%mul3A_688] : memref<327680xf32, #tpu.memory_space<hbm>> -> memref<2560xf32, #tpu.memory_space<hbm>>
      %dma_start3A_1371 = tpu.memref_slice %arg4[%mul3A_688] : memref<327680xf32, #tpu.memory_space<hbm>> -> memref<2560xf32, #tpu.memory_space<hbm>>
      tpu.enqueue_dma source(%dma_start3A_1371 : memref<2560xf32, #tpu.memory_space<hbm>>) target(%arg14 : memref<2560xf32, #tpu.memory_space<vmem>>) target_semaphore(%run_scoped3A : memref<!tpu.dma_semaphore, #tpu.memory_space<semaphore_mem>>)
      %dma_wait3A_1372 = tpu.memref_slice %arg4[%mul3A_688] : memref<327680xf32, #tpu.memory_space<hbm>> -> memref<2560xf32, #tpu.memory_space<hbm>>
      %dma_wait3A_1373 = tpu.memref_slice %arg4[%mul3A_688] : memref<327680xf32, #tpu.memory_space<hbm>> -> memref<2560xf32, #tpu.memory_space<hbm>>
      tpu.wait_dma2 semaphore(%run_scoped3A : memref<!tpu.dma_semaphore, #tpu.memory_space<semaphore_mem>>) src(%dma_wait3A_1373 : memref<2560xf32, #tpu.memory_space<hbm>>) dst(%arg14 : memref<2560xf32, #tpu.memory_space<vmem>>)
      tpu.yield
    }) : () -> ()
    %mul3A_689 = arith.constant 16 : i32
    %mul3A_690 = arith.muli %add3A_686, %mul3A_689 : i32
    "tpu.region"() ({
      %run_scoped3A = tpu.sem_alloc : memref<!tpu.dma_semaphore, #tpu.memory_space<semaphore_mem>>
      %dma_start3A_1370 = tpu.memref_slice %arg5[%mul3A_690] : memref<262144xf32, #tpu.memory_space<hbm>> -> memref<2048xf32, #tpu.memory_space<hbm>>
      %dma_start3A_1371 = tpu.memref_slice %arg5[%mul3A_690] : memref<262144xf32, #tpu.memory_space<hbm>> -> memref<2048xf32, #tpu.memory_space<hbm>>
      tpu.enqueue_dma source(%dma_start3A_1371 : memref<2048xf32, #tpu.memory_space<hbm>>) target(%arg15 : memref<2048xf32, #tpu.memory_space<vmem>>) target_semaphore(%run_scoped3A : memref<!tpu.dma_semaphore, #tpu.memory_space<semaphore_mem>>)
      %dma_wait3A_1372 = tpu.memref_slice %arg5[%mul3A_690] : memref<262144xf32, #tpu.memory_space<hbm>> -> memref<2048xf32, #tpu.memory_space<hbm>>
      %dma_wait3A_1373 = tpu.memref_slice %arg5[%mul3A_690] : memref<262144xf32, #tpu.memory_space<hbm>> -> memref<2048xf32, #tpu.memory_space<hbm>>
      tpu.wait_dma2 semaphore(%run_scoped3A : memref<!tpu.dma_semaphore, #tpu.memory_space<semaphore_mem>>) src(%dma_wait3A_1373 : memref<2048xf32, #tpu.memory_space<hbm>>) dst(%arg15 : memref<2048xf32, #tpu.memory_space<vmem>>)
      tpu.yield
    }) : () -> ()
    %scan3A_691 = arith.constant 0 : i32
    %scan3A_692 = arith.constant 0 : i32
    %scan3A_693 = arith.constant 160 : i32
    %scan3A_694 = arith.addi %scan3A_692, %scan3A_693 : i32
    %scan3A_695 = arith.constant 1 : i32
    scf.for %scan3A_1370 = %scan3A_692 to %scan3A_694 step %scan3A_695  : i32 {
      %mul3A_1371 = arith.constant 16 : i32
      %mul3A_1372 = arith.muli %scan3A_1370, %mul3A_1371 : i32
      %get3A = arith.index_cast %mul3A_1372 : i32 to index
      %get3A_1373 = tpu.vector_load %arg11[%get3A] {strides = array<i32>} : memref<2560xi32, #tpu.memory_space<vmem>>, vector<16xi32>,
      %and3A = arith.constant -2048 : i32
      %and3A_1374 = vector.broadcast %and3A : i32 to vector<16xi32>
      %and3A_1375 = arith.andi %get3A_1373, %and3A_1374 : vector<16xi32>
      %and3A_1376 = arith.constant 255 : i32
      %and3A_1377 = vector.broadcast %and3A_1376 : i32 to vector<16xi32>
      %and3A_1378 = arith.andi %get3A_1373, %and3A_1377 : vector<16xi32>
      %shift_left3A = arith.constant 3 : i32
      %shift_left3A_1379 = vector.broadcast %shift_left3A : i32 to vector<16xi32>
      %shift_left3A_1380 = arith.shli %and3A_1378, %shift_left3A_1379 : vector<16xi32>
      %add3A_1381 = arith.addi %and3A_1375, %shift_left3A_1380 : vector<16xi32>
      %shift_right_arithmetic3A = arith.constant 8 : i32
      %shift_right_arithmetic3A_1382 = vector.broadcast %shift_right_arithmetic3A : i32 to vector<16xi32>
      %shift_right_arithmetic3A_1383 = arith.shrsi %get3A_1373, %shift_right_arithmetic3A_1382 : vector<16xi32>
      %and3A_1384 = arith.constant 7 : i32
      %and3A_1385 = vector.broadcast %and3A_1384 : i32 to vector<16xi32>
      %and3A_1386 = arith.andi %shift_right_arithmetic3A_1383, %and3A_1385 : vector<16xi32>
      %add3A_1387 = arith.addi %add3A_1381, %and3A_1386 : vector<16xi32>
      %mul3A_1388 = arith.constant 16 : i32
      %mul3A_1389 = arith.muli %scan3A_1370, %mul3A_1388 : i32
      %swap3A_1390 = arith.index_cast %mul3A_1389 : i32 to index
      %swap3A_1391 = tpu.vector_load %arg12[%swap3A_1390] {strides = array<i32>} : memref<2560xi32, #tpu.memory_space<vmem>>, vector<16xi32>,
      tpu.vector_store %arg12[%swap3A_1390], %add3A_1387 {strides = array<i32>} : memref<2560xi32, #tpu.memory_space<vmem>>, vector<16xi32>,
    }
    %scan3A_696 = arith.constant 160 : i32
    %dma_start3A_697 = arith.constant 0 : i32
    %dma_start3A_698 = arith.constant 0 : i32
    %dma_start3A_699 = tpu.memref_slice %arg13[%dma_start3A_697, %dma_start3A_698] : memref<2560x16xf32, #tpu.memory_space<vmem>> -> memref<128x16xf32, #tpu.memory_space<vmem>>
    %dma_start3A_700 = arith.constant 0 : i32
    %dma_start3A_701 = tpu.memref_slice %arg12[%dma_start3A_700] : memref<2560xi32, #tpu.memory_space<vmem>> -> memref<128xi32, #tpu.memory_space<vmem>>
    %dma_start3A_702 = arith.constant 0 : i32
    %dma_start3A_703 = arith.constant 0 : i32
    %dma_start3A_704 = tpu.memref_slice %arg2[%dma_start3A_702, %dma_start3A_703] : memref<1001472x16xf32, #tpu.memory_space<hbm>> -> memref<1001472x16xf32, #tpu.memory_space<hbm>>
    tpu.enqueue_indirect_dma source(%dma_start3A_704 : memref<1001472x16xf32, #tpu.memory_space<hbm>>) target(%dma_start3A_699 : memref<128x16xf32, #tpu.memory_space<vmem>>) offsets(%dma_start3A_701 : memref<128xi32, #tpu.memory_space<vmem>>) semaphore(%arg21 : memref<!tpu.dma_semaphore, #tpu.memory_space<semaphore_mem>>)
    %dma_start3A_705 = arith.constant 128 : i32
    %dma_start3A_706 = arith.constant 0 : i32
    %dma_start3A_707 = tpu.memref_slice %arg13[%dma_start3A_705, %dma_start3A_706] : memref<2560x16xf32, #tpu.memory_space<vmem>> -> memref<128x16xf32, #tpu.memory_space<vmem>>
    %dma_start3A_708 = arith.constant 128 : i32
    %dma_start3A_709 = tpu.memref_slice %arg12[%dma_start3A_708] : memref<2560xi32, #tpu.memory_space<vmem>> -> memref<128xi32, #tpu.memory_space<vmem>>
    %dma_start3A_710 = arith.constant 0 : i32
    %dma_start3A_711 = arith.constant 0 : i32
    %dma_start3A_712 = tpu.memref_slice %arg2[%dma_start3A_710, %dma_start3A_711] : memref<1001472x16xf32, #tpu.memory_space<hbm>> -> memref<1001472x16xf32, #tpu.memory_space<hbm>>
    tpu.enqueue_indirect_dma source(%dma_start3A_712 : memref<1001472x16xf32, #tpu.memory_space<hbm>>) target(%dma_start3A_707 : memref<128x16xf32, #tpu.memory_space<vmem>>) offsets(%dma_start3A_709 : memref<128xi32, #tpu.memory_space<vmem>>) semaphore(%arg21 : memref<!tpu.dma_semaphore, #tpu.memory_space<semaphore_mem>>)
    %dma_start3A_713 = arith.constant 256 : i32
    %dma_start3A_714 = arith.constant 0 : i32
    %dma_start3A_715 = tpu.memref_slice %arg13[%dma_start3A_713, %dma_start3A_714] : memref<2560x16xf32, #tpu.memory_space<vmem>> -> memref<128x16xf32, #tpu.memory_space<vmem>>
    %dma_start3A_716 = arith.constant 256 : i32
    %dma_start3A_717 = tpu.memref_slice %arg12[%dma_start3A_716] : memref<2560xi32, #tpu.memory_space<vmem>> -> memref<128xi32, #tpu.memory_space<vmem>>
    %dma_start3A_718 = arith.constant 0 : i32
    %dma_start3A_719 = arith.constant 0 : i32
    %dma_start3A_720 = tpu.memref_slice %arg2[%dma_start3A_718, %dma_start3A_719] : memref<1001472x16xf32, #tpu.memory_space<hbm>> -> memref<1001472x16xf32, #tpu.memory_space<hbm>>
    tpu.enqueue_indirect_dma source(%dma_start3A_720 : memref<1001472x16xf32, #tpu.memory_space<hbm>>) target(%dma_start3A_715 : memref<128x16xf32, #tpu.memory_space<vmem>>) offsets(%dma_start3A_717 : memref<128xi32, #tpu.memory_space<vmem>>) semaphore(%arg21 : memref<!tpu.dma_semaphore, #tpu.memory_space<semaphore_mem>>)
    %dma_start3A_721 = arith.constant 384 : i32
    %dma_start3A_722 = arith.constant 0 : i32
    %dma_start3A_723 = tpu.memref_slice %arg13[%dma_start3A_721, %dma_start3A_722] : memref<2560x16xf32, #tpu.memory_space<vmem>> -> memref<128x16xf32, #tpu.memory_space<vmem>>
    %dma_start3A_724 = arith.constant 384 : i32
    %dma_start3A_725 = tpu.memref_slice %arg12[%dma_start3A_724] : memref<2560xi32, #tpu.memory_space<vmem>> -> memref<128xi32, #tpu.memory_space<vmem>>
    %dma_start3A_726 = arith.constant 0 : i32
    %dma_start3A_727 = arith.constant 0 : i32
    %dma_start3A_728 = tpu.memref_slice %arg2[%dma_start3A_726, %dma_start3A_727] : memref<1001472x16xf32, #tpu.memory_space<hbm>> -> memref<1001472x16xf32, #tpu.memory_space<hbm>>
    tpu.enqueue_indirect_dma source(%dma_start3A_728 : memref<1001472x16xf32, #tpu.memory_space<hbm>>) target(%dma_start3A_723 : memref<128x16xf32, #tpu.memory_space<vmem>>) offsets(%dma_start3A_725 : memref<128xi32, #tpu.memory_space<vmem>>) semaphore(%arg21 : memref<!tpu.dma_semaphore, #tpu.memory_space<semaphore_mem>>)
    %dma_start3A_729 = arith.constant 512 : i32
    %dma_start3A_730 = arith.constant 0 : i32
    %dma_start3A_731 = tpu.memref_slice %arg13[%dma_start3A_729, %dma_start3A_730] : memref<2560x16xf32, #tpu.memory_space<vmem>> -> memref<128x16xf32, #tpu.memory_space<vmem>>
    %dma_start3A_732 = arith.constant 512 : i32
    %dma_start3A_733 = tpu.memref_slice %arg12[%dma_start3A_732] : memref<2560xi32, #tpu.memory_space<vmem>> -> memref<128xi32, #tpu.memory_space<vmem>>
    %dma_start3A_734 = arith.constant 0 : i32
    %dma_start3A_735 = arith.constant 0 : i32
    %dma_start3A_736 = tpu.memref_slice %arg2[%dma_start3A_734, %dma_start3A_735] : memref<1001472x16xf32, #tpu.memory_space<hbm>> -> memref<1001472x16xf32, #tpu.memory_space<hbm>>
    tpu.enqueue_indirect_dma source(%dma_start3A_736 : memref<1001472x16xf32, #tpu.memory_space<hbm>>) target(%dma_start3A_731 : memref<128x16xf32, #tpu.memory_space<vmem>>) offsets(%dma_start3A_733 : memref<128xi32, #tpu.memory_space<vmem>>) semaphore(%arg21 : memref<!tpu.dma_semaphore, #tpu.memory_space<semaphore_mem>>)
    %dma_start3A_737 = arith.constant 640 : i32
    %dma_start3A_738 = arith.constant 0 : i32
    %dma_start3A_739 = tpu.memref_slice %arg13[%dma_start3A_737, %dma_start3A_738] : memref<2560x16xf32, #tpu.memory_space<vmem>> -> memref<128x16xf32, #tpu.memory_space<vmem>>
    %dma_start3A_740 = arith.constant 640 : i32
    %dma_start3A_741 = tpu.memref_slice %arg12[%dma_start3A_740] : memref<2560xi32, #tpu.memory_space<vmem>> -> memref<128xi32, #tpu.memory_space<vmem>>
    %dma_start3A_742 = arith.constant 0 : i32
    %dma_start3A_743 = arith.constant 0 : i32
    %dma_start3A_744 = tpu.memref_slice %arg2[%dma_start3A_742, %dma_start3A_743] : memref<1001472x16xf32, #tpu.memory_space<hbm>> -> memref<1001472x16xf32, #tpu.memory_space<hbm>>
    tpu.enqueue_indirect_dma source(%dma_start3A_744 : memref<1001472x16xf32, #tpu.memory_space<hbm>>) target(%dma_start3A_739 : memref<128x16xf32, #tpu.memory_space<vmem>>) offsets(%dma_start3A_741 : memref<128xi32, #tpu.memory_space<vmem>>) semaphore(%arg21 : memref<!tpu.dma_semaphore, #tpu.memory_space<semaphore_mem>>)
    %dma_start3A_745 = arith.constant 768 : i32
    %dma_start3A_746 = arith.constant 0 : i32
    %dma_start3A_747 = tpu.memref_slice %arg13[%dma_start3A_745, %dma_start3A_746] : memref<2560x16xf32, #tpu.memory_space<vmem>> -> memref<128x16xf32, #tpu.memory_space<vmem>>
    %dma_start3A_748 = arith.constant 768 : i32
    %dma_start3A_749 = tpu.memref_slice %arg12[%dma_start3A_748] : memref<2560xi32, #tpu.memory_space<vmem>> -> memref<128xi32, #tpu.memory_space<vmem>>
    %dma_start3A_750 = arith.constant 0 : i32
    %dma_start3A_751 = arith.constant 0 : i32
    %dma_start3A_752 = tpu.memref_slice %arg2[%dma_start3A_750, %dma_start3A_751] : memref<1001472x16xf32, #tpu.memory_space<hbm>> -> memref<1001472x16xf32, #tpu.memory_space<hbm>>
    tpu.enqueue_indirect_dma source(%dma_start3A_752 : memref<1001472x16xf32, #tpu.memory_space<hbm>>) target(%dma_start3A_747 : memref<128x16xf32, #tpu.memory_space<vmem>>) offsets(%dma_start3A_749 : memref<128xi32, #tpu.memory_space<vmem>>) semaphore(%arg21 : memref<!tpu.dma_semaphore, #tpu.memory_space<semaphore_mem>>)
    %dma_start3A_753 = arith.constant 896 : i32
    %dma_start3A_754 = arith.constant 0 : i32
    %dma_start3A_755 = tpu.memref_slice %arg13[%dma_start3A_753, %dma_start3A_754] : memref<2560x16xf32, #tpu.memory_space<vmem>> -> memref<128x16xf32, #tpu.memory_space<vmem>>
    %dma_start3A_756 = arith.constant 896 : i32
    %dma_start3A_757 = tpu.memref_slice %arg12[%dma_start3A_756] : memref<2560xi32, #tpu.memory_space<vmem>> -> memref<128xi32, #tpu.memory_space<vmem>>
    %dma_start3A_758 = arith.constant 0 : i32
    %dma_start3A_759 = arith.constant 0 : i32
    %dma_start3A_760 = tpu.memref_slice %arg2[%dma_start3A_758, %dma_start3A_759] : memref<1001472x16xf32, #tpu.memory_space<hbm>> -> memref<1001472x16xf32, #tpu.memory_space<hbm>>
    tpu.enqueue_indirect_dma source(%dma_start3A_760 : memref<1001472x16xf32, #tpu.memory_space<hbm>>) target(%dma_start3A_755 : memref<128x16xf32, #tpu.memory_space<vmem>>) offsets(%dma_start3A_757 : memref<128xi32, #tpu.memory_space<vmem>>) semaphore(%arg21 : memref<!tpu.dma_semaphore, #tpu.memory_space<semaphore_mem>>)
    %dma_start3A_761 = arith.constant 1024 : i32
    %dma_start3A_762 = arith.constant 0 : i32
    %dma_start3A_763 = tpu.memref_slice %arg13[%dma_start3A_761, %dma_start3A_762] : memref<2560x16xf32, #tpu.memory_space<vmem>> -> memref<128x16xf32, #tpu.memory_space<vmem>>
    %dma_start3A_764 = arith.constant 1024 : i32
    %dma_start3A_765 = tpu.memref_slice %arg12[%dma_start3A_764] : memref<2560xi32, #tpu.memory_space<vmem>> -> memref<128xi32, #tpu.memory_space<vmem>>
    %dma_start3A_766 = arith.constant 0 : i32
    %dma_start3A_767 = arith.constant 0 : i32
    %dma_start3A_768 = tpu.memref_slice %arg2[%dma_start3A_766, %dma_start3A_767] : memref<1001472x16xf32, #tpu.memory_space<hbm>> -> memref<1001472x16xf32, #tpu.memory_space<hbm>>
    tpu.enqueue_indirect_dma source(%dma_start3A_768 : memref<1001472x16xf32, #tpu.memory_space<hbm>>) target(%dma_start3A_763 : memref<128x16xf32, #tpu.memory_space<vmem>>) offsets(%dma_start3A_765 : memref<128xi32, #tpu.memory_space<vmem>>) semaphore(%arg21 : memref<!tpu.dma_semaphore, #tpu.memory_space<semaphore_mem>>)
    %dma_start3A_769 = arith.constant 1152 : i32
    %dma_start3A_770 = arith.constant 0 : i32
    %dma_start3A_771 = tpu.memref_slice %arg13[%dma_start3A_769, %dma_start3A_770] : memref<2560x16xf32, #tpu.memory_space<vmem>> -> memref<128x16xf32, #tpu.memory_space<vmem>>
    %dma_start3A_772 = arith.constant 1152 : i32
    %dma_start3A_773 = tpu.memref_slice %arg12[%dma_start3A_772] : memref<2560xi32, #tpu.memory_space<vmem>> -> memref<128xi32, #tpu.memory_space<vmem>>
    %dma_start3A_774 = arith.constant 0 : i32
    %dma_start3A_775 = arith.constant 0 : i32
    %dma_start3A_776 = tpu.memref_slice %arg2[%dma_start3A_774, %dma_start3A_775] : memref<1001472x16xf32, #tpu.memory_space<hbm>> -> memref<1001472x16xf32, #tpu.memory_space<hbm>>
    tpu.enqueue_indirect_dma source(%dma_start3A_776 : memref<1001472x16xf32, #tpu.memory_space<hbm>>) target(%dma_start3A_771 : memref<128x16xf32, #tpu.memory_space<vmem>>) offsets(%dma_start3A_773 : memref<128xi32, #tpu.memory_space<vmem>>) semaphore(%arg21 : memref<!tpu.dma_semaphore, #tpu.memory_space<semaphore_mem>>)
    %dma_start3A_777 = arith.constant 1280 : i32
    %dma_start3A_778 = arith.constant 0 : i32
    %dma_start3A_779 = tpu.memref_slice %arg13[%dma_start3A_777, %dma_start3A_778] : memref<2560x16xf32, #tpu.memory_space<vmem>> -> memref<128x16xf32, #tpu.memory_space<vmem>>
    %dma_start3A_780 = arith.constant 1280 : i32
    %dma_start3A_781 = tpu.memref_slice %arg12[%dma_start3A_780] : memref<2560xi32, #tpu.memory_space<vmem>> -> memref<128xi32, #tpu.memory_space<vmem>>
    %dma_start3A_782 = arith.constant 0 : i32
    %dma_start3A_783 = arith.constant 0 : i32
    %dma_start3A_784 = tpu.memref_slice %arg2[%dma_start3A_782, %dma_start3A_783] : memref<1001472x16xf32, #tpu.memory_space<hbm>> -> memref<1001472x16xf32, #tpu.memory_space<hbm>>
    tpu.enqueue_indirect_dma source(%dma_start3A_784 : memref<1001472x16xf32, #tpu.memory_space<hbm>>) target(%dma_start3A_779 : memref<128x16xf32, #tpu.memory_space<vmem>>) offsets(%dma_start3A_781 : memref<128xi32, #tpu.memory_space<vmem>>) semaphore(%arg21 : memref<!tpu.dma_semaphore, #tpu.memory_space<semaphore_mem>>)
    %dma_start3A_785 = arith.constant 1408 : i32
    %dma_start3A_786 = arith.constant 0 : i32
    %dma_start3A_787 = tpu.memref_slice %arg13[%dma_start3A_785, %dma_start3A_786] : memref<2560x16xf32, #tpu.memory_space<vmem>> -> memref<128x16xf32, #tpu.memory_space<vmem>>
    %dma_start3A_788 = arith.constant 1408 : i32
    %dma_start3A_789 = tpu.memref_slice %arg12[%dma_start3A_788] : memref<2560xi32, #tpu.memory_space<vmem>> -> memref<128xi32, #tpu.memory_space<vmem>>
    %dma_start3A_790 = arith.constant 0 : i32
    %dma_start3A_791 = arith.constant 0 : i32
    %dma_start3A_792 = tpu.memref_slice %arg2[%dma_start3A_790, %dma_start3A_791] : memref<1001472x16xf32, #tpu.memory_space<hbm>> -> memref<1001472x16xf32, #tpu.memory_space<hbm>>
    tpu.enqueue_indirect_dma source(%dma_start3A_792 : memref<1001472x16xf32, #tpu.memory_space<hbm>>) target(%dma_start3A_787 : memref<128x16xf32, #tpu.memory_space<vmem>>) offsets(%dma_start3A_789 : memref<128xi32, #tpu.memory_space<vmem>>) semaphore(%arg21 : memref<!tpu.dma_semaphore, #tpu.memory_space<semaphore_mem>>)
    %dma_start3A_793 = arith.constant 1536 : i32
    %dma_start3A_794 = arith.constant 0 : i32
    %dma_start3A_795 = tpu.memref_slice %arg13[%dma_start3A_793, %dma_start3A_794] : memref<2560x16xf32, #tpu.memory_space<vmem>> -> memref<128x16xf32, #tpu.memory_space<vmem>>
    %dma_start3A_796 = arith.constant 1536 : i32
    %dma_start3A_797 = tpu.memref_slice %arg12[%dma_start3A_796] : memref<2560xi32, #tpu.memory_space<vmem>> -> memref<128xi32, #tpu.memory_space<vmem>>
    %dma_start3A_798 = arith.constant 0 : i32
    %dma_start3A_799 = arith.constant 0 : i32
    %dma_start3A_800 = tpu.memref_slice %arg2[%dma_start3A_798, %dma_start3A_799] : memref<1001472x16xf32, #tpu.memory_space<hbm>> -> memref<1001472x16xf32, #tpu.memory_space<hbm>>
    tpu.enqueue_indirect_dma source(%dma_start3A_800 : memref<1001472x16xf32, #tpu.memory_space<hbm>>) target(%dma_start3A_795 : memref<128x16xf32, #tpu.memory_space<vmem>>) offsets(%dma_start3A_797 : memref<128xi32, #tpu.memory_space<vmem>>) semaphore(%arg21 : memref<!tpu.dma_semaphore, #tpu.memory_space<semaphore_mem>>)
    %dma_start3A_801 = arith.constant 1664 : i32
    %dma_start3A_802 = arith.constant 0 : i32
    %dma_start3A_803 = tpu.memref_slice %arg13[%dma_start3A_801, %dma_start3A_802] : memref<2560x16xf32, #tpu.memory_space<vmem>> -> memref<128x16xf32, #tpu.memory_space<vmem>>
    %dma_start3A_804 = arith.constant 1664 : i32
    %dma_start3A_805 = tpu.memref_slice %arg12[%dma_start3A_804] : memref<2560xi32, #tpu.memory_space<vmem>> -> memref<128xi32, #tpu.memory_space<vmem>>
    %dma_start3A_806 = arith.constant 0 : i32
    %dma_start3A_807 = arith.constant 0 : i32
    %dma_start3A_808 = tpu.memref_slice %arg2[%dma_start3A_806, %dma_start3A_807] : memref<1001472x16xf32, #tpu.memory_space<hbm>> -> memref<1001472x16xf32, #tpu.memory_space<hbm>>
    tpu.enqueue_indirect_dma source(%dma_start3A_808 : memref<1001472x16xf32, #tpu.memory_space<hbm>>) target(%dma_start3A_803 : memref<128x16xf32, #tpu.memory_space<vmem>>) offsets(%dma_start3A_805 : memref<128xi32, #tpu.memory_space<vmem>>) semaphore(%arg21 : memref<!tpu.dma_semaphore, #tpu.memory_space<semaphore_mem>>)
    %dma_start3A_809 = arith.constant 1792 : i32
    %dma_start3A_810 = arith.constant 0 : i32
    %dma_start3A_811 = tpu.memref_slice %arg13[%dma_start3A_809, %dma_start3A_810] : memref<2560x16xf32, #tpu.memory_space<vmem>> -> memref<128x16xf32, #tpu.memory_space<vmem>>
    %dma_start3A_812 = arith.constant 1792 : i32
    %dma_start3A_813 = tpu.memref_slice %arg12[%dma_start3A_812] : memref<2560xi32, #tpu.memory_space<vmem>> -> memref<128xi32, #tpu.memory_space<vmem>>
    %dma_start3A_814 = arith.constant 0 : i32
    %dma_start3A_815 = arith.constant 0 : i32
    %dma_start3A_816 = tpu.memref_slice %arg2[%dma_start3A_814, %dma_start3A_815] : memref<1001472x16xf32, #tpu.memory_space<hbm>> -> memref<1001472x16xf32, #tpu.memory_space<hbm>>
    tpu.enqueue_indirect_dma source(%dma_start3A_816 : memref<1001472x16xf32, #tpu.memory_space<hbm>>) target(%dma_start3A_811 : memref<128x16xf32, #tpu.memory_space<vmem>>) offsets(%dma_start3A_813 : memref<128xi32, #tpu.memory_space<vmem>>) semaphore(%arg21 : memref<!tpu.dma_semaphore, #tpu.memory_space<semaphore_mem>>)
    %dma_start3A_817 = arith.constant 1920 : i32
    %dma_start3A_818 = arith.constant 0 : i32
    %dma_start3A_819 = tpu.memref_slice %arg13[%dma_start3A_817, %dma_start3A_818] : memref<2560x16xf32, #tpu.memory_space<vmem>> -> memref<128x16xf32, #tpu.memory_space<vmem>>
    %dma_start3A_820 = arith.constant 1920 : i32
    %dma_start3A_821 = tpu.memref_slice %arg12[%dma_start3A_820] : memref<2560xi32, #tpu.memory_space<vmem>> -> memref<128xi32, #tpu.memory_space<vmem>>
    %dma_start3A_822 = arith.constant 0 : i32
    %dma_start3A_823 = arith.constant 0 : i32
    %dma_start3A_824 = tpu.memref_slice %arg2[%dma_start3A_822, %dma_start3A_823] : memref<1001472x16xf32, #tpu.memory_space<hbm>> -> memref<1001472x16xf32, #tpu.memory_space<hbm>>
    tpu.enqueue_indirect_dma source(%dma_start3A_824 : memref<1001472x16xf32, #tpu.memory_space<hbm>>) target(%dma_start3A_819 : memref<128x16xf32, #tpu.memory_space<vmem>>) offsets(%dma_start3A_821 : memref<128xi32, #tpu.memory_space<vmem>>) semaphore(%arg21 : memref<!tpu.dma_semaphore, #tpu.memory_space<semaphore_mem>>)
    %dma_start3A_825 = arith.constant 2048 : i32
    %dma_start3A_826 = arith.constant 0 : i32
    %dma_start3A_827 = tpu.memref_slice %arg13[%dma_start3A_825, %dma_start3A_826] : memref<2560x16xf32, #tpu.memory_space<vmem>> -> memref<128x16xf32, #tpu.memory_space<vmem>>
    %dma_start3A_828 = arith.constant 2048 : i32
    %dma_start3A_829 = tpu.memref_slice %arg12[%dma_start3A_828] : memref<2560xi32, #tpu.memory_space<vmem>> -> memref<128xi32, #tpu.memory_space<vmem>>
    %dma_start3A_830 = arith.constant 0 : i32
    %dma_start3A_831 = arith.constant 0 : i32
    %dma_start3A_832 = tpu.memref_slice %arg2[%dma_start3A_830, %dma_start3A_831] : memref<1001472x16xf32, #tpu.memory_space<hbm>> -> memref<1001472x16xf32, #tpu.memory_space<hbm>>
    tpu.enqueue_indirect_dma source(%dma_start3A_832 : memref<1001472x16xf32, #tpu.memory_space<hbm>>) target(%dma_start3A_827 : memref<128x16xf32, #tpu.memory_space<vmem>>) offsets(%dma_start3A_829 : memref<128xi32, #tpu.memory_space<vmem>>) semaphore(%arg21 : memref<!tpu.dma_semaphore, #tpu.memory_space<semaphore_mem>>)
    %dma_start3A_833 = arith.constant 2176 : i32
    %dma_start3A_834 = arith.constant 0 : i32
    %dma_start3A_835 = tpu.memref_slice %arg13[%dma_start3A_833, %dma_start3A_834] : memref<2560x16xf32, #tpu.memory_space<vmem>> -> memref<128x16xf32, #tpu.memory_space<vmem>>
    %dma_start3A_836 = arith.constant 2176 : i32
    %dma_start3A_837 = tpu.memref_slice %arg12[%dma_start3A_836] : memref<2560xi32, #tpu.memory_space<vmem>> -> memref<128xi32, #tpu.memory_space<vmem>>
    %dma_start3A_838 = arith.constant 0 : i32
    %dma_start3A_839 = arith.constant 0 : i32
    %dma_start3A_840 = tpu.memref_slice %arg2[%dma_start3A_838, %dma_start3A_839] : memref<1001472x16xf32, #tpu.memory_space<hbm>> -> memref<1001472x16xf32, #tpu.memory_space<hbm>>
    tpu.enqueue_indirect_dma source(%dma_start3A_840 : memref<1001472x16xf32, #tpu.memory_space<hbm>>) target(%dma_start3A_835 : memref<128x16xf32, #tpu.memory_space<vmem>>) offsets(%dma_start3A_837 : memref<128xi32, #tpu.memory_space<vmem>>) semaphore(%arg21 : memref<!tpu.dma_semaphore, #tpu.memory_space<semaphore_mem>>)
    %dma_start3A_841 = arith.constant 2304 : i32
    %dma_start3A_842 = arith.constant 0 : i32
    %dma_start3A_843 = tpu.memref_slice %arg13[%dma_start3A_841, %dma_start3A_842] : memref<2560x16xf32, #tpu.memory_space<vmem>> -> memref<128x16xf32, #tpu.memory_space<vmem>>
    %dma_start3A_844 = arith.constant 2304 : i32
    %dma_start3A_845 = tpu.memref_slice %arg12[%dma_start3A_844] : memref<2560xi32, #tpu.memory_space<vmem>> -> memref<128xi32, #tpu.memory_space<vmem>>
    %dma_start3A_846 = arith.constant 0 : i32
    %dma_start3A_847 = arith.constant 0 : i32
    %dma_start3A_848 = tpu.memref_slice %arg2[%dma_start3A_846, %dma_start3A_847] : memref<1001472x16xf32, #tpu.memory_space<hbm>> -> memref<1001472x16xf32, #tpu.memory_space<hbm>>
    tpu.enqueue_indirect_dma source(%dma_start3A_848 : memref<1001472x16xf32, #tpu.memory_space<hbm>>) target(%dma_start3A_843 : memref<128x16xf32, #tpu.memory_space<vmem>>) offsets(%dma_start3A_845 : memref<128xi32, #tpu.memory_space<vmem>>) semaphore(%arg21 : memref<!tpu.dma_semaphore, #tpu.memory_space<semaphore_mem>>)
    %dma_start3A_849 = arith.constant 2432 : i32
    %dma_start3A_850 = arith.constant 0 : i32
    %dma_start3A_851 = tpu.memref_slice %arg13[%dma_start3A_849, %dma_start3A_850] : memref<2560x16xf32, #tpu.memory_space<vmem>> -> memref<128x16xf32, #tpu.memory_space<vmem>>
    %dma_start3A_852 = arith.constant 2432 : i32
    %dma_start3A_853 = tpu.memref_slice %arg12[%dma_start3A_852] : memref<2560xi32, #tpu.memory_space<vmem>> -> memref<128xi32, #tpu.memory_space<vmem>>
    %dma_start3A_854 = arith.constant 0 : i32
    %dma_start3A_855 = arith.constant 0 : i32
    %dma_start3A_856 = tpu.memref_slice %arg2[%dma_start3A_854, %dma_start3A_855] : memref<1001472x16xf32, #tpu.memory_space<hbm>> -> memref<1001472x16xf32, #tpu.memory_space<hbm>>
    tpu.enqueue_indirect_dma source(%dma_start3A_856 : memref<1001472x16xf32, #tpu.memory_space<hbm>>) target(%dma_start3A_851 : memref<128x16xf32, #tpu.memory_space<vmem>>) offsets(%dma_start3A_853 : memref<128xi32, #tpu.memory_space<vmem>>) semaphore(%arg21 : memref<!tpu.dma_semaphore, #tpu.memory_space<semaphore_mem>>)
    %dma_wait3A_857 = arith.constant 0 : i32
    %dma_wait3A_858 = arith.constant 0 : i32
    %dma_wait3A_859 = tpu.memref_slice %arg13[%dma_wait3A_857, %dma_wait3A_858] : memref<2560x16xf32, #tpu.memory_space<vmem>> -> memref<128x16xf32, #tpu.memory_space<vmem>>
    %dma_wait3A_860 = arith.constant 0 : i32
    %dma_wait3A_861 = tpu.memref_slice %arg12[%dma_wait3A_860] : memref<2560xi32, #tpu.memory_space<vmem>> -> memref<128xi32, #tpu.memory_space<vmem>>
    %dma_wait3A_862 = arith.constant 0 : i32
    %dma_wait3A_863 = arith.constant 0 : i32
    %dma_wait3A_864 = tpu.memref_slice %arg2[%dma_wait3A_862, %dma_wait3A_863] : memref<1001472x16xf32, #tpu.memory_space<hbm>> -> memref<1001472x16xf32, #tpu.memory_space<hbm>>
    tpu.wait_indirect_dma semaphore(%arg21 : memref<!tpu.dma_semaphore, #tpu.memory_space<semaphore_mem>>) src(%dma_wait3A_864 : memref<1001472x16xf32, #tpu.memory_space<hbm>>) dst(%dma_wait3A_859 : memref<128x16xf32, #tpu.memory_space<vmem>>)
    %dma_wait3A_865 = arith.constant 128 : i32
    %dma_wait3A_866 = arith.constant 0 : i32
    %dma_wait3A_867 = tpu.memref_slice %arg13[%dma_wait3A_865, %dma_wait3A_866] : memref<2560x16xf32, #tpu.memory_space<vmem>> -> memref<128x16xf32, #tpu.memory_space<vmem>>
    %dma_wait3A_868 = arith.constant 128 : i32
    %dma_wait3A_869 = tpu.memref_slice %arg12[%dma_wait3A_868] : memref<2560xi32, #tpu.memory_space<vmem>> -> memref<128xi32, #tpu.memory_space<vmem>>
    %dma_wait3A_870 = arith.constant 0 : i32
    %dma_wait3A_871 = arith.constant 0 : i32
    %dma_wait3A_872 = tpu.memref_slice %arg2[%dma_wait3A_870, %dma_wait3A_871] : memref<1001472x16xf32, #tpu.memory_space<hbm>> -> memref<1001472x16xf32, #tpu.memory_space<hbm>>
    tpu.wait_indirect_dma semaphore(%arg21 : memref<!tpu.dma_semaphore, #tpu.memory_space<semaphore_mem>>) src(%dma_wait3A_872 : memref<1001472x16xf32, #tpu.memory_space<hbm>>) dst(%dma_wait3A_867 : memref<128x16xf32, #tpu.memory_space<vmem>>)
    %dma_wait3A_873 = arith.constant 256 : i32
    %dma_wait3A_874 = arith.constant 0 : i32
    %dma_wait3A_875 = tpu.memref_slice %arg13[%dma_wait3A_873, %dma_wait3A_874] : memref<2560x16xf32, #tpu.memory_space<vmem>> -> memref<128x16xf32, #tpu.memory_space<vmem>>
    %dma_wait3A_876 = arith.constant 256 : i32
    %dma_wait3A_877 = tpu.memref_slice %arg12[%dma_wait3A_876] : memref<2560xi32, #tpu.memory_space<vmem>> -> memref<128xi32, #tpu.memory_space<vmem>>
    %dma_wait3A_878 = arith.constant 0 : i32
    %dma_wait3A_879 = arith.constant 0 : i32
    %dma_wait3A_880 = tpu.memref_slice %arg2[%dma_wait3A_878, %dma_wait3A_879] : memref<1001472x16xf32, #tpu.memory_space<hbm>> -> memref<1001472x16xf32, #tpu.memory_space<hbm>>
    tpu.wait_indirect_dma semaphore(%arg21 : memref<!tpu.dma_semaphore, #tpu.memory_space<semaphore_mem>>) src(%dma_wait3A_880 : memref<1001472x16xf32, #tpu.memory_space<hbm>>) dst(%dma_wait3A_875 : memref<128x16xf32, #tpu.memory_space<vmem>>)
    %dma_wait3A_881 = arith.constant 384 : i32
    %dma_wait3A_882 = arith.constant 0 : i32
    %dma_wait3A_883 = tpu.memref_slice %arg13[%dma_wait3A_881, %dma_wait3A_882] : memref<2560x16xf32, #tpu.memory_space<vmem>> -> memref<128x16xf32, #tpu.memory_space<vmem>>
    %dma_wait3A_884 = arith.constant 384 : i32
    %dma_wait3A_885 = tpu.memref_slice %arg12[%dma_wait3A_884] : memref<2560xi32, #tpu.memory_space<vmem>> -> memref<128xi32, #tpu.memory_space<vmem>>
    %dma_wait3A_886 = arith.constant 0 : i32
    %dma_wait3A_887 = arith.constant 0 : i32
    %dma_wait3A_888 = tpu.memref_slice %arg2[%dma_wait3A_886, %dma_wait3A_887] : memref<1001472x16xf32, #tpu.memory_space<hbm>> -> memref<1001472x16xf32, #tpu.memory_space<hbm>>
    tpu.wait_indirect_dma semaphore(%arg21 : memref<!tpu.dma_semaphore, #tpu.memory_space<semaphore_mem>>) src(%dma_wait3A_888 : memref<1001472x16xf32, #tpu.memory_space<hbm>>) dst(%dma_wait3A_883 : memref<128x16xf32, #tpu.memory_space<vmem>>)
    %dma_wait3A_889 = arith.constant 512 : i32
    %dma_wait3A_890 = arith.constant 0 : i32
    %dma_wait3A_891 = tpu.memref_slice %arg13[%dma_wait3A_889, %dma_wait3A_890] : memref<2560x16xf32, #tpu.memory_space<vmem>> -> memref<128x16xf32, #tpu.memory_space<vmem>>
    %dma_wait3A_892 = arith.constant 512 : i32
    %dma_wait3A_893 = tpu.memref_slice %arg12[%dma_wait3A_892] : memref<2560xi32, #tpu.memory_space<vmem>> -> memref<128xi32, #tpu.memory_space<vmem>>
    %dma_wait3A_894 = arith.constant 0 : i32
    %dma_wait3A_895 = arith.constant 0 : i32
    %dma_wait3A_896 = tpu.memref_slice %arg2[%dma_wait3A_894, %dma_wait3A_895] : memref<1001472x16xf32, #tpu.memory_space<hbm>> -> memref<1001472x16xf32, #tpu.memory_space<hbm>>
    tpu.wait_indirect_dma semaphore(%arg21 : memref<!tpu.dma_semaphore, #tpu.memory_space<semaphore_mem>>) src(%dma_wait3A_896 : memref<1001472x16xf32, #tpu.memory_space<hbm>>) dst(%dma_wait3A_891 : memref<128x16xf32, #tpu.memory_space<vmem>>)
    %dma_wait3A_897 = arith.constant 640 : i32
    %dma_wait3A_898 = arith.constant 0 : i32
    %dma_wait3A_899 = tpu.memref_slice %arg13[%dma_wait3A_897, %dma_wait3A_898] : memref<2560x16xf32, #tpu.memory_space<vmem>> -> memref<128x16xf32, #tpu.memory_space<vmem>>
    %dma_wait3A_900 = arith.constant 640 : i32
    %dma_wait3A_901 = tpu.memref_slice %arg12[%dma_wait3A_900] : memref<2560xi32, #tpu.memory_space<vmem>> -> memref<128xi32, #tpu.memory_space<vmem>>
    %dma_wait3A_902 = arith.constant 0 : i32
    %dma_wait3A_903 = arith.constant 0 : i32
    %dma_wait3A_904 = tpu.memref_slice %arg2[%dma_wait3A_902, %dma_wait3A_903] : memref<1001472x16xf32, #tpu.memory_space<hbm>> -> memref<1001472x16xf32, #tpu.memory_space<hbm>>
    tpu.wait_indirect_dma semaphore(%arg21 : memref<!tpu.dma_semaphore, #tpu.memory_space<semaphore_mem>>) src(%dma_wait3A_904 : memref<1001472x16xf32, #tpu.memory_space<hbm>>) dst(%dma_wait3A_899 : memref<128x16xf32, #tpu.memory_space<vmem>>)
    %dma_wait3A_905 = arith.constant 768 : i32
    %dma_wait3A_906 = arith.constant 0 : i32
    %dma_wait3A_907 = tpu.memref_slice %arg13[%dma_wait3A_905, %dma_wait3A_906] : memref<2560x16xf32, #tpu.memory_space<vmem>> -> memref<128x16xf32, #tpu.memory_space<vmem>>
    %dma_wait3A_908 = arith.constant 768 : i32
    %dma_wait3A_909 = tpu.memref_slice %arg12[%dma_wait3A_908] : memref<2560xi32, #tpu.memory_space<vmem>> -> memref<128xi32, #tpu.memory_space<vmem>>
    %dma_wait3A_910 = arith.constant 0 : i32
    %dma_wait3A_911 = arith.constant 0 : i32
    %dma_wait3A_912 = tpu.memref_slice %arg2[%dma_wait3A_910, %dma_wait3A_911] : memref<1001472x16xf32, #tpu.memory_space<hbm>> -> memref<1001472x16xf32, #tpu.memory_space<hbm>>
    tpu.wait_indirect_dma semaphore(%arg21 : memref<!tpu.dma_semaphore, #tpu.memory_space<semaphore_mem>>) src(%dma_wait3A_912 : memref<1001472x16xf32, #tpu.memory_space<hbm>>) dst(%dma_wait3A_907 : memref<128x16xf32, #tpu.memory_space<vmem>>)
    %dma_wait3A_913 = arith.constant 896 : i32
    %dma_wait3A_914 = arith.constant 0 : i32
    %dma_wait3A_915 = tpu.memref_slice %arg13[%dma_wait3A_913, %dma_wait3A_914] : memref<2560x16xf32, #tpu.memory_space<vmem>> -> memref<128x16xf32, #tpu.memory_space<vmem>>
    %dma_wait3A_916 = arith.constant 896 : i32
    %dma_wait3A_917 = tpu.memref_slice %arg12[%dma_wait3A_916] : memref<2560xi32, #tpu.memory_space<vmem>> -> memref<128xi32, #tpu.memory_space<vmem>>
    %dma_wait3A_918 = arith.constant 0 : i32
    %dma_wait3A_919 = arith.constant 0 : i32
    %dma_wait3A_920 = tpu.memref_slice %arg2[%dma_wait3A_918, %dma_wait3A_919] : memref<1001472x16xf32, #tpu.memory_space<hbm>> -> memref<1001472x16xf32, #tpu.memory_space<hbm>>
    tpu.wait_indirect_dma semaphore(%arg21 : memref<!tpu.dma_semaphore, #tpu.memory_space<semaphore_mem>>) src(%dma_wait3A_920 : memref<1001472x16xf32, #tpu.memory_space<hbm>>) dst(%dma_wait3A_915 : memref<128x16xf32, #tpu.memory_space<vmem>>)
    %dma_wait3A_921 = arith.constant 1024 : i32
    %dma_wait3A_922 = arith.constant 0 : i32
    %dma_wait3A_923 = tpu.memref_slice %arg13[%dma_wait3A_921, %dma_wait3A_922] : memref<2560x16xf32, #tpu.memory_space<vmem>> -> memref<128x16xf32, #tpu.memory_space<vmem>>
    %dma_wait3A_924 = arith.constant 1024 : i32
    %dma_wait3A_925 = tpu.memref_slice %arg12[%dma_wait3A_924] : memref<2560xi32, #tpu.memory_space<vmem>> -> memref<128xi32, #tpu.memory_space<vmem>>
    %dma_wait3A_926 = arith.constant 0 : i32
    %dma_wait3A_927 = arith.constant 0 : i32
    %dma_wait3A_928 = tpu.memref_slice %arg2[%dma_wait3A_926, %dma_wait3A_927] : memref<1001472x16xf32, #tpu.memory_space<hbm>> -> memref<1001472x16xf32, #tpu.memory_space<hbm>>
    tpu.wait_indirect_dma semaphore(%arg21 : memref<!tpu.dma_semaphore, #tpu.memory_space<semaphore_mem>>) src(%dma_wait3A_928 : memref<1001472x16xf32, #tpu.memory_space<hbm>>) dst(%dma_wait3A_923 : memref<128x16xf32, #tpu.memory_space<vmem>>)
    %dma_wait3A_929 = arith.constant 1152 : i32
    %dma_wait3A_930 = arith.constant 0 : i32
    %dma_wait3A_931 = tpu.memref_slice %arg13[%dma_wait3A_929, %dma_wait3A_930] : memref<2560x16xf32, #tpu.memory_space<vmem>> -> memref<128x16xf32, #tpu.memory_space<vmem>>
    %dma_wait3A_932 = arith.constant 1152 : i32
    %dma_wait3A_933 = tpu.memref_slice %arg12[%dma_wait3A_932] : memref<2560xi32, #tpu.memory_space<vmem>> -> memref<128xi32, #tpu.memory_space<vmem>>
    %dma_wait3A_934 = arith.constant 0 : i32
    %dma_wait3A_935 = arith.constant 0 : i32
    %dma_wait3A_936 = tpu.memref_slice %arg2[%dma_wait3A_934, %dma_wait3A_935] : memref<1001472x16xf32, #tpu.memory_space<hbm>> -> memref<1001472x16xf32, #tpu.memory_space<hbm>>
    tpu.wait_indirect_dma semaphore(%arg21 : memref<!tpu.dma_semaphore, #tpu.memory_space<semaphore_mem>>) src(%dma_wait3A_936 : memref<1001472x16xf32, #tpu.memory_space<hbm>>) dst(%dma_wait3A_931 : memref<128x16xf32, #tpu.memory_space<vmem>>)
    %dma_wait3A_937 = arith.constant 1280 : i32
    %dma_wait3A_938 = arith.constant 0 : i32
    %dma_wait3A_939 = tpu.memref_slice %arg13[%dma_wait3A_937, %dma_wait3A_938] : memref<2560x16xf32, #tpu.memory_space<vmem>> -> memref<128x16xf32, #tpu.memory_space<vmem>>
    %dma_wait3A_940 = arith.constant 1280 : i32
    %dma_wait3A_941 = tpu.memref_slice %arg12[%dma_wait3A_940] : memref<2560xi32, #tpu.memory_space<vmem>> -> memref<128xi32, #tpu.memory_space<vmem>>
    %dma_wait3A_942 = arith.constant 0 : i32
    %dma_wait3A_943 = arith.constant 0 : i32
    %dma_wait3A_944 = tpu.memref_slice %arg2[%dma_wait3A_942, %dma_wait3A_943] : memref<1001472x16xf32, #tpu.memory_space<hbm>> -> memref<1001472x16xf32, #tpu.memory_space<hbm>>
    tpu.wait_indirect_dma semaphore(%arg21 : memref<!tpu.dma_semaphore, #tpu.memory_space<semaphore_mem>>) src(%dma_wait3A_944 : memref<1001472x16xf32, #tpu.memory_space<hbm>>) dst(%dma_wait3A_939 : memref<128x16xf32, #tpu.memory_space<vmem>>)
    %dma_wait3A_945 = arith.constant 1408 : i32
    %dma_wait3A_946 = arith.constant 0 : i32
    %dma_wait3A_947 = tpu.memref_slice %arg13[%dma_wait3A_945, %dma_wait3A_946] : memref<2560x16xf32, #tpu.memory_space<vmem>> -> memref<128x16xf32, #tpu.memory_space<vmem>>
    %dma_wait3A_948 = arith.constant 1408 : i32
    %dma_wait3A_949 = tpu.memref_slice %arg12[%dma_wait3A_948] : memref<2560xi32, #tpu.memory_space<vmem>> -> memref<128xi32, #tpu.memory_space<vmem>>
    %dma_wait3A_950 = arith.constant 0 : i32
    %dma_wait3A_951 = arith.constant 0 : i32
    %dma_wait3A_952 = tpu.memref_slice %arg2[%dma_wait3A_950, %dma_wait3A_951] : memref<1001472x16xf32, #tpu.memory_space<hbm>> -> memref<1001472x16xf32, #tpu.memory_space<hbm>>
    tpu.wait_indirect_dma semaphore(%arg21 : memref<!tpu.dma_semaphore, #tpu.memory_space<semaphore_mem>>) src(%dma_wait3A_952 : memref<1001472x16xf32, #tpu.memory_space<hbm>>) dst(%dma_wait3A_947 : memref<128x16xf32, #tpu.memory_space<vmem>>)
    %dma_wait3A_953 = arith.constant 1536 : i32
    %dma_wait3A_954 = arith.constant 0 : i32
    %dma_wait3A_955 = tpu.memref_slice %arg13[%dma_wait3A_953, %dma_wait3A_954] : memref<2560x16xf32, #tpu.memory_space<vmem>> -> memref<128x16xf32, #tpu.memory_space<vmem>>
    %dma_wait3A_956 = arith.constant 1536 : i32
    %dma_wait3A_957 = tpu.memref_slice %arg12[%dma_wait3A_956] : memref<2560xi32, #tpu.memory_space<vmem>> -> memref<128xi32, #tpu.memory_space<vmem>>
    %dma_wait3A_958 = arith.constant 0 : i32
    %dma_wait3A_959 = arith.constant 0 : i32
    %dma_wait3A_960 = tpu.memref_slice %arg2[%dma_wait3A_958, %dma_wait3A_959] : memref<1001472x16xf32, #tpu.memory_space<hbm>> -> memref<1001472x16xf32, #tpu.memory_space<hbm>>
    tpu.wait_indirect_dma semaphore(%arg21 : memref<!tpu.dma_semaphore, #tpu.memory_space<semaphore_mem>>) src(%dma_wait3A_960 : memref<1001472x16xf32, #tpu.memory_space<hbm>>) dst(%dma_wait3A_955 : memref<128x16xf32, #tpu.memory_space<vmem>>)
    %dma_wait3A_961 = arith.constant 1664 : i32
    %dma_wait3A_962 = arith.constant 0 : i32
    %dma_wait3A_963 = tpu.memref_slice %arg13[%dma_wait3A_961, %dma_wait3A_962] : memref<2560x16xf32, #tpu.memory_space<vmem>> -> memref<128x16xf32, #tpu.memory_space<vmem>>
    %dma_wait3A_964 = arith.constant 1664 : i32
    %dma_wait3A_965 = tpu.memref_slice %arg12[%dma_wait3A_964] : memref<2560xi32, #tpu.memory_space<vmem>> -> memref<128xi32, #tpu.memory_space<vmem>>
    %dma_wait3A_966 = arith.constant 0 : i32
    %dma_wait3A_967 = arith.constant 0 : i32
    %dma_wait3A_968 = tpu.memref_slice %arg2[%dma_wait3A_966, %dma_wait3A_967] : memref<1001472x16xf32, #tpu.memory_space<hbm>> -> memref<1001472x16xf32, #tpu.memory_space<hbm>>
    tpu.wait_indirect_dma semaphore(%arg21 : memref<!tpu.dma_semaphore, #tpu.memory_space<semaphore_mem>>) src(%dma_wait3A_968 : memref<1001472x16xf32, #tpu.memory_space<hbm>>) dst(%dma_wait3A_963 : memref<128x16xf32, #tpu.memory_space<vmem>>)
    %dma_wait3A_969 = arith.constant 1792 : i32
    %dma_wait3A_970 = arith.constant 0 : i32
    %dma_wait3A_971 = tpu.memref_slice %arg13[%dma_wait3A_969, %dma_wait3A_970] : memref<2560x16xf32, #tpu.memory_space<vmem>> -> memref<128x16xf32, #tpu.memory_space<vmem>>
    %dma_wait3A_972 = arith.constant 1792 : i32
    %dma_wait3A_973 = tpu.memref_slice %arg12[%dma_wait3A_972] : memref<2560xi32, #tpu.memory_space<vmem>> -> memref<128xi32, #tpu.memory_space<vmem>>
    %dma_wait3A_974 = arith.constant 0 : i32
    %dma_wait3A_975 = arith.constant 0 : i32
    %dma_wait3A_976 = tpu.memref_slice %arg2[%dma_wait3A_974, %dma_wait3A_975] : memref<1001472x16xf32, #tpu.memory_space<hbm>> -> memref<1001472x16xf32, #tpu.memory_space<hbm>>
    tpu.wait_indirect_dma semaphore(%arg21 : memref<!tpu.dma_semaphore, #tpu.memory_space<semaphore_mem>>) src(%dma_wait3A_976 : memref<1001472x16xf32, #tpu.memory_space<hbm>>) dst(%dma_wait3A_971 : memref<128x16xf32, #tpu.memory_space<vmem>>)
    %dma_wait3A_977 = arith.constant 1920 : i32
    %dma_wait3A_978 = arith.constant 0 : i32
    %dma_wait3A_979 = tpu.memref_slice %arg13[%dma_wait3A_977, %dma_wait3A_978] : memref<2560x16xf32, #tpu.memory_space<vmem>> -> memref<128x16xf32, #tpu.memory_space<vmem>>
    %dma_wait3A_980 = arith.constant 1920 : i32
    %dma_wait3A_981 = tpu.memref_slice %arg12[%dma_wait3A_980] : memref<2560xi32, #tpu.memory_space<vmem>> -> memref<128xi32, #tpu.memory_space<vmem>>
    %dma_wait3A_982 = arith.constant 0 : i32
    %dma_wait3A_983 = arith.constant 0 : i32
    %dma_wait3A_984 = tpu.memref_slice %arg2[%dma_wait3A_982, %dma_wait3A_983] : memref<1001472x16xf32, #tpu.memory_space<hbm>> -> memref<1001472x16xf32, #tpu.memory_space<hbm>>
    tpu.wait_indirect_dma semaphore(%arg21 : memref<!tpu.dma_semaphore, #tpu.memory_space<semaphore_mem>>) src(%dma_wait3A_984 : memref<1001472x16xf32, #tpu.memory_space<hbm>>) dst(%dma_wait3A_979 : memref<128x16xf32, #tpu.memory_space<vmem>>)
    %dma_wait3A_985 = arith.constant 2048 : i32
    %dma_wait3A_986 = arith.constant 0 : i32
    %dma_wait3A_987 = tpu.memref_slice %arg13[%dma_wait3A_985, %dma_wait3A_986] : memref<2560x16xf32, #tpu.memory_space<vmem>> -> memref<128x16xf32, #tpu.memory_space<vmem>>
    %dma_wait3A_988 = arith.constant 2048 : i32
    %dma_wait3A_989 = tpu.memref_slice %arg12[%dma_wait3A_988] : memref<2560xi32, #tpu.memory_space<vmem>> -> memref<128xi32, #tpu.memory_space<vmem>>
    %dma_wait3A_990 = arith.constant 0 : i32
    %dma_wait3A_991 = arith.constant 0 : i32
    %dma_wait3A_992 = tpu.memref_slice %arg2[%dma_wait3A_990, %dma_wait3A_991] : memref<1001472x16xf32, #tpu.memory_space<hbm>> -> memref<1001472x16xf32, #tpu.memory_space<hbm>>
    tpu.wait_indirect_dma semaphore(%arg21 : memref<!tpu.dma_semaphore, #tpu.memory_space<semaphore_mem>>) src(%dma_wait3A_992 : memref<1001472x16xf32, #tpu.memory_space<hbm>>) dst(%dma_wait3A_987 : memref<128x16xf32, #tpu.memory_space<vmem>>)
    %dma_wait3A_993 = arith.constant 2176 : i32
    %dma_wait3A_994 = arith.constant 0 : i32
    %dma_wait3A_995 = tpu.memref_slice %arg13[%dma_wait3A_993, %dma_wait3A_994] : memref<2560x16xf32, #tpu.memory_space<vmem>> -> memref<128x16xf32, #tpu.memory_space<vmem>>
    %dma_wait3A_996 = arith.constant 2176 : i32
    %dma_wait3A_997 = tpu.memref_slice %arg12[%dma_wait3A_996] : memref<2560xi32, #tpu.memory_space<vmem>> -> memref<128xi32, #tpu.memory_space<vmem>>
    %dma_wait3A_998 = arith.constant 0 : i32
    %dma_wait3A_999 = arith.constant 0 : i32
    %dma_wait3A_1000 = tpu.memref_slice %arg2[%dma_wait3A_998, %dma_wait3A_999] : memref<1001472x16xf32, #tpu.memory_space<hbm>> -> memref<1001472x16xf32, #tpu.memory_space<hbm>>
    tpu.wait_indirect_dma semaphore(%arg21 : memref<!tpu.dma_semaphore, #tpu.memory_space<semaphore_mem>>) src(%dma_wait3A_1000 : memref<1001472x16xf32, #tpu.memory_space<hbm>>) dst(%dma_wait3A_995 : memref<128x16xf32, #tpu.memory_space<vmem>>)
    %dma_wait3A_1001 = arith.constant 2304 : i32
    %dma_wait3A_1002 = arith.constant 0 : i32
    %dma_wait3A_1003 = tpu.memref_slice %arg13[%dma_wait3A_1001, %dma_wait3A_1002] : memref<2560x16xf32, #tpu.memory_space<vmem>> -> memref<128x16xf32, #tpu.memory_space<vmem>>
    %dma_wait3A_1004 = arith.constant 2304 : i32
    %dma_wait3A_1005 = tpu.memref_slice %arg12[%dma_wait3A_1004] : memref<2560xi32, #tpu.memory_space<vmem>> -> memref<128xi32, #tpu.memory_space<vmem>>
    %dma_wait3A_1006 = arith.constant 0 : i32
    %dma_wait3A_1007 = arith.constant 0 : i32
    %dma_wait3A_1008 = tpu.memref_slice %arg2[%dma_wait3A_1006, %dma_wait3A_1007] : memref<1001472x16xf32, #tpu.memory_space<hbm>> -> memref<1001472x16xf32, #tpu.memory_space<hbm>>
    tpu.wait_indirect_dma semaphore(%arg21 : memref<!tpu.dma_semaphore, #tpu.memory_space<semaphore_mem>>) src(%dma_wait3A_1008 : memref<1001472x16xf32, #tpu.memory_space<hbm>>) dst(%dma_wait3A_1003 : memref<128x16xf32, #tpu.memory_space<vmem>>)
    %dma_wait3A_1009 = arith.constant 2432 : i32
    %dma_wait3A_1010 = arith.constant 0 : i32
    %dma_wait3A_1011 = tpu.memref_slice %arg13[%dma_wait3A_1009, %dma_wait3A_1010] : memref<2560x16xf32, #tpu.memory_space<vmem>> -> memref<128x16xf32, #tpu.memory_space<vmem>>
    %dma_wait3A_1012 = arith.constant 2432 : i32
    %dma_wait3A_1013 = tpu.memref_slice %arg12[%dma_wait3A_1012] : memref<2560xi32, #tpu.memory_space<vmem>> -> memref<128xi32, #tpu.memory_space<vmem>>
    %dma_wait3A_1014 = arith.constant 0 : i32
    %dma_wait3A_1015 = arith.constant 0 : i32
    %dma_wait3A_1016 = tpu.memref_slice %arg2[%dma_wait3A_1014, %dma_wait3A_1015] : memref<1001472x16xf32, #tpu.memory_space<hbm>> -> memref<1001472x16xf32, #tpu.memory_space<hbm>>
    tpu.wait_indirect_dma semaphore(%arg21 : memref<!tpu.dma_semaphore, #tpu.memory_space<semaphore_mem>>) src(%dma_wait3A_1016 : memref<1001472x16xf32, #tpu.memory_space<hbm>>) dst(%dma_wait3A_1011 : memref<128x16xf32, #tpu.memory_space<vmem>>)
    %scan3A_1017 = arith.constant 0 : i32
    %scan3A_1018 = arith.constant 8 : i32
    %scan3A_1019 = arith.addi %scan3A_1017, %scan3A_1018 : i32
    %scan3A_1020 = arith.constant 1 : i32
    %scan3A_1021 = scf.for %scan3A_1370 = %scan3A_1017 to %scan3A_1019 step %scan3A_1020 iter_args(%scan3A_1371 = %scan3A_679) -> (vector<16xi32>)  : i32 {
      %mul3A_1372 = arith.constant 16 : i32
      %mul3A_1373 = arith.muli %scan3A_1370, %mul3A_1372 : i32
      %add3A_1374 = vector.broadcast %mul3A_1373 : i32 to vector<16xi32>
      %add3A_1375 = arith.addi %add3A_1374, %iota3A : vector<16xi32>
      %mul3A_1376 = arith.constant 16 : i32
      %mul3A_1377 = vector.broadcast %mul3A_1376 : i32 to vector<16xi32>
      %mul3A_1378 = arith.muli %add3A_1375, %mul3A_1377 : vector<16xi32>
      %add3A_1379 = arith.constant 0 : i32
      %add3A_1380 = vector.broadcast %add3A_1379 : i32 to vector<16xi32>
      %add3A_1381 = arith.addi %mul3A_1378, %add3A_1380 : vector<16xi32>
      %gather3A = tpu.vector_load_idx %arg15[%add3A_1381] : memref<2048xf32, #tpu.memory_space<vmem>>[vector<16xi32>], vector<16xf32>,
      %mul3A_1382 = arith.constant 16 : i32
      %mul3A_1383 = vector.broadcast %mul3A_1382 : i32 to vector<16xi32>
      %mul3A_1384 = arith.muli %add3A_1375, %mul3A_1383 : vector<16xi32>
      %add3A_1385 = arith.constant 1 : i32
      %add3A_1386 = vector.broadcast %add3A_1385 : i32 to vector<16xi32>
      %add3A_1387 = arith.addi %mul3A_1384, %add3A_1386 : vector<16xi32>
      %gather3A_1388 = tpu.vector_load_idx %arg15[%add3A_1387] : memref<2048xf32, #tpu.memory_space<vmem>>[vector<16xi32>], vector<16xf32>,
      %mul3A_1389 = arith.constant 16 : i32
      %mul3A_1390 = vector.broadcast %mul3A_1389 : i32 to vector<16xi32>
      %mul3A_1391 = arith.muli %add3A_1375, %mul3A_1390 : vector<16xi32>
      %add3A_1392 = arith.constant 2 : i32
      %add3A_1393 = vector.broadcast %add3A_1392 : i32 to vector<16xi32>
      %add3A_1394 = arith.addi %mul3A_1391, %add3A_1393 : vector<16xi32>
      %gather3A_1395 = tpu.vector_load_idx %arg15[%add3A_1394] : memref<2048xf32, #tpu.memory_space<vmem>>[vector<16xi32>], vector<16xf32>,
      %mul3A_1396 = arith.constant 16 : i32
      %mul3A_1397 = vector.broadcast %mul3A_1396 : i32 to vector<16xi32>
      %mul3A_1398 = arith.muli %add3A_1375, %mul3A_1397 : vector<16xi32>
      %add3A_1399 = arith.constant 3 : i32
      %add3A_1400 = vector.broadcast %add3A_1399 : i32 to vector<16xi32>
      %add3A_1401 = arith.addi %mul3A_1398, %add3A_1400 : vector<16xi32>
      %gather3A_1402 = tpu.vector_load_idx %arg15[%add3A_1401] : memref<2048xf32, #tpu.memory_space<vmem>>[vector<16xi32>], vector<16xf32>,
      %mul3A_1403 = arith.constant 16 : i32
      %mul3A_1404 = vector.broadcast %mul3A_1403 : i32 to vector<16xi32>
      %mul3A_1405 = arith.muli %add3A_1375, %mul3A_1404 : vector<16xi32>
      %add3A_1406 = arith.constant 4 : i32
      %add3A_1407 = vector.broadcast %add3A_1406 : i32 to vector<16xi32>
      %add3A_1408 = arith.addi %mul3A_1405, %add3A_1407 : vector<16xi32>
      %gather3A_1409 = tpu.vector_load_idx %arg15[%add3A_1408] : memref<2048xf32, #tpu.memory_space<vmem>>[vector<16xi32>], vector<16xf32>,
      %mul3A_1410 = arith.constant 16 : i32
      %mul3A_1411 = vector.broadcast %mul3A_1410 : i32 to vector<16xi32>
      %mul3A_1412 = arith.muli %add3A_1375, %mul3A_1411 : vector<16xi32>
      %add3A_1413 = arith.constant 5 : i32
      %add3A_1414 = vector.broadcast %add3A_1413 : i32 to vector<16xi32>
      %add3A_1415 = arith.addi %mul3A_1412, %add3A_1414 : vector<16xi32>
      %gather3A_1416 = tpu.vector_load_idx %arg15[%add3A_1415] : memref<2048xf32, #tpu.memory_space<vmem>>[vector<16xi32>], vector<16xf32>,
      %mul3A_1417 = arith.constant 16 : i32
      %mul3A_1418 = vector.broadcast %mul3A_1417 : i32 to vector<16xi32>
      %mul3A_1419 = arith.muli %add3A_1375, %mul3A_1418 : vector<16xi32>
      %add3A_1420 = arith.constant 6 : i32
      %add3A_1421 = vector.broadcast %add3A_1420 : i32 to vector<16xi32>
      %add3A_1422 = arith.addi %mul3A_1419, %add3A_1421 : vector<16xi32>
      %gather3A_1423 = tpu.vector_load_idx %arg15[%add3A_1422] : memref<2048xf32, #tpu.memory_space<vmem>>[vector<16xi32>], vector<16xf32>,
      %mul3A_1424 = arith.constant 16 : i32
      %mul3A_1425 = vector.broadcast %mul3A_1424 : i32 to vector<16xi32>
      %mul3A_1426 = arith.muli %add3A_1375, %mul3A_1425 : vector<16xi32>
      %add3A_1427 = arith.constant 7 : i32
      %add3A_1428 = vector.broadcast %add3A_1427 : i32 to vector<16xi32>
      %add3A_1429 = arith.addi %mul3A_1426, %add3A_1428 : vector<16xi32>
      %gather3A_1430 = tpu.vector_load_idx %arg15[%add3A_1429] : memref<2048xf32, #tpu.memory_space<vmem>>[vector<16xi32>], vector<16xf32>,
      %mul3A_1431 = arith.constant 16 : i32
      %mul3A_1432 = vector.broadcast %mul3A_1431 : i32 to vector<16xi32>
      %mul3A_1433 = arith.muli %add3A_1375, %mul3A_1432 : vector<16xi32>
      %add3A_1434 = arith.constant 8 : i32
      %add3A_1435 = vector.broadcast %add3A_1434 : i32 to vector<16xi32>
      %add3A_1436 = arith.addi %mul3A_1433, %add3A_1435 : vector<16xi32>
      %gather3A_1437 = tpu.vector_load_idx %arg15[%add3A_1436] : memref<2048xf32, #tpu.memory_space<vmem>>[vector<16xi32>], vector<16xf32>,
      %mul3A_1438 = arith.constant 16 : i32
      %mul3A_1439 = vector.broadcast %mul3A_1438 : i32 to vector<16xi32>
      %mul3A_1440 = arith.muli %add3A_1375, %mul3A_1439 : vector<16xi32>
      %add3A_1441 = arith.constant 9 : i32
      %add3A_1442 = vector.broadcast %add3A_1441 : i32 to vector<16xi32>
      %add3A_1443 = arith.addi %mul3A_1440, %add3A_1442 : vector<16xi32>
      %gather3A_1444 = tpu.vector_load_idx %arg15[%add3A_1443] : memref<2048xf32, #tpu.memory_space<vmem>>[vector<16xi32>], vector<16xf32>,
      %mul3A_1445 = arith.constant 16 : i32
      %mul3A_1446 = vector.broadcast %mul3A_1445 : i32 to vector<16xi32>
      %mul3A_1447 = arith.muli %add3A_1375, %mul3A_1446 : vector<16xi32>
      %add3A_1448 = arith.constant 10 : i32
      %add3A_1449 = vector.broadcast %add3A_1448 : i32 to vector<16xi32>
      %add3A_1450 = arith.addi %mul3A_1447, %add3A_1449 : vector<16xi32>
      %gather3A_1451 = tpu.vector_load_idx %arg15[%add3A_1450] : memref<2048xf32, #tpu.memory_space<vmem>>[vector<16xi32>], vector<16xf32>,
      %mul3A_1452 = arith.constant 16 : i32
      %mul3A_1453 = vector.broadcast %mul3A_1452 : i32 to vector<16xi32>
      %mul3A_1454 = arith.muli %add3A_1375, %mul3A_1453 : vector<16xi32>
      %add3A_1455 = arith.constant 11 : i32
      %add3A_1456 = vector.broadcast %add3A_1455 : i32 to vector<16xi32>
      %add3A_1457 = arith.addi %mul3A_1454, %add3A_1456 : vector<16xi32>
      %gather3A_1458 = tpu.vector_load_idx %arg15[%add3A_1457] : memref<2048xf32, #tpu.memory_space<vmem>>[vector<16xi32>], vector<16xf32>,
      %mul3A_1459 = arith.constant 16 : i32
      %mul3A_1460 = vector.broadcast %mul3A_1459 : i32 to vector<16xi32>
      %mul3A_1461 = arith.muli %add3A_1375, %mul3A_1460 : vector<16xi32>
      %add3A_1462 = arith.constant 12 : i32
      %add3A_1463 = vector.broadcast %add3A_1462 : i32 to vector<16xi32>
      %add3A_1464 = arith.addi %mul3A_1461, %add3A_1463 : vector<16xi32>
      %gather3A_1465 = tpu.vector_load_idx %arg15[%add3A_1464] : memref<2048xf32, #tpu.memory_space<vmem>>[vector<16xi32>], vector<16xf32>,
      %mul3A_1466 = arith.constant 16 : i32
      %mul3A_1467 = vector.broadcast %mul3A_1466 : i32 to vector<16xi32>
      %mul3A_1468 = arith.muli %add3A_1375, %mul3A_1467 : vector<16xi32>
      %add3A_1469 = arith.constant 13 : i32
      %add3A_1470 = vector.broadcast %add3A_1469 : i32 to vector<16xi32>
      %add3A_1471 = arith.addi %mul3A_1468, %add3A_1470 : vector<16xi32>
      %gather3A_1472 = tpu.vector_load_idx %arg15[%add3A_1471] : memref<2048xf32, #tpu.memory_space<vmem>>[vector<16xi32>], vector<16xf32>,
      %mul3A_1473 = arith.constant 16 : i32
      %mul3A_1474 = vector.broadcast %mul3A_1473 : i32 to vector<16xi32>
      %mul3A_1475 = arith.muli %add3A_1375, %mul3A_1474 : vector<16xi32>
      %add3A_1476 = arith.constant 14 : i32
      %add3A_1477 = vector.broadcast %add3A_1476 : i32 to vector<16xi32>
      %add3A_1478 = arith.addi %mul3A_1475, %add3A_1477 : vector<16xi32>
      %gather3A_1479 = tpu.vector_load_idx %arg15[%add3A_1478] : memref<2048xf32, #tpu.memory_space<vmem>>[vector<16xi32>], vector<16xf32>,
      %mul3A_1480 = arith.constant 16 : i32
      %mul3A_1481 = vector.broadcast %mul3A_1480 : i32 to vector<16xi32>
      %mul3A_1482 = arith.muli %add3A_1375, %mul3A_1481 : vector<16xi32>
      %add3A_1483 = arith.constant 15 : i32
      %add3A_1484 = vector.broadcast %add3A_1483 : i32 to vector<16xi32>
      %add3A_1485 = arith.addi %mul3A_1482, %add3A_1484 : vector<16xi32>
      %gather3A_1486 = tpu.vector_load_idx %arg15[%add3A_1485] : memref<2048xf32, #tpu.memory_space<vmem>>[vector<16xi32>], vector<16xf32>,
      %broadcast_in_dim3A_1487 = arith.constant 0xFF800000 : f32
      %broadcast_in_dim3A_1488 = vector.broadcast %broadcast_in_dim3A_1487 : f32 to vector<16xf32>
      %broadcast_in_dim3A_1489 = arith.constant 0 : i32
      %broadcast_in_dim3A_1490 = vector.broadcast %broadcast_in_dim3A_1489 : i32 to vector<16xi32>
      %scan3A_1491 = arith.constant 0 : i32
      %scan3A_1492 = arith.constant 20 : i32
      %scan3A_1493 = arith.addi %scan3A_1491, %scan3A_1492 : i32
      %scan3A_1494 = arith.constant 1 : i32
      %scan3A_1495:2 = scf.for %scan3A_1721 = %scan3A_1491 to %scan3A_1493 step %scan3A_1494 iter_args(%scan3A_1722 = %broadcast_in_dim3A_1488, %scan3A_1723 = %broadcast_in_dim3A_1490) -> (vector<16xf32>, vector<16xi32>)  : i32 {
        %mul3A_1724 = arith.constant 20 : i32
        %mul3A_1725 = vector.broadcast %mul3A_1724 : i32 to vector<16xi32>
        %mul3A_1726 = arith.muli %add3A_1375, %mul3A_1725 : vector<16xi32>
        %add3A_1727 = vector.broadcast %scan3A_1721 : i32 to vector<16xi32>
        %add3A_1728 = arith.addi %mul3A_1726, %add3A_1727 : vector<16xi32>
        %mul3A_1729 = arith.constant 16 : i32
        %mul3A_1730 = vector.broadcast %mul3A_1729 : i32 to vector<16xi32>
        %mul3A_1731 = arith.muli %add3A_1728, %mul3A_1730 : vector<16xi32>
        %broadcast_in_dim3A_1732 = arith.constant 0 : i32
        %broadcast_in_dim3A_1733 = vector.broadcast %broadcast_in_dim3A_1732 : i32 to vector<16xi32>
        %gather3A_1734 = tpu.vector_load_idx %arg13[%add3A_1728, %broadcast_in_dim3A_1733] : memref<2560x16xf32, #tpu.memory_space<vmem>>[vector<16xi32>, vector<16xi32>], vector<16xf32>,
        %mul3A_1735 = arith.mulf %gather3A, %gather3A_1734 : vector<16xf32>
        %broadcast_in_dim3A_1736 = arith.constant 1 : i32
        %broadcast_in_dim3A_1737 = vector.broadcast %broadcast_in_dim3A_1736 : i32 to vector<16xi32>
        %gather3A_1738 = tpu.vector_load_idx %arg13[%add3A_1728, %broadcast_in_dim3A_1737] : memref<2560x16xf32, #tpu.memory_space<vmem>>[vector<16xi32>, vector<16xi32>], vector<16xf32>,
        %mul3A_1739 = arith.mulf %gather3A_1388, %gather3A_1738 : vector<16xf32>
        %add3A_1740 = arith.addf %mul3A_1735, %mul3A_1739 : vector<16xf32>
        %broadcast_in_dim3A_1741 = arith.constant 2 : i32
        %broadcast_in_dim3A_1742 = vector.broadcast %broadcast_in_dim3A_1741 : i32 to vector<16xi32>
        %gather3A_1743 = tpu.vector_load_idx %arg13[%add3A_1728, %broadcast_in_dim3A_1742] : memref<2560x16xf32, #tpu.memory_space<vmem>>[vector<16xi32>, vector<16xi32>], vector<16xf32>,
        %mul3A_1744 = arith.mulf %gather3A_1395, %gather3A_1743 : vector<16xf32>
        %add3A_1745 = arith.addf %add3A_1740, %mul3A_1744 : vector<16xf32>
        %broadcast_in_dim3A_1746 = arith.constant 3 : i32
        %broadcast_in_dim3A_1747 = vector.broadcast %broadcast_in_dim3A_1746 : i32 to vector<16xi32>
        %gather3A_1748 = tpu.vector_load_idx %arg13[%add3A_1728, %broadcast_in_dim3A_1747] : memref<2560x16xf32, #tpu.memory_space<vmem>>[vector<16xi32>, vector<16xi32>], vector<16xf32>,
        %mul3A_1749 = arith.mulf %gather3A_1402, %gather3A_1748 : vector<16xf32>
        %add3A_1750 = arith.addf %add3A_1745, %mul3A_1749 : vector<16xf32>
        %broadcast_in_dim3A_1751 = arith.constant 4 : i32
        %broadcast_in_dim3A_1752 = vector.broadcast %broadcast_in_dim3A_1751 : i32 to vector<16xi32>
        %gather3A_1753 = tpu.vector_load_idx %arg13[%add3A_1728, %broadcast_in_dim3A_1752] : memref<2560x16xf32, #tpu.memory_space<vmem>>[vector<16xi32>, vector<16xi32>], vector<16xf32>,
        %mul3A_1754 = arith.mulf %gather3A_1409, %gather3A_1753 : vector<16xf32>
        %add3A_1755 = arith.addf %add3A_1750, %mul3A_1754 : vector<16xf32>
        %broadcast_in_dim3A_1756 = arith.constant 5 : i32
        %broadcast_in_dim3A_1757 = vector.broadcast %broadcast_in_dim3A_1756 : i32 to vector<16xi32>
        %gather3A_1758 = tpu.vector_load_idx %arg13[%add3A_1728, %broadcast_in_dim3A_1757] : memref<2560x16xf32, #tpu.memory_space<vmem>>[vector<16xi32>, vector<16xi32>], vector<16xf32>,
        %mul3A_1759 = arith.mulf %gather3A_1416, %gather3A_1758 : vector<16xf32>
        %add3A_1760 = arith.addf %add3A_1755, %mul3A_1759 : vector<16xf32>
        %broadcast_in_dim3A_1761 = arith.constant 6 : i32
        %broadcast_in_dim3A_1762 = vector.broadcast %broadcast_in_dim3A_1761 : i32 to vector<16xi32>
        %gather3A_1763 = tpu.vector_load_idx %arg13[%add3A_1728, %broadcast_in_dim3A_1762] : memref<2560x16xf32, #tpu.memory_space<vmem>>[vector<16xi32>, vector<16xi32>], vector<16xf32>,
        %mul3A_1764 = arith.mulf %gather3A_1423, %gather3A_1763 : vector<16xf32>
        %add3A_1765 = arith.addf %add3A_1760, %mul3A_1764 : vector<16xf32>
        %broadcast_in_dim3A_1766 = arith.constant 7 : i32
        %broadcast_in_dim3A_1767 = vector.broadcast %broadcast_in_dim3A_1766 : i32 to vector<16xi32>
        %gather3A_1768 = tpu.vector_load_idx %arg13[%add3A_1728, %broadcast_in_dim3A_1767] : memref<2560x16xf32, #tpu.memory_space<vmem>>[vector<16xi32>, vector<16xi32>], vector<16xf32>,
        %mul3A_1769 = arith.mulf %gather3A_1430, %gather3A_1768 : vector<16xf32>
        %add3A_1770 = arith.addf %add3A_1765, %mul3A_1769 : vector<16xf32>
        %broadcast_in_dim3A_1771 = arith.constant 8 : i32
        %broadcast_in_dim3A_1772 = vector.broadcast %broadcast_in_dim3A_1771 : i32 to vector<16xi32>
        %gather3A_1773 = tpu.vector_load_idx %arg13[%add3A_1728, %broadcast_in_dim3A_1772] : memref<2560x16xf32, #tpu.memory_space<vmem>>[vector<16xi32>, vector<16xi32>], vector<16xf32>,
        %mul3A_1774 = arith.mulf %gather3A_1437, %gather3A_1773 : vector<16xf32>
        %add3A_1775 = arith.addf %add3A_1770, %mul3A_1774 : vector<16xf32>
        %broadcast_in_dim3A_1776 = arith.constant 9 : i32
        %broadcast_in_dim3A_1777 = vector.broadcast %broadcast_in_dim3A_1776 : i32 to vector<16xi32>
        %gather3A_1778 = tpu.vector_load_idx %arg13[%add3A_1728, %broadcast_in_dim3A_1777] : memref<2560x16xf32, #tpu.memory_space<vmem>>[vector<16xi32>, vector<16xi32>], vector<16xf32>,
        %mul3A_1779 = arith.mulf %gather3A_1444, %gather3A_1778 : vector<16xf32>
        %add3A_1780 = arith.addf %add3A_1775, %mul3A_1779 : vector<16xf32>
        %broadcast_in_dim3A_1781 = arith.constant 10 : i32
        %broadcast_in_dim3A_1782 = vector.broadcast %broadcast_in_dim3A_1781 : i32 to vector<16xi32>
        %gather3A_1783 = tpu.vector_load_idx %arg13[%add3A_1728, %broadcast_in_dim3A_1782] : memref<2560x16xf32, #tpu.memory_space<vmem>>[vector<16xi32>, vector<16xi32>], vector<16xf32>,
        %mul3A_1784 = arith.mulf %gather3A_1451, %gather3A_1783 : vector<16xf32>
        %add3A_1785 = arith.addf %add3A_1780, %mul3A_1784 : vector<16xf32>
        %broadcast_in_dim3A_1786 = arith.constant 11 : i32
        %broadcast_in_dim3A_1787 = vector.broadcast %broadcast_in_dim3A_1786 : i32 to vector<16xi32>
        %gather3A_1788 = tpu.vector_load_idx %arg13[%add3A_1728, %broadcast_in_dim3A_1787] : memref<2560x16xf32, #tpu.memory_space<vmem>>[vector<16xi32>, vector<16xi32>], vector<16xf32>,
        %mul3A_1789 = arith.mulf %gather3A_1458, %gather3A_1788 : vector<16xf32>
        %add3A_1790 = arith.addf %add3A_1785, %mul3A_1789 : vector<16xf32>
        %broadcast_in_dim3A_1791 = arith.constant 12 : i32
        %broadcast_in_dim3A_1792 = vector.broadcast %broadcast_in_dim3A_1791 : i32 to vector<16xi32>
        %gather3A_1793 = tpu.vector_load_idx %arg13[%add3A_1728, %broadcast_in_dim3A_1792] : memref<2560x16xf32, #tpu.memory_space<vmem>>[vector<16xi32>, vector<16xi32>], vector<16xf32>,
        %mul3A_1794 = arith.mulf %gather3A_1465, %gather3A_1793 : vector<16xf32>
        %add3A_1795 = arith.addf %add3A_1790, %mul3A_1794 : vector<16xf32>
        %broadcast_in_dim3A_1796 = arith.constant 13 : i32
        %broadcast_in_dim3A_1797 = vector.broadcast %broadcast_in_dim3A_1796 : i32 to vector<16xi32>
        %gather3A_1798 = tpu.vector_load_idx %arg13[%add3A_1728, %broadcast_in_dim3A_1797] : memref<2560x16xf32, #tpu.memory_space<vmem>>[vector<16xi32>, vector<16xi32>], vector<16xf32>,
        %mul3A_1799 = arith.mulf %gather3A_1472, %gather3A_1798 : vector<16xf32>
        %add3A_1800 = arith.addf %add3A_1795, %mul3A_1799 : vector<16xf32>
        %broadcast_in_dim3A_1801 = arith.constant 14 : i32
        %broadcast_in_dim3A_1802 = vector.broadcast %broadcast_in_dim3A_1801 : i32 to vector<16xi32>
        %gather3A_1803 = tpu.vector_load_idx %arg13[%add3A_1728, %broadcast_in_dim3A_1802] : memref<2560x16xf32, #tpu.memory_space<vmem>>[vector<16xi32>, vector<16xi32>], vector<16xf32>,
        %mul3A_1804 = arith.mulf %gather3A_1479, %gather3A_1803 : vector<16xf32>
        %add3A_1805 = arith.addf %add3A_1800, %mul3A_1804 : vector<16xf32>
        %broadcast_in_dim3A_1806 = arith.constant 15 : i32
        %broadcast_in_dim3A_1807 = vector.broadcast %broadcast_in_dim3A_1806 : i32 to vector<16xi32>
        %gather3A_1808 = tpu.vector_load_idx %arg13[%add3A_1728, %broadcast_in_dim3A_1807] : memref<2560x16xf32, #tpu.memory_space<vmem>>[vector<16xi32>, vector<16xi32>], vector<16xf32>,
        %mul3A_1809 = arith.mulf %gather3A_1486, %gather3A_1808 : vector<16xf32>
        %add3A_1810 = arith.addf %add3A_1805, %mul3A_1809 : vector<16xf32>
        tpu.vector_store_idx %arg16[%add3A_1728], %add3A_1810 : memref<2560xf32, #tpu.memory_space<vmem>>[vector<16xi32>], vector<16xf32>,
        %gather3A_1811 = tpu.vector_load_idx %arg14[%add3A_1728] : memref<2560xf32, #tpu.memory_space<vmem>>[vector<16xi32>], vector<16xf32>,
        %add3A_1812 = arith.addf %add3A_1810, %gather3A_1811 : vector<16xf32>
        %gt3A_1813 = arith.cmpf ogt, %add3A_1812, %scan3A_1722 : vector<16xf32>
        %select_n3A = arith.select %gt3A_1813, %add3A_1812, %scan3A_1722 : vector<16xi1>, vector<16xf32>
        %broadcast_in_dim3A_1814 = vector.broadcast %scan3A_1721 : i32 to vector<16xi32>
        %select_n3A_1815 = arith.select %gt3A_1813, %broadcast_in_dim3A_1814, %scan3A_1723 : vector<16xi1>, vector<16xi32>
        scf.yield %select_n3A, %select_n3A_1815 : vector<16xf32>, vector<16xi32>
      }
      %scan3A_1496 = arith.constant 20 : i32
      %mul3A_1497 = arith.constant 20 : i32
      %mul3A_1498 = vector.broadcast %mul3A_1497 : i32 to vector<16xi32>
      %mul3A_1499 = arith.muli %add3A_1375, %mul3A_1498 : vector<16xi32>
      %add3A_1500 = arith.addi %mul3A_1499, %scan3A_1495#1 : vector<16xi32>
      %gather3A_1501 = tpu.vector_load_idx %arg11[%add3A_1500] : memref<2560xi32, #tpu.memory_space<vmem>>[vector<16xi32>], vector<16xi32>,
      %mul3A_1502 = arith.constant 16 : i32
      %mul3A_1503 = arith.muli %scan3A_1370, %mul3A_1502 : i32
      %swap3A_1504 = arith.index_cast %mul3A_1503 : i32 to index
      %swap3A_1505 = tpu.vector_load %arg17[%swap3A_1504] {strides = array<i32>} : memref<128xi32, #tpu.memory_space<vmem>>, vector<16xi32>,
      tpu.vector_store %arg17[%swap3A_1504], %scan3A_1495#1 {strides = array<i32>} : memref<128xi32, #tpu.memory_space<vmem>>, vector<16xi32>,
      %mul3A_1506 = arith.constant 16 : i32
      %mul3A_1507 = arith.muli %scan3A_1370, %mul3A_1506 : i32
      %swap3A_1508 = arith.index_cast %mul3A_1507 : i32 to index
      %swap3A_1509 = tpu.vector_load %arg18[%swap3A_1508] {strides = array<i32>} : memref<128xi32, #tpu.memory_space<vmem>>, vector<16xi32>,
      tpu.vector_store %arg18[%swap3A_1508], %gather3A_1501 {strides = array<i32>} : memref<128xi32, #tpu.memory_space<vmem>>, vector<16xi32>,
      %broadcast_in_dim3A_1510 = arith.constant 0 : i32
      %broadcast_in_dim3A_1511 = vector.broadcast %broadcast_in_dim3A_1510 : i32 to vector<16xi32>
      %gather3A_1512 = tpu.vector_load_idx %arg13[%add3A_1500, %broadcast_in_dim3A_1511] : memref<2560x16xf32, #tpu.memory_space<vmem>>[vector<16xi32>, vector<16xi32>], vector<16xf32>,
      %mul3A_1513 = arith.constant 16 : i32
      %mul3A_1514 = vector.broadcast %mul3A_1513 : i32 to vector<16xi32>
      %mul3A_1515 = arith.muli %add3A_1375, %mul3A_1514 : vector<16xi32>
      %add3A_1516 = arith.constant 0 : i32
      %add3A_1517 = vector.broadcast %add3A_1516 : i32 to vector<16xi32>
      %add3A_1518 = arith.addi %mul3A_1515, %add3A_1517 : vector<16xi32>
      %add3A_1519 = arith.addf %gather3A, %gather3A_1512 : vector<16xf32>
      %mul3A_1520 = arith.constant 5.000000e-01 : f32
      %mul3A_1521 = vector.broadcast %mul3A_1520 : f32 to vector<16xf32>
      %mul3A_1522 = arith.mulf %add3A_1519, %mul3A_1521 : vector<16xf32>
      tpu.vector_store_idx %arg19[%add3A_1518], %mul3A_1522 : memref<2048xf32, #tpu.memory_space<vmem>>[vector<16xi32>], vector<16xf32>,
      %broadcast_in_dim3A_1523 = arith.constant 1 : i32
      %broadcast_in_dim3A_1524 = vector.broadcast %broadcast_in_dim3A_1523 : i32 to vector<16xi32>
      %gather3A_1525 = tpu.vector_load_idx %arg13[%add3A_1500, %broadcast_in_dim3A_1524] : memref<2560x16xf32, #tpu.memory_space<vmem>>[vector<16xi32>, vector<16xi32>], vector<16xf32>,
      %mul3A_1526 = arith.constant 16 : i32
      %mul3A_1527 = vector.broadcast %mul3A_1526 : i32 to vector<16xi32>
      %mul3A_1528 = arith.muli %add3A_1375, %mul3A_1527 : vector<16xi32>
      %add3A_1529 = arith.constant 1 : i32
      %add3A_1530 = vector.broadcast %add3A_1529 : i32 to vector<16xi32>
      %add3A_1531 = arith.addi %mul3A_1528, %add3A_1530 : vector<16xi32>
      %add3A_1532 = arith.addf %gather3A_1388, %gather3A_1525 : vector<16xf32>
      %mul3A_1533 = arith.constant 5.000000e-01 : f32
      %mul3A_1534 = vector.broadcast %mul3A_1533 : f32 to vector<16xf32>
      %mul3A_1535 = arith.mulf %add3A_1532, %mul3A_1534 : vector<16xf32>
      tpu.vector_store_idx %arg19[%add3A_1531], %mul3A_1535 : memref<2048xf32, #tpu.memory_space<vmem>>[vector<16xi32>], vector<16xf32>,
      %broadcast_in_dim3A_1536 = arith.constant 2 : i32
      %broadcast_in_dim3A_1537 = vector.broadcast %broadcast_in_dim3A_1536 : i32 to vector<16xi32>
      %gather3A_1538 = tpu.vector_load_idx %arg13[%add3A_1500, %broadcast_in_dim3A_1537] : memref<2560x16xf32, #tpu.memory_space<vmem>>[vector<16xi32>, vector<16xi32>], vector<16xf32>,
      %mul3A_1539 = arith.constant 16 : i32
      %mul3A_1540 = vector.broadcast %mul3A_1539 : i32 to vector<16xi32>
      %mul3A_1541 = arith.muli %add3A_1375, %mul3A_1540 : vector<16xi32>
      %add3A_1542 = arith.constant 2 : i32
      %add3A_1543 = vector.broadcast %add3A_1542 : i32 to vector<16xi32>
      %add3A_1544 = arith.addi %mul3A_1541, %add3A_1543 : vector<16xi32>
      %add3A_1545 = arith.addf %gather3A_1395, %gather3A_1538 : vector<16xf32>
      %mul3A_1546 = arith.constant 5.000000e-01 : f32
      %mul3A_1547 = vector.broadcast %mul3A_1546 : f32 to vector<16xf32>
      %mul3A_1548 = arith.mulf %add3A_1545, %mul3A_1547 : vector<16xf32>
      tpu.vector_store_idx %arg19[%add3A_1544], %mul3A_1548 : memref<2048xf32, #tpu.memory_space<vmem>>[vector<16xi32>], vector<16xf32>,
      %broadcast_in_dim3A_1549 = arith.constant 3 : i32
      %broadcast_in_dim3A_1550 = vector.broadcast %broadcast_in_dim3A_1549 : i32 to vector<16xi32>
      %gather3A_1551 = tpu.vector_load_idx %arg13[%add3A_1500, %broadcast_in_dim3A_1550] : memref<2560x16xf32, #tpu.memory_space<vmem>>[vector<16xi32>, vector<16xi32>], vector<16xf32>,
      %mul3A_1552 = arith.constant 16 : i32
      %mul3A_1553 = vector.broadcast %mul3A_1552 : i32 to vector<16xi32>
      %mul3A_1554 = arith.muli %add3A_1375, %mul3A_1553 : vector<16xi32>
      %add3A_1555 = arith.constant 3 : i32
      %add3A_1556 = vector.broadcast %add3A_1555 : i32 to vector<16xi32>
      %add3A_1557 = arith.addi %mul3A_1554, %add3A_1556 : vector<16xi32>
      %add3A_1558 = arith.addf %gather3A_1402, %gather3A_1551 : vector<16xf32>
      %mul3A_1559 = arith.constant 5.000000e-01 : f32
      %mul3A_1560 = vector.broadcast %mul3A_1559 : f32 to vector<16xf32>
      %mul3A_1561 = arith.mulf %add3A_1558, %mul3A_1560 : vector<16xf32>
      tpu.vector_store_idx %arg19[%add3A_1557], %mul3A_1561 : memref<2048xf32, #tpu.memory_space<vmem>>[vector<16xi32>], vector<16xf32>,
      %broadcast_in_dim3A_1562 = arith.constant 4 : i32
      %broadcast_in_dim3A_1563 = vector.broadcast %broadcast_in_dim3A_1562 : i32 to vector<16xi32>
      %gather3A_1564 = tpu.vector_load_idx %arg13[%add3A_1500, %broadcast_in_dim3A_1563] : memref<2560x16xf32, #tpu.memory_space<vmem>>[vector<16xi32>, vector<16xi32>], vector<16xf32>,
      %mul3A_1565 = arith.constant 16 : i32
      %mul3A_1566 = vector.broadcast %mul3A_1565 : i32 to vector<16xi32>
      %mul3A_1567 = arith.muli %add3A_1375, %mul3A_1566 : vector<16xi32>
      %add3A_1568 = arith.constant 4 : i32
      %add3A_1569 = vector.broadcast %add3A_1568 : i32 to vector<16xi32>
      %add3A_1570 = arith.addi %mul3A_1567, %add3A_1569 : vector<16xi32>
      %add3A_1571 = arith.addf %gather3A_1409, %gather3A_1564 : vector<16xf32>
      %mul3A_1572 = arith.constant 5.000000e-01 : f32
      %mul3A_1573 = vector.broadcast %mul3A_1572 : f32 to vector<16xf32>
      %mul3A_1574 = arith.mulf %add3A_1571, %mul3A_1573 : vector<16xf32>
      tpu.vector_store_idx %arg19[%add3A_1570], %mul3A_1574 : memref<2048xf32, #tpu.memory_space<vmem>>[vector<16xi32>], vector<16xf32>,
      %broadcast_in_dim3A_1575 = arith.constant 5 : i32
      %broadcast_in_dim3A_1576 = vector.broadcast %broadcast_in_dim3A_1575 : i32 to vector<16xi32>
      %gather3A_1577 = tpu.vector_load_idx %arg13[%add3A_1500, %broadcast_in_dim3A_1576] : memref<2560x16xf32, #tpu.memory_space<vmem>>[vector<16xi32>, vector<16xi32>], vector<16xf32>,
      %mul3A_1578 = arith.constant 16 : i32
      %mul3A_1579 = vector.broadcast %mul3A_1578 : i32 to vector<16xi32>
      %mul3A_1580 = arith.muli %add3A_1375, %mul3A_1579 : vector<16xi32>
      %add3A_1581 = arith.constant 5 : i32
      %add3A_1582 = vector.broadcast %add3A_1581 : i32 to vector<16xi32>
      %add3A_1583 = arith.addi %mul3A_1580, %add3A_1582 : vector<16xi32>
      %add3A_1584 = arith.addf %gather3A_1416, %gather3A_1577 : vector<16xf32>
      %mul3A_1585 = arith.constant 5.000000e-01 : f32
      %mul3A_1586 = vector.broadcast %mul3A_1585 : f32 to vector<16xf32>
      %mul3A_1587 = arith.mulf %add3A_1584, %mul3A_1586 : vector<16xf32>
      tpu.vector_store_idx %arg19[%add3A_1583], %mul3A_1587 : memref<2048xf32, #tpu.memory_space<vmem>>[vector<16xi32>], vector<16xf32>,
      %broadcast_in_dim3A_1588 = arith.constant 6 : i32
      %broadcast_in_dim3A_1589 = vector.broadcast %broadcast_in_dim3A_1588 : i32 to vector<16xi32>
      %gather3A_1590 = tpu.vector_load_idx %arg13[%add3A_1500, %broadcast_in_dim3A_1589] : memref<2560x16xf32, #tpu.memory_space<vmem>>[vector<16xi32>, vector<16xi32>], vector<16xf32>,
      %mul3A_1591 = arith.constant 16 : i32
      %mul3A_1592 = vector.broadcast %mul3A_1591 : i32 to vector<16xi32>
      %mul3A_1593 = arith.muli %add3A_1375, %mul3A_1592 : vector<16xi32>
      %add3A_1594 = arith.constant 6 : i32
      %add3A_1595 = vector.broadcast %add3A_1594 : i32 to vector<16xi32>
      %add3A_1596 = arith.addi %mul3A_1593, %add3A_1595 : vector<16xi32>
      %add3A_1597 = arith.addf %gather3A_1423, %gather3A_1590 : vector<16xf32>
      %mul3A_1598 = arith.constant 5.000000e-01 : f32
      %mul3A_1599 = vector.broadcast %mul3A_1598 : f32 to vector<16xf32>
      %mul3A_1600 = arith.mulf %add3A_1597, %mul3A_1599 : vector<16xf32>
      tpu.vector_store_idx %arg19[%add3A_1596], %mul3A_1600 : memref<2048xf32, #tpu.memory_space<vmem>>[vector<16xi32>], vector<16xf32>,
      %broadcast_in_dim3A_1601 = arith.constant 7 : i32
      %broadcast_in_dim3A_1602 = vector.broadcast %broadcast_in_dim3A_1601 : i32 to vector<16xi32>
      %gather3A_1603 = tpu.vector_load_idx %arg13[%add3A_1500, %broadcast_in_dim3A_1602] : memref<2560x16xf32, #tpu.memory_space<vmem>>[vector<16xi32>, vector<16xi32>], vector<16xf32>,
      %mul3A_1604 = arith.constant 16 : i32
      %mul3A_1605 = vector.broadcast %mul3A_1604 : i32 to vector<16xi32>
      %mul3A_1606 = arith.muli %add3A_1375, %mul3A_1605 : vector<16xi32>
      %add3A_1607 = arith.constant 7 : i32
      %add3A_1608 = vector.broadcast %add3A_1607 : i32 to vector<16xi32>
      %add3A_1609 = arith.addi %mul3A_1606, %add3A_1608 : vector<16xi32>
      %add3A_1610 = arith.addf %gather3A_1430, %gather3A_1603 : vector<16xf32>
      %mul3A_1611 = arith.constant 5.000000e-01 : f32
      %mul3A_1612 = vector.broadcast %mul3A_1611 : f32 to vector<16xf32>
      %mul3A_1613 = arith.mulf %add3A_1610, %mul3A_1612 : vector<16xf32>
      tpu.vector_store_idx %arg19[%add3A_1609], %mul3A_1613 : memref<2048xf32, #tpu.memory_space<vmem>>[vector<16xi32>], vector<16xf32>,
      %broadcast_in_dim3A_1614 = arith.constant 8 : i32
      %broadcast_in_dim3A_1615 = vector.broadcast %broadcast_in_dim3A_1614 : i32 to vector<16xi32>
      %gather3A_1616 = tpu.vector_load_idx %arg13[%add3A_1500, %broadcast_in_dim3A_1615] : memref<2560x16xf32, #tpu.memory_space<vmem>>[vector<16xi32>, vector<16xi32>], vector<16xf32>,
      %mul3A_1617 = arith.constant 16 : i32
      %mul3A_1618 = vector.broadcast %mul3A_1617 : i32 to vector<16xi32>
      %mul3A_1619 = arith.muli %add3A_1375, %mul3A_1618 : vector<16xi32>
      %add3A_1620 = arith.constant 8 : i32
      %add3A_1621 = vector.broadcast %add3A_1620 : i32 to vector<16xi32>
      %add3A_1622 = arith.addi %mul3A_1619, %add3A_1621 : vector<16xi32>
      %add3A_1623 = arith.addf %gather3A_1437, %gather3A_1616 : vector<16xf32>
      %mul3A_1624 = arith.constant 5.000000e-01 : f32
      %mul3A_1625 = vector.broadcast %mul3A_1624 : f32 to vector<16xf32>
      %mul3A_1626 = arith.mulf %add3A_1623, %mul3A_1625 : vector<16xf32>
      tpu.vector_store_idx %arg19[%add3A_1622], %mul3A_1626 : memref<2048xf32, #tpu.memory_space<vmem>>[vector<16xi32>], vector<16xf32>,
      %broadcast_in_dim3A_1627 = arith.constant 9 : i32
      %broadcast_in_dim3A_1628 = vector.broadcast %broadcast_in_dim3A_1627 : i32 to vector<16xi32>
      %gather3A_1629 = tpu.vector_load_idx %arg13[%add3A_1500, %broadcast_in_dim3A_1628] : memref<2560x16xf32, #tpu.memory_space<vmem>>[vector<16xi32>, vector<16xi32>], vector<16xf32>,
      %mul3A_1630 = arith.constant 16 : i32
      %mul3A_1631 = vector.broadcast %mul3A_1630 : i32 to vector<16xi32>
      %mul3A_1632 = arith.muli %add3A_1375, %mul3A_1631 : vector<16xi32>
      %add3A_1633 = arith.constant 9 : i32
      %add3A_1634 = vector.broadcast %add3A_1633 : i32 to vector<16xi32>
      %add3A_1635 = arith.addi %mul3A_1632, %add3A_1634 : vector<16xi32>
      %add3A_1636 = arith.addf %gather3A_1444, %gather3A_1629 : vector<16xf32>
      %mul3A_1637 = arith.constant 5.000000e-01 : f32
      %mul3A_1638 = vector.broadcast %mul3A_1637 : f32 to vector<16xf32>
      %mul3A_1639 = arith.mulf %add3A_1636, %mul3A_1638 : vector<16xf32>
      tpu.vector_store_idx %arg19[%add3A_1635], %mul3A_1639 : memref<2048xf32, #tpu.memory_space<vmem>>[vector<16xi32>], vector<16xf32>,
      %broadcast_in_dim3A_1640 = arith.constant 10 : i32
      %broadcast_in_dim3A_1641 = vector.broadcast %broadcast_in_dim3A_1640 : i32 to vector<16xi32>
      %gather3A_1642 = tpu.vector_load_idx %arg13[%add3A_1500, %broadcast_in_dim3A_1641] : memref<2560x16xf32, #tpu.memory_space<vmem>>[vector<16xi32>, vector<16xi32>], vector<16xf32>,
      %mul3A_1643 = arith.constant 16 : i32
      %mul3A_1644 = vector.broadcast %mul3A_1643 : i32 to vector<16xi32>
      %mul3A_1645 = arith.muli %add3A_1375, %mul3A_1644 : vector<16xi32>
      %add3A_1646 = arith.constant 10 : i32
      %add3A_1647 = vector.broadcast %add3A_1646 : i32 to vector<16xi32>
      %add3A_1648 = arith.addi %mul3A_1645, %add3A_1647 : vector<16xi32>
      %add3A_1649 = arith.addf %gather3A_1451, %gather3A_1642 : vector<16xf32>
      %mul3A_1650 = arith.constant 5.000000e-01 : f32
      %mul3A_1651 = vector.broadcast %mul3A_1650 : f32 to vector<16xf32>
      %mul3A_1652 = arith.mulf %add3A_1649, %mul3A_1651 : vector<16xf32>
      tpu.vector_store_idx %arg19[%add3A_1648], %mul3A_1652 : memref<2048xf32, #tpu.memory_space<vmem>>[vector<16xi32>], vector<16xf32>,
      %broadcast_in_dim3A_1653 = arith.constant 11 : i32
      %broadcast_in_dim3A_1654 = vector.broadcast %broadcast_in_dim3A_1653 : i32 to vector<16xi32>
      %gather3A_1655 = tpu.vector_load_idx %arg13[%add3A_1500, %broadcast_in_dim3A_1654] : memref<2560x16xf32, #tpu.memory_space<vmem>>[vector<16xi32>, vector<16xi32>], vector<16xf32>,
      %mul3A_1656 = arith.constant 16 : i32
      %mul3A_1657 = vector.broadcast %mul3A_1656 : i32 to vector<16xi32>
      %mul3A_1658 = arith.muli %add3A_1375, %mul3A_1657 : vector<16xi32>
      %add3A_1659 = arith.constant 11 : i32
      %add3A_1660 = vector.broadcast %add3A_1659 : i32 to vector<16xi32>
      %add3A_1661 = arith.addi %mul3A_1658, %add3A_1660 : vector<16xi32>
      %add3A_1662 = arith.addf %gather3A_1458, %gather3A_1655 : vector<16xf32>
      %mul3A_1663 = arith.constant 5.000000e-01 : f32
      %mul3A_1664 = vector.broadcast %mul3A_1663 : f32 to vector<16xf32>
      %mul3A_1665 = arith.mulf %add3A_1662, %mul3A_1664 : vector<16xf32>
      tpu.vector_store_idx %arg19[%add3A_1661], %mul3A_1665 : memref<2048xf32, #tpu.memory_space<vmem>>[vector<16xi32>], vector<16xf32>,
      %broadcast_in_dim3A_1666 = arith.constant 12 : i32
      %broadcast_in_dim3A_1667 = vector.broadcast %broadcast_in_dim3A_1666 : i32 to vector<16xi32>
      %gather3A_1668 = tpu.vector_load_idx %arg13[%add3A_1500, %broadcast_in_dim3A_1667] : memref<2560x16xf32, #tpu.memory_space<vmem>>[vector<16xi32>, vector<16xi32>], vector<16xf32>,
      %mul3A_1669 = arith.constant 16 : i32
      %mul3A_1670 = vector.broadcast %mul3A_1669 : i32 to vector<16xi32>
      %mul3A_1671 = arith.muli %add3A_1375, %mul3A_1670 : vector<16xi32>
      %add3A_1672 = arith.constant 12 : i32
      %add3A_1673 = vector.broadcast %add3A_1672 : i32 to vector<16xi32>
      %add3A_1674 = arith.addi %mul3A_1671, %add3A_1673 : vector<16xi32>
      %add3A_1675 = arith.addf %gather3A_1465, %gather3A_1668 : vector<16xf32>
      %mul3A_1676 = arith.constant 5.000000e-01 : f32
      %mul3A_1677 = vector.broadcast %mul3A_1676 : f32 to vector<16xf32>
      %mul3A_1678 = arith.mulf %add3A_1675, %mul3A_1677 : vector<16xf32>
      tpu.vector_store_idx %arg19[%add3A_1674], %mul3A_1678 : memref<2048xf32, #tpu.memory_space<vmem>>[vector<16xi32>], vector<16xf32>,
      %broadcast_in_dim3A_1679 = arith.constant 13 : i32
      %broadcast_in_dim3A_1680 = vector.broadcast %broadcast_in_dim3A_1679 : i32 to vector<16xi32>
      %gather3A_1681 = tpu.vector_load_idx %arg13[%add3A_1500, %broadcast_in_dim3A_1680] : memref<2560x16xf32, #tpu.memory_space<vmem>>[vector<16xi32>, vector<16xi32>], vector<16xf32>,
      %mul3A_1682 = arith.constant 16 : i32
      %mul3A_1683 = vector.broadcast %mul3A_1682 : i32 to vector<16xi32>
      %mul3A_1684 = arith.muli %add3A_1375, %mul3A_1683 : vector<16xi32>
      %add3A_1685 = arith.constant 13 : i32
      %add3A_1686 = vector.broadcast %add3A_1685 : i32 to vector<16xi32>
      %add3A_1687 = arith.addi %mul3A_1684, %add3A_1686 : vector<16xi32>
      %add3A_1688 = arith.addf %gather3A_1472, %gather3A_1681 : vector<16xf32>
      %mul3A_1689 = arith.constant 5.000000e-01 : f32
      %mul3A_1690 = vector.broadcast %mul3A_1689 : f32 to vector<16xf32>
      %mul3A_1691 = arith.mulf %add3A_1688, %mul3A_1690 : vector<16xf32>
      tpu.vector_store_idx %arg19[%add3A_1687], %mul3A_1691 : memref<2048xf32, #tpu.memory_space<vmem>>[vector<16xi32>], vector<16xf32>,
      %broadcast_in_dim3A_1692 = arith.constant 14 : i32
      %broadcast_in_dim3A_1693 = vector.broadcast %broadcast_in_dim3A_1692 : i32 to vector<16xi32>
      %gather3A_1694 = tpu.vector_load_idx %arg13[%add3A_1500, %broadcast_in_dim3A_1693] : memref<2560x16xf32, #tpu.memory_space<vmem>>[vector<16xi32>, vector<16xi32>], vector<16xf32>,
      %mul3A_1695 = arith.constant 16 : i32
      %mul3A_1696 = vector.broadcast %mul3A_1695 : i32 to vector<16xi32>
      %mul3A_1697 = arith.muli %add3A_1375, %mul3A_1696 : vector<16xi32>
      %add3A_1698 = arith.constant 14 : i32
      %add3A_1699 = vector.broadcast %add3A_1698 : i32 to vector<16xi32>
      %add3A_1700 = arith.addi %mul3A_1697, %add3A_1699 : vector<16xi32>
      %add3A_1701 = arith.addf %gather3A_1479, %gather3A_1694 : vector<16xf32>
      %mul3A_1702 = arith.constant 5.000000e-01 : f32
      %mul3A_1703 = vector.broadcast %mul3A_1702 : f32 to vector<16xf32>
      %mul3A_1704 = arith.mulf %add3A_1701, %mul3A_1703 : vector<16xf32>
      tpu.vector_store_idx %arg19[%add3A_1700], %mul3A_1704 : memref<2048xf32, #tpu.memory_space<vmem>>[vector<16xi32>], vector<16xf32>,
      %broadcast_in_dim3A_1705 = arith.constant 15 : i32
      %broadcast_in_dim3A_1706 = vector.broadcast %broadcast_in_dim3A_1705 : i32 to vector<16xi32>
      %gather3A_1707 = tpu.vector_load_idx %arg13[%add3A_1500, %broadcast_in_dim3A_1706] : memref<2560x16xf32, #tpu.memory_space<vmem>>[vector<16xi32>, vector<16xi32>], vector<16xf32>,
      %mul3A_1708 = arith.constant 16 : i32
      %mul3A_1709 = vector.broadcast %mul3A_1708 : i32 to vector<16xi32>
      %mul3A_1710 = arith.muli %add3A_1375, %mul3A_1709 : vector<16xi32>
      %add3A_1711 = arith.constant 15 : i32
      %add3A_1712 = vector.broadcast %add3A_1711 : i32 to vector<16xi32>
      %add3A_1713 = arith.addi %mul3A_1710, %add3A_1712 : vector<16xi32>
      %add3A_1714 = arith.addf %gather3A_1486, %gather3A_1707 : vector<16xf32>
      %mul3A_1715 = arith.constant 5.000000e-01 : f32
      %mul3A_1716 = vector.broadcast %mul3A_1715 : f32 to vector<16xf32>
      %mul3A_1717 = arith.mulf %add3A_1714, %mul3A_1716 : vector<16xf32>
      tpu.vector_store_idx %arg19[%add3A_1713], %mul3A_1717 : memref<2048xf32, #tpu.memory_space<vmem>>[vector<16xi32>], vector<16xf32>,
      %gt3A = arith.constant 1 : i32
      %gt3A_1718 = vector.broadcast %gt3A : i32 to vector<16xi32>
      %gt3A_1719 = arith.cmpi sgt, %gather3A_1501, %gt3A_1718 : vector<16xi32>
      %all_reduce_population_count3A = tpu.all_reduce %gt3A_1719 {dim = 0 : i64, kind = #tpu.reduction_kind<sum>} : vector<16xi1> -> vector<16xi32>
      %add3A_1720 = arith.addi %scan3A_1371, %all_reduce_population_count3A : vector<16xi32>
      scf.yield %add3A_1720 : vector<16xi32>
    }
    %scan3A_1022 = arith.constant 8 : i32
    "tpu.region"() ({
      %run_scoped3A = tpu.sem_alloc : memref<!tpu.dma_semaphore, #tpu.memory_space<semaphore_mem>>
      %dma_start3A_1370 = tpu.memref_slice %arg6[%mul3A_688] : memref<327680xf32, #tpu.memory_space<hbm>> -> memref<2560xf32, #tpu.memory_space<hbm>>
      %dma_start3A_1371 = tpu.memref_slice %arg6[%mul3A_688] : memref<327680xf32, #tpu.memory_space<hbm>> -> memref<2560xf32, #tpu.memory_space<hbm>>
      tpu.enqueue_dma source(%arg16 : memref<2560xf32, #tpu.memory_space<vmem>>) target(%dma_start3A_1371 : memref<2560xf32, #tpu.memory_space<hbm>>) target_semaphore(%run_scoped3A : memref<!tpu.dma_semaphore, #tpu.memory_space<semaphore_mem>>)
      %dma_wait3A_1372 = tpu.memref_slice %arg6[%mul3A_688] : memref<327680xf32, #tpu.memory_space<hbm>> -> memref<2560xf32, #tpu.memory_space<hbm>>
      %dma_wait3A_1373 = tpu.memref_slice %arg6[%mul3A_688] : memref<327680xf32, #tpu.memory_space<hbm>> -> memref<2560xf32, #tpu.memory_space<hbm>>
      tpu.wait_dma2 semaphore(%run_scoped3A : memref<!tpu.dma_semaphore, #tpu.memory_space<semaphore_mem>>) src(%arg16 : memref<2560xf32, #tpu.memory_space<vmem>>) dst(%dma_wait3A_1373 : memref<2560xf32, #tpu.memory_space<hbm>>)
      tpu.yield
    }) : () -> ()
    "tpu.region"() ({
      %run_scoped3A = tpu.sem_alloc : memref<!tpu.dma_semaphore, #tpu.memory_space<semaphore_mem>>
      %dma_start3A_1370 = tpu.memref_slice %arg7[%add3A_686] : memref<16384xi32, #tpu.memory_space<hbm>> -> memref<128xi32, #tpu.memory_space<hbm>>
      %dma_start3A_1371 = tpu.memref_slice %arg7[%add3A_686] : memref<16384xi32, #tpu.memory_space<hbm>> -> memref<128xi32, #tpu.memory_space<hbm>>
      tpu.enqueue_dma source(%arg17 : memref<128xi32, #tpu.memory_space<vmem>>) target(%dma_start3A_1371 : memref<128xi32, #tpu.memory_space<hbm>>) target_semaphore(%run_scoped3A : memref<!tpu.dma_semaphore, #tpu.memory_space<semaphore_mem>>)
      %dma_wait3A_1372 = tpu.memref_slice %arg7[%add3A_686] : memref<16384xi32, #tpu.memory_space<hbm>> -> memref<128xi32, #tpu.memory_space<hbm>>
      %dma_wait3A_1373 = tpu.memref_slice %arg7[%add3A_686] : memref<16384xi32, #tpu.memory_space<hbm>> -> memref<128xi32, #tpu.memory_space<hbm>>
      tpu.wait_dma2 semaphore(%run_scoped3A : memref<!tpu.dma_semaphore, #tpu.memory_space<semaphore_mem>>) src(%arg17 : memref<128xi32, #tpu.memory_space<vmem>>) dst(%dma_wait3A_1373 : memref<128xi32, #tpu.memory_space<hbm>>)
      tpu.yield
    }) : () -> ()
    "tpu.region"() ({
      %run_scoped3A = tpu.sem_alloc : memref<!tpu.dma_semaphore, #tpu.memory_space<semaphore_mem>>
      %dma_start3A_1370 = tpu.memref_slice %arg8[%add3A_686] : memref<16384xi32, #tpu.memory_space<hbm>> -> memref<128xi32, #tpu.memory_space<hbm>>
      %dma_start3A_1371 = tpu.memref_slice %arg8[%add3A_686] : memref<16384xi32, #tpu.memory_space<hbm>> -> memref<128xi32, #tpu.memory_space<hbm>>
      tpu.enqueue_dma source(%arg18 : memref<128xi32, #tpu.memory_space<vmem>>) target(%dma_start3A_1371 : memref<128xi32, #tpu.memory_space<hbm>>) target_semaphore(%run_scoped3A : memref<!tpu.dma_semaphore, #tpu.memory_space<semaphore_mem>>)
      %dma_wait3A_1372 = tpu.memref_slice %arg8[%add3A_686] : memref<16384xi32, #tpu.memory_space<hbm>> -> memref<128xi32, #tpu.memory_space<hbm>>
      %dma_wait3A_1373 = tpu.memref_slice %arg8[%add3A_686] : memref<16384xi32, #tpu.memory_space<hbm>> -> memref<128xi32, #tpu.memory_space<hbm>>
      tpu.wait_dma2 semaphore(%run_scoped3A : memref<!tpu.dma_semaphore, #tpu.memory_space<semaphore_mem>>) src(%arg18 : memref<128xi32, #tpu.memory_space<vmem>>) dst(%dma_wait3A_1373 : memref<128xi32, #tpu.memory_space<hbm>>)
      tpu.yield
    }) : () -> ()
    %mul3A_1023 = arith.constant 16 : i32
    %mul3A_1024 = arith.muli %add3A_686, %mul3A_1023 : i32
    "tpu.region"() ({
      %run_scoped3A = tpu.sem_alloc : memref<!tpu.dma_semaphore, #tpu.memory_space<semaphore_mem>>
      %dma_start3A_1370 = tpu.memref_slice %arg9[%mul3A_1024] : memref<262144xf32, #tpu.memory_space<hbm>> -> memref<2048xf32, #tpu.memory_space<hbm>>
      %dma_start3A_1371 = tpu.memref_slice %arg9[%mul3A_1024] : memref<262144xf32, #tpu.memory_space<hbm>> -> memref<2048xf32, #tpu.memory_space<hbm>>
      tpu.enqueue_dma source(%arg19 : memref<2048xf32, #tpu.memory_space<vmem>>) target(%dma_start3A_1371 : memref<2048xf32, #tpu.memory_space<hbm>>) target_semaphore(%run_scoped3A : memref<!tpu.dma_semaphore, #tpu.memory_space<semaphore_mem>>)
      %dma_wait3A_1372 = tpu.memref_slice %arg9[%mul3A_1024] : memref<262144xf32, #tpu.memory_space<hbm>> -> memref<2048xf32, #tpu.memory_space<hbm>>
      %dma_wait3A_1373 = tpu.memref_slice %arg9[%mul3A_1024] : memref<262144xf32, #tpu.memory_space<hbm>> -> memref<2048xf32, #tpu.memory_space<hbm>>
      tpu.wait_dma2 semaphore(%run_scoped3A : memref<!tpu.dma_semaphore, #tpu.memory_space<semaphore_mem>>) src(%arg19 : memref<2048xf32, #tpu.memory_space<vmem>>) dst(%dma_wait3A_1373 : memref<2048xf32, #tpu.memory_space<hbm>>)
      tpu.yield
    }) : () -> ()
    %mul3A_1025 = arith.constant 512 : i32
    %mul3A_1026 = arith.muli %add3A, %mul3A_1025 : i32
    %add3A_1027 = arith.constant 384 : i32
    %add3A_1028 = arith.addi %mul3A_1026, %add3A_1027 : i32
    %mul3A_1029 = arith.constant 20 : i32
    %mul3A_1030 = arith.muli %add3A_1028, %mul3A_1029 : i32
    "tpu.region"() ({
      %run_scoped3A = tpu.sem_alloc : memref<!tpu.dma_semaphore, #tpu.memory_space<semaphore_mem>>
      %dma_start3A_1370 = tpu.memref_slice %arg3[%mul3A_1030] : memref<327680xi32, #tpu.memory_space<hbm>> -> memref<2560xi32, #tpu.memory_space<hbm>>
      %dma_start3A_1371 = tpu.memref_slice %arg3[%mul3A_1030] : memref<327680xi32, #tpu.memory_space<hbm>> -> memref<2560xi32, #tpu.memory_space<hbm>>
      tpu.enqueue_dma source(%dma_start3A_1371 : memref<2560xi32, #tpu.memory_space<hbm>>) target(%arg11 : memref<2560xi32, #tpu.memory_space<vmem>>) target_semaphore(%run_scoped3A : memref<!tpu.dma_semaphore, #tpu.memory_space<semaphore_mem>>)
      %dma_wait3A_1372 = tpu.memref_slice %arg3[%mul3A_1030] : memref<327680xi32, #tpu.memory_space<hbm>> -> memref<2560xi32, #tpu.memory_space<hbm>>
      %dma_wait3A_1373 = tpu.memref_slice %arg3[%mul3A_1030] : memref<327680xi32, #tpu.memory_space<hbm>> -> memref<2560xi32, #tpu.memory_space<hbm>>
      tpu.wait_dma2 semaphore(%run_scoped3A : memref<!tpu.dma_semaphore, #tpu.memory_space<semaphore_mem>>) src(%dma_wait3A_1373 : memref<2560xi32, #tpu.memory_space<hbm>>) dst(%arg11 : memref<2560xi32, #tpu.memory_space<vmem>>)
      tpu.yield
    }) : () -> ()
    "tpu.region"() ({
      %run_scoped3A = tpu.sem_alloc : memref<!tpu.dma_semaphore, #tpu.memory_space<semaphore_mem>>
      %dma_start3A_1370 = tpu.memref_slice %arg4[%mul3A_1030] : memref<327680xf32, #tpu.memory_space<hbm>> -> memref<2560xf32, #tpu.memory_space<hbm>>
      %dma_start3A_1371 = tpu.memref_slice %arg4[%mul3A_1030] : memref<327680xf32, #tpu.memory_space<hbm>> -> memref<2560xf32, #tpu.memory_space<hbm>>
      tpu.enqueue_dma source(%dma_start3A_1371 : memref<2560xf32, #tpu.memory_space<hbm>>) target(%arg14 : memref<2560xf32, #tpu.memory_space<vmem>>) target_semaphore(%run_scoped3A : memref<!tpu.dma_semaphore, #tpu.memory_space<semaphore_mem>>)
      %dma_wait3A_1372 = tpu.memref_slice %arg4[%mul3A_1030] : memref<327680xf32, #tpu.memory_space<hbm>> -> memref<2560xf32, #tpu.memory_space<hbm>>
      %dma_wait3A_1373 = tpu.memref_slice %arg4[%mul3A_1030] : memref<327680xf32, #tpu.memory_space<hbm>> -> memref<2560xf32, #tpu.memory_space<hbm>>
      tpu.wait_dma2 semaphore(%run_scoped3A : memref<!tpu.dma_semaphore, #tpu.memory_space<semaphore_mem>>) src(%dma_wait3A_1373 : memref<2560xf32, #tpu.memory_space<hbm>>) dst(%arg14 : memref<2560xf32, #tpu.memory_space<vmem>>)
      tpu.yield
    }) : () -> ()
    %mul3A_1031 = arith.constant 16 : i32
    %mul3A_1032 = arith.muli %add3A_1028, %mul3A_1031 : i32
    "tpu.region"() ({
      %run_scoped3A = tpu.sem_alloc : memref<!tpu.dma_semaphore, #tpu.memory_space<semaphore_mem>>
      %dma_start3A_1370 = tpu.memref_slice %arg5[%mul3A_1032] : memref<262144xf32, #tpu.memory_space<hbm>> -> memref<2048xf32, #tpu.memory_space<hbm>>
      %dma_start3A_1371 = tpu.memref_slice %arg5[%mul3A_1032] : memref<262144xf32, #tpu.memory_space<hbm>> -> memref<2048xf32, #tpu.memory_space<hbm>>
      tpu.enqueue_dma source(%dma_start3A_1371 : memref<2048xf32, #tpu.memory_space<hbm>>) target(%arg15 : memref<2048xf32, #tpu.memory_space<vmem>>) target_semaphore(%run_scoped3A : memref<!tpu.dma_semaphore, #tpu.memory_space<semaphore_mem>>)
      %dma_wait3A_1372 = tpu.memref_slice %arg5[%mul3A_1032] : memref<262144xf32, #tpu.memory_space<hbm>> -> memref<2048xf32, #tpu.memory_space<hbm>>
      %dma_wait3A_1373 = tpu.memref_slice %arg5[%mul3A_1032] : memref<262144xf32, #tpu.memory_space<hbm>> -> memref<2048xf32, #tpu.memory_space<hbm>>
      tpu.wait_dma2 semaphore(%run_scoped3A : memref<!tpu.dma_semaphore, #tpu.memory_space<semaphore_mem>>) src(%dma_wait3A_1373 : memref<2048xf32, #tpu.memory_space<hbm>>) dst(%arg15 : memref<2048xf32, #tpu.memory_space<vmem>>)
      tpu.yield
    }) : () -> ()
    %scan3A_1033 = arith.constant 0 : i32
    %scan3A_1034 = arith.constant 0 : i32
    %scan3A_1035 = arith.constant 160 : i32
    %scan3A_1036 = arith.addi %scan3A_1034, %scan3A_1035 : i32
    %scan3A_1037 = arith.constant 1 : i32
    scf.for %scan3A_1370 = %scan3A_1034 to %scan3A_1036 step %scan3A_1037  : i32 {
      %mul3A_1371 = arith.constant 16 : i32
      %mul3A_1372 = arith.muli %scan3A_1370, %mul3A_1371 : i32
      %get3A = arith.index_cast %mul3A_1372 : i32 to index
      %get3A_1373 = tpu.vector_load %arg11[%get3A] {strides = array<i32>} : memref<2560xi32, #tpu.memory_space<vmem>>, vector<16xi32>,
      %and3A = arith.constant -2048 : i32
      %and3A_1374 = vector.broadcast %and3A : i32 to vector<16xi32>
      %and3A_1375 = arith.andi %get3A_1373, %and3A_1374 : vector<16xi32>
      %and3A_1376 = arith.constant 255 : i32
      %and3A_1377 = vector.broadcast %and3A_1376 : i32 to vector<16xi32>
      %and3A_1378 = arith.andi %get3A_1373, %and3A_1377 : vector<16xi32>
      %shift_left3A = arith.constant 3 : i32
      %shift_left3A_1379 = vector.broadcast %shift_left3A : i32 to vector<16xi32>
      %shift_left3A_1380 = arith.shli %and3A_1378, %shift_left3A_1379 : vector<16xi32>
      %add3A_1381 = arith.addi %and3A_1375, %shift_left3A_1380 : vector<16xi32>
      %shift_right_arithmetic3A = arith.constant 8 : i32
      %shift_right_arithmetic3A_1382 = vector.broadcast %shift_right_arithmetic3A : i32 to vector<16xi32>
      %shift_right_arithmetic3A_1383 = arith.shrsi %get3A_1373, %shift_right_arithmetic3A_1382 : vector<16xi32>
      %and3A_1384 = arith.constant 7 : i32
      %and3A_1385 = vector.broadcast %and3A_1384 : i32 to vector<16xi32>
      %and3A_1386 = arith.andi %shift_right_arithmetic3A_1383, %and3A_1385 : vector<16xi32>
      %add3A_1387 = arith.addi %add3A_1381, %and3A_1386 : vector<16xi32>
      %mul3A_1388 = arith.constant 16 : i32
      %mul3A_1389 = arith.muli %scan3A_1370, %mul3A_1388 : i32
      %swap3A_1390 = arith.index_cast %mul3A_1389 : i32 to index
      %swap3A_1391 = tpu.vector_load %arg12[%swap3A_1390] {strides = array<i32>} : memref<2560xi32, #tpu.memory_space<vmem>>, vector<16xi32>,
      tpu.vector_store %arg12[%swap3A_1390], %add3A_1387 {strides = array<i32>} : memref<2560xi32, #tpu.memory_space<vmem>>, vector<16xi32>,
    }
    %scan3A_1038 = arith.constant 160 : i32
    %dma_start3A_1039 = arith.constant 0 : i32
    %dma_start3A_1040 = arith.constant 0 : i32
    %dma_start3A_1041 = tpu.memref_slice %arg13[%dma_start3A_1039, %dma_start3A_1040] : memref<2560x16xf32, #tpu.memory_space<vmem>> -> memref<128x16xf32, #tpu.memory_space<vmem>>
    %dma_start3A_1042 = arith.constant 0 : i32
    %dma_start3A_1043 = tpu.memref_slice %arg12[%dma_start3A_1042] : memref<2560xi32, #tpu.memory_space<vmem>> -> memref<128xi32, #tpu.memory_space<vmem>>
    %dma_start3A_1044 = arith.constant 0 : i32
    %dma_start3A_1045 = arith.constant 0 : i32
    %dma_start3A_1046 = tpu.memref_slice %arg2[%dma_start3A_1044, %dma_start3A_1045] : memref<1001472x16xf32, #tpu.memory_space<hbm>> -> memref<1001472x16xf32, #tpu.memory_space<hbm>>
    tpu.enqueue_indirect_dma source(%dma_start3A_1046 : memref<1001472x16xf32, #tpu.memory_space<hbm>>) target(%dma_start3A_1041 : memref<128x16xf32, #tpu.memory_space<vmem>>) offsets(%dma_start3A_1043 : memref<128xi32, #tpu.memory_space<vmem>>) semaphore(%arg21 : memref<!tpu.dma_semaphore, #tpu.memory_space<semaphore_mem>>)
    %dma_start3A_1047 = arith.constant 128 : i32
    %dma_start3A_1048 = arith.constant 0 : i32
    %dma_start3A_1049 = tpu.memref_slice %arg13[%dma_start3A_1047, %dma_start3A_1048] : memref<2560x16xf32, #tpu.memory_space<vmem>> -> memref<128x16xf32, #tpu.memory_space<vmem>>
    %dma_start3A_1050 = arith.constant 128 : i32
    %dma_start3A_1051 = tpu.memref_slice %arg12[%dma_start3A_1050] : memref<2560xi32, #tpu.memory_space<vmem>> -> memref<128xi32, #tpu.memory_space<vmem>>
    %dma_start3A_1052 = arith.constant 0 : i32
    %dma_start3A_1053 = arith.constant 0 : i32
    %dma_start3A_1054 = tpu.memref_slice %arg2[%dma_start3A_1052, %dma_start3A_1053] : memref<1001472x16xf32, #tpu.memory_space<hbm>> -> memref<1001472x16xf32, #tpu.memory_space<hbm>>
    tpu.enqueue_indirect_dma source(%dma_start3A_1054 : memref<1001472x16xf32, #tpu.memory_space<hbm>>) target(%dma_start3A_1049 : memref<128x16xf32, #tpu.memory_space<vmem>>) offsets(%dma_start3A_1051 : memref<128xi32, #tpu.memory_space<vmem>>) semaphore(%arg21 : memref<!tpu.dma_semaphore, #tpu.memory_space<semaphore_mem>>)
    %dma_start3A_1055 = arith.constant 256 : i32
    %dma_start3A_1056 = arith.constant 0 : i32
    %dma_start3A_1057 = tpu.memref_slice %arg13[%dma_start3A_1055, %dma_start3A_1056] : memref<2560x16xf32, #tpu.memory_space<vmem>> -> memref<128x16xf32, #tpu.memory_space<vmem>>
    %dma_start3A_1058 = arith.constant 256 : i32
    %dma_start3A_1059 = tpu.memref_slice %arg12[%dma_start3A_1058] : memref<2560xi32, #tpu.memory_space<vmem>> -> memref<128xi32, #tpu.memory_space<vmem>>
    %dma_start3A_1060 = arith.constant 0 : i32
    %dma_start3A_1061 = arith.constant 0 : i32
    %dma_start3A_1062 = tpu.memref_slice %arg2[%dma_start3A_1060, %dma_start3A_1061] : memref<1001472x16xf32, #tpu.memory_space<hbm>> -> memref<1001472x16xf32, #tpu.memory_space<hbm>>
    tpu.enqueue_indirect_dma source(%dma_start3A_1062 : memref<1001472x16xf32, #tpu.memory_space<hbm>>) target(%dma_start3A_1057 : memref<128x16xf32, #tpu.memory_space<vmem>>) offsets(%dma_start3A_1059 : memref<128xi32, #tpu.memory_space<vmem>>) semaphore(%arg21 : memref<!tpu.dma_semaphore, #tpu.memory_space<semaphore_mem>>)
    %dma_start3A_1063 = arith.constant 384 : i32
    %dma_start3A_1064 = arith.constant 0 : i32
    %dma_start3A_1065 = tpu.memref_slice %arg13[%dma_start3A_1063, %dma_start3A_1064] : memref<2560x16xf32, #tpu.memory_space<vmem>> -> memref<128x16xf32, #tpu.memory_space<vmem>>
    %dma_start3A_1066 = arith.constant 384 : i32
    %dma_start3A_1067 = tpu.memref_slice %arg12[%dma_start3A_1066] : memref<2560xi32, #tpu.memory_space<vmem>> -> memref<128xi32, #tpu.memory_space<vmem>>
    %dma_start3A_1068 = arith.constant 0 : i32
    %dma_start3A_1069 = arith.constant 0 : i32
    %dma_start3A_1070 = tpu.memref_slice %arg2[%dma_start3A_1068, %dma_start3A_1069] : memref<1001472x16xf32, #tpu.memory_space<hbm>> -> memref<1001472x16xf32, #tpu.memory_space<hbm>>
    tpu.enqueue_indirect_dma source(%dma_start3A_1070 : memref<1001472x16xf32, #tpu.memory_space<hbm>>) target(%dma_start3A_1065 : memref<128x16xf32, #tpu.memory_space<vmem>>) offsets(%dma_start3A_1067 : memref<128xi32, #tpu.memory_space<vmem>>) semaphore(%arg21 : memref<!tpu.dma_semaphore, #tpu.memory_space<semaphore_mem>>)
    %dma_start3A_1071 = arith.constant 512 : i32
    %dma_start3A_1072 = arith.constant 0 : i32
    %dma_start3A_1073 = tpu.memref_slice %arg13[%dma_start3A_1071, %dma_start3A_1072] : memref<2560x16xf32, #tpu.memory_space<vmem>> -> memref<128x16xf32, #tpu.memory_space<vmem>>
    %dma_start3A_1074 = arith.constant 512 : i32
    %dma_start3A_1075 = tpu.memref_slice %arg12[%dma_start3A_1074] : memref<2560xi32, #tpu.memory_space<vmem>> -> memref<128xi32, #tpu.memory_space<vmem>>
    %dma_start3A_1076 = arith.constant 0 : i32
    %dma_start3A_1077 = arith.constant 0 : i32
    %dma_start3A_1078 = tpu.memref_slice %arg2[%dma_start3A_1076, %dma_start3A_1077] : memref<1001472x16xf32, #tpu.memory_space<hbm>> -> memref<1001472x16xf32, #tpu.memory_space<hbm>>
    tpu.enqueue_indirect_dma source(%dma_start3A_1078 : memref<1001472x16xf32, #tpu.memory_space<hbm>>) target(%dma_start3A_1073 : memref<128x16xf32, #tpu.memory_space<vmem>>) offsets(%dma_start3A_1075 : memref<128xi32, #tpu.memory_space<vmem>>) semaphore(%arg21 : memref<!tpu.dma_semaphore, #tpu.memory_space<semaphore_mem>>)
    %dma_start3A_1079 = arith.constant 640 : i32
    %dma_start3A_1080 = arith.constant 0 : i32
    %dma_start3A_1081 = tpu.memref_slice %arg13[%dma_start3A_1079, %dma_start3A_1080] : memref<2560x16xf32, #tpu.memory_space<vmem>> -> memref<128x16xf32, #tpu.memory_space<vmem>>
    %dma_start3A_1082 = arith.constant 640 : i32
    %dma_start3A_1083 = tpu.memref_slice %arg12[%dma_start3A_1082] : memref<2560xi32, #tpu.memory_space<vmem>> -> memref<128xi32, #tpu.memory_space<vmem>>
    %dma_start3A_1084 = arith.constant 0 : i32
    %dma_start3A_1085 = arith.constant 0 : i32
    %dma_start3A_1086 = tpu.memref_slice %arg2[%dma_start3A_1084, %dma_start3A_1085] : memref<1001472x16xf32, #tpu.memory_space<hbm>> -> memref<1001472x16xf32, #tpu.memory_space<hbm>>
    tpu.enqueue_indirect_dma source(%dma_start3A_1086 : memref<1001472x16xf32, #tpu.memory_space<hbm>>) target(%dma_start3A_1081 : memref<128x16xf32, #tpu.memory_space<vmem>>) offsets(%dma_start3A_1083 : memref<128xi32, #tpu.memory_space<vmem>>) semaphore(%arg21 : memref<!tpu.dma_semaphore, #tpu.memory_space<semaphore_mem>>)
    %dma_start3A_1087 = arith.constant 768 : i32
    %dma_start3A_1088 = arith.constant 0 : i32
    %dma_start3A_1089 = tpu.memref_slice %arg13[%dma_start3A_1087, %dma_start3A_1088] : memref<2560x16xf32, #tpu.memory_space<vmem>> -> memref<128x16xf32, #tpu.memory_space<vmem>>
    %dma_start3A_1090 = arith.constant 768 : i32
    %dma_start3A_1091 = tpu.memref_slice %arg12[%dma_start3A_1090] : memref<2560xi32, #tpu.memory_space<vmem>> -> memref<128xi32, #tpu.memory_space<vmem>>
    %dma_start3A_1092 = arith.constant 0 : i32
    %dma_start3A_1093 = arith.constant 0 : i32
    %dma_start3A_1094 = tpu.memref_slice %arg2[%dma_start3A_1092, %dma_start3A_1093] : memref<1001472x16xf32, #tpu.memory_space<hbm>> -> memref<1001472x16xf32, #tpu.memory_space<hbm>>
    tpu.enqueue_indirect_dma source(%dma_start3A_1094 : memref<1001472x16xf32, #tpu.memory_space<hbm>>) target(%dma_start3A_1089 : memref<128x16xf32, #tpu.memory_space<vmem>>) offsets(%dma_start3A_1091 : memref<128xi32, #tpu.memory_space<vmem>>) semaphore(%arg21 : memref<!tpu.dma_semaphore, #tpu.memory_space<semaphore_mem>>)
    %dma_start3A_1095 = arith.constant 896 : i32
    %dma_start3A_1096 = arith.constant 0 : i32
    %dma_start3A_1097 = tpu.memref_slice %arg13[%dma_start3A_1095, %dma_start3A_1096] : memref<2560x16xf32, #tpu.memory_space<vmem>> -> memref<128x16xf32, #tpu.memory_space<vmem>>
    %dma_start3A_1098 = arith.constant 896 : i32
    %dma_start3A_1099 = tpu.memref_slice %arg12[%dma_start3A_1098] : memref<2560xi32, #tpu.memory_space<vmem>> -> memref<128xi32, #tpu.memory_space<vmem>>
    %dma_start3A_1100 = arith.constant 0 : i32
    %dma_start3A_1101 = arith.constant 0 : i32
    %dma_start3A_1102 = tpu.memref_slice %arg2[%dma_start3A_1100, %dma_start3A_1101] : memref<1001472x16xf32, #tpu.memory_space<hbm>> -> memref<1001472x16xf32, #tpu.memory_space<hbm>>
    tpu.enqueue_indirect_dma source(%dma_start3A_1102 : memref<1001472x16xf32, #tpu.memory_space<hbm>>) target(%dma_start3A_1097 : memref<128x16xf32, #tpu.memory_space<vmem>>) offsets(%dma_start3A_1099 : memref<128xi32, #tpu.memory_space<vmem>>) semaphore(%arg21 : memref<!tpu.dma_semaphore, #tpu.memory_space<semaphore_mem>>)
    %dma_start3A_1103 = arith.constant 1024 : i32
    %dma_start3A_1104 = arith.constant 0 : i32
    %dma_start3A_1105 = tpu.memref_slice %arg13[%dma_start3A_1103, %dma_start3A_1104] : memref<2560x16xf32, #tpu.memory_space<vmem>> -> memref<128x16xf32, #tpu.memory_space<vmem>>
    %dma_start3A_1106 = arith.constant 1024 : i32
    %dma_start3A_1107 = tpu.memref_slice %arg12[%dma_start3A_1106] : memref<2560xi32, #tpu.memory_space<vmem>> -> memref<128xi32, #tpu.memory_space<vmem>>
    %dma_start3A_1108 = arith.constant 0 : i32
    %dma_start3A_1109 = arith.constant 0 : i32
    %dma_start3A_1110 = tpu.memref_slice %arg2[%dma_start3A_1108, %dma_start3A_1109] : memref<1001472x16xf32, #tpu.memory_space<hbm>> -> memref<1001472x16xf32, #tpu.memory_space<hbm>>
    tpu.enqueue_indirect_dma source(%dma_start3A_1110 : memref<1001472x16xf32, #tpu.memory_space<hbm>>) target(%dma_start3A_1105 : memref<128x16xf32, #tpu.memory_space<vmem>>) offsets(%dma_start3A_1107 : memref<128xi32, #tpu.memory_space<vmem>>) semaphore(%arg21 : memref<!tpu.dma_semaphore, #tpu.memory_space<semaphore_mem>>)
    %dma_start3A_1111 = arith.constant 1152 : i32
    %dma_start3A_1112 = arith.constant 0 : i32
    %dma_start3A_1113 = tpu.memref_slice %arg13[%dma_start3A_1111, %dma_start3A_1112] : memref<2560x16xf32, #tpu.memory_space<vmem>> -> memref<128x16xf32, #tpu.memory_space<vmem>>
    %dma_start3A_1114 = arith.constant 1152 : i32
    %dma_start3A_1115 = tpu.memref_slice %arg12[%dma_start3A_1114] : memref<2560xi32, #tpu.memory_space<vmem>> -> memref<128xi32, #tpu.memory_space<vmem>>
    %dma_start3A_1116 = arith.constant 0 : i32
    %dma_start3A_1117 = arith.constant 0 : i32
    %dma_start3A_1118 = tpu.memref_slice %arg2[%dma_start3A_1116, %dma_start3A_1117] : memref<1001472x16xf32, #tpu.memory_space<hbm>> -> memref<1001472x16xf32, #tpu.memory_space<hbm>>
    tpu.enqueue_indirect_dma source(%dma_start3A_1118 : memref<1001472x16xf32, #tpu.memory_space<hbm>>) target(%dma_start3A_1113 : memref<128x16xf32, #tpu.memory_space<vmem>>) offsets(%dma_start3A_1115 : memref<128xi32, #tpu.memory_space<vmem>>) semaphore(%arg21 : memref<!tpu.dma_semaphore, #tpu.memory_space<semaphore_mem>>)
    %dma_start3A_1119 = arith.constant 1280 : i32
    %dma_start3A_1120 = arith.constant 0 : i32
    %dma_start3A_1121 = tpu.memref_slice %arg13[%dma_start3A_1119, %dma_start3A_1120] : memref<2560x16xf32, #tpu.memory_space<vmem>> -> memref<128x16xf32, #tpu.memory_space<vmem>>
    %dma_start3A_1122 = arith.constant 1280 : i32
    %dma_start3A_1123 = tpu.memref_slice %arg12[%dma_start3A_1122] : memref<2560xi32, #tpu.memory_space<vmem>> -> memref<128xi32, #tpu.memory_space<vmem>>
    %dma_start3A_1124 = arith.constant 0 : i32
    %dma_start3A_1125 = arith.constant 0 : i32
    %dma_start3A_1126 = tpu.memref_slice %arg2[%dma_start3A_1124, %dma_start3A_1125] : memref<1001472x16xf32, #tpu.memory_space<hbm>> -> memref<1001472x16xf32, #tpu.memory_space<hbm>>
    tpu.enqueue_indirect_dma source(%dma_start3A_1126 : memref<1001472x16xf32, #tpu.memory_space<hbm>>) target(%dma_start3A_1121 : memref<128x16xf32, #tpu.memory_space<vmem>>) offsets(%dma_start3A_1123 : memref<128xi32, #tpu.memory_space<vmem>>) semaphore(%arg21 : memref<!tpu.dma_semaphore, #tpu.memory_space<semaphore_mem>>)
    %dma_start3A_1127 = arith.constant 1408 : i32
    %dma_start3A_1128 = arith.constant 0 : i32
    %dma_start3A_1129 = tpu.memref_slice %arg13[%dma_start3A_1127, %dma_start3A_1128] : memref<2560x16xf32, #tpu.memory_space<vmem>> -> memref<128x16xf32, #tpu.memory_space<vmem>>
    %dma_start3A_1130 = arith.constant 1408 : i32
    %dma_start3A_1131 = tpu.memref_slice %arg12[%dma_start3A_1130] : memref<2560xi32, #tpu.memory_space<vmem>> -> memref<128xi32, #tpu.memory_space<vmem>>
    %dma_start3A_1132 = arith.constant 0 : i32
    %dma_start3A_1133 = arith.constant 0 : i32
    %dma_start3A_1134 = tpu.memref_slice %arg2[%dma_start3A_1132, %dma_start3A_1133] : memref<1001472x16xf32, #tpu.memory_space<hbm>> -> memref<1001472x16xf32, #tpu.memory_space<hbm>>
    tpu.enqueue_indirect_dma source(%dma_start3A_1134 : memref<1001472x16xf32, #tpu.memory_space<hbm>>) target(%dma_start3A_1129 : memref<128x16xf32, #tpu.memory_space<vmem>>) offsets(%dma_start3A_1131 : memref<128xi32, #tpu.memory_space<vmem>>) semaphore(%arg21 : memref<!tpu.dma_semaphore, #tpu.memory_space<semaphore_mem>>)
    %dma_start3A_1135 = arith.constant 1536 : i32
    %dma_start3A_1136 = arith.constant 0 : i32
    %dma_start3A_1137 = tpu.memref_slice %arg13[%dma_start3A_1135, %dma_start3A_1136] : memref<2560x16xf32, #tpu.memory_space<vmem>> -> memref<128x16xf32, #tpu.memory_space<vmem>>
    %dma_start3A_1138 = arith.constant 1536 : i32
    %dma_start3A_1139 = tpu.memref_slice %arg12[%dma_start3A_1138] : memref<2560xi32, #tpu.memory_space<vmem>> -> memref<128xi32, #tpu.memory_space<vmem>>
    %dma_start3A_1140 = arith.constant 0 : i32
    %dma_start3A_1141 = arith.constant 0 : i32
    %dma_start3A_1142 = tpu.memref_slice %arg2[%dma_start3A_1140, %dma_start3A_1141] : memref<1001472x16xf32, #tpu.memory_space<hbm>> -> memref<1001472x16xf32, #tpu.memory_space<hbm>>
    tpu.enqueue_indirect_dma source(%dma_start3A_1142 : memref<1001472x16xf32, #tpu.memory_space<hbm>>) target(%dma_start3A_1137 : memref<128x16xf32, #tpu.memory_space<vmem>>) offsets(%dma_start3A_1139 : memref<128xi32, #tpu.memory_space<vmem>>) semaphore(%arg21 : memref<!tpu.dma_semaphore, #tpu.memory_space<semaphore_mem>>)
    %dma_start3A_1143 = arith.constant 1664 : i32
    %dma_start3A_1144 = arith.constant 0 : i32
    %dma_start3A_1145 = tpu.memref_slice %arg13[%dma_start3A_1143, %dma_start3A_1144] : memref<2560x16xf32, #tpu.memory_space<vmem>> -> memref<128x16xf32, #tpu.memory_space<vmem>>
    %dma_start3A_1146 = arith.constant 1664 : i32
    %dma_start3A_1147 = tpu.memref_slice %arg12[%dma_start3A_1146] : memref<2560xi32, #tpu.memory_space<vmem>> -> memref<128xi32, #tpu.memory_space<vmem>>
    %dma_start3A_1148 = arith.constant 0 : i32
    %dma_start3A_1149 = arith.constant 0 : i32
    %dma_start3A_1150 = tpu.memref_slice %arg2[%dma_start3A_1148, %dma_start3A_1149] : memref<1001472x16xf32, #tpu.memory_space<hbm>> -> memref<1001472x16xf32, #tpu.memory_space<hbm>>
    tpu.enqueue_indirect_dma source(%dma_start3A_1150 : memref<1001472x16xf32, #tpu.memory_space<hbm>>) target(%dma_start3A_1145 : memref<128x16xf32, #tpu.memory_space<vmem>>) offsets(%dma_start3A_1147 : memref<128xi32, #tpu.memory_space<vmem>>) semaphore(%arg21 : memref<!tpu.dma_semaphore, #tpu.memory_space<semaphore_mem>>)
    %dma_start3A_1151 = arith.constant 1792 : i32
    %dma_start3A_1152 = arith.constant 0 : i32
    %dma_start3A_1153 = tpu.memref_slice %arg13[%dma_start3A_1151, %dma_start3A_1152] : memref<2560x16xf32, #tpu.memory_space<vmem>> -> memref<128x16xf32, #tpu.memory_space<vmem>>
    %dma_start3A_1154 = arith.constant 1792 : i32
    %dma_start3A_1155 = tpu.memref_slice %arg12[%dma_start3A_1154] : memref<2560xi32, #tpu.memory_space<vmem>> -> memref<128xi32, #tpu.memory_space<vmem>>
    %dma_start3A_1156 = arith.constant 0 : i32
    %dma_start3A_1157 = arith.constant 0 : i32
    %dma_start3A_1158 = tpu.memref_slice %arg2[%dma_start3A_1156, %dma_start3A_1157] : memref<1001472x16xf32, #tpu.memory_space<hbm>> -> memref<1001472x16xf32, #tpu.memory_space<hbm>>
    tpu.enqueue_indirect_dma source(%dma_start3A_1158 : memref<1001472x16xf32, #tpu.memory_space<hbm>>) target(%dma_start3A_1153 : memref<128x16xf32, #tpu.memory_space<vmem>>) offsets(%dma_start3A_1155 : memref<128xi32, #tpu.memory_space<vmem>>) semaphore(%arg21 : memref<!tpu.dma_semaphore, #tpu.memory_space<semaphore_mem>>)
    %dma_start3A_1159 = arith.constant 1920 : i32
    %dma_start3A_1160 = arith.constant 0 : i32
    %dma_start3A_1161 = tpu.memref_slice %arg13[%dma_start3A_1159, %dma_start3A_1160] : memref<2560x16xf32, #tpu.memory_space<vmem>> -> memref<128x16xf32, #tpu.memory_space<vmem>>
    %dma_start3A_1162 = arith.constant 1920 : i32
    %dma_start3A_1163 = tpu.memref_slice %arg12[%dma_start3A_1162] : memref<2560xi32, #tpu.memory_space<vmem>> -> memref<128xi32, #tpu.memory_space<vmem>>
    %dma_start3A_1164 = arith.constant 0 : i32
    %dma_start3A_1165 = arith.constant 0 : i32
    %dma_start3A_1166 = tpu.memref_slice %arg2[%dma_start3A_1164, %dma_start3A_1165] : memref<1001472x16xf32, #tpu.memory_space<hbm>> -> memref<1001472x16xf32, #tpu.memory_space<hbm>>
    tpu.enqueue_indirect_dma source(%dma_start3A_1166 : memref<1001472x16xf32, #tpu.memory_space<hbm>>) target(%dma_start3A_1161 : memref<128x16xf32, #tpu.memory_space<vmem>>) offsets(%dma_start3A_1163 : memref<128xi32, #tpu.memory_space<vmem>>) semaphore(%arg21 : memref<!tpu.dma_semaphore, #tpu.memory_space<semaphore_mem>>)
    %dma_start3A_1167 = arith.constant 2048 : i32
    %dma_start3A_1168 = arith.constant 0 : i32
    %dma_start3A_1169 = tpu.memref_slice %arg13[%dma_start3A_1167, %dma_start3A_1168] : memref<2560x16xf32, #tpu.memory_space<vmem>> -> memref<128x16xf32, #tpu.memory_space<vmem>>
    %dma_start3A_1170 = arith.constant 2048 : i32
    %dma_start3A_1171 = tpu.memref_slice %arg12[%dma_start3A_1170] : memref<2560xi32, #tpu.memory_space<vmem>> -> memref<128xi32, #tpu.memory_space<vmem>>
    %dma_start3A_1172 = arith.constant 0 : i32
    %dma_start3A_1173 = arith.constant 0 : i32
    %dma_start3A_1174 = tpu.memref_slice %arg2[%dma_start3A_1172, %dma_start3A_1173] : memref<1001472x16xf32, #tpu.memory_space<hbm>> -> memref<1001472x16xf32, #tpu.memory_space<hbm>>
    tpu.enqueue_indirect_dma source(%dma_start3A_1174 : memref<1001472x16xf32, #tpu.memory_space<hbm>>) target(%dma_start3A_1169 : memref<128x16xf32, #tpu.memory_space<vmem>>) offsets(%dma_start3A_1171 : memref<128xi32, #tpu.memory_space<vmem>>) semaphore(%arg21 : memref<!tpu.dma_semaphore, #tpu.memory_space<semaphore_mem>>)
    %dma_start3A_1175 = arith.constant 2176 : i32
    %dma_start3A_1176 = arith.constant 0 : i32
    %dma_start3A_1177 = tpu.memref_slice %arg13[%dma_start3A_1175, %dma_start3A_1176] : memref<2560x16xf32, #tpu.memory_space<vmem>> -> memref<128x16xf32, #tpu.memory_space<vmem>>
    %dma_start3A_1178 = arith.constant 2176 : i32
    %dma_start3A_1179 = tpu.memref_slice %arg12[%dma_start3A_1178] : memref<2560xi32, #tpu.memory_space<vmem>> -> memref<128xi32, #tpu.memory_space<vmem>>
    %dma_start3A_1180 = arith.constant 0 : i32
    %dma_start3A_1181 = arith.constant 0 : i32
    %dma_start3A_1182 = tpu.memref_slice %arg2[%dma_start3A_1180, %dma_start3A_1181] : memref<1001472x16xf32, #tpu.memory_space<hbm>> -> memref<1001472x16xf32, #tpu.memory_space<hbm>>
    tpu.enqueue_indirect_dma source(%dma_start3A_1182 : memref<1001472x16xf32, #tpu.memory_space<hbm>>) target(%dma_start3A_1177 : memref<128x16xf32, #tpu.memory_space<vmem>>) offsets(%dma_start3A_1179 : memref<128xi32, #tpu.memory_space<vmem>>) semaphore(%arg21 : memref<!tpu.dma_semaphore, #tpu.memory_space<semaphore_mem>>)
    %dma_start3A_1183 = arith.constant 2304 : i32
    %dma_start3A_1184 = arith.constant 0 : i32
    %dma_start3A_1185 = tpu.memref_slice %arg13[%dma_start3A_1183, %dma_start3A_1184] : memref<2560x16xf32, #tpu.memory_space<vmem>> -> memref<128x16xf32, #tpu.memory_space<vmem>>
    %dma_start3A_1186 = arith.constant 2304 : i32
    %dma_start3A_1187 = tpu.memref_slice %arg12[%dma_start3A_1186] : memref<2560xi32, #tpu.memory_space<vmem>> -> memref<128xi32, #tpu.memory_space<vmem>>
    %dma_start3A_1188 = arith.constant 0 : i32
    %dma_start3A_1189 = arith.constant 0 : i32
    %dma_start3A_1190 = tpu.memref_slice %arg2[%dma_start3A_1188, %dma_start3A_1189] : memref<1001472x16xf32, #tpu.memory_space<hbm>> -> memref<1001472x16xf32, #tpu.memory_space<hbm>>
    tpu.enqueue_indirect_dma source(%dma_start3A_1190 : memref<1001472x16xf32, #tpu.memory_space<hbm>>) target(%dma_start3A_1185 : memref<128x16xf32, #tpu.memory_space<vmem>>) offsets(%dma_start3A_1187 : memref<128xi32, #tpu.memory_space<vmem>>) semaphore(%arg21 : memref<!tpu.dma_semaphore, #tpu.memory_space<semaphore_mem>>)
    %dma_start3A_1191 = arith.constant 2432 : i32
    %dma_start3A_1192 = arith.constant 0 : i32
    %dma_start3A_1193 = tpu.memref_slice %arg13[%dma_start3A_1191, %dma_start3A_1192] : memref<2560x16xf32, #tpu.memory_space<vmem>> -> memref<128x16xf32, #tpu.memory_space<vmem>>
    %dma_start3A_1194 = arith.constant 2432 : i32
    %dma_start3A_1195 = tpu.memref_slice %arg12[%dma_start3A_1194] : memref<2560xi32, #tpu.memory_space<vmem>> -> memref<128xi32, #tpu.memory_space<vmem>>
    %dma_start3A_1196 = arith.constant 0 : i32
    %dma_start3A_1197 = arith.constant 0 : i32
    %dma_start3A_1198 = tpu.memref_slice %arg2[%dma_start3A_1196, %dma_start3A_1197] : memref<1001472x16xf32, #tpu.memory_space<hbm>> -> memref<1001472x16xf32, #tpu.memory_space<hbm>>
    tpu.enqueue_indirect_dma source(%dma_start3A_1198 : memref<1001472x16xf32, #tpu.memory_space<hbm>>) target(%dma_start3A_1193 : memref<128x16xf32, #tpu.memory_space<vmem>>) offsets(%dma_start3A_1195 : memref<128xi32, #tpu.memory_space<vmem>>) semaphore(%arg21 : memref<!tpu.dma_semaphore, #tpu.memory_space<semaphore_mem>>)
    %dma_wait3A_1199 = arith.constant 0 : i32
    %dma_wait3A_1200 = arith.constant 0 : i32
    %dma_wait3A_1201 = tpu.memref_slice %arg13[%dma_wait3A_1199, %dma_wait3A_1200] : memref<2560x16xf32, #tpu.memory_space<vmem>> -> memref<128x16xf32, #tpu.memory_space<vmem>>
    %dma_wait3A_1202 = arith.constant 0 : i32
    %dma_wait3A_1203 = tpu.memref_slice %arg12[%dma_wait3A_1202] : memref<2560xi32, #tpu.memory_space<vmem>> -> memref<128xi32, #tpu.memory_space<vmem>>
    %dma_wait3A_1204 = arith.constant 0 : i32
    %dma_wait3A_1205 = arith.constant 0 : i32
    %dma_wait3A_1206 = tpu.memref_slice %arg2[%dma_wait3A_1204, %dma_wait3A_1205] : memref<1001472x16xf32, #tpu.memory_space<hbm>> -> memref<1001472x16xf32, #tpu.memory_space<hbm>>
    tpu.wait_indirect_dma semaphore(%arg21 : memref<!tpu.dma_semaphore, #tpu.memory_space<semaphore_mem>>) src(%dma_wait3A_1206 : memref<1001472x16xf32, #tpu.memory_space<hbm>>) dst(%dma_wait3A_1201 : memref<128x16xf32, #tpu.memory_space<vmem>>)
    %dma_wait3A_1207 = arith.constant 128 : i32
    %dma_wait3A_1208 = arith.constant 0 : i32
    %dma_wait3A_1209 = tpu.memref_slice %arg13[%dma_wait3A_1207, %dma_wait3A_1208] : memref<2560x16xf32, #tpu.memory_space<vmem>> -> memref<128x16xf32, #tpu.memory_space<vmem>>
    %dma_wait3A_1210 = arith.constant 128 : i32
    %dma_wait3A_1211 = tpu.memref_slice %arg12[%dma_wait3A_1210] : memref<2560xi32, #tpu.memory_space<vmem>> -> memref<128xi32, #tpu.memory_space<vmem>>
    %dma_wait3A_1212 = arith.constant 0 : i32
    %dma_wait3A_1213 = arith.constant 0 : i32
    %dma_wait3A_1214 = tpu.memref_slice %arg2[%dma_wait3A_1212, %dma_wait3A_1213] : memref<1001472x16xf32, #tpu.memory_space<hbm>> -> memref<1001472x16xf32, #tpu.memory_space<hbm>>
    tpu.wait_indirect_dma semaphore(%arg21 : memref<!tpu.dma_semaphore, #tpu.memory_space<semaphore_mem>>) src(%dma_wait3A_1214 : memref<1001472x16xf32, #tpu.memory_space<hbm>>) dst(%dma_wait3A_1209 : memref<128x16xf32, #tpu.memory_space<vmem>>)
    %dma_wait3A_1215 = arith.constant 256 : i32
    %dma_wait3A_1216 = arith.constant 0 : i32
    %dma_wait3A_1217 = tpu.memref_slice %arg13[%dma_wait3A_1215, %dma_wait3A_1216] : memref<2560x16xf32, #tpu.memory_space<vmem>> -> memref<128x16xf32, #tpu.memory_space<vmem>>
    %dma_wait3A_1218 = arith.constant 256 : i32
    %dma_wait3A_1219 = tpu.memref_slice %arg12[%dma_wait3A_1218] : memref<2560xi32, #tpu.memory_space<vmem>> -> memref<128xi32, #tpu.memory_space<vmem>>
    %dma_wait3A_1220 = arith.constant 0 : i32
    %dma_wait3A_1221 = arith.constant 0 : i32
    %dma_wait3A_1222 = tpu.memref_slice %arg2[%dma_wait3A_1220, %dma_wait3A_1221] : memref<1001472x16xf32, #tpu.memory_space<hbm>> -> memref<1001472x16xf32, #tpu.memory_space<hbm>>
    tpu.wait_indirect_dma semaphore(%arg21 : memref<!tpu.dma_semaphore, #tpu.memory_space<semaphore_mem>>) src(%dma_wait3A_1222 : memref<1001472x16xf32, #tpu.memory_space<hbm>>) dst(%dma_wait3A_1217 : memref<128x16xf32, #tpu.memory_space<vmem>>)
    %dma_wait3A_1223 = arith.constant 384 : i32
    %dma_wait3A_1224 = arith.constant 0 : i32
    %dma_wait3A_1225 = tpu.memref_slice %arg13[%dma_wait3A_1223, %dma_wait3A_1224] : memref<2560x16xf32, #tpu.memory_space<vmem>> -> memref<128x16xf32, #tpu.memory_space<vmem>>
    %dma_wait3A_1226 = arith.constant 384 : i32
    %dma_wait3A_1227 = tpu.memref_slice %arg12[%dma_wait3A_1226] : memref<2560xi32, #tpu.memory_space<vmem>> -> memref<128xi32, #tpu.memory_space<vmem>>
    %dma_wait3A_1228 = arith.constant 0 : i32
    %dma_wait3A_1229 = arith.constant 0 : i32
    %dma_wait3A_1230 = tpu.memref_slice %arg2[%dma_wait3A_1228, %dma_wait3A_1229] : memref<1001472x16xf32, #tpu.memory_space<hbm>> -> memref<1001472x16xf32, #tpu.memory_space<hbm>>
    tpu.wait_indirect_dma semaphore(%arg21 : memref<!tpu.dma_semaphore, #tpu.memory_space<semaphore_mem>>) src(%dma_wait3A_1230 : memref<1001472x16xf32, #tpu.memory_space<hbm>>) dst(%dma_wait3A_1225 : memref<128x16xf32, #tpu.memory_space<vmem>>)
    %dma_wait3A_1231 = arith.constant 512 : i32
    %dma_wait3A_1232 = arith.constant 0 : i32
    %dma_wait3A_1233 = tpu.memref_slice %arg13[%dma_wait3A_1231, %dma_wait3A_1232] : memref<2560x16xf32, #tpu.memory_space<vmem>> -> memref<128x16xf32, #tpu.memory_space<vmem>>
    %dma_wait3A_1234 = arith.constant 512 : i32
    %dma_wait3A_1235 = tpu.memref_slice %arg12[%dma_wait3A_1234] : memref<2560xi32, #tpu.memory_space<vmem>> -> memref<128xi32, #tpu.memory_space<vmem>>
    %dma_wait3A_1236 = arith.constant 0 : i32
    %dma_wait3A_1237 = arith.constant 0 : i32
    %dma_wait3A_1238 = tpu.memref_slice %arg2[%dma_wait3A_1236, %dma_wait3A_1237] : memref<1001472x16xf32, #tpu.memory_space<hbm>> -> memref<1001472x16xf32, #tpu.memory_space<hbm>>
    tpu.wait_indirect_dma semaphore(%arg21 : memref<!tpu.dma_semaphore, #tpu.memory_space<semaphore_mem>>) src(%dma_wait3A_1238 : memref<1001472x16xf32, #tpu.memory_space<hbm>>) dst(%dma_wait3A_1233 : memref<128x16xf32, #tpu.memory_space<vmem>>)
    %dma_wait3A_1239 = arith.constant 640 : i32
    %dma_wait3A_1240 = arith.constant 0 : i32
    %dma_wait3A_1241 = tpu.memref_slice %arg13[%dma_wait3A_1239, %dma_wait3A_1240] : memref<2560x16xf32, #tpu.memory_space<vmem>> -> memref<128x16xf32, #tpu.memory_space<vmem>>
    %dma_wait3A_1242 = arith.constant 640 : i32
    %dma_wait3A_1243 = tpu.memref_slice %arg12[%dma_wait3A_1242] : memref<2560xi32, #tpu.memory_space<vmem>> -> memref<128xi32, #tpu.memory_space<vmem>>
    %dma_wait3A_1244 = arith.constant 0 : i32
    %dma_wait3A_1245 = arith.constant 0 : i32
    %dma_wait3A_1246 = tpu.memref_slice %arg2[%dma_wait3A_1244, %dma_wait3A_1245] : memref<1001472x16xf32, #tpu.memory_space<hbm>> -> memref<1001472x16xf32, #tpu.memory_space<hbm>>
    tpu.wait_indirect_dma semaphore(%arg21 : memref<!tpu.dma_semaphore, #tpu.memory_space<semaphore_mem>>) src(%dma_wait3A_1246 : memref<1001472x16xf32, #tpu.memory_space<hbm>>) dst(%dma_wait3A_1241 : memref<128x16xf32, #tpu.memory_space<vmem>>)
    %dma_wait3A_1247 = arith.constant 768 : i32
    %dma_wait3A_1248 = arith.constant 0 : i32
    %dma_wait3A_1249 = tpu.memref_slice %arg13[%dma_wait3A_1247, %dma_wait3A_1248] : memref<2560x16xf32, #tpu.memory_space<vmem>> -> memref<128x16xf32, #tpu.memory_space<vmem>>
    %dma_wait3A_1250 = arith.constant 768 : i32
    %dma_wait3A_1251 = tpu.memref_slice %arg12[%dma_wait3A_1250] : memref<2560xi32, #tpu.memory_space<vmem>> -> memref<128xi32, #tpu.memory_space<vmem>>
    %dma_wait3A_1252 = arith.constant 0 : i32
    %dma_wait3A_1253 = arith.constant 0 : i32
    %dma_wait3A_1254 = tpu.memref_slice %arg2[%dma_wait3A_1252, %dma_wait3A_1253] : memref<1001472x16xf32, #tpu.memory_space<hbm>> -> memref<1001472x16xf32, #tpu.memory_space<hbm>>
    tpu.wait_indirect_dma semaphore(%arg21 : memref<!tpu.dma_semaphore, #tpu.memory_space<semaphore_mem>>) src(%dma_wait3A_1254 : memref<1001472x16xf32, #tpu.memory_space<hbm>>) dst(%dma_wait3A_1249 : memref<128x16xf32, #tpu.memory_space<vmem>>)
    %dma_wait3A_1255 = arith.constant 896 : i32
    %dma_wait3A_1256 = arith.constant 0 : i32
    %dma_wait3A_1257 = tpu.memref_slice %arg13[%dma_wait3A_1255, %dma_wait3A_1256] : memref<2560x16xf32, #tpu.memory_space<vmem>> -> memref<128x16xf32, #tpu.memory_space<vmem>>
    %dma_wait3A_1258 = arith.constant 896 : i32
    %dma_wait3A_1259 = tpu.memref_slice %arg12[%dma_wait3A_1258] : memref<2560xi32, #tpu.memory_space<vmem>> -> memref<128xi32, #tpu.memory_space<vmem>>
    %dma_wait3A_1260 = arith.constant 0 : i32
    %dma_wait3A_1261 = arith.constant 0 : i32
    %dma_wait3A_1262 = tpu.memref_slice %arg2[%dma_wait3A_1260, %dma_wait3A_1261] : memref<1001472x16xf32, #tpu.memory_space<hbm>> -> memref<1001472x16xf32, #tpu.memory_space<hbm>>
    tpu.wait_indirect_dma semaphore(%arg21 : memref<!tpu.dma_semaphore, #tpu.memory_space<semaphore_mem>>) src(%dma_wait3A_1262 : memref<1001472x16xf32, #tpu.memory_space<hbm>>) dst(%dma_wait3A_1257 : memref<128x16xf32, #tpu.memory_space<vmem>>)
    %dma_wait3A_1263 = arith.constant 1024 : i32
    %dma_wait3A_1264 = arith.constant 0 : i32
    %dma_wait3A_1265 = tpu.memref_slice %arg13[%dma_wait3A_1263, %dma_wait3A_1264] : memref<2560x16xf32, #tpu.memory_space<vmem>> -> memref<128x16xf32, #tpu.memory_space<vmem>>
    %dma_wait3A_1266 = arith.constant 1024 : i32
    %dma_wait3A_1267 = tpu.memref_slice %arg12[%dma_wait3A_1266] : memref<2560xi32, #tpu.memory_space<vmem>> -> memref<128xi32, #tpu.memory_space<vmem>>
    %dma_wait3A_1268 = arith.constant 0 : i32
    %dma_wait3A_1269 = arith.constant 0 : i32
    %dma_wait3A_1270 = tpu.memref_slice %arg2[%dma_wait3A_1268, %dma_wait3A_1269] : memref<1001472x16xf32, #tpu.memory_space<hbm>> -> memref<1001472x16xf32, #tpu.memory_space<hbm>>
    tpu.wait_indirect_dma semaphore(%arg21 : memref<!tpu.dma_semaphore, #tpu.memory_space<semaphore_mem>>) src(%dma_wait3A_1270 : memref<1001472x16xf32, #tpu.memory_space<hbm>>) dst(%dma_wait3A_1265 : memref<128x16xf32, #tpu.memory_space<vmem>>)
    %dma_wait3A_1271 = arith.constant 1152 : i32
    %dma_wait3A_1272 = arith.constant 0 : i32
    %dma_wait3A_1273 = tpu.memref_slice %arg13[%dma_wait3A_1271, %dma_wait3A_1272] : memref<2560x16xf32, #tpu.memory_space<vmem>> -> memref<128x16xf32, #tpu.memory_space<vmem>>
    %dma_wait3A_1274 = arith.constant 1152 : i32
    %dma_wait3A_1275 = tpu.memref_slice %arg12[%dma_wait3A_1274] : memref<2560xi32, #tpu.memory_space<vmem>> -> memref<128xi32, #tpu.memory_space<vmem>>
    %dma_wait3A_1276 = arith.constant 0 : i32
    %dma_wait3A_1277 = arith.constant 0 : i32
    %dma_wait3A_1278 = tpu.memref_slice %arg2[%dma_wait3A_1276, %dma_wait3A_1277] : memref<1001472x16xf32, #tpu.memory_space<hbm>> -> memref<1001472x16xf32, #tpu.memory_space<hbm>>
    tpu.wait_indirect_dma semaphore(%arg21 : memref<!tpu.dma_semaphore, #tpu.memory_space<semaphore_mem>>) src(%dma_wait3A_1278 : memref<1001472x16xf32, #tpu.memory_space<hbm>>) dst(%dma_wait3A_1273 : memref<128x16xf32, #tpu.memory_space<vmem>>)
    %dma_wait3A_1279 = arith.constant 1280 : i32
    %dma_wait3A_1280 = arith.constant 0 : i32
    %dma_wait3A_1281 = tpu.memref_slice %arg13[%dma_wait3A_1279, %dma_wait3A_1280] : memref<2560x16xf32, #tpu.memory_space<vmem>> -> memref<128x16xf32, #tpu.memory_space<vmem>>
    %dma_wait3A_1282 = arith.constant 1280 : i32
    %dma_wait3A_1283 = tpu.memref_slice %arg12[%dma_wait3A_1282] : memref<2560xi32, #tpu.memory_space<vmem>> -> memref<128xi32, #tpu.memory_space<vmem>>
    %dma_wait3A_1284 = arith.constant 0 : i32
    %dma_wait3A_1285 = arith.constant 0 : i32
    %dma_wait3A_1286 = tpu.memref_slice %arg2[%dma_wait3A_1284, %dma_wait3A_1285] : memref<1001472x16xf32, #tpu.memory_space<hbm>> -> memref<1001472x16xf32, #tpu.memory_space<hbm>>
    tpu.wait_indirect_dma semaphore(%arg21 : memref<!tpu.dma_semaphore, #tpu.memory_space<semaphore_mem>>) src(%dma_wait3A_1286 : memref<1001472x16xf32, #tpu.memory_space<hbm>>) dst(%dma_wait3A_1281 : memref<128x16xf32, #tpu.memory_space<vmem>>)
    %dma_wait3A_1287 = arith.constant 1408 : i32
    %dma_wait3A_1288 = arith.constant 0 : i32
    %dma_wait3A_1289 = tpu.memref_slice %arg13[%dma_wait3A_1287, %dma_wait3A_1288] : memref<2560x16xf32, #tpu.memory_space<vmem>> -> memref<128x16xf32, #tpu.memory_space<vmem>>
    %dma_wait3A_1290 = arith.constant 1408 : i32
    %dma_wait3A_1291 = tpu.memref_slice %arg12[%dma_wait3A_1290] : memref<2560xi32, #tpu.memory_space<vmem>> -> memref<128xi32, #tpu.memory_space<vmem>>
    %dma_wait3A_1292 = arith.constant 0 : i32
    %dma_wait3A_1293 = arith.constant 0 : i32
    %dma_wait3A_1294 = tpu.memref_slice %arg2[%dma_wait3A_1292, %dma_wait3A_1293] : memref<1001472x16xf32, #tpu.memory_space<hbm>> -> memref<1001472x16xf32, #tpu.memory_space<hbm>>
    tpu.wait_indirect_dma semaphore(%arg21 : memref<!tpu.dma_semaphore, #tpu.memory_space<semaphore_mem>>) src(%dma_wait3A_1294 : memref<1001472x16xf32, #tpu.memory_space<hbm>>) dst(%dma_wait3A_1289 : memref<128x16xf32, #tpu.memory_space<vmem>>)
    %dma_wait3A_1295 = arith.constant 1536 : i32
    %dma_wait3A_1296 = arith.constant 0 : i32
    %dma_wait3A_1297 = tpu.memref_slice %arg13[%dma_wait3A_1295, %dma_wait3A_1296] : memref<2560x16xf32, #tpu.memory_space<vmem>> -> memref<128x16xf32, #tpu.memory_space<vmem>>
    %dma_wait3A_1298 = arith.constant 1536 : i32
    %dma_wait3A_1299 = tpu.memref_slice %arg12[%dma_wait3A_1298] : memref<2560xi32, #tpu.memory_space<vmem>> -> memref<128xi32, #tpu.memory_space<vmem>>
    %dma_wait3A_1300 = arith.constant 0 : i32
    %dma_wait3A_1301 = arith.constant 0 : i32
    %dma_wait3A_1302 = tpu.memref_slice %arg2[%dma_wait3A_1300, %dma_wait3A_1301] : memref<1001472x16xf32, #tpu.memory_space<hbm>> -> memref<1001472x16xf32, #tpu.memory_space<hbm>>
    tpu.wait_indirect_dma semaphore(%arg21 : memref<!tpu.dma_semaphore, #tpu.memory_space<semaphore_mem>>) src(%dma_wait3A_1302 : memref<1001472x16xf32, #tpu.memory_space<hbm>>) dst(%dma_wait3A_1297 : memref<128x16xf32, #tpu.memory_space<vmem>>)
    %dma_wait3A_1303 = arith.constant 1664 : i32
    %dma_wait3A_1304 = arith.constant 0 : i32
    %dma_wait3A_1305 = tpu.memref_slice %arg13[%dma_wait3A_1303, %dma_wait3A_1304] : memref<2560x16xf32, #tpu.memory_space<vmem>> -> memref<128x16xf32, #tpu.memory_space<vmem>>
    %dma_wait3A_1306 = arith.constant 1664 : i32
    %dma_wait3A_1307 = tpu.memref_slice %arg12[%dma_wait3A_1306] : memref<2560xi32, #tpu.memory_space<vmem>> -> memref<128xi32, #tpu.memory_space<vmem>>
    %dma_wait3A_1308 = arith.constant 0 : i32
    %dma_wait3A_1309 = arith.constant 0 : i32
    %dma_wait3A_1310 = tpu.memref_slice %arg2[%dma_wait3A_1308, %dma_wait3A_1309] : memref<1001472x16xf32, #tpu.memory_space<hbm>> -> memref<1001472x16xf32, #tpu.memory_space<hbm>>
    tpu.wait_indirect_dma semaphore(%arg21 : memref<!tpu.dma_semaphore, #tpu.memory_space<semaphore_mem>>) src(%dma_wait3A_1310 : memref<1001472x16xf32, #tpu.memory_space<hbm>>) dst(%dma_wait3A_1305 : memref<128x16xf32, #tpu.memory_space<vmem>>)
    %dma_wait3A_1311 = arith.constant 1792 : i32
    %dma_wait3A_1312 = arith.constant 0 : i32
    %dma_wait3A_1313 = tpu.memref_slice %arg13[%dma_wait3A_1311, %dma_wait3A_1312] : memref<2560x16xf32, #tpu.memory_space<vmem>> -> memref<128x16xf32, #tpu.memory_space<vmem>>
    %dma_wait3A_1314 = arith.constant 1792 : i32
    %dma_wait3A_1315 = tpu.memref_slice %arg12[%dma_wait3A_1314] : memref<2560xi32, #tpu.memory_space<vmem>> -> memref<128xi32, #tpu.memory_space<vmem>>
    %dma_wait3A_1316 = arith.constant 0 : i32
    %dma_wait3A_1317 = arith.constant 0 : i32
    %dma_wait3A_1318 = tpu.memref_slice %arg2[%dma_wait3A_1316, %dma_wait3A_1317] : memref<1001472x16xf32, #tpu.memory_space<hbm>> -> memref<1001472x16xf32, #tpu.memory_space<hbm>>
    tpu.wait_indirect_dma semaphore(%arg21 : memref<!tpu.dma_semaphore, #tpu.memory_space<semaphore_mem>>) src(%dma_wait3A_1318 : memref<1001472x16xf32, #tpu.memory_space<hbm>>) dst(%dma_wait3A_1313 : memref<128x16xf32, #tpu.memory_space<vmem>>)
    %dma_wait3A_1319 = arith.constant 1920 : i32
    %dma_wait3A_1320 = arith.constant 0 : i32
    %dma_wait3A_1321 = tpu.memref_slice %arg13[%dma_wait3A_1319, %dma_wait3A_1320] : memref<2560x16xf32, #tpu.memory_space<vmem>> -> memref<128x16xf32, #tpu.memory_space<vmem>>
    %dma_wait3A_1322 = arith.constant 1920 : i32
    %dma_wait3A_1323 = tpu.memref_slice %arg12[%dma_wait3A_1322] : memref<2560xi32, #tpu.memory_space<vmem>> -> memref<128xi32, #tpu.memory_space<vmem>>
    %dma_wait3A_1324 = arith.constant 0 : i32
    %dma_wait3A_1325 = arith.constant 0 : i32
    %dma_wait3A_1326 = tpu.memref_slice %arg2[%dma_wait3A_1324, %dma_wait3A_1325] : memref<1001472x16xf32, #tpu.memory_space<hbm>> -> memref<1001472x16xf32, #tpu.memory_space<hbm>>
    tpu.wait_indirect_dma semaphore(%arg21 : memref<!tpu.dma_semaphore, #tpu.memory_space<semaphore_mem>>) src(%dma_wait3A_1326 : memref<1001472x16xf32, #tpu.memory_space<hbm>>) dst(%dma_wait3A_1321 : memref<128x16xf32, #tpu.memory_space<vmem>>)
    %dma_wait3A_1327 = arith.constant 2048 : i32
    %dma_wait3A_1328 = arith.constant 0 : i32
    %dma_wait3A_1329 = tpu.memref_slice %arg13[%dma_wait3A_1327, %dma_wait3A_1328] : memref<2560x16xf32, #tpu.memory_space<vmem>> -> memref<128x16xf32, #tpu.memory_space<vmem>>
    %dma_wait3A_1330 = arith.constant 2048 : i32
    %dma_wait3A_1331 = tpu.memref_slice %arg12[%dma_wait3A_1330] : memref<2560xi32, #tpu.memory_space<vmem>> -> memref<128xi32, #tpu.memory_space<vmem>>
    %dma_wait3A_1332 = arith.constant 0 : i32
    %dma_wait3A_1333 = arith.constant 0 : i32
    %dma_wait3A_1334 = tpu.memref_slice %arg2[%dma_wait3A_1332, %dma_wait3A_1333] : memref<1001472x16xf32, #tpu.memory_space<hbm>> -> memref<1001472x16xf32, #tpu.memory_space<hbm>>
    tpu.wait_indirect_dma semaphore(%arg21 : memref<!tpu.dma_semaphore, #tpu.memory_space<semaphore_mem>>) src(%dma_wait3A_1334 : memref<1001472x16xf32, #tpu.memory_space<hbm>>) dst(%dma_wait3A_1329 : memref<128x16xf32, #tpu.memory_space<vmem>>)
    %dma_wait3A_1335 = arith.constant 2176 : i32
    %dma_wait3A_1336 = arith.constant 0 : i32
    %dma_wait3A_1337 = tpu.memref_slice %arg13[%dma_wait3A_1335, %dma_wait3A_1336] : memref<2560x16xf32, #tpu.memory_space<vmem>> -> memref<128x16xf32, #tpu.memory_space<vmem>>
    %dma_wait3A_1338 = arith.constant 2176 : i32
    %dma_wait3A_1339 = tpu.memref_slice %arg12[%dma_wait3A_1338] : memref<2560xi32, #tpu.memory_space<vmem>> -> memref<128xi32, #tpu.memory_space<vmem>>
    %dma_wait3A_1340 = arith.constant 0 : i32
    %dma_wait3A_1341 = arith.constant 0 : i32
    %dma_wait3A_1342 = tpu.memref_slice %arg2[%dma_wait3A_1340, %dma_wait3A_1341] : memref<1001472x16xf32, #tpu.memory_space<hbm>> -> memref<1001472x16xf32, #tpu.memory_space<hbm>>
    tpu.wait_indirect_dma semaphore(%arg21 : memref<!tpu.dma_semaphore, #tpu.memory_space<semaphore_mem>>) src(%dma_wait3A_1342 : memref<1001472x16xf32, #tpu.memory_space<hbm>>) dst(%dma_wait3A_1337 : memref<128x16xf32, #tpu.memory_space<vmem>>)
    %dma_wait3A_1343 = arith.constant 2304 : i32
    %dma_wait3A_1344 = arith.constant 0 : i32
    %dma_wait3A_1345 = tpu.memref_slice %arg13[%dma_wait3A_1343, %dma_wait3A_1344] : memref<2560x16xf32, #tpu.memory_space<vmem>> -> memref<128x16xf32, #tpu.memory_space<vmem>>
    %dma_wait3A_1346 = arith.constant 2304 : i32
    %dma_wait3A_1347 = tpu.memref_slice %arg12[%dma_wait3A_1346] : memref<2560xi32, #tpu.memory_space<vmem>> -> memref<128xi32, #tpu.memory_space<vmem>>
    %dma_wait3A_1348 = arith.constant 0 : i32
    %dma_wait3A_1349 = arith.constant 0 : i32
    %dma_wait3A_1350 = tpu.memref_slice %arg2[%dma_wait3A_1348, %dma_wait3A_1349] : memref<1001472x16xf32, #tpu.memory_space<hbm>> -> memref<1001472x16xf32, #tpu.memory_space<hbm>>
    tpu.wait_indirect_dma semaphore(%arg21 : memref<!tpu.dma_semaphore, #tpu.memory_space<semaphore_mem>>) src(%dma_wait3A_1350 : memref<1001472x16xf32, #tpu.memory_space<hbm>>) dst(%dma_wait3A_1345 : memref<128x16xf32, #tpu.memory_space<vmem>>)
    %dma_wait3A_1351 = arith.constant 2432 : i32
    %dma_wait3A_1352 = arith.constant 0 : i32
    %dma_wait3A_1353 = tpu.memref_slice %arg13[%dma_wait3A_1351, %dma_wait3A_1352] : memref<2560x16xf32, #tpu.memory_space<vmem>> -> memref<128x16xf32, #tpu.memory_space<vmem>>
    %dma_wait3A_1354 = arith.constant 2432 : i32
    %dma_wait3A_1355 = tpu.memref_slice %arg12[%dma_wait3A_1354] : memref<2560xi32, #tpu.memory_space<vmem>> -> memref<128xi32, #tpu.memory_space<vmem>>
    %dma_wait3A_1356 = arith.constant 0 : i32
    %dma_wait3A_1357 = arith.constant 0 : i32
    %dma_wait3A_1358 = tpu.memref_slice %arg2[%dma_wait3A_1356, %dma_wait3A_1357] : memref<1001472x16xf32, #tpu.memory_space<hbm>> -> memref<1001472x16xf32, #tpu.memory_space<hbm>>
    tpu.wait_indirect_dma semaphore(%arg21 : memref<!tpu.dma_semaphore, #tpu.memory_space<semaphore_mem>>) src(%dma_wait3A_1358 : memref<1001472x16xf32, #tpu.memory_space<hbm>>) dst(%dma_wait3A_1353 : memref<128x16xf32, #tpu.memory_space<vmem>>)
    %scan3A_1359 = arith.constant 0 : i32
    %scan3A_1360 = arith.constant 8 : i32
    %scan3A_1361 = arith.addi %scan3A_1359, %scan3A_1360 : i32
    %scan3A_1362 = arith.constant 1 : i32
    %scan3A_1363 = scf.for %scan3A_1370 = %scan3A_1359 to %scan3A_1361 step %scan3A_1362 iter_args(%scan3A_1371 = %scan3A_1021) -> (vector<16xi32>)  : i32 {
      %mul3A_1372 = arith.constant 16 : i32
      %mul3A_1373 = arith.muli %scan3A_1370, %mul3A_1372 : i32
      %add3A_1374 = vector.broadcast %mul3A_1373 : i32 to vector<16xi32>
      %add3A_1375 = arith.addi %add3A_1374, %iota3A : vector<16xi32>
      %mul3A_1376 = arith.constant 16 : i32
      %mul3A_1377 = vector.broadcast %mul3A_1376 : i32 to vector<16xi32>
      %mul3A_1378 = arith.muli %add3A_1375, %mul3A_1377 : vector<16xi32>
      %add3A_1379 = arith.constant 0 : i32
      %add3A_1380 = vector.broadcast %add3A_1379 : i32 to vector<16xi32>
      %add3A_1381 = arith.addi %mul3A_1378, %add3A_1380 : vector<16xi32>
      %gather3A = tpu.vector_load_idx %arg15[%add3A_1381] : memref<2048xf32, #tpu.memory_space<vmem>>[vector<16xi32>], vector<16xf32>,
      %mul3A_1382 = arith.constant 16 : i32
      %mul3A_1383 = vector.broadcast %mul3A_1382 : i32 to vector<16xi32>
      %mul3A_1384 = arith.muli %add3A_1375, %mul3A_1383 : vector<16xi32>
      %add3A_1385 = arith.constant 1 : i32
      %add3A_1386 = vector.broadcast %add3A_1385 : i32 to vector<16xi32>
      %add3A_1387 = arith.addi %mul3A_1384, %add3A_1386 : vector<16xi32>
      %gather3A_1388 = tpu.vector_load_idx %arg15[%add3A_1387] : memref<2048xf32, #tpu.memory_space<vmem>>[vector<16xi32>], vector<16xf32>,
      %mul3A_1389 = arith.constant 16 : i32
      %mul3A_1390 = vector.broadcast %mul3A_1389 : i32 to vector<16xi32>
      %mul3A_1391 = arith.muli %add3A_1375, %mul3A_1390 : vector<16xi32>
      %add3A_1392 = arith.constant 2 : i32
      %add3A_1393 = vector.broadcast %add3A_1392 : i32 to vector<16xi32>
      %add3A_1394 = arith.addi %mul3A_1391, %add3A_1393 : vector<16xi32>
      %gather3A_1395 = tpu.vector_load_idx %arg15[%add3A_1394] : memref<2048xf32, #tpu.memory_space<vmem>>[vector<16xi32>], vector<16xf32>,
      %mul3A_1396 = arith.constant 16 : i32
      %mul3A_1397 = vector.broadcast %mul3A_1396 : i32 to vector<16xi32>
      %mul3A_1398 = arith.muli %add3A_1375, %mul3A_1397 : vector<16xi32>
      %add3A_1399 = arith.constant 3 : i32
      %add3A_1400 = vector.broadcast %add3A_1399 : i32 to vector<16xi32>
      %add3A_1401 = arith.addi %mul3A_1398, %add3A_1400 : vector<16xi32>
      %gather3A_1402 = tpu.vector_load_idx %arg15[%add3A_1401] : memref<2048xf32, #tpu.memory_space<vmem>>[vector<16xi32>], vector<16xf32>,
      %mul3A_1403 = arith.constant 16 : i32
      %mul3A_1404 = vector.broadcast %mul3A_1403 : i32 to vector<16xi32>
      %mul3A_1405 = arith.muli %add3A_1375, %mul3A_1404 : vector<16xi32>
      %add3A_1406 = arith.constant 4 : i32
      %add3A_1407 = vector.broadcast %add3A_1406 : i32 to vector<16xi32>
      %add3A_1408 = arith.addi %mul3A_1405, %add3A_1407 : vector<16xi32>
      %gather3A_1409 = tpu.vector_load_idx %arg15[%add3A_1408] : memref<2048xf32, #tpu.memory_space<vmem>>[vector<16xi32>], vector<16xf32>,
      %mul3A_1410 = arith.constant 16 : i32
      %mul3A_1411 = vector.broadcast %mul3A_1410 : i32 to vector<16xi32>
      %mul3A_1412 = arith.muli %add3A_1375, %mul3A_1411 : vector<16xi32>
      %add3A_1413 = arith.constant 5 : i32
      %add3A_1414 = vector.broadcast %add3A_1413 : i32 to vector<16xi32>
      %add3A_1415 = arith.addi %mul3A_1412, %add3A_1414 : vector<16xi32>
      %gather3A_1416 = tpu.vector_load_idx %arg15[%add3A_1415] : memref<2048xf32, #tpu.memory_space<vmem>>[vector<16xi32>], vector<16xf32>,
      %mul3A_1417 = arith.constant 16 : i32
      %mul3A_1418 = vector.broadcast %mul3A_1417 : i32 to vector<16xi32>
      %mul3A_1419 = arith.muli %add3A_1375, %mul3A_1418 : vector<16xi32>
      %add3A_1420 = arith.constant 6 : i32
      %add3A_1421 = vector.broadcast %add3A_1420 : i32 to vector<16xi32>
      %add3A_1422 = arith.addi %mul3A_1419, %add3A_1421 : vector<16xi32>
      %gather3A_1423 = tpu.vector_load_idx %arg15[%add3A_1422] : memref<2048xf32, #tpu.memory_space<vmem>>[vector<16xi32>], vector<16xf32>,
      %mul3A_1424 = arith.constant 16 : i32
      %mul3A_1425 = vector.broadcast %mul3A_1424 : i32 to vector<16xi32>
      %mul3A_1426 = arith.muli %add3A_1375, %mul3A_1425 : vector<16xi32>
      %add3A_1427 = arith.constant 7 : i32
      %add3A_1428 = vector.broadcast %add3A_1427 : i32 to vector<16xi32>
      %add3A_1429 = arith.addi %mul3A_1426, %add3A_1428 : vector<16xi32>
      %gather3A_1430 = tpu.vector_load_idx %arg15[%add3A_1429] : memref<2048xf32, #tpu.memory_space<vmem>>[vector<16xi32>], vector<16xf32>,
      %mul3A_1431 = arith.constant 16 : i32
      %mul3A_1432 = vector.broadcast %mul3A_1431 : i32 to vector<16xi32>
      %mul3A_1433 = arith.muli %add3A_1375, %mul3A_1432 : vector<16xi32>
      %add3A_1434 = arith.constant 8 : i32
      %add3A_1435 = vector.broadcast %add3A_1434 : i32 to vector<16xi32>
      %add3A_1436 = arith.addi %mul3A_1433, %add3A_1435 : vector<16xi32>
      %gather3A_1437 = tpu.vector_load_idx %arg15[%add3A_1436] : memref<2048xf32, #tpu.memory_space<vmem>>[vector<16xi32>], vector<16xf32>,
      %mul3A_1438 = arith.constant 16 : i32
      %mul3A_1439 = vector.broadcast %mul3A_1438 : i32 to vector<16xi32>
      %mul3A_1440 = arith.muli %add3A_1375, %mul3A_1439 : vector<16xi32>
      %add3A_1441 = arith.constant 9 : i32
      %add3A_1442 = vector.broadcast %add3A_1441 : i32 to vector<16xi32>
      %add3A_1443 = arith.addi %mul3A_1440, %add3A_1442 : vector<16xi32>
      %gather3A_1444 = tpu.vector_load_idx %arg15[%add3A_1443] : memref<2048xf32, #tpu.memory_space<vmem>>[vector<16xi32>], vector<16xf32>,
      %mul3A_1445 = arith.constant 16 : i32
      %mul3A_1446 = vector.broadcast %mul3A_1445 : i32 to vector<16xi32>
      %mul3A_1447 = arith.muli %add3A_1375, %mul3A_1446 : vector<16xi32>
      %add3A_1448 = arith.constant 10 : i32
      %add3A_1449 = vector.broadcast %add3A_1448 : i32 to vector<16xi32>
      %add3A_1450 = arith.addi %mul3A_1447, %add3A_1449 : vector<16xi32>
      %gather3A_1451 = tpu.vector_load_idx %arg15[%add3A_1450] : memref<2048xf32, #tpu.memory_space<vmem>>[vector<16xi32>], vector<16xf32>,
      %mul3A_1452 = arith.constant 16 : i32
      %mul3A_1453 = vector.broadcast %mul3A_1452 : i32 to vector<16xi32>
      %mul3A_1454 = arith.muli %add3A_1375, %mul3A_1453 : vector<16xi32>
      %add3A_1455 = arith.constant 11 : i32
      %add3A_1456 = vector.broadcast %add3A_1455 : i32 to vector<16xi32>
      %add3A_1457 = arith.addi %mul3A_1454, %add3A_1456 : vector<16xi32>
      %gather3A_1458 = tpu.vector_load_idx %arg15[%add3A_1457] : memref<2048xf32, #tpu.memory_space<vmem>>[vector<16xi32>], vector<16xf32>,
      %mul3A_1459 = arith.constant 16 : i32
      %mul3A_1460 = vector.broadcast %mul3A_1459 : i32 to vector<16xi32>
      %mul3A_1461 = arith.muli %add3A_1375, %mul3A_1460 : vector<16xi32>
      %add3A_1462 = arith.constant 12 : i32
      %add3A_1463 = vector.broadcast %add3A_1462 : i32 to vector<16xi32>
      %add3A_1464 = arith.addi %mul3A_1461, %add3A_1463 : vector<16xi32>
      %gather3A_1465 = tpu.vector_load_idx %arg15[%add3A_1464] : memref<2048xf32, #tpu.memory_space<vmem>>[vector<16xi32>], vector<16xf32>,
      %mul3A_1466 = arith.constant 16 : i32
      %mul3A_1467 = vector.broadcast %mul3A_1466 : i32 to vector<16xi32>
      %mul3A_1468 = arith.muli %add3A_1375, %mul3A_1467 : vector<16xi32>
      %add3A_1469 = arith.constant 13 : i32
      %add3A_1470 = vector.broadcast %add3A_1469 : i32 to vector<16xi32>
      %add3A_1471 = arith.addi %mul3A_1468, %add3A_1470 : vector<16xi32>
      %gather3A_1472 = tpu.vector_load_idx %arg15[%add3A_1471] : memref<2048xf32, #tpu.memory_space<vmem>>[vector<16xi32>], vector<16xf32>,
      %mul3A_1473 = arith.constant 16 : i32
      %mul3A_1474 = vector.broadcast %mul3A_1473 : i32 to vector<16xi32>
      %mul3A_1475 = arith.muli %add3A_1375, %mul3A_1474 : vector<16xi32>
      %add3A_1476 = arith.constant 14 : i32
      %add3A_1477 = vector.broadcast %add3A_1476 : i32 to vector<16xi32>
      %add3A_1478 = arith.addi %mul3A_1475, %add3A_1477 : vector<16xi32>
      %gather3A_1479 = tpu.vector_load_idx %arg15[%add3A_1478] : memref<2048xf32, #tpu.memory_space<vmem>>[vector<16xi32>], vector<16xf32>,
      %mul3A_1480 = arith.constant 16 : i32
      %mul3A_1481 = vector.broadcast %mul3A_1480 : i32 to vector<16xi32>
      %mul3A_1482 = arith.muli %add3A_1375, %mul3A_1481 : vector<16xi32>
      %add3A_1483 = arith.constant 15 : i32
      %add3A_1484 = vector.broadcast %add3A_1483 : i32 to vector<16xi32>
      %add3A_1485 = arith.addi %mul3A_1482, %add3A_1484 : vector<16xi32>
      %gather3A_1486 = tpu.vector_load_idx %arg15[%add3A_1485] : memref<2048xf32, #tpu.memory_space<vmem>>[vector<16xi32>], vector<16xf32>,
      %broadcast_in_dim3A_1487 = arith.constant 0xFF800000 : f32
      %broadcast_in_dim3A_1488 = vector.broadcast %broadcast_in_dim3A_1487 : f32 to vector<16xf32>
      %broadcast_in_dim3A_1489 = arith.constant 0 : i32
      %broadcast_in_dim3A_1490 = vector.broadcast %broadcast_in_dim3A_1489 : i32 to vector<16xi32>
      %scan3A_1491 = arith.constant 0 : i32
      %scan3A_1492 = arith.constant 20 : i32
      %scan3A_1493 = arith.addi %scan3A_1491, %scan3A_1492 : i32
      %scan3A_1494 = arith.constant 1 : i32
      %scan3A_1495:2 = scf.for %scan3A_1721 = %scan3A_1491 to %scan3A_1493 step %scan3A_1494 iter_args(%scan3A_1722 = %broadcast_in_dim3A_1488, %scan3A_1723 = %broadcast_in_dim3A_1490) -> (vector<16xf32>, vector<16xi32>)  : i32 {
        %mul3A_1724 = arith.constant 20 : i32
        %mul3A_1725 = vector.broadcast %mul3A_1724 : i32 to vector<16xi32>
        %mul3A_1726 = arith.muli %add3A_1375, %mul3A_1725 : vector<16xi32>
        %add3A_1727 = vector.broadcast %scan3A_1721 : i32 to vector<16xi32>
        %add3A_1728 = arith.addi %mul3A_1726, %add3A_1727 : vector<16xi32>
        %mul3A_1729 = arith.constant 16 : i32
        %mul3A_1730 = vector.broadcast %mul3A_1729 : i32 to vector<16xi32>
        %mul3A_1731 = arith.muli %add3A_1728, %mul3A_1730 : vector<16xi32>
        %broadcast_in_dim3A_1732 = arith.constant 0 : i32
        %broadcast_in_dim3A_1733 = vector.broadcast %broadcast_in_dim3A_1732 : i32 to vector<16xi32>
        %gather3A_1734 = tpu.vector_load_idx %arg13[%add3A_1728, %broadcast_in_dim3A_1733] : memref<2560x16xf32, #tpu.memory_space<vmem>>[vector<16xi32>, vector<16xi32>], vector<16xf32>,
        %mul3A_1735 = arith.mulf %gather3A, %gather3A_1734 : vector<16xf32>
        %broadcast_in_dim3A_1736 = arith.constant 1 : i32
        %broadcast_in_dim3A_1737 = vector.broadcast %broadcast_in_dim3A_1736 : i32 to vector<16xi32>
        %gather3A_1738 = tpu.vector_load_idx %arg13[%add3A_1728, %broadcast_in_dim3A_1737] : memref<2560x16xf32, #tpu.memory_space<vmem>>[vector<16xi32>, vector<16xi32>], vector<16xf32>,
        %mul3A_1739 = arith.mulf %gather3A_1388, %gather3A_1738 : vector<16xf32>
        %add3A_1740 = arith.addf %mul3A_1735, %mul3A_1739 : vector<16xf32>
        %broadcast_in_dim3A_1741 = arith.constant 2 : i32
        %broadcast_in_dim3A_1742 = vector.broadcast %broadcast_in_dim3A_1741 : i32 to vector<16xi32>
        %gather3A_1743 = tpu.vector_load_idx %arg13[%add3A_1728, %broadcast_in_dim3A_1742] : memref<2560x16xf32, #tpu.memory_space<vmem>>[vector<16xi32>, vector<16xi32>], vector<16xf32>,
        %mul3A_1744 = arith.mulf %gather3A_1395, %gather3A_1743 : vector<16xf32>
        %add3A_1745 = arith.addf %add3A_1740, %mul3A_1744 : vector<16xf32>
        %broadcast_in_dim3A_1746 = arith.constant 3 : i32
        %broadcast_in_dim3A_1747 = vector.broadcast %broadcast_in_dim3A_1746 : i32 to vector<16xi32>
        %gather3A_1748 = tpu.vector_load_idx %arg13[%add3A_1728, %broadcast_in_dim3A_1747] : memref<2560x16xf32, #tpu.memory_space<vmem>>[vector<16xi32>, vector<16xi32>], vector<16xf32>,
        %mul3A_1749 = arith.mulf %gather3A_1402, %gather3A_1748 : vector<16xf32>
        %add3A_1750 = arith.addf %add3A_1745, %mul3A_1749 : vector<16xf32>
        %broadcast_in_dim3A_1751 = arith.constant 4 : i32
        %broadcast_in_dim3A_1752 = vector.broadcast %broadcast_in_dim3A_1751 : i32 to vector<16xi32>
        %gather3A_1753 = tpu.vector_load_idx %arg13[%add3A_1728, %broadcast_in_dim3A_1752] : memref<2560x16xf32, #tpu.memory_space<vmem>>[vector<16xi32>, vector<16xi32>], vector<16xf32>,
        %mul3A_1754 = arith.mulf %gather3A_1409, %gather3A_1753 : vector<16xf32>
        %add3A_1755 = arith.addf %add3A_1750, %mul3A_1754 : vector<16xf32>
        %broadcast_in_dim3A_1756 = arith.constant 5 : i32
        %broadcast_in_dim3A_1757 = vector.broadcast %broadcast_in_dim3A_1756 : i32 to vector<16xi32>
        %gather3A_1758 = tpu.vector_load_idx %arg13[%add3A_1728, %broadcast_in_dim3A_1757] : memref<2560x16xf32, #tpu.memory_space<vmem>>[vector<16xi32>, vector<16xi32>], vector<16xf32>,
        %mul3A_1759 = arith.mulf %gather3A_1416, %gather3A_1758 : vector<16xf32>
        %add3A_1760 = arith.addf %add3A_1755, %mul3A_1759 : vector<16xf32>
        %broadcast_in_dim3A_1761 = arith.constant 6 : i32
        %broadcast_in_dim3A_1762 = vector.broadcast %broadcast_in_dim3A_1761 : i32 to vector<16xi32>
        %gather3A_1763 = tpu.vector_load_idx %arg13[%add3A_1728, %broadcast_in_dim3A_1762] : memref<2560x16xf32, #tpu.memory_space<vmem>>[vector<16xi32>, vector<16xi32>], vector<16xf32>,
        %mul3A_1764 = arith.mulf %gather3A_1423, %gather3A_1763 : vector<16xf32>
        %add3A_1765 = arith.addf %add3A_1760, %mul3A_1764 : vector<16xf32>
        %broadcast_in_dim3A_1766 = arith.constant 7 : i32
        %broadcast_in_dim3A_1767 = vector.broadcast %broadcast_in_dim3A_1766 : i32 to vector<16xi32>
        %gather3A_1768 = tpu.vector_load_idx %arg13[%add3A_1728, %broadcast_in_dim3A_1767] : memref<2560x16xf32, #tpu.memory_space<vmem>>[vector<16xi32>, vector<16xi32>], vector<16xf32>,
        %mul3A_1769 = arith.mulf %gather3A_1430, %gather3A_1768 : vector<16xf32>
        %add3A_1770 = arith.addf %add3A_1765, %mul3A_1769 : vector<16xf32>
        %broadcast_in_dim3A_1771 = arith.constant 8 : i32
        %broadcast_in_dim3A_1772 = vector.broadcast %broadcast_in_dim3A_1771 : i32 to vector<16xi32>
        %gather3A_1773 = tpu.vector_load_idx %arg13[%add3A_1728, %broadcast_in_dim3A_1772] : memref<2560x16xf32, #tpu.memory_space<vmem>>[vector<16xi32>, vector<16xi32>], vector<16xf32>,
        %mul3A_1774 = arith.mulf %gather3A_1437, %gather3A_1773 : vector<16xf32>
        %add3A_1775 = arith.addf %add3A_1770, %mul3A_1774 : vector<16xf32>
        %broadcast_in_dim3A_1776 = arith.constant 9 : i32
        %broadcast_in_dim3A_1777 = vector.broadcast %broadcast_in_dim3A_1776 : i32 to vector<16xi32>
        %gather3A_1778 = tpu.vector_load_idx %arg13[%add3A_1728, %broadcast_in_dim3A_1777] : memref<2560x16xf32, #tpu.memory_space<vmem>>[vector<16xi32>, vector<16xi32>], vector<16xf32>,
        %mul3A_1779 = arith.mulf %gather3A_1444, %gather3A_1778 : vector<16xf32>
        %add3A_1780 = arith.addf %add3A_1775, %mul3A_1779 : vector<16xf32>
        %broadcast_in_dim3A_1781 = arith.constant 10 : i32
        %broadcast_in_dim3A_1782 = vector.broadcast %broadcast_in_dim3A_1781 : i32 to vector<16xi32>
        %gather3A_1783 = tpu.vector_load_idx %arg13[%add3A_1728, %broadcast_in_dim3A_1782] : memref<2560x16xf32, #tpu.memory_space<vmem>>[vector<16xi32>, vector<16xi32>], vector<16xf32>,
        %mul3A_1784 = arith.mulf %gather3A_1451, %gather3A_1783 : vector<16xf32>
        %add3A_1785 = arith.addf %add3A_1780, %mul3A_1784 : vector<16xf32>
        %broadcast_in_dim3A_1786 = arith.constant 11 : i32
        %broadcast_in_dim3A_1787 = vector.broadcast %broadcast_in_dim3A_1786 : i32 to vector<16xi32>
        %gather3A_1788 = tpu.vector_load_idx %arg13[%add3A_1728, %broadcast_in_dim3A_1787] : memref<2560x16xf32, #tpu.memory_space<vmem>>[vector<16xi32>, vector<16xi32>], vector<16xf32>,
        %mul3A_1789 = arith.mulf %gather3A_1458, %gather3A_1788 : vector<16xf32>
        %add3A_1790 = arith.addf %add3A_1785, %mul3A_1789 : vector<16xf32>
        %broadcast_in_dim3A_1791 = arith.constant 12 : i32
        %broadcast_in_dim3A_1792 = vector.broadcast %broadcast_in_dim3A_1791 : i32 to vector<16xi32>
        %gather3A_1793 = tpu.vector_load_idx %arg13[%add3A_1728, %broadcast_in_dim3A_1792] : memref<2560x16xf32, #tpu.memory_space<vmem>>[vector<16xi32>, vector<16xi32>], vector<16xf32>,
        %mul3A_1794 = arith.mulf %gather3A_1465, %gather3A_1793 : vector<16xf32>
        %add3A_1795 = arith.addf %add3A_1790, %mul3A_1794 : vector<16xf32>
        %broadcast_in_dim3A_1796 = arith.constant 13 : i32
        %broadcast_in_dim3A_1797 = vector.broadcast %broadcast_in_dim3A_1796 : i32 to vector<16xi32>
        %gather3A_1798 = tpu.vector_load_idx %arg13[%add3A_1728, %broadcast_in_dim3A_1797] : memref<2560x16xf32, #tpu.memory_space<vmem>>[vector<16xi32>, vector<16xi32>], vector<16xf32>,
        %mul3A_1799 = arith.mulf %gather3A_1472, %gather3A_1798 : vector<16xf32>
        %add3A_1800 = arith.addf %add3A_1795, %mul3A_1799 : vector<16xf32>
        %broadcast_in_dim3A_1801 = arith.constant 14 : i32
        %broadcast_in_dim3A_1802 = vector.broadcast %broadcast_in_dim3A_1801 : i32 to vector<16xi32>
        %gather3A_1803 = tpu.vector_load_idx %arg13[%add3A_1728, %broadcast_in_dim3A_1802] : memref<2560x16xf32, #tpu.memory_space<vmem>>[vector<16xi32>, vector<16xi32>], vector<16xf32>,
        %mul3A_1804 = arith.mulf %gather3A_1479, %gather3A_1803 : vector<16xf32>
        %add3A_1805 = arith.addf %add3A_1800, %mul3A_1804 : vector<16xf32>
        %broadcast_in_dim3A_1806 = arith.constant 15 : i32
        %broadcast_in_dim3A_1807 = vector.broadcast %broadcast_in_dim3A_1806 : i32 to vector<16xi32>
        %gather3A_1808 = tpu.vector_load_idx %arg13[%add3A_1728, %broadcast_in_dim3A_1807] : memref<2560x16xf32, #tpu.memory_space<vmem>>[vector<16xi32>, vector<16xi32>], vector<16xf32>,
        %mul3A_1809 = arith.mulf %gather3A_1486, %gather3A_1808 : vector<16xf32>
        %add3A_1810 = arith.addf %add3A_1805, %mul3A_1809 : vector<16xf32>
        tpu.vector_store_idx %arg16[%add3A_1728], %add3A_1810 : memref<2560xf32, #tpu.memory_space<vmem>>[vector<16xi32>], vector<16xf32>,
        %gather3A_1811 = tpu.vector_load_idx %arg14[%add3A_1728] : memref<2560xf32, #tpu.memory_space<vmem>>[vector<16xi32>], vector<16xf32>,
        %add3A_1812 = arith.addf %add3A_1810, %gather3A_1811 : vector<16xf32>
        %gt3A_1813 = arith.cmpf ogt, %add3A_1812, %scan3A_1722 : vector<16xf32>
        %select_n3A = arith.select %gt3A_1813, %add3A_1812, %scan3A_1722 : vector<16xi1>, vector<16xf32>
        %broadcast_in_dim3A_1814 = vector.broadcast %scan3A_1721 : i32 to vector<16xi32>
        %select_n3A_1815 = arith.select %gt3A_1813, %broadcast_in_dim3A_1814, %scan3A_1723 : vector<16xi1>, vector<16xi32>
        scf.yield %select_n3A, %select_n3A_1815 : vector<16xf32>, vector<16xi32>
      }
      %scan3A_1496 = arith.constant 20 : i32
      %mul3A_1497 = arith.constant 20 : i32
      %mul3A_1498 = vector.broadcast %mul3A_1497 : i32 to vector<16xi32>
      %mul3A_1499 = arith.muli %add3A_1375, %mul3A_1498 : vector<16xi32>
      %add3A_1500 = arith.addi %mul3A_1499, %scan3A_1495#1 : vector<16xi32>
      %gather3A_1501 = tpu.vector_load_idx %arg11[%add3A_1500] : memref<2560xi32, #tpu.memory_space<vmem>>[vector<16xi32>], vector<16xi32>,
      %mul3A_1502 = arith.constant 16 : i32
      %mul3A_1503 = arith.muli %scan3A_1370, %mul3A_1502 : i32
      %swap3A_1504 = arith.index_cast %mul3A_1503 : i32 to index
      %swap3A_1505 = tpu.vector_load %arg17[%swap3A_1504] {strides = array<i32>} : memref<128xi32, #tpu.memory_space<vmem>>, vector<16xi32>,
      tpu.vector_store %arg17[%swap3A_1504], %scan3A_1495#1 {strides = array<i32>} : memref<128xi32, #tpu.memory_space<vmem>>, vector<16xi32>,
      %mul3A_1506 = arith.constant 16 : i32
      %mul3A_1507 = arith.muli %scan3A_1370, %mul3A_1506 : i32
      %swap3A_1508 = arith.index_cast %mul3A_1507 : i32 to index
      %swap3A_1509 = tpu.vector_load %arg18[%swap3A_1508] {strides = array<i32>} : memref<128xi32, #tpu.memory_space<vmem>>, vector<16xi32>,
      tpu.vector_store %arg18[%swap3A_1508], %gather3A_1501 {strides = array<i32>} : memref<128xi32, #tpu.memory_space<vmem>>, vector<16xi32>,
      %broadcast_in_dim3A_1510 = arith.constant 0 : i32
      %broadcast_in_dim3A_1511 = vector.broadcast %broadcast_in_dim3A_1510 : i32 to vector<16xi32>
      %gather3A_1512 = tpu.vector_load_idx %arg13[%add3A_1500, %broadcast_in_dim3A_1511] : memref<2560x16xf32, #tpu.memory_space<vmem>>[vector<16xi32>, vector<16xi32>], vector<16xf32>,
      %mul3A_1513 = arith.constant 16 : i32
      %mul3A_1514 = vector.broadcast %mul3A_1513 : i32 to vector<16xi32>
      %mul3A_1515 = arith.muli %add3A_1375, %mul3A_1514 : vector<16xi32>
      %add3A_1516 = arith.constant 0 : i32
      %add3A_1517 = vector.broadcast %add3A_1516 : i32 to vector<16xi32>
      %add3A_1518 = arith.addi %mul3A_1515, %add3A_1517 : vector<16xi32>
      %add3A_1519 = arith.addf %gather3A, %gather3A_1512 : vector<16xf32>
      %mul3A_1520 = arith.constant 5.000000e-01 : f32
      %mul3A_1521 = vector.broadcast %mul3A_1520 : f32 to vector<16xf32>
      %mul3A_1522 = arith.mulf %add3A_1519, %mul3A_1521 : vector<16xf32>
      tpu.vector_store_idx %arg19[%add3A_1518], %mul3A_1522 : memref<2048xf32, #tpu.memory_space<vmem>>[vector<16xi32>], vector<16xf32>,
      %broadcast_in_dim3A_1523 = arith.constant 1 : i32
      %broadcast_in_dim3A_1524 = vector.broadcast %broadcast_in_dim3A_1523 : i32 to vector<16xi32>
      %gather3A_1525 = tpu.vector_load_idx %arg13[%add3A_1500, %broadcast_in_dim3A_1524] : memref<2560x16xf32, #tpu.memory_space<vmem>>[vector<16xi32>, vector<16xi32>], vector<16xf32>,
      %mul3A_1526 = arith.constant 16 : i32
      %mul3A_1527 = vector.broadcast %mul3A_1526 : i32 to vector<16xi32>
      %mul3A_1528 = arith.muli %add3A_1375, %mul3A_1527 : vector<16xi32>
      %add3A_1529 = arith.constant 1 : i32
      %add3A_1530 = vector.broadcast %add3A_1529 : i32 to vector<16xi32>
      %add3A_1531 = arith.addi %mul3A_1528, %add3A_1530 : vector<16xi32>
      %add3A_1532 = arith.addf %gather3A_1388, %gather3A_1525 : vector<16xf32>
      %mul3A_1533 = arith.constant 5.000000e-01 : f32
      %mul3A_1534 = vector.broadcast %mul3A_1533 : f32 to vector<16xf32>
      %mul3A_1535 = arith.mulf %add3A_1532, %mul3A_1534 : vector<16xf32>
      tpu.vector_store_idx %arg19[%add3A_1531], %mul3A_1535 : memref<2048xf32, #tpu.memory_space<vmem>>[vector<16xi32>], vector<16xf32>,
      %broadcast_in_dim3A_1536 = arith.constant 2 : i32
      %broadcast_in_dim3A_1537 = vector.broadcast %broadcast_in_dim3A_1536 : i32 to vector<16xi32>
      %gather3A_1538 = tpu.vector_load_idx %arg13[%add3A_1500, %broadcast_in_dim3A_1537] : memref<2560x16xf32, #tpu.memory_space<vmem>>[vector<16xi32>, vector<16xi32>], vector<16xf32>,
      %mul3A_1539 = arith.constant 16 : i32
      %mul3A_1540 = vector.broadcast %mul3A_1539 : i32 to vector<16xi32>
      %mul3A_1541 = arith.muli %add3A_1375, %mul3A_1540 : vector<16xi32>
      %add3A_1542 = arith.constant 2 : i32
      %add3A_1543 = vector.broadcast %add3A_1542 : i32 to vector<16xi32>
      %add3A_1544 = arith.addi %mul3A_1541, %add3A_1543 : vector<16xi32>
      %add3A_1545 = arith.addf %gather3A_1395, %gather3A_1538 : vector<16xf32>
      %mul3A_1546 = arith.constant 5.000000e-01 : f32
      %mul3A_1547 = vector.broadcast %mul3A_1546 : f32 to vector<16xf32>
      %mul3A_1548 = arith.mulf %add3A_1545, %mul3A_1547 : vector<16xf32>
      tpu.vector_store_idx %arg19[%add3A_1544], %mul3A_1548 : memref<2048xf32, #tpu.memory_space<vmem>>[vector<16xi32>], vector<16xf32>,
      %broadcast_in_dim3A_1549 = arith.constant 3 : i32
      %broadcast_in_dim3A_1550 = vector.broadcast %broadcast_in_dim3A_1549 : i32 to vector<16xi32>
      %gather3A_1551 = tpu.vector_load_idx %arg13[%add3A_1500, %broadcast_in_dim3A_1550] : memref<2560x16xf32, #tpu.memory_space<vmem>>[vector<16xi32>, vector<16xi32>], vector<16xf32>,
      %mul3A_1552 = arith.constant 16 : i32
      %mul3A_1553 = vector.broadcast %mul3A_1552 : i32 to vector<16xi32>
      %mul3A_1554 = arith.muli %add3A_1375, %mul3A_1553 : vector<16xi32>
      %add3A_1555 = arith.constant 3 : i32
      %add3A_1556 = vector.broadcast %add3A_1555 : i32 to vector<16xi32>
      %add3A_1557 = arith.addi %mul3A_1554, %add3A_1556 : vector<16xi32>
      %add3A_1558 = arith.addf %gather3A_1402, %gather3A_1551 : vector<16xf32>
      %mul3A_1559 = arith.constant 5.000000e-01 : f32
      %mul3A_1560 = vector.broadcast %mul3A_1559 : f32 to vector<16xf32>
      %mul3A_1561 = arith.mulf %add3A_1558, %mul3A_1560 : vector<16xf32>
      tpu.vector_store_idx %arg19[%add3A_1557], %mul3A_1561 : memref<2048xf32, #tpu.memory_space<vmem>>[vector<16xi32>], vector<16xf32>,
      %broadcast_in_dim3A_1562 = arith.constant 4 : i32
      %broadcast_in_dim3A_1563 = vector.broadcast %broadcast_in_dim3A_1562 : i32 to vector<16xi32>
      %gather3A_1564 = tpu.vector_load_idx %arg13[%add3A_1500, %broadcast_in_dim3A_1563] : memref<2560x16xf32, #tpu.memory_space<vmem>>[vector<16xi32>, vector<16xi32>], vector<16xf32>,
      %mul3A_1565 = arith.constant 16 : i32
      %mul3A_1566 = vector.broadcast %mul3A_1565 : i32 to vector<16xi32>
      %mul3A_1567 = arith.muli %add3A_1375, %mul3A_1566 : vector<16xi32>
      %add3A_1568 = arith.constant 4 : i32
      %add3A_1569 = vector.broadcast %add3A_1568 : i32 to vector<16xi32>
      %add3A_1570 = arith.addi %mul3A_1567, %add3A_1569 : vector<16xi32>
      %add3A_1571 = arith.addf %gather3A_1409, %gather3A_1564 : vector<16xf32>
      %mul3A_1572 = arith.constant 5.000000e-01 : f32
      %mul3A_1573 = vector.broadcast %mul3A_1572 : f32 to vector<16xf32>
      %mul3A_1574 = arith.mulf %add3A_1571, %mul3A_1573 : vector<16xf32>
      tpu.vector_store_idx %arg19[%add3A_1570], %mul3A_1574 : memref<2048xf32, #tpu.memory_space<vmem>>[vector<16xi32>], vector<16xf32>,
      %broadcast_in_dim3A_1575 = arith.constant 5 : i32
      %broadcast_in_dim3A_1576 = vector.broadcast %broadcast_in_dim3A_1575 : i32 to vector<16xi32>
      %gather3A_1577 = tpu.vector_load_idx %arg13[%add3A_1500, %broadcast_in_dim3A_1576] : memref<2560x16xf32, #tpu.memory_space<vmem>>[vector<16xi32>, vector<16xi32>], vector<16xf32>,
      %mul3A_1578 = arith.constant 16 : i32
      %mul3A_1579 = vector.broadcast %mul3A_1578 : i32 to vector<16xi32>
      %mul3A_1580 = arith.muli %add3A_1375, %mul3A_1579 : vector<16xi32>
      %add3A_1581 = arith.constant 5 : i32
      %add3A_1582 = vector.broadcast %add3A_1581 : i32 to vector<16xi32>
      %add3A_1583 = arith.addi %mul3A_1580, %add3A_1582 : vector<16xi32>
      %add3A_1584 = arith.addf %gather3A_1416, %gather3A_1577 : vector<16xf32>
      %mul3A_1585 = arith.constant 5.000000e-01 : f32
      %mul3A_1586 = vector.broadcast %mul3A_1585 : f32 to vector<16xf32>
      %mul3A_1587 = arith.mulf %add3A_1584, %mul3A_1586 : vector<16xf32>
      tpu.vector_store_idx %arg19[%add3A_1583], %mul3A_1587 : memref<2048xf32, #tpu.memory_space<vmem>>[vector<16xi32>], vector<16xf32>,
      %broadcast_in_dim3A_1588 = arith.constant 6 : i32
      %broadcast_in_dim3A_1589 = vector.broadcast %broadcast_in_dim3A_1588 : i32 to vector<16xi32>
      %gather3A_1590 = tpu.vector_load_idx %arg13[%add3A_1500, %broadcast_in_dim3A_1589] : memref<2560x16xf32, #tpu.memory_space<vmem>>[vector<16xi32>, vector<16xi32>], vector<16xf32>,
      %mul3A_1591 = arith.constant 16 : i32
      %mul3A_1592 = vector.broadcast %mul3A_1591 : i32 to vector<16xi32>
      %mul3A_1593 = arith.muli %add3A_1375, %mul3A_1592 : vector<16xi32>
      %add3A_1594 = arith.constant 6 : i32
      %add3A_1595 = vector.broadcast %add3A_1594 : i32 to vector<16xi32>
      %add3A_1596 = arith.addi %mul3A_1593, %add3A_1595 : vector<16xi32>
      %add3A_1597 = arith.addf %gather3A_1423, %gather3A_1590 : vector<16xf32>
      %mul3A_1598 = arith.constant 5.000000e-01 : f32
      %mul3A_1599 = vector.broadcast %mul3A_1598 : f32 to vector<16xf32>
      %mul3A_1600 = arith.mulf %add3A_1597, %mul3A_1599 : vector<16xf32>
      tpu.vector_store_idx %arg19[%add3A_1596], %mul3A_1600 : memref<2048xf32, #tpu.memory_space<vmem>>[vector<16xi32>], vector<16xf32>,
      %broadcast_in_dim3A_1601 = arith.constant 7 : i32
      %broadcast_in_dim3A_1602 = vector.broadcast %broadcast_in_dim3A_1601 : i32 to vector<16xi32>
      %gather3A_1603 = tpu.vector_load_idx %arg13[%add3A_1500, %broadcast_in_dim3A_1602] : memref<2560x16xf32, #tpu.memory_space<vmem>>[vector<16xi32>, vector<16xi32>], vector<16xf32>,
      %mul3A_1604 = arith.constant 16 : i32
      %mul3A_1605 = vector.broadcast %mul3A_1604 : i32 to vector<16xi32>
      %mul3A_1606 = arith.muli %add3A_1375, %mul3A_1605 : vector<16xi32>
      %add3A_1607 = arith.constant 7 : i32
      %add3A_1608 = vector.broadcast %add3A_1607 : i32 to vector<16xi32>
      %add3A_1609 = arith.addi %mul3A_1606, %add3A_1608 : vector<16xi32>
      %add3A_1610 = arith.addf %gather3A_1430, %gather3A_1603 : vector<16xf32>
      %mul3A_1611 = arith.constant 5.000000e-01 : f32
      %mul3A_1612 = vector.broadcast %mul3A_1611 : f32 to vector<16xf32>
      %mul3A_1613 = arith.mulf %add3A_1610, %mul3A_1612 : vector<16xf32>
      tpu.vector_store_idx %arg19[%add3A_1609], %mul3A_1613 : memref<2048xf32, #tpu.memory_space<vmem>>[vector<16xi32>], vector<16xf32>,
      %broadcast_in_dim3A_1614 = arith.constant 8 : i32
      %broadcast_in_dim3A_1615 = vector.broadcast %broadcast_in_dim3A_1614 : i32 to vector<16xi32>
      %gather3A_1616 = tpu.vector_load_idx %arg13[%add3A_1500, %broadcast_in_dim3A_1615] : memref<2560x16xf32, #tpu.memory_space<vmem>>[vector<16xi32>, vector<16xi32>], vector<16xf32>,
      %mul3A_1617 = arith.constant 16 : i32
      %mul3A_1618 = vector.broadcast %mul3A_1617 : i32 to vector<16xi32>
      %mul3A_1619 = arith.muli %add3A_1375, %mul3A_1618 : vector<16xi32>
      %add3A_1620 = arith.constant 8 : i32
      %add3A_1621 = vector.broadcast %add3A_1620 : i32 to vector<16xi32>
      %add3A_1622 = arith.addi %mul3A_1619, %add3A_1621 : vector<16xi32>
      %add3A_1623 = arith.addf %gather3A_1437, %gather3A_1616 : vector<16xf32>
      %mul3A_1624 = arith.constant 5.000000e-01 : f32
      %mul3A_1625 = vector.broadcast %mul3A_1624 : f32 to vector<16xf32>
      %mul3A_1626 = arith.mulf %add3A_1623, %mul3A_1625 : vector<16xf32>
      tpu.vector_store_idx %arg19[%add3A_1622], %mul3A_1626 : memref<2048xf32, #tpu.memory_space<vmem>>[vector<16xi32>], vector<16xf32>,
      %broadcast_in_dim3A_1627 = arith.constant 9 : i32
      %broadcast_in_dim3A_1628 = vector.broadcast %broadcast_in_dim3A_1627 : i32 to vector<16xi32>
      %gather3A_1629 = tpu.vector_load_idx %arg13[%add3A_1500, %broadcast_in_dim3A_1628] : memref<2560x16xf32, #tpu.memory_space<vmem>>[vector<16xi32>, vector<16xi32>], vector<16xf32>,
      %mul3A_1630 = arith.constant 16 : i32
      %mul3A_1631 = vector.broadcast %mul3A_1630 : i32 to vector<16xi32>
      %mul3A_1632 = arith.muli %add3A_1375, %mul3A_1631 : vector<16xi32>
      %add3A_1633 = arith.constant 9 : i32
      %add3A_1634 = vector.broadcast %add3A_1633 : i32 to vector<16xi32>
      %add3A_1635 = arith.addi %mul3A_1632, %add3A_1634 : vector<16xi32>
      %add3A_1636 = arith.addf %gather3A_1444, %gather3A_1629 : vector<16xf32>
      %mul3A_1637 = arith.constant 5.000000e-01 : f32
      %mul3A_1638 = vector.broadcast %mul3A_1637 : f32 to vector<16xf32>
      %mul3A_1639 = arith.mulf %add3A_1636, %mul3A_1638 : vector<16xf32>
      tpu.vector_store_idx %arg19[%add3A_1635], %mul3A_1639 : memref<2048xf32, #tpu.memory_space<vmem>>[vector<16xi32>], vector<16xf32>,
      %broadcast_in_dim3A_1640 = arith.constant 10 : i32
      %broadcast_in_dim3A_1641 = vector.broadcast %broadcast_in_dim3A_1640 : i32 to vector<16xi32>
      %gather3A_1642 = tpu.vector_load_idx %arg13[%add3A_1500, %broadcast_in_dim3A_1641] : memref<2560x16xf32, #tpu.memory_space<vmem>>[vector<16xi32>, vector<16xi32>], vector<16xf32>,
      %mul3A_1643 = arith.constant 16 : i32
      %mul3A_1644 = vector.broadcast %mul3A_1643 : i32 to vector<16xi32>
      %mul3A_1645 = arith.muli %add3A_1375, %mul3A_1644 : vector<16xi32>
      %add3A_1646 = arith.constant 10 : i32
      %add3A_1647 = vector.broadcast %add3A_1646 : i32 to vector<16xi32>
      %add3A_1648 = arith.addi %mul3A_1645, %add3A_1647 : vector<16xi32>
      %add3A_1649 = arith.addf %gather3A_1451, %gather3A_1642 : vector<16xf32>
      %mul3A_1650 = arith.constant 5.000000e-01 : f32
      %mul3A_1651 = vector.broadcast %mul3A_1650 : f32 to vector<16xf32>
      %mul3A_1652 = arith.mulf %add3A_1649, %mul3A_1651 : vector<16xf32>
      tpu.vector_store_idx %arg19[%add3A_1648], %mul3A_1652 : memref<2048xf32, #tpu.memory_space<vmem>>[vector<16xi32>], vector<16xf32>,
      %broadcast_in_dim3A_1653 = arith.constant 11 : i32
      %broadcast_in_dim3A_1654 = vector.broadcast %broadcast_in_dim3A_1653 : i32 to vector<16xi32>
      %gather3A_1655 = tpu.vector_load_idx %arg13[%add3A_1500, %broadcast_in_dim3A_1654] : memref<2560x16xf32, #tpu.memory_space<vmem>>[vector<16xi32>, vector<16xi32>], vector<16xf32>,
      %mul3A_1656 = arith.constant 16 : i32
      %mul3A_1657 = vector.broadcast %mul3A_1656 : i32 to vector<16xi32>
      %mul3A_1658 = arith.muli %add3A_1375, %mul3A_1657 : vector<16xi32>
      %add3A_1659 = arith.constant 11 : i32
      %add3A_1660 = vector.broadcast %add3A_1659 : i32 to vector<16xi32>
      %add3A_1661 = arith.addi %mul3A_1658, %add3A_1660 : vector<16xi32>
      %add3A_1662 = arith.addf %gather3A_1458, %gather3A_1655 : vector<16xf32>
      %mul3A_1663 = arith.constant 5.000000e-01 : f32
      %mul3A_1664 = vector.broadcast %mul3A_1663 : f32 to vector<16xf32>
      %mul3A_1665 = arith.mulf %add3A_1662, %mul3A_1664 : vector<16xf32>
      tpu.vector_store_idx %arg19[%add3A_1661], %mul3A_1665 : memref<2048xf32, #tpu.memory_space<vmem>>[vector<16xi32>], vector<16xf32>,
      %broadcast_in_dim3A_1666 = arith.constant 12 : i32
      %broadcast_in_dim3A_1667 = vector.broadcast %broadcast_in_dim3A_1666 : i32 to vector<16xi32>
      %gather3A_1668 = tpu.vector_load_idx %arg13[%add3A_1500, %broadcast_in_dim3A_1667] : memref<2560x16xf32, #tpu.memory_space<vmem>>[vector<16xi32>, vector<16xi32>], vector<16xf32>,
      %mul3A_1669 = arith.constant 16 : i32
      %mul3A_1670 = vector.broadcast %mul3A_1669 : i32 to vector<16xi32>
      %mul3A_1671 = arith.muli %add3A_1375, %mul3A_1670 : vector<16xi32>
      %add3A_1672 = arith.constant 12 : i32
      %add3A_1673 = vector.broadcast %add3A_1672 : i32 to vector<16xi32>
      %add3A_1674 = arith.addi %mul3A_1671, %add3A_1673 : vector<16xi32>
      %add3A_1675 = arith.addf %gather3A_1465, %gather3A_1668 : vector<16xf32>
      %mul3A_1676 = arith.constant 5.000000e-01 : f32
      %mul3A_1677 = vector.broadcast %mul3A_1676 : f32 to vector<16xf32>
      %mul3A_1678 = arith.mulf %add3A_1675, %mul3A_1677 : vector<16xf32>
      tpu.vector_store_idx %arg19[%add3A_1674], %mul3A_1678 : memref<2048xf32, #tpu.memory_space<vmem>>[vector<16xi32>], vector<16xf32>,
      %broadcast_in_dim3A_1679 = arith.constant 13 : i32
      %broadcast_in_dim3A_1680 = vector.broadcast %broadcast_in_dim3A_1679 : i32 to vector<16xi32>
      %gather3A_1681 = tpu.vector_load_idx %arg13[%add3A_1500, %broadcast_in_dim3A_1680] : memref<2560x16xf32, #tpu.memory_space<vmem>>[vector<16xi32>, vector<16xi32>], vector<16xf32>,
      %mul3A_1682 = arith.constant 16 : i32
      %mul3A_1683 = vector.broadcast %mul3A_1682 : i32 to vector<16xi32>
      %mul3A_1684 = arith.muli %add3A_1375, %mul3A_1683 : vector<16xi32>
      %add3A_1685 = arith.constant 13 : i32
      %add3A_1686 = vector.broadcast %add3A_1685 : i32 to vector<16xi32>
      %add3A_1687 = arith.addi %mul3A_1684, %add3A_1686 : vector<16xi32>
      %add3A_1688 = arith.addf %gather3A_1472, %gather3A_1681 : vector<16xf32>
      %mul3A_1689 = arith.constant 5.000000e-01 : f32
      %mul3A_1690 = vector.broadcast %mul3A_1689 : f32 to vector<16xf32>
      %mul3A_1691 = arith.mulf %add3A_1688, %mul3A_1690 : vector<16xf32>
      tpu.vector_store_idx %arg19[%add3A_1687], %mul3A_1691 : memref<2048xf32, #tpu.memory_space<vmem>>[vector<16xi32>], vector<16xf32>,
      %broadcast_in_dim3A_1692 = arith.constant 14 : i32
      %broadcast_in_dim3A_1693 = vector.broadcast %broadcast_in_dim3A_1692 : i32 to vector<16xi32>
      %gather3A_1694 = tpu.vector_load_idx %arg13[%add3A_1500, %broadcast_in_dim3A_1693] : memref<2560x16xf32, #tpu.memory_space<vmem>>[vector<16xi32>, vector<16xi32>], vector<16xf32>,
      %mul3A_1695 = arith.constant 16 : i32
      %mul3A_1696 = vector.broadcast %mul3A_1695 : i32 to vector<16xi32>
      %mul3A_1697 = arith.muli %add3A_1375, %mul3A_1696 : vector<16xi32>
      %add3A_1698 = arith.constant 14 : i32
      %add3A_1699 = vector.broadcast %add3A_1698 : i32 to vector<16xi32>
      %add3A_1700 = arith.addi %mul3A_1697, %add3A_1699 : vector<16xi32>
      %add3A_1701 = arith.addf %gather3A_1479, %gather3A_1694 : vector<16xf32>
      %mul3A_1702 = arith.constant 5.000000e-01 : f32
      %mul3A_1703 = vector.broadcast %mul3A_1702 : f32 to vector<16xf32>
      %mul3A_1704 = arith.mulf %add3A_1701, %mul3A_1703 : vector<16xf32>
      tpu.vector_store_idx %arg19[%add3A_1700], %mul3A_1704 : memref<2048xf32, #tpu.memory_space<vmem>>[vector<16xi32>], vector<16xf32>,
      %broadcast_in_dim3A_1705 = arith.constant 15 : i32
      %broadcast_in_dim3A_1706 = vector.broadcast %broadcast_in_dim3A_1705 : i32 to vector<16xi32>
      %gather3A_1707 = tpu.vector_load_idx %arg13[%add3A_1500, %broadcast_in_dim3A_1706] : memref<2560x16xf32, #tpu.memory_space<vmem>>[vector<16xi32>, vector<16xi32>], vector<16xf32>,
      %mul3A_1708 = arith.constant 16 : i32
      %mul3A_1709 = vector.broadcast %mul3A_1708 : i32 to vector<16xi32>
      %mul3A_1710 = arith.muli %add3A_1375, %mul3A_1709 : vector<16xi32>
      %add3A_1711 = arith.constant 15 : i32
      %add3A_1712 = vector.broadcast %add3A_1711 : i32 to vector<16xi32>
      %add3A_1713 = arith.addi %mul3A_1710, %add3A_1712 : vector<16xi32>
      %add3A_1714 = arith.addf %gather3A_1486, %gather3A_1707 : vector<16xf32>
      %mul3A_1715 = arith.constant 5.000000e-01 : f32
      %mul3A_1716 = vector.broadcast %mul3A_1715 : f32 to vector<16xf32>
      %mul3A_1717 = arith.mulf %add3A_1714, %mul3A_1716 : vector<16xf32>
      tpu.vector_store_idx %arg19[%add3A_1713], %mul3A_1717 : memref<2048xf32, #tpu.memory_space<vmem>>[vector<16xi32>], vector<16xf32>,
      %gt3A = arith.constant 1 : i32
      %gt3A_1718 = vector.broadcast %gt3A : i32 to vector<16xi32>
      %gt3A_1719 = arith.cmpi sgt, %gather3A_1501, %gt3A_1718 : vector<16xi32>
      %all_reduce_population_count3A = tpu.all_reduce %gt3A_1719 {dim = 0 : i64, kind = #tpu.reduction_kind<sum>} : vector<16xi1> -> vector<16xi32>
      %add3A_1720 = arith.addi %scan3A_1371, %all_reduce_population_count3A : vector<16xi32>
      scf.yield %add3A_1720 : vector<16xi32>
    }
    %scan3A_1364 = arith.constant 8 : i32
    "tpu.region"() ({
      %run_scoped3A = tpu.sem_alloc : memref<!tpu.dma_semaphore, #tpu.memory_space<semaphore_mem>>
      %dma_start3A_1370 = tpu.memref_slice %arg6[%mul3A_1030] : memref<327680xf32, #tpu.memory_space<hbm>> -> memref<2560xf32, #tpu.memory_space<hbm>>
      %dma_start3A_1371 = tpu.memref_slice %arg6[%mul3A_1030] : memref<327680xf32, #tpu.memory_space<hbm>> -> memref<2560xf32, #tpu.memory_space<hbm>>
      tpu.enqueue_dma source(%arg16 : memref<2560xf32, #tpu.memory_space<vmem>>) target(%dma_start3A_1371 : memref<2560xf32, #tpu.memory_space<hbm>>) target_semaphore(%run_scoped3A : memref<!tpu.dma_semaphore, #tpu.memory_space<semaphore_mem>>)
      %dma_wait3A_1372 = tpu.memref_slice %arg6[%mul3A_1030] : memref<327680xf32, #tpu.memory_space<hbm>> -> memref<2560xf32, #tpu.memory_space<hbm>>
      %dma_wait3A_1373 = tpu.memref_slice %arg6[%mul3A_1030] : memref<327680xf32, #tpu.memory_space<hbm>> -> memref<2560xf32, #tpu.memory_space<hbm>>
      tpu.wait_dma2 semaphore(%run_scoped3A : memref<!tpu.dma_semaphore, #tpu.memory_space<semaphore_mem>>) src(%arg16 : memref<2560xf32, #tpu.memory_space<vmem>>) dst(%dma_wait3A_1373 : memref<2560xf32, #tpu.memory_space<hbm>>)
      tpu.yield
    }) : () -> ()
    "tpu.region"() ({
      %run_scoped3A = tpu.sem_alloc : memref<!tpu.dma_semaphore, #tpu.memory_space<semaphore_mem>>
      %dma_start3A_1370 = tpu.memref_slice %arg7[%add3A_1028] : memref<16384xi32, #tpu.memory_space<hbm>> -> memref<128xi32, #tpu.memory_space<hbm>>
      %dma_start3A_1371 = tpu.memref_slice %arg7[%add3A_1028] : memref<16384xi32, #tpu.memory_space<hbm>> -> memref<128xi32, #tpu.memory_space<hbm>>
      tpu.enqueue_dma source(%arg17 : memref<128xi32, #tpu.memory_space<vmem>>) target(%dma_start3A_1371 : memref<128xi32, #tpu.memory_space<hbm>>) target_semaphore(%run_scoped3A : memref<!tpu.dma_semaphore, #tpu.memory_space<semaphore_mem>>)
      %dma_wait3A_1372 = tpu.memref_slice %arg7[%add3A_1028] : memref<16384xi32, #tpu.memory_space<hbm>> -> memref<128xi32, #tpu.memory_space<hbm>>
      %dma_wait3A_1373 = tpu.memref_slice %arg7[%add3A_1028] : memref<16384xi32, #tpu.memory_space<hbm>> -> memref<128xi32, #tpu.memory_space<hbm>>
      tpu.wait_dma2 semaphore(%run_scoped3A : memref<!tpu.dma_semaphore, #tpu.memory_space<semaphore_mem>>) src(%arg17 : memref<128xi32, #tpu.memory_space<vmem>>) dst(%dma_wait3A_1373 : memref<128xi32, #tpu.memory_space<hbm>>)
      tpu.yield
    }) : () -> ()
    "tpu.region"() ({
      %run_scoped3A = tpu.sem_alloc : memref<!tpu.dma_semaphore, #tpu.memory_space<semaphore_mem>>
      %dma_start3A_1370 = tpu.memref_slice %arg8[%add3A_1028] : memref<16384xi32, #tpu.memory_space<hbm>> -> memref<128xi32, #tpu.memory_space<hbm>>
      %dma_start3A_1371 = tpu.memref_slice %arg8[%add3A_1028] : memref<16384xi32, #tpu.memory_space<hbm>> -> memref<128xi32, #tpu.memory_space<hbm>>
      tpu.enqueue_dma source(%arg18 : memref<128xi32, #tpu.memory_space<vmem>>) target(%dma_start3A_1371 : memref<128xi32, #tpu.memory_space<hbm>>) target_semaphore(%run_scoped3A : memref<!tpu.dma_semaphore, #tpu.memory_space<semaphore_mem>>)
      %dma_wait3A_1372 = tpu.memref_slice %arg8[%add3A_1028] : memref<16384xi32, #tpu.memory_space<hbm>> -> memref<128xi32, #tpu.memory_space<hbm>>
      %dma_wait3A_1373 = tpu.memref_slice %arg8[%add3A_1028] : memref<16384xi32, #tpu.memory_space<hbm>> -> memref<128xi32, #tpu.memory_space<hbm>>
      tpu.wait_dma2 semaphore(%run_scoped3A : memref<!tpu.dma_semaphore, #tpu.memory_space<semaphore_mem>>) src(%arg18 : memref<128xi32, #tpu.memory_space<vmem>>) dst(%dma_wait3A_1373 : memref<128xi32, #tpu.memory_space<hbm>>)
      tpu.yield
    }) : () -> ()
    %mul3A_1365 = arith.constant 16 : i32
    %mul3A_1366 = arith.muli %add3A_1028, %mul3A_1365 : i32
    "tpu.region"() ({
      %run_scoped3A = tpu.sem_alloc : memref<!tpu.dma_semaphore, #tpu.memory_space<semaphore_mem>>
      %dma_start3A_1370 = tpu.memref_slice %arg9[%mul3A_1366] : memref<262144xf32, #tpu.memory_space<hbm>> -> memref<2048xf32, #tpu.memory_space<hbm>>
      %dma_start3A_1371 = tpu.memref_slice %arg9[%mul3A_1366] : memref<262144xf32, #tpu.memory_space<hbm>> -> memref<2048xf32, #tpu.memory_space<hbm>>
      tpu.enqueue_dma source(%arg19 : memref<2048xf32, #tpu.memory_space<vmem>>) target(%dma_start3A_1371 : memref<2048xf32, #tpu.memory_space<hbm>>) target_semaphore(%run_scoped3A : memref<!tpu.dma_semaphore, #tpu.memory_space<semaphore_mem>>)
      %dma_wait3A_1372 = tpu.memref_slice %arg9[%mul3A_1366] : memref<262144xf32, #tpu.memory_space<hbm>> -> memref<2048xf32, #tpu.memory_space<hbm>>
      %dma_wait3A_1373 = tpu.memref_slice %arg9[%mul3A_1366] : memref<262144xf32, #tpu.memory_space<hbm>> -> memref<2048xf32, #tpu.memory_space<hbm>>
      tpu.wait_dma2 semaphore(%run_scoped3A : memref<!tpu.dma_semaphore, #tpu.memory_space<semaphore_mem>>) src(%arg19 : memref<2048xf32, #tpu.memory_space<vmem>>) dst(%dma_wait3A_1373 : memref<2048xf32, #tpu.memory_space<hbm>>)
      tpu.yield
    }) : () -> ()
    %convert_element_type3A = arith.sitofp %scan3A_1363 : vector<16xi32> to vector<16xf32>
    %swap3A = arith.constant 0 : index
    %swap3A_1367 = tpu.vector_load %arg20[%swap3A] {strides = array<i32>} : memref<16xf32, #tpu.memory_space<vmem>>, vector<16xf32>,
    tpu.vector_store %arg20[%swap3A], %convert_element_type3A {strides = array<i32>} : memref<16xf32, #tpu.memory_space<vmem>>, vector<16xf32>,
    %mul3A_1368 = arith.constant 16 : i32
    %mul3A_1369 = arith.muli %add3A, %mul3A_1368 : i32
    "tpu.region"() ({
      %run_scoped3A = tpu.sem_alloc : memref<!tpu.dma_semaphore, #tpu.memory_space<semaphore_mem>>
      %dma_start3A_1370 = tpu.memref_slice %arg10[%mul3A_1369] : memref<512xf32, #tpu.memory_space<hbm>> -> memref<16xf32, #tpu.memory_space<hbm>>
      %dma_start3A_1371 = tpu.memref_slice %arg10[%mul3A_1369] : memref<512xf32, #tpu.memory_space<hbm>> -> memref<16xf32, #tpu.memory_space<hbm>>
      tpu.enqueue_dma source(%arg20 : memref<16xf32, #tpu.memory_space<vmem>>) target(%dma_start3A_1371 : memref<16xf32, #tpu.memory_space<hbm>>) target_semaphore(%run_scoped3A : memref<!tpu.dma_semaphore, #tpu.memory_space<semaphore_mem>>)
      %dma_wait3A_1372 = tpu.memref_slice %arg10[%mul3A_1369] : memref<512xf32, #tpu.memory_space<hbm>> -> memref<16xf32, #tpu.memory_space<hbm>>
      %dma_wait3A_1373 = tpu.memref_slice %arg10[%mul3A_1369] : memref<512xf32, #tpu.memory_space<hbm>> -> memref<16xf32, #tpu.memory_space<hbm>>
      tpu.wait_dma2 semaphore(%run_scoped3A : memref<!tpu.dma_semaphore, #tpu.memory_space<semaphore_mem>>) src(%arg20 : memref<16xf32, #tpu.memory_space<vmem>>) dst(%dma_wait3A_1373 : memref<16xf32, #tpu.memory_space<hbm>>)
      tpu.yield
    }) : () -> ()
    return
  }
}

module attributes {stable_mosaic.version = 14 : i64} {
  func.func @_tp_body(%arg0: i32, %arg1: memref<16x2048xf32, #tpu.memory_space<vmem>>, %arg2: memref<256x128xf32, #tpu.memory_space<vmem>>) attributes {dimension_semantics = [#tpu.dimension_semantics<arbitrary>], iteration_bounds = array<i64: 489>, scalar_prefetch = 0 : i64, scratch_operands = 0 : i64, tpu.core_type = #tpu.core_type<tc>, window_params = [{transform_indices = @transform_0, window_bounds = array<i64: 16, 2048>}, {transform_indices = @transform_1, window_bounds = array<i64: 256, 128>}]} {
    %get3A = arith.constant 0 : index
    %get3A_0 = arith.constant 0 : index
    %get3A_1 = vector.load %arg1[%get3A, %get3A_0] : memref<16x2048xf32, #tpu.memory_space<vmem>>, vector<16x2048xf32>
    %abs3A = math.absf %get3A_1 : vector<16x2048xf32>
    %lt3A = arith.constant 0x7F800000 : f32
    %lt3A_2 = vector.broadcast %lt3A : f32 to vector<16x2048xf32>
    %lt3A_3 = arith.cmpf olt, %abs3A, %lt3A_2 : vector<16x2048xf32>
    %jit3A = arith.constant 0.000000e+00 : f32
    %broadcast_in_dim3A = vector.broadcast %jit3A : f32 to vector<16x2048xf32>
    %select_n3A = arith.select %lt3A_3, %get3A_1, %broadcast_in_dim3A : vector<16x2048xi1>, vector<16x2048xf32>
    %reshape3A = vector.shape_cast %select_n3A : vector<16x2048xf32> to vector<16x8x256xf32>
    %transpose3A = tpu.transpose %reshape3A, [1, 0, 2] : vector<16x8x256xf32> -> vector<8x16x256xf32>
    %reshape3A_4 = vector.shape_cast %transpose3A : vector<8x16x256xf32> to vector<128x256xf32>
    %iota3A = tpu.iota {dimensions = array<i32: 0>} : vector<128x128xi32>
    %iota3A_5 = tpu.iota {dimensions = array<i32: 1>} : vector<128x128xi32>
    %add3A = arith.constant 0 : i32
    %add3A_6 = vector.broadcast %add3A : i32 to vector<128x128xi32>
    %add3A_7 = arith.addi %iota3A, %add3A_6 : vector<128x128xi32>
    %eq3A = arith.cmpi eq, %add3A_7, %iota3A_5 : vector<128x128xi32>
    %convert_element_type3A = arith.extui %eq3A : vector<128x128xi1> to vector<128x128xi32>
    %convert_element_type3A_8 = arith.sitofp %convert_element_type3A : vector<128x128xi32> to vector<128x128xf32>
    %dot_general3A = arith.constant dense<0.000000e+00> : vector<256x128xf32>
    %dot_general3A_9 = tpu.matmul %reshape3A_4, %convert_element_type3A_8, %dot_general3A {dimension_numbers = #tpu.dot_dimension_numbers<[0], [0], [1], [1], [0, 1, 1, 1], [], []>, precision = #tpu.contract_precision<fp32>, transpose_lhs_hint = false} : vector<128x256xf32>, vector<128x128xf32>, vector<256x128xf32> -> vector<256x128xf32>
    %swap3A = arith.constant 0 : index
    %swap3A_10 = arith.constant 0 : index
    %swap3A_11 = vector.load %arg2[%swap3A, %swap3A_10] : memref<256x128xf32, #tpu.memory_space<vmem>>, vector<256x128xf32>
    tpu.vector_store %arg2[%swap3A, %swap3A_10], %dot_general3A_9 {strides = array<i32>} : memref<256x128xf32, #tpu.memory_space<vmem>>, vector<256x128xf32>,
    return
  }
  func.func @transform_0(%arg0: i32) -> (i32, i32) {
    %c0_i32 = arith.constant 0 : i32
    %c0_i32_0 = arith.constant 0 : i32
    return %c0_i32, %arg0 : i32, i32
  }
  func.func @transform_1(%arg0: i32) -> (i32, i32) {
    %c0_i32 = arith.constant 0 : i32
    %c0_i32_0 = arith.constant 0 : i32
    return %arg0, %c0_i32 : i32, i32
  }
}

</mosaic_0001>

<sc_bundles>
// kernel: kernel.4.cloned.1.call-start
scs
__scs_entry_jumppad:
0x0: {  	(pc) =	sbr.rel $0x88, $3  }
0x1: {  	(tag) =	ssettag $0x0;
	lr =	simm.s32 $0x1  }
0x2: {  	[smem:$0x3F9E] =	sst lr;
	_ =	strace $0xD0000000  }
0x3: {  	_ = 	snop  }
0x4: {  	_ = 	snop  }
0x5: {  	_ = 	snop  }
0x6: {  	_ = 	snop  }
0x7: {  	_ = 	snop  }
__scs_overlays_trampoline_lowered:
0x8: {  	[smem:$0x3FAD] =	sst s0  }
0x9: {  	[smem:$0x3FAE] =	sst s1  }
0xa: {  	[smem:$0x3FAF] =	sst s2  }
0xb: {  	[smem:$0x3FB0] =	sst s3  }
0xc: {  	[smem:$0x3FB1] =	sst s4  }
0xd: {  	[smem:$0x3FB2] =	sst s5  }
0xe: {  	[smem:$0x3FB3] =	sst s6  }
0xf: {  	[smem:$0x3FB4] =	sst s7  }
0x10: {  	[smem:$0x3FB5] =	sst s8  }
0x11: {  	[smem:$0x3FB6] =	sst s9;
	s0 =	simm.s32 @!p0 $0x0  }
0x12: {  	s1 =	sld [smem:$0x3F9C];
	s0 =	simm.s32 @p0 $0x1  }
0x13: {  	[smem:$0x3FB7] =	sst s0;
	s0 =	simm.s32 @!p1 $0x0  }
0x14: {  	s2 =	sld [smem:$0x3F9B];
	s0 =	simm.s32 @p1 $0x1  }
0x15: {  	[smem:$0x3FB8] =	sst s0;
	s0 =	simm.s32 @!p2 $0x0  }
0x16: {  	s3 =	sld [smem:$0x3FDB];
	s0 =	simm.s32 @p2 $0x1  }
0x17: {  	s4 =	simm.s32 $0x1BF5;
	[smem:$0x3FBA] =	sst s0  }
0x18: {  	s0 =	sld [smem:$0x3F9D];
	_ =	swait.ge [sflag:s4], $0x0  }
0x19: {  	s7 =	sld [smem:$0x3F9E]  }
0x1a: {  	s8 =	sadd.s32 $0xFFFFE003, lr  }
0x1b: {  	s9 =	sadd.s32 $0xFFFFFEF7, lr;
	s5 =	simm.s32 $0xFFFFFFFF;
	p2 =	slt.u32 s8, $0xFFFFF086  }
0x1c: {  	p1 =	slt.u32 s9, $0xF7A;
	s5 =	simm.s32 @!p2 $0x0  }
0x1d: {  	s5 =	simm.s32 @p1 $0x1;
	p0 =	seq.s32 s7, s2  }
0x1e: {  	s7 =	smul.u32 @!p0 $0xF7A, s2;
	p2 =	seq.s32 @!p0 s5, $0x0  }
0x1f: {  	s9 =	smul.u32 $0xF7A, s1;
	s8 =	simm.s32 @!p0 $0x1BF5;
	p2 =	por !p2, p0  }
0x20: {  	[sflag:s8] =	ssyncset.s32 @!p0 $0xFFFFF086;
	s6 =	sadd.s32 @!p0 s3, s7;
	s7 =	simm.s32 @!p0 $0x108  }
0x21: {  	s3 =	sadd.s32 s3, s9;
	s6 =	sadd.s32 @!p0 $0x88, s6;
	s7 =	simm.s32 @p2 $0x1082  }
0x22: {  	[simem:s7], [sflag:s8] =	dma.local @!p0 [hbm:s6], $0xF7A  }
0x23: {  	s9 =	sor.u32 $0xD0000000, s2;
	s6 =	simm.s32 $0x108;
	_ =	swait.ge @!p0 [sflag:s8], $0x0  }
0x24: {  	s3 =	sadd.s32 $0x88, s3;
	s6 =	simm.s32 @!p1 $0x1082;
	[sflag:s4] =	ssyncset.s32 $0xFFFFF086  }
0x25: {  	[simem:s6], [sflag:s4] =	dma.local [hbm:s3], $0xF7A  }
0x26: {  	[smem:$0x3F9E] =	sst s1;
	(tag) =	ssettag s2;
	_ =	strace s9  }
0x27: {  	s1 =	sld [smem:$0x3FAE]  }
0x28: {  	s2 =	sld [smem:$0x3FAF]  }
0x29: {  	s4 =	sld [smem:$0x3FB1]  }
0x2a: {  	p0 =	seq.s32 s5, $0x0;
	s5 =	sld [smem:$0x3FB2]  }
0x2b: {  	s6 =	sld [smem:$0x3FB3]  }
0x2c: {  	s7 =	sld [smem:$0x3FB4]  }
0x2d: {  	s3 =	simm.s32 $0x108;
	s8 =	sld [smem:$0x3FB5]  }
0x2e: {  	s3 =	simm.s32 @!p0 $0x1082;
	s9 =	sld [smem:$0x3FB6]  }
0x2f: {  	lr =	sadd.s32 s0, s3;
	s0 =	sld [smem:$0x3FAD]  }
0x30: {  	s3 =	sld [smem:$0x3FB0]  }
0x31: {  	[smem:$0x3FB9] =	sst s10  }
0x32: {  	s10 =	sld [smem:$0x3FB7];
	_ =	sdelay $0x3  }
0x33: {  	p0 =	seq.s32 s10, $0x1;
	s10 =	sld [smem:$0x3FB9];
	_ =	sdelay $0x3  }
0x34: {  	[smem:$0x3FB9] =	sst s10  }
0x35: {  	s10 =	sld [smem:$0x3FB8];
	_ =	sdelay $0x3  }
0x36: {  	p1 =	seq.s32 s10, $0x1;
	s10 =	sld [smem:$0x3FB9];
	_ =	sdelay $0x3  }
0x37: {  	[smem:$0x3FB9] =	sst s10  }
0x38: {  	s10 =	sld [smem:$0x3FBA]  }
0x39: {  	_ = 	snop;
	(pc) =	sbr.ind lr, $3  }
0x3a: {  	_ = 	snop  }
0x3b: {  	_ = 	snop  }
0x3c: {  	p2 =	seq.s32 s10, $0x1;
	s10 =	sld [smem:$0x3FB9]  }
0x3d: {  	_ =	shalt  }
0x3e: {  	_ =	shalt  }
0x3f: {  	_ =	shalt  }
0x40: {  	_ =	shalt  }
0x41: {  	_ =	shalt  }
0x42: {  	_ =	shalt  }
0x43: {  	_ =	shalt  }
0x44: {  	_ =	shalt  }
0x45: {  	_ =	shalt  }
0x46: {  	_ =	shalt  }
0x47: {  	_ =	shalt  }
0x48: {  	_ =	shalt  }
0x49: {  	_ =	shalt  }
0x4a: {  	_ =	shalt  }
0x4b: {  	_ =	shalt  }
0x4c: {  	_ =	shalt  }
0x4d: {  	_ =	shalt  }
0x4e: {  	_ =	shalt  }
0x4f: {  	_ =	shalt  }
0x50: {  	_ =	shalt  }
0x51: {  	_ =	shalt  }
0x52: {  	_ =	shalt  }
0x53: {  	_ =	shalt  }
0x54: {  	_ =	shalt  }
0x55: {  	_ =	shalt  }
0x56: {  	_ =	shalt  }
0x57: {  	_ =	shalt  }
0x58: {  	_ =	shalt  }
0x59: {  	_ =	shalt  }
0x5a: {  	_ =	shalt  }
0x5b: {  	_ =	shalt  }
0x5c: {  	_ =	shalt  }
0x5d: {  	_ =	shalt  }
0x5e: {  	_ =	shalt  }
0x5f: {  	_ =	shalt  }
0x60: {  	_ =	shalt  }
0x61: {  	_ =	shalt  }
0x62: {  	_ =	shalt  }
0x63: {  	_ =	shalt  }
0x64: {  	_ =	shalt  }
0x65: {  	_ =	shalt  }
0x66: {  	_ =	shalt  }
0x67: {  	_ =	shalt  }
0x68: {  	_ =	shalt  }
0x69: {  	_ =	shalt  }
0x6a: {  	_ =	shalt  }
0x6b: {  	_ =	shalt  }
0x6c: {  	_ =	shalt  }
0x6d: {  	_ =	shalt  }
0x6e: {  	_ =	shalt  }
0x6f: {  	_ =	shalt  }
0x70: {  	_ =	shalt  }
0x71: {  	_ =	shalt  }
0x72: {  	_ =	shalt  }
0x73: {  	_ =	shalt  }
0x74: {  	_ =	shalt  }
0x75: {  	_ =	shalt  }
0x76: {  	_ =	shalt  }
0x77: {  	_ =	shalt  }
0x78: {  	_ =	shalt  }
0x79: {  	_ =	shalt  }
0x7a: {  	_ =	shalt  }
0x7b: {  	_ =	shalt  }
0x7c: {  	_ =	shalt  }
0x7d: {  	_ =	shalt  }
0x7e: {  	_ =	shalt  }
0x7f: {  	_ =	shalt  }
0x80: {  	_ =	shalt  }
0x81: {  	_ =	shalt  }
0x82: {  	_ =	shalt  }
0x83: {  	_ =	shalt  }
0x84: {  	_ =	shalt  }
0x85: {  	_ =	shalt  }
0x86: {  	_ =	shalt  }
0x87: {  	_ =	shalt  }
.Lfunc_end0:
.L_simem_size_0:
called_computation_lowered:
.L_overlay_start_0:
0x88: {  	s2 =	sld [smem:$0x3FD9]  }
0x89: {  	s3 =	sld [smem:$0x3FFE];
	_ =	sdelay $0x1  }
0x8a: {  	s1 =	srdreg.scid  }
0x8b: {  	s0 =	sand.u32 $0x1, s1  }
0x8c: {  	s14 =	sshll.u32 s0, $0xA;
	s2 =	sadd.s32 s3, s2  }
0x8d: {  	s2 =	sadd.s32 s2, s14  }
0x8e: {  	[smem:$0x3FC5] =	sst s2  }
0x8f: {  	_ = 	snop  }
0x90: {  	s2 =	sld [smem:$0x3FD0];
	_ =	sdelay $0x2  }
0x91: {  	s15 =	simm.s32 $0xA;
	s4 =	simm.s32 $0x10  }
0x92: {  	[smem:s4], [sflag:s15] =	dma.local [hbm:s2], $0x1  }
0x93: {  	_ =	swait.eq [sflag:s15], $0x1  }
0x94: {  	s16 =	sld [smem:$0x10]  }
0x95: {  	s17 =	sld [smem:$0x11];
	[sflag:s15] =	ssyncset.done $0x0  }
0x96: {  	s5 =	sld [smem:$0x12];
	[sflag:s15] =	ssyncadd.s32 $0xFFFFFFFF  }
0x97: {  	s18 =	sld [smem:$0x13];
	(tm) =	ssettm $0x1  }
0x98: {  	s6 =	sld [smem:$0x3FFB];
	_ =	sdelay $0x3  }
0x99: {  	_ =	strace s6  }
0x9a: {  	s6 =	sld [smem:$0x3FFC];
	_ =	sdelay $0x3  }
0x9b: {  	_ =	strace s6  }
0x9c: {  	s6 =	sld [smem:$0x3FFD];
	_ =	sdelay $0x3  }
0x9d: {  	_ =	strace s6  }
0x9e: {  	_ =	strace $0x8FFFFFFF  }
0x9f: {  	s19 =	sld [smem:$0x3FDB];
	_ =	sdelay $0x1  }
0xa0: {  	s7 =	simm.s32 $_scs_section_size  }
0xa1: {  	s8 =	simm.s32 $_size__tile_overlayer_lowered;
	s9 =	simm.s32 $_tile_overlayer_lowered  }
0xa2: {  	s22 =	simm.s32 $0x1BFF;
	s21 =	sshll.u32 s9, $0x1;
	s6 =	sadd.s32 s7, s19  }
0xa3: {  	s10 =	simm.s32 $0x0;
	s20 =	sshll.u32 s8, $0x1;
	s8 =	sadd.s32 s21, s6  }
0xa4: {  	[timem:s10], [sflag:s22] =	dma.local [hbm:s8], s20  }
0xa5: {  	_ =	swait.ge [sflag:s22], s20  }
0xa6: {  	s7 =	ssub.s32 $0x0, s20;
	[sflag:s22] =	ssyncset.done $0x0  }
0xa7: {  	[sflag:s22] =	ssyncadd.s32 s7;
	_ =	sdelay $0x1  }
0xa8: {  	s23 =	simm.s32 $0x1B8B  }
0xa9: {  	_ =	swait.ge [sflag:s23], $0x1  }
0xaa: {  	[sflag:s23] =	ssyncset.done $0x0  }
0xab: {  	s25 =	simm.s32 $0x1B8E;
	s24 =	sld [smem:$0x3FFE];
	[sflag:s23] =	ssyncadd.s32 $0xFFFFFFFF  }
0xac: {  	s26 =	simm.s32 $execute0_lowered;
	[smem:$0x3FD2] =	sst s25  }
0xad: {  	s8 =	sshll.u32 s26, $0x1;
	_ =	strace $0x80000046;
	[dreg:$0x1] =	wrdreg $0xFFFFFFFF  }
0xae: {  	s28 =	simm.s32 $_size_execute0_lowered;
	s6 =	sadd.s32 s6, s8;
	[dreg:$0x0] =	wrdreg $0x0  }
0xaf: {  	s8 =	sshll.u32 s28, $0x1;
	[dreg:$0x2] =	wrdreg s6  }
0xb0: {  	[dreg:$0x3] =	wrdreg s8  }
0xb1: {  	[dreg:$0x4] =	wrdreg $0xC0  }
0xb2: {  	_ =	task [dreg:s10], $0x5FFFF  }
0xb3: {  	[dreg:$0x1] =	wrdreg $0xFFFFFFFF  }
0xb4: {  	[dreg:$0x0] =	wrdreg $0x60  }
0xb5: {  	[dreg:$0x2] =	wrdreg s24  }
0xb6: {  	[dreg:$0x3] =	wrdreg s16  }
0xb7: {  	[dreg:$0x4] =	wrdreg s18  }
0xb8: {  	[dreg:$0x5] =	wrdreg s17  }
0xb9: {  	[dreg:$0x6] =	wrdreg s5  }
0xba: {  	[dreg:$0x7] =	wrdreg $0x9  }
0xbb: {  	_ =	task.clear_ibuf [dreg:s10], $0x8FFFF;
	_ =	strace $0x90000046  }
0xbc: {  	s29 =	simm.s32 $0x9;
	_ =	strace $0x80000048  }
0xbd: {  	_ =	swait.ge [sflag:s29], $0x1  }
0xbe: {  	[sflag:s29] =	ssyncadd.s32 $0xFFFFFFFF  }
0xbf: {  	_ =	strace $0x90000048  }
0xc0: {  	_ =	sfence  }
0xc1: {  	s30 =	sld [smem:$0x0];
	_ =	sdelay $0x2  }
0xc2: {  	s31 =	sshll.u32 s1, $0xD;
	s1 =	sshrl.u32 s1, $0x2  }
0xc3: {  	s3 =	sand.u32 $0x4000, s31;
	s1 =	sadd.s32 s1, s30  }
0xc4: {  	s0 =	sor.u32 s3, s0;
	s1 =	sshll.u32 s1, $0x11  }
0xc5: {  	s0 =	sor.u32 s1, s0  }
0xc6: {  	s0 =	sadd.s32 $0x8F2B, s0  }
0xc7: {  	[sflag:s0] =	ssyncadd.remote.s32 $0x1  }
0xc8: {  	_ =	sfence.sel $0xFFFF  }
0xc9: {  	[dreg:$0x0] =	wrdreg $0xFFFFFFFF;
	(pc) =	sbr.abs _section_cstart, $3  }
0xca: {  	[dreg:$0x1] =	wrdreg $0xFFFFFFFF  }
0xcb: {  	_ =	task.clear_ibuf [dreg:s10], $0x2FFFF;
	_ =	strace $0x9FFFFFFF  }
0xcc: {  	(tm) =	ssettm $0x7FFFFFFF  }
0xcd: {  	_ =	shalt  }
tec
execute0_lowered:
.L_overlay_start_1:
0x0: {  	(tag) =	ssettag $0x1  }
0x1: {  	s0 =	rddreg [dreg:$0x0]  }
0x2: {  	s1 =	rddreg [dreg:$0x1]  }
0x3: {  	s2 =	srdreg.scid;
	s3 =	rddreg [dreg:$0x3]  }
0x4: {  	s4 =	stileid.u32;
	s5 =	rddreg [dreg:$0x4];
	s28 =	simm.s32 $0xD000  }
0x5: {  	s29 =	simm.s32 $0xD080;
	s2 =	sand.u32 $0x1, s2;
	s4 =	sshll.u32 s4, $0x1  }
0x6: {  	s30 =	simm.s32 $0x0;
	s6 =	sadd.s32 $0x1E9A00, s0;
	s4 =	sor.u32 s2, s4  }
0x7: {  	s8 =	sadd.s32 $0x1F3C00, s0;
	s2 =	ssub.s32 $0x2, s2;
	s7 =	smul.u32 $0x500, s4  }
0x8: {  	s9 =	sshrl.u32 s2, $0x1;
	s10 =	sshll.u32 s4, $0x9;
	s15 =	sshll.u32 s4, $0x6  }
0x9: {  	s2 =	ssub.s32 s2, s9;
	s9 =	sor.u32 $0x80, s10;
	s16 =	sadd.s32 s3, s15  }
0xa: {  	s14 =	sadd.s32 s1, s7;
	s11 =	sadd.s32 s6, s7;
	[dreg:$0x9] =	wrdreg s16  }
0xb: {  	s12 =	smul.u32 $0x14, s9;
	s7 =	sadd.s32 s8, s7;
	[dreg:$0x6] =	wrdreg s14  }
0xc: {  	s22 =	sshrl.u32 s9, $0x3;
	s16 =	sshll.u32 s9, $0x1;
	[dreg:$0x7] =	wrdreg s11  }
0xd: {  	[dreg:$0x8] =	wrdreg s7;
	s7 =	sor.u32 $0x100, s10;
	s11 =	sadd.s32 s5, s15  }
0xe: {  	s10 =	sor.u32 $0x180, s10;
	s31 =	sadd.s32 s3, s22;
	s15 =	rddreg [dreg:$0x2]  }
0xf: {  	[dreg:$0xa] =	wrdreg s11;
	s17 =	sshrl.u32 s12, $0x3;
	s18 =	smul.u32 $0x14, s7  }
0x10: {  	s21 =	smul.u32 $0x14, s10;
	[dreg:$0x14] =	wrdreg s31;
	s13 =	sadd.s32 s1, s17  }
0x11: {  	s24 =	sshrl.u32 s7, $0x3;
	s19 =	sadd.s32 s6, s17;
	[dreg:$0xb] =	wrdreg s13  }
0x12: {  	s31 =	smax.u32 s2, $0x1;
	s11 =	sadd.s32 s8, s17;
	[dreg:$0xc] =	wrdreg s19  }
0x13: {  	[dreg:$0xd] =	wrdreg s11;
	s20 =	sshrl.u32 s18, $0x3;
	s19 =	simm.s32 $0x0  }
0x14: {  	s12 =	sshrl.u32 s21, $0x3;
	s21 =	sadd.s32 s15, s16;
	[smem:$0x7FF] =	sst s19  }
0x15: {  	s2 =	simm.s32 $0x2;
	s14 =	sadd.s32 s1, s20;
	[dreg:$0x1c] =	wrdreg s21  }
0x16: {  	s17 =	sadd.s32 $0x1FDC00, s0;
	s23 =	sadd.s32 s6, s20;
	[dreg:$0xe] =	wrdreg s14  }
0x17: {  	s13 =	sshll.u32 s4, $0x1;
	s11 =	sadd.s32 s8, s20;
	[dreg:$0xf] =	wrdreg s23  }
0x18: {  	s1 =	sadd.s32 s1, s12;
	s25 =	sadd.s32 s6, s12;
	[dreg:$0x10] =	wrdreg s11  }
0x19: {  	s26 =	sadd.s32 s8, s12;
	s6 =	sadd.s32 s5, s22;
	[dreg:$0x11] =	wrdreg s1  }
0x1a: {  	s8 =	sadd.s32 s3, s24;
	s12 =	sshrl.u32 s10, $0x3;
	[dreg:$0x12] =	wrdreg s25  }
0x1b: {  	s20 =	sshll.u32 s7, $0x1;
	s22 =	sshll.u32 s10, $0x1;
	[dreg:$0x13] =	wrdreg s26  }
0x1c: {  	s7 =	simm.s32 $0x1400;
	s10 =	simm.s32 $0x1100;
	[dreg:$0x15] =	wrdreg s6  }
0x1d: {  	s21 =	simm.s32 $0x1380;
	[dreg:$0x16] =	wrdreg s8;
	s11 =	sadd.s32 s5, s24  }
0x1e: {  	s3 =	sadd.s32 s3, s12;
	s1 =	sadd.s32 s5, s12;
	[dreg:$0x17] =	wrdreg s11  }
0x1f: {  	s14 =	sshll.u32 s4, $0xA;
	s5 =	sadd.s32 s17, s16;
	[dreg:$0x18] =	wrdreg s3  }
0x20: {  	s23 =	sadd.s32 s15, s20;
	s24 =	sadd.s32 s15, s22;
	[dreg:$0x19] =	wrdreg s1  }
0x21: {  	s25 =	sadd.s32 s17, s22;
	s4 =	simm.s32 $0xBE00;
	[dreg:$0x1d] =	wrdreg s5  }
0x22: {  	s12 =	simm.s32 $0x1180;
	s16 =	simm.s32 $0x1280;
	[dreg:$0x1e] =	wrdreg s23  }
0x23: {  	s22 =	simm.s32 $0xAC00;
	s18 =	sadd.s32 s15, s14;
	[smem:$0x7FA] =	sst s24  }
0x24: {  	s3 =	sadd.s32 s17, s14;
	[smem:$0x7FB] =	sst s25;
	s1 =	sadd.s32 s13, s0  }
0x25: {  	s24 =	sadd.s32 $0xA00, s0;
	s5 =	simm.s32 $0x80;
	s11 =	simm.s32 $0x8400  }
0x26: {  	s13 =	simm.s32 $0x8C00;
	s14 =	simm.s32 $0x1200;
	s15 =	simm.s32 $0x9400  }
0x27: {  	s23 =	simm.s32 $0x1;
	s25 =	simm.s32 $0xC600;
	[dreg:$0x1a] =	wrdreg s18  }
0x28: {  	[dreg:$0x1b] =	wrdreg s3;
	s3 =	sadd.s32 s17, s20;
	s26 =	sadd.s32 $0x1F3A00, s1  }
0x29: {  	s17 =	simm.s32 $0x9C00;
	s18 =	simm.s32 $0x1300;
	[dreg:$0x1f] =	wrdreg s3  }
0x2a: {  	s20 =	simm.s32 $0xA400;
	_ =	strace $0x80000047;
	[smem:$0x7FC] =	sst s26  }
0x2b: {  	v0 =	vlaneseq.u32;
	s3 =	simm.s32 $0xB400;
	[smem:$0x7FD] =	sst s31;
	s26 =	simm.s32 $0xD100  }
.LBB2_1:
0x2c: {  	s0 =	rddreg [dreg:$0x6]  }
0x2d: {  	[tilespmem:s19], [sflag:$0x2] =	stream.linear.gather [hbm4b:s0+s19], $0xA00, $0x38;
	[tilespmem:$0xD910] =	vst v63  }
0x2e: {  	_ =	swait.ge [sflag:s2], $0xA00  }
0x2f: {  	[sflag:s2] =	ssyncset.done $0x0  }
0x30: {  	s9 =	rddreg [dreg:$0x7];
	[sflag:s2] =	ssyncadd.s32 $0xFFFFF600  }
0x31: {  	[tilespmem:s3], [sflag:$0x2] =	stream.linear.gather [hbm4b:s9+s19], $0xA00, $0x38;
	[tilespmem:$0xD910] =	vst v63  }
0x32: {  	_ =	swait.ge [sflag:s2], $0xA00  }
0x33: {  	[sflag:s2] =	ssyncset.done $0x0  }
0x34: {  	s31 =	rddreg [dreg:$0x1a];
	[sflag:s2] =	ssyncadd.s32 $0xFFFFF600  }
0x35: {  	[tilespmem:s4], [sflag:$0x2] =	stream.linear.gather [hbm4b:s31+s19], $0x800, $0x38;
	[tilespmem:$0xD910] =	vst v63  }
0x36: {  	_ =	swait.ge [sflag:s2], $0x800  }
0x37: {  	[sflag:s2] =	ssyncset.done $0x0  }
0x38: {  	s0 =	simm.s32 $0x0;
	[sflag:s2] =	ssyncadd.s32 $0xFFFFF800  }
0x39: {  	v1 =	vld [tilespmem:s0+$0x0];
	_ =	sdelay $0x2  }
0x3a: {  	s1 =	simm.s32 $0x40  }
.LBB2_2:
0x3b: {  	p0 =	sne.s32 s1, $0x27C0  }
.Ltmp0:
0x3c: {  	s6 =	sshra.s32 s1, $0x2;
	s1 =	sadd.s32 $0x40, s1;
	v2 =	vshll.u32 v1, $0x3;
	(pc) =	sbr.rel @p0 .LBB2_2-.Ltmp0, $4  }
0x3d: {  	v3 =	vand.u32 $0xFFFFF800, v1;
	v4 =	vshrl.u32 v1, $0x8;
	v2 =	vand.u32 $0x7F8, v2;
	v1 =	vld [tilespmem:s6+$0x0]  }
0x3e: {  	v2 =	vor.u32 v3, v2;
	v3 =	vand.u32 $0x7, v4  }
0x3f: {  	v2 =	vor.u32 v3, v2  }
0x40: {  	[tilespmem:s0+$0xA00] =	vst v2;
	s0 =	smov.u32 s6  }
0x41: {  	_ = 	snop  }
0x42: {  	v2 =	vshll.u32 v1, $0x3  }
0x43: {  	v3 =	vand.u32 $0xFFFFF800, v1;
	v1 =	vshrl.u32 v1, $0x8;
	v2 =	vand.u32 $0x7F8, v2  }
0x44: {  	v1 =	vand.u32 $0x7, v1;
	v2 =	vor.u32 v3, v2  }
0x45: {  	v1 =	vor.u32 v1, v2  }
0x46: {  	s8 =	simm.s32 $0xA00;
	[tilespmem:s0+$0xA00] =	vst v1  }
0x47: {  	[tilespmem:s7], [sflag:$0x1] =	stream.indirect.gather [hbm4b:s24+s5], $0x10, s8, s5, $0xb8;
	[tilespmem:$0xD910] =	vst v63  }
0x48: {  	s9 =	simm.s32 $0xA80;
	s1 =	simm.s32 $0x1C00  }
0x49: {  	[tilespmem:s1], [sflag:$0x1] =	stream.indirect.gather [hbm4b:s24+s5], $0x10, s9, s5, $0xb8;
	[tilespmem:$0xD910] =	vst v63  }
0x4a: {  	s6 =	simm.s32 $0x2400;
	s1 =	simm.s32 $0xB00  }
0x4b: {  	[tilespmem:s6], [sflag:$0x1] =	stream.indirect.gather [hbm4b:s24+s5], $0x10, s1, s5, $0xb8;
	[tilespmem:$0xD910] =	vst v63  }
0x4c: {  	s8 =	simm.s32 $0xB80;
	s9 =	simm.s32 $0x2C00  }
0x4d: {  	[tilespmem:s9], [sflag:$0x1] =	stream.indirect.gather [hbm4b:s24+s5], $0x10, s8, s5, $0xb8;
	[tilespmem:$0xD910] =	vst v63  }
0x4e: {  	s1 =	simm.s32 $0xC00;
	s6 =	simm.s32 $0x3400  }
0x4f: {  	[tilespmem:s6], [sflag:$0x1] =	stream.indirect.gather [hbm4b:s24+s5], $0x10, s1, s5, $0xb8;
	[tilespmem:$0xD910] =	vst v63  }
0x50: {  	s8 =	simm.s32 $0xC80;
	s9 =	simm.s32 $0x3C00  }
0x51: {  	[tilespmem:s9], [sflag:$0x1] =	stream.indirect.gather [hbm4b:s24+s5], $0x10, s8, s5, $0xb8;
	[tilespmem:$0xD910] =	vst v63  }
0x52: {  	s1 =	simm.s32 $0xD00;
	s6 =	simm.s32 $0x4400  }
0x53: {  	[tilespmem:s6], [sflag:$0x1] =	stream.indirect.gather [hbm4b:s24+s5], $0x10, s1, s5, $0xb8;
	[tilespmem:$0xD910] =	vst v63  }
0x54: {  	s8 =	simm.s32 $0xD80;
	s9 =	simm.s32 $0x4C00  }
0x55: {  	[tilespmem:s9], [sflag:$0x1] =	stream.indirect.gather [hbm4b:s24+s5], $0x10, s8, s5, $0xb8;
	[tilespmem:$0xD910] =	vst v63  }
0x56: {  	s1 =	simm.s32 $0xE00;
	s6 =	simm.s32 $0x5400  }
0x57: {  	[tilespmem:s6], [sflag:$0x1] =	stream.indirect.gather [hbm4b:s24+s5], $0x10, s1, s5, $0xb8;
	[tilespmem:$0xD910] =	vst v63  }
0x58: {  	s8 =	simm.s32 $0xE80;
	s9 =	simm.s32 $0x5C00  }
0x59: {  	[tilespmem:s9], [sflag:$0x1] =	stream.indirect.gather [hbm4b:s24+s5], $0x10, s8, s5, $0xb8;
	[tilespmem:$0xD910] =	vst v63  }
0x5a: {  	s1 =	simm.s32 $0xF00;
	s6 =	simm.s32 $0x6400  }
0x5b: {  	[tilespmem:s6], [sflag:$0x1] =	stream.indirect.gather [hbm4b:s24+s5], $0x10, s1, s5, $0xb8;
	[tilespmem:$0xD910] =	vst v63  }
0x5c: {  	s8 =	simm.s32 $0xF80;
	s9 =	simm.s32 $0x6C00  }
0x5d: {  	[tilespmem:s9], [sflag:$0x1] =	stream.indirect.gather [hbm4b:s24+s5], $0x10, s8, s5, $0xb8;
	[tilespmem:$0xD910] =	vst v63  }
0x5e: {  	s1 =	simm.s32 $0x1000;
	s6 =	simm.s32 $0x7400  }
0x5f: {  	[tilespmem:s6], [sflag:$0x1] =	stream.indirect.gather [hbm4b:s24+s5], $0x10, s1, s5, $0xb8;
	[tilespmem:$0xD910] =	vst v63  }
0x60: {  	s8 =	simm.s32 $0x1080;
	s9 =	simm.s32 $0x7C00  }
0x61: {  	[tilespmem:s9], [sflag:$0x1] =	stream.indirect.gather [hbm4b:s24+s5], $0x10, s8, s5, $0xb8;
	[tilespmem:$0xD910] =	vst v63  }
0x62: {  	_ = 	snop  }
0x63: {  	[tilespmem:s11], [sflag:$0x1] =	stream.indirect.gather [hbm4b:s24+s5], $0x10, s10, s5, $0xb8;
	[tilespmem:$0xD910] =	vst v63  }
0x64: {  	_ = 	snop  }
0x65: {  	[tilespmem:s13], [sflag:$0x1] =	stream.indirect.gather [hbm4b:s24+s5], $0x10, s12, s5, $0xb8;
	[tilespmem:$0xD910] =	vst v63  }
0x66: {  	_ = 	snop  }
0x67: {  	[tilespmem:s15], [sflag:$0x1] =	stream.indirect.gather [hbm4b:s24+s5], $0x10, s14, s5, $0xb8;
	[tilespmem:$0xD910] =	vst v63  }
0x68: {  	_ = 	snop  }
0x69: {  	[tilespmem:s17], [sflag:$0x1] =	stream.indirect.gather [hbm4b:s24+s5], $0x10, s16, s5, $0xb8;
	[tilespmem:$0xD910] =	vst v63  }
0x6a: {  	_ = 	snop  }
0x6b: {  	[tilespmem:s20], [sflag:$0x1] =	stream.indirect.gather [hbm4b:s24+s5], $0x10, s18, s5, $0xb8;
	[tilespmem:$0xD910] =	vst v63  }
0x6c: {  	_ = 	snop  }
0x6d: {  	[tilespmem:s22], [sflag:$0x1] =	stream.indirect.gather [hbm4b:s24+s5], $0x10, s21, s5, $0xb8;
	[tilespmem:$0xD910] =	vst v63  }
0x6e: {  	_ =	swait.ge [sflag:s23], $0x800  }
0x6f: {  	[sflag:s23] =	ssyncset.done $0x0  }
0x70: {  	[sflag:s23] =	ssyncadd.s32 $0xFFFFF800  }
0x71: {  	_ =	swait.ge [sflag:s23], $0x800  }
0x72: {  	[sflag:s23] =	ssyncset.done $0x0  }
0x73: {  	[sflag:s23] =	ssyncadd.s32 $0xFFFFF800  }
0x74: {  	_ =	swait.ge [sflag:s23], $0x800  }
0x75: {  	[sflag:s23] =	ssyncset.done $0x0  }
0x76: {  	[sflag:s23] =	ssyncadd.s32 $0xFFFFF800  }
0x77: {  	_ =	swait.ge [sflag:s23], $0x800  }
0x78: {  	[sflag:s23] =	ssyncset.done $0x0  }
0x79: {  	[sflag:s23] =	ssyncadd.s32 $0xFFFFF800  }
0x7a: {  	_ =	swait.ge [sflag:s23], $0x800  }
0x7b: {  	[sflag:s23] =	ssyncset.done $0x0  }
0x7c: {  	[sflag:s23] =	ssyncadd.s32 $0xFFFFF800  }
0x7d: {  	_ =	swait.ge [sflag:s23], $0x800  }
0x7e: {  	[sflag:s23] =	ssyncset.done $0x0  }
0x7f: {  	[sflag:s23] =	ssyncadd.s32 $0xFFFFF800  }
0x80: {  	_ =	swait.ge [sflag:s23], $0x800  }
0x81: {  	[sflag:s23] =	ssyncset.done $0x0  }
0x82: {  	[sflag:s23] =	ssyncadd.s32 $0xFFFFF800  }
0x83: {  	_ =	swait.ge [sflag:s23], $0x800  }
0x84: {  	[sflag:s23] =	ssyncset.done $0x0  }
0x85: {  	[sflag:s23] =	ssyncadd.s32 $0xFFFFF800  }
0x86: {  	_ =	swait.ge [sflag:s23], $0x800  }
0x87: {  	[sflag:s23] =	ssyncset.done $0x0  }
0x88: {  	[sflag:s23] =	ssyncadd.s32 $0xFFFFF800  }
0x89: {  	_ =	swait.ge [sflag:s23], $0x800  }
0x8a: {  	[sflag:s23] =	ssyncset.done $0x0  }
0x8b: {  	[sflag:s23] =	ssyncadd.s32 $0xFFFFF800  }
0x8c: {  	_ =	swait.ge [sflag:s23], $0x800  }
0x8d: {  	[sflag:s23] =	ssyncset.done $0x0  }
0x8e: {  	[sflag:s23] =	ssyncadd.s32 $0xFFFFF800  }
0x8f: {  	_ =	swait.ge [sflag:s23], $0x800  }
0x90: {  	[sflag:s23] =	ssyncset.done $0x0  }
0x91: {  	[sflag:s23] =	ssyncadd.s32 $0xFFFFF800  }
0x92: {  	_ =	swait.ge [sflag:s23], $0x800  }
0x93: {  	[sflag:s23] =	ssyncset.done $0x0  }
0x94: {  	[sflag:s23] =	ssyncadd.s32 $0xFFFFF800  }
0x95: {  	_ =	swait.ge [sflag:s23], $0x800  }
0x96: {  	[sflag:s23] =	ssyncset.done $0x0  }
0x97: {  	[sflag:s23] =	ssyncadd.s32 $0xFFFFF800  }
0x98: {  	_ =	swait.ge [sflag:s23], $0x800  }
0x99: {  	[sflag:s23] =	ssyncset.done $0x0  }
0x9a: {  	[sflag:s23] =	ssyncadd.s32 $0xFFFFF800  }
0x9b: {  	_ =	swait.ge [sflag:s23], $0x800  }
0x9c: {  	[sflag:s23] =	ssyncset.done $0x0  }
0x9d: {  	[sflag:s23] =	ssyncadd.s32 $0xFFFFF800  }
0x9e: {  	_ =	swait.ge [sflag:s23], $0x800  }
0x9f: {  	[sflag:s23] =	ssyncset.done $0x0  }
0xa0: {  	[sflag:s23] =	ssyncadd.s32 $0xFFFFF800  }
0xa1: {  	_ =	swait.ge [sflag:s23], $0x800  }
0xa2: {  	[sflag:s23] =	ssyncset.done $0x0  }
0xa3: {  	[sflag:s23] =	ssyncadd.s32 $0xFFFFF800  }
0xa4: {  	_ =	swait.ge [sflag:s23], $0x800  }
0xa5: {  	[sflag:s23] =	ssyncset.done $0x0  }
0xa6: {  	[sflag:s23] =	ssyncadd.s32 $0xFFFFF800  }
0xa7: {  	_ =	swait.ge [sflag:s23], $0x800  }
0xa8: {  	[sflag:s23] =	ssyncset.done $0x0  }
0xa9: {  	s31 =	simm.s32 $0x0;
	v1 =	vimm.s32 $0x0;
	s0 =	simm.s32 $0x0;
	[sflag:s23] =	ssyncadd.s32 $0xFFFFF800  }
.LBB2_4:
0xaa: {  	s1 =	sshll.u32 s0, $0x4  }
0xab: {  	v2 =	vor.u32 s1, v0  }
0xac: {  	v25 =	vmul.u32 $0x14, v2  }
0xad: {  	v15 =	vshll.u32 v2, $0x4  }
0xae: {  	v12 =	vor.u32 $0x1, v15;
	v35 =	vadd.s32 s31, v25  }
0xaf: {  	v34 =	vshll.u32 v35, $0x4  }
0xb0: {  	v2 =	vor.u32 $0x1, v34  }
0xb1: {  	v10 =	vor.u32 $0x2, v15  }
0xb2: {  	v4 =	vor.u32 $0x2, v34;
	v26 =	vld.idx.msk [tilespmem:v15+s4+$0x0], $0xffff  }
0xb3: {  	v8 =	vor.u32 $0x3, v15;
	v19 =	vld.idx.msk [tilespmem:v12+s4+$0x0], $0xffff  }
0xb4: {  	v7 =	vor.u32 $0x3, v34;
	v6 =	vld.idx.msk [tilespmem:v34+s7+$0x0], $0xffff  }
0xb5: {  	v5 =	vor.u32 $0x4, v15;
	v9 =	vld.idx.msk [tilespmem:v2+s7+$0x0], $0xffff  }
0xb6: {  	v11 =	vor.u32 $0x4, v34;
	v22 =	vld.idx.msk [tilespmem:v10+s4+$0x0], $0xffff  }
0xb7: {  	v3 =	vor.u32 $0x5, v15;
	v13 =	vld.idx.msk [tilespmem:v4+s7+$0x0], $0xffff  }
0xb8: {  	v14 =	vor.u32 $0x5, v34;
	v20 =	vld.idx.msk [tilespmem:v8+s4+$0x0], $0xffff  }
0xb9: {  	v16 =	vor.u32 $0x6, v34;
	v7 =	vld.idx.msk [tilespmem:v7+s7+$0x0], $0xffff  }
0xba: {  	v18 =	vld.idx.msk [tilespmem:v5+s4+$0x0], $0xffff;
	v2 =	vor.u32 $0x6, v15;
	v6 =	vmul.f32 v6, v26;
	v9 =	vmul.f32 v9, v19  }
0xbb: {  	v17 =	vor.u32 $0x7, v34;
	v11 =	vld.idx.msk [tilespmem:v11+s7+$0x0], $0xffff  }
0xbc: {  	v21 =	vld.idx.msk [tilespmem:v3+s4+$0x0], $0xffff;
	v4 =	vor.u32 $0x7, v15;
	v13 =	vmul.f32 v13, v22;
	v9 =	vadd.f32 v9, v6  }
0xbd: {  	v28 =	vor.u32 $0x8, v34;
	v14 =	vld.idx.msk [tilespmem:v14+s7+$0x0], $0xffff  }
0xbe: {  	v16 =	vld.idx.msk [tilespmem:v16+s7+$0x0], $0xffff;
	v6 =	vor.u32 $0x8, v15;
	v9 =	vadd.f32 v13, v9;
	v13 =	vmul.f32 v7, v20  }
0xbf: {  	v29 =	vor.u32 $0x9, v34;
	v23 =	vld.idx.msk [tilespmem:v2+s4+$0x0], $0xffff  }
0xc0: {  	v17 =	vld.idx.msk [tilespmem:v17+s7+$0x0], $0xffff;
	v11 =	vmul.f32 v11, v18;
	v7 =	vor.u32 $0x9, v15;
	v13 =	vadd.f32 v13, v9  }
0xc1: {  	v30 =	vor.u32 $0xA, v34;
	v24 =	vld.idx.msk [tilespmem:v4+s4+$0x0], $0xffff  }
0xc2: {  	v31 =	vld.idx.msk [tilespmem:v28+s7+$0x0], $0xffff;
	v14 =	vmul.f32 v14, v21;
	v9 =	vor.u32 $0xA, v15;
	v13 =	vadd.f32 v11, v13  }
0xc3: {  	v27 =	vld.idx.msk [tilespmem:v6+s4+$0x0], $0xffff  }
0xc4: {  	v33 =	vld.idx.msk [tilespmem:v29+s7+$0x0], $0xffff;
	v16 =	vmul.f32 v16, v23;
	v14 =	vadd.f32 v14, v13  }
0xc5: {  	v32 =	vor.u32 $0xB, v34;
	v28 =	vld.idx.msk [tilespmem:v7+s4+$0x0], $0xffff  }
0xc6: {  	v37 =	vld.idx.msk [tilespmem:v30+s7+$0x0], $0xffff;
	v17 =	vmul.f32 v17, v24;
	v11 =	vor.u32 $0xB, v15;
	v16 =	vadd.f32 v16, v14  }
0xc7: {  	v36 =	vor.u32 $0xC, v34;
	v29 =	vld.idx.msk [tilespmem:v9+s4+$0x0], $0xffff  }
0xc8: {  	v13 =	vor.u32 $0xC, v15;
	v39 =	vmul.f32 v31, v27;
	v17 =	vadd.f32 v17, v16  }
0xc9: {  	v38 =	vor.u32 $0xD, v34  }
0xca: {  	v40 =	vld.idx.msk [tilespmem:v32+s7+$0x0], $0xffff;
	v14 =	vor.u32 $0xD, v15;
	v33 =	vmul.f32 v33, v28;
	v17 =	vadd.f32 v39, v17  }
0xcb: {  	v59 =	vor.u32 $0xE, v34;
	v30 =	vld.idx.msk [tilespmem:v11+s4+$0x0], $0xffff  }
0xcc: {  	v36 =	vld.idx.msk [tilespmem:v36+s7+$0x0], $0xffff;
	v16 =	vor.u32 $0xE, v15;
	v60 =	vmul.f32 v37, v29;
	v17 =	vadd.f32 v33, v17  }
0xcd: {  	v41 =	vor.u32 $0xF, v34;
	v31 =	vld.idx.msk [tilespmem:v13+s4+$0x0], $0xffff  }
0xce: {  	v61 =	vld.idx.msk [tilespmem:v38+s7+$0x0], $0xffff;
	v62 =	vadd.f32 v60, v17;
	v17 =	vor.u32 $0xF, v15  }
0xcf: {  	v32 =	vld.idx.msk [tilespmem:v14+s4+$0x0], $0xffff  }
0xd0: {  	v42 =	vld.idx.msk [tilespmem:v59+s7+$0x0], $0xffff;
	v40 =	vmul.f32 v40, v30  }
0xd1: {  	v33 =	vld.idx.msk [tilespmem:v16+s4+$0x0], $0xffff  }
0xd2: {  	v39 =	vld.idx.msk [tilespmem:v41+s7+$0x0], $0xffff;
	v36 =	vmul.f32 v36, v31;
	v63 =	vadd.f32 v40, v62  }
0xd3: {  	v34 =	vld.idx.msk [tilespmem:v17+s4+$0x0], $0xffff  }
0xd4: {  	v37 =	vmul.f32 v61, v32;
	v38 =	vadd.f32 v36, v63;
	_ =	sdelay $0x1  }
0xd5: {  	s6 =	simm.s32 $0x1;
	v41 =	vmul.f32 v42, v33;
	v40 =	vadd.f32 v37, v38  }
0xd6: {  	s9 =	simm.s32 $0x2;
	s8 =	simm.s32 $0x0;
	v36 =	vimm.f32 $-Inf;
	v38 =	vadd.s32 s6, v25;
	v37 =	vimm.s32 $0x0  }
.LBB2_5:
0xd7: {  	p0 =	sne.s32 s9, $0x13;
	v42 =	vshll.u32 v38, $0x4;
	v40 =	vadd.f32 v41, v40;
	v39 =	vmul.f32 v39, v34  }
0xd8: {  	v41 =	vor.u32 $0x1, v42  }
0xd9: {  	v39 =	vadd.f32 v39, v40  }
0xda: {  	v40 =	vor.u32 $0x2, v42  }
0xdb: {  	[tilespmem:v35+s25+$0x0] =	vst.idx.msk $0xffff, v39  }
0xdc: {  	v44 =	vor.u32 $0x3, v42;
	v43 =	vld.idx.msk [tilespmem:v42+s7+$0x0], $0xffff  }
0xdd: {  	v41 =	vld.idx.msk [tilespmem:v41+s7+$0x0], $0xffff  }
0xde: {  	v45 =	vor.u32 $0x4, v42;
	v46 =	vld.idx.msk [tilespmem:v35+s3+$0x0], $0xffff;
	v35 =	vmov v38  }
0xdf: {  	v38 =	vld.idx.msk [tilespmem:v40+s7+$0x0], $0xffff  }
0xe0: {  	v40 =	vor.u32 $0x5, v42  }
0xe1: {  	v44 =	vld.idx.msk [tilespmem:v44+s7+$0x0], $0xffff  }
0xe2: {  	v47 =	vor.u32 $0x6, v42  }
0xe3: {  	v43 =	vmul.f32 v43, v26;
	v41 =	vmul.f32 v41, v19;
	v45 =	vld.idx.msk [tilespmem:v45+s7+$0x0], $0xffff  }
0xe4: {  	v48 =	vor.u32 $0x7, v42;
	v39 =	vadd.f32 v46, v39  }
0xe5: {  	v41 =	vadd.f32 v41, v43;
	v38 =	vmul.f32 v38, v22;
	v40 =	vld.idx.msk [tilespmem:v40+s7+$0x0], $0xffff  }
0xe6: {  	v43 =	vor.u32 $0x8, v42;
	vm0 =	vgt.f32 v39, v36  }
0xe7: {  	v38 =	vadd.f32 v38, v41;
	v41 =	vmul.f32 v44, v20;
	v36 =	vsel vm0, v39, v36;
	v44 =	vld.idx.msk [tilespmem:v47+s7+$0x0], $0xffff  }
0xe8: {  	v39 =	vor.u32 $0x9, v42;
	v37 =	vsel vm0, s8, v37;
	s8 =	smov.u32 s6;
	s6 =	smov.u32 s9  }
0xe9: {  	v38 =	vadd.f32 v41, v38;
	v41 =	vmul.f32 v45, v18;
	v45 =	vld.idx.msk [tilespmem:v48+s7+$0x0], $0xffff  }
0xea: {  	v46 =	vor.u32 $0xA, v42  }
0xeb: {  	v38 =	vadd.f32 v41, v38;
	v40 =	vmul.f32 v40, v21;
	v41 =	vld.idx.msk [tilespmem:v43+s7+$0x0], $0xffff  }
0xec: {  	v43 =	vor.u32 $0xB, v42  }
0xed: {  	v38 =	vadd.f32 v40, v38;
	v40 =	vmul.f32 v44, v23;
	v39 =	vld.idx.msk [tilespmem:v39+s7+$0x0], $0xffff  }
0xee: {  	v44 =	vor.u32 $0xC, v42  }
0xef: {  	v38 =	vadd.f32 v40, v38;
	v40 =	vmul.f32 v45, v24;
	v45 =	vld.idx.msk [tilespmem:v46+s7+$0x0], $0xffff  }
0xf0: {  	v46 =	vor.u32 $0xD, v42  }
0xf1: {  	v38 =	vadd.f32 v40, v38;
	v40 =	vmul.f32 v41, v27;
	v41 =	vld.idx.msk [tilespmem:v43+s7+$0x0], $0xffff  }
0xf2: {  	v43 =	vor.u32 $0xE, v42  }
0xf3: {  	v38 =	vadd.f32 v40, v38;
	v39 =	vmul.f32 v39, v28;
	v40 =	vld.idx.msk [tilespmem:v44+s7+$0x0], $0xffff  }
0xf4: {  	v42 =	vor.u32 $0xF, v42  }
0xf5: {  	v38 =	vadd.f32 v39, v38;
	v39 =	vmul.f32 v45, v29;
	v44 =	vld.idx.msk [tilespmem:v46+s7+$0x0], $0xffff;
	_ =	sdelay $0x1  }
0xf6: {  	v38 =	vadd.f32 v39, v38;
	v39 =	vmul.f32 v41, v30;
	v41 =	vld.idx.msk [tilespmem:v43+s7+$0x0], $0xffff;
	_ =	sdelay $0x1  }
0xf7: {  	v38 =	vadd.f32 v39, v38;
	v40 =	vmul.f32 v40, v31;
	v39 =	vld.idx.msk [tilespmem:v42+s7+$0x0], $0xffff  }
.Ltmp1:
0xf8: {  	(pc) =	sbr.rel @p0 .LBB2_5-.Ltmp1, $3  }
0xf9: {  	v38 =	vadd.f32 v40, v38;
	v40 =	vmul.f32 v44, v32;
	_ =	sdelay $0x1  }
0xfa: {  	v40 =	vadd.f32 v40, v38;
	v41 =	vmul.f32 v41, v33  }
0xfb: {  	s9 =	sadd.s32 $0x1, s9;
	v38 =	vadd.s32 s6, v25  }
0xfc: {  	v42 =	vshll.u32 v38, $0x4;
	v40 =	vadd.f32 v41, v40;
	v39 =	vmul.f32 v39, v34  }
0xfd: {  	v51 =	vor.u32 $0x1, v42  }
0xfe: {  	v39 =	vadd.f32 v39, v40  }
0xff: {  	v52 =	vor.u32 $0x2, v42  }
0x100: {  	[tilespmem:v35+s25+$0x0] =	vst.idx.msk $0xffff, v39  }
0x101: {  	v44 =	vor.u32 $0x3, v42;
	v43 =	vld.idx.msk [tilespmem:v42+s7+$0x0], $0xffff  }
0x102: {  	v41 =	vld.idx.msk [tilespmem:v51+s7+$0x0], $0xffff  }
0x103: {  	v45 =	vor.u32 $0x4, v42  }
0x104: {  	v40 =	vld.idx.msk [tilespmem:v52+s7+$0x0], $0xffff  }
0x105: {  	v46 =	vor.u32 $0x5, v42  }
0x106: {  	v44 =	vld.idx.msk [tilespmem:v44+s7+$0x0], $0xffff  }
0x107: {  	v47 =	vor.u32 $0x6, v42;
	v43 =	vmul.f32 v43, v26;
	v41 =	vmul.f32 v41, v19  }
0x108: {  	v45 =	vld.idx.msk [tilespmem:v45+s7+$0x0], $0xffff  }
0x109: {  	v48 =	vor.u32 $0x7, v42;
	v40 =	vmul.f32 v40, v22;
	v41 =	vadd.f32 v41, v43  }
0x10a: {  	v53 =	vld.idx.msk [tilespmem:v46+s7+$0x0], $0xffff  }
0x10b: {  	v54 =	vor.u32 $0x8, v42;
	v55 =	vmul.f32 v44, v20;
	v40 =	vadd.f32 v40, v41  }
0x10c: {  	v56 =	vld.idx.msk [tilespmem:v47+s7+$0x0], $0xffff  }
0x10d: {  	v57 =	vor.u32 $0x9, v42;
	v58 =	vmul.f32 v45, v18;
	v40 =	vadd.f32 v55, v40  }
0x10e: {  	v59 =	vld.idx.msk [tilespmem:v48+s7+$0x0], $0xffff  }
0x10f: {  	v60 =	vor.u32 $0xA, v42;
	v61 =	vmul.f32 v53, v21;
	v40 =	vadd.f32 v58, v40  }
0x110: {  	v62 =	vld.idx.msk [tilespmem:v54+s7+$0x0], $0xffff  }
0x111: {  	v63 =	vor.u32 $0xB, v42;
	v51 =	vmul.f32 v56, v23;
	v40 =	vadd.f32 v61, v40  }
0x112: {  	v52 =	vld.idx.msk [tilespmem:v57+s7+$0x0], $0xffff  }
0x113: {  	v53 =	vor.u32 $0xC, v42;
	v54 =	vmul.f32 v59, v24;
	v40 =	vadd.f32 v51, v40  }
0x114: {  	v55 =	vld.idx.msk [tilespmem:v60+s7+$0x0], $0xffff  }
0x115: {  	v56 =	vor.u32 $0xD, v42;
	v57 =	vmul.f32 v62, v27;
	v40 =	vadd.f32 v54, v40  }
0x116: {  	v58 =	vld.idx.msk [tilespmem:v63+s7+$0x0], $0xffff  }
0x117: {  	v59 =	vor.u32 $0xE, v42;
	v60 =	vmul.f32 v52, v28;
	v40 =	vadd.f32 v57, v40  }
0x118: {  	v61 =	vld.idx.msk [tilespmem:v53+s7+$0x0], $0xffff  }
0x119: {  	v42 =	vor.u32 $0xF, v42;
	v62 =	vmul.f32 v55, v29;
	v40 =	vadd.f32 v60, v40  }
0x11a: {  	v63 =	vld.idx.msk [tilespmem:v56+s7+$0x0], $0xffff  }
0x11b: {  	v48 =	vmul.f32 v58, v30;
	v40 =	vadd.f32 v62, v40  }
0x11c: {  	v49 =	vld.idx.msk [tilespmem:v59+s7+$0x0], $0xffff  }
0x11d: {  	v50 =	vmul.f32 v61, v31;
	v40 =	vadd.f32 v48, v40  }
0x11e: {  	v42 =	vld.idx.msk [tilespmem:v42+s7+$0x0], $0xffff  }
0x11f: {  	v51 =	vmul.f32 v63, v32;
	v40 =	vadd.f32 v50, v40;
	_ =	sdelay $0x1  }
0x120: {  	v52 =	vmul.f32 v49, v33;
	v40 =	vadd.f32 v51, v40;
	_ =	sdelay $0x1  }
0x121: {  	v53 =	vmul.f32 v42, v34;
	v40 =	vadd.f32 v52, v40;
	_ =	sdelay $0x1  }
0x122: {  	v40 =	vadd.f32 v53, v40  }
0x123: {  	v35 =	vld.idx.msk [tilespmem:v35+s3+$0x0], $0xffff  }
0x124: {  	[tilespmem:v38+s25+$0x0] =	vst.idx.msk $0xffff, v40  }
0x125: {  	v38 =	vld.idx.msk [tilespmem:v38+s3+$0x0], $0xffff;
	_ =	sdelay $0x2  }
0x126: {  	v35 =	vadd.f32 v35, v39;
	_ =	sdelay $0x1  }
0x127: {  	vm0 =	vgt.f32 v35, v36;
	v38 =	vadd.f32 v38, v40  }
0x128: {  	v35 =	vsel vm0, v35, v36  }
0x129: {  	v54 =	vsel vm0, s8, v37;
	vm14 =	vgt.f32 v38, v35  }
0x12a: {  	v35 =	vsel vm14, s6, v54  }
0x12b: {  	v25 =	vadd.s32 v25, v35;
	_ =	sdelay $0x4  }
0x12c: {  	v55 =	vld.idx.msk [tilespmem:v25+s19+$0x0], $0xffff  }
0x12d: {  	v25 =	vshll.u32 v25, $0x4;
	_ =	sdelay $0x2  }
0x12e: {  	[tilespmem:s1+$0xD000] =	vst v35  }
0x12f: {  	[tilespmem:s1+$0xD080] =	vst v55  }
0x130: {  	v35 =	vld.idx.msk [tilespmem:v25+s7+$0x0], $0xffff;
	_ =	sdelay $0x4  }
0x131: {  	v57 =	vor.u32 $0x1, v25;
	v56 =	vadd.f32 v35, v26;
	_ =	sdelay $0x1  }
0x132: {  	v26 =	vmul.f32 $5.000000000e-01, v56;
	_ =	sdelay $0x1  }
0x133: {  	[tilespmem:v15+s26+$0x0] =	vst.idx.msk $0xffff, v26  }
0x134: {  	v15 =	vld.idx.msk [tilespmem:v57+s7+$0x0], $0xffff;
	_ =	sdelay $0x4  }
0x135: {  	v58 =	vor.u32 $0x2, v25;
	v15 =	vadd.f32 v15, v19;
	_ =	sdelay $0x1  }
0x136: {  	v15 =	vmul.f32 $5.000000000e-01, v15;
	_ =	sdelay $0x1  }
0x137: {  	[tilespmem:v12+s26+$0x0] =	vst.idx.msk $0xffff, v15  }
0x138: {  	v12 =	vld.idx.msk [tilespmem:v58+s7+$0x0], $0xffff;
	_ =	sdelay $0x4  }
0x139: {  	v59 =	vor.u32 $0x3, v25;
	v12 =	vadd.f32 v12, v22;
	_ =	sdelay $0x1  }
0x13a: {  	v12 =	vmul.f32 $5.000000000e-01, v12;
	_ =	sdelay $0x1  }
0x13b: {  	[tilespmem:v10+s26+$0x0] =	vst.idx.msk $0xffff, v12  }
0x13c: {  	v10 =	vld.idx.msk [tilespmem:v59+s7+$0x0], $0xffff;
	_ =	sdelay $0x4  }
0x13d: {  	v60 =	vor.u32 $0x4, v25;
	v10 =	vadd.f32 v10, v20;
	_ =	sdelay $0x1  }
0x13e: {  	v10 =	vmul.f32 $5.000000000e-01, v10;
	_ =	sdelay $0x1  }
0x13f: {  	[tilespmem:v8+s26+$0x0] =	vst.idx.msk $0xffff, v10  }
0x140: {  	v8 =	vld.idx.msk [tilespmem:v60+s7+$0x0], $0xffff;
	_ =	sdelay $0x4  }
0x141: {  	v61 =	vor.u32 $0x5, v25;
	v8 =	vadd.f32 v8, v18;
	_ =	sdelay $0x1  }
0x142: {  	v8 =	vmul.f32 $5.000000000e-01, v8;
	_ =	sdelay $0x1  }
0x143: {  	[tilespmem:v5+s26+$0x0] =	vst.idx.msk $0xffff, v8  }
0x144: {  	v5 =	vld.idx.msk [tilespmem:v61+s7+$0x0], $0xffff;
	_ =	sdelay $0x4  }
0x145: {  	v62 =	vor.u32 $0x6, v25;
	v5 =	vadd.f32 v5, v21;
	_ =	sdelay $0x1  }
0x146: {  	v5 =	vmul.f32 $5.000000000e-01, v5;
	_ =	sdelay $0x1  }
0x147: {  	[tilespmem:v3+s26+$0x0] =	vst.idx.msk $0xffff, v5  }
0x148: {  	v3 =	vld.idx.msk [tilespmem:v62+s7+$0x0], $0xffff;
	_ =	sdelay $0x4  }
0x149: {  	v63 =	vor.u32 $0x7, v25;
	v3 =	vadd.f32 v3, v23;
	_ =	sdelay $0x1  }
0x14a: {  	v3 =	vmul.f32 $5.000000000e-01, v3;
	_ =	sdelay $0x1  }
0x14b: {  	[tilespmem:v2+s26+$0x0] =	vst.idx.msk $0xffff, v3  }
0x14c: {  	v2 =	vld.idx.msk [tilespmem:v63+s7+$0x0], $0xffff;
	_ =	sdelay $0x4  }
0x14d: {  	v3 =	vor.u32 $0x8, v25;
	v2 =	vadd.f32 v2, v24;
	_ =	sdelay $0x1  }
0x14e: {  	v2 =	vmul.f32 $5.000000000e-01, v2;
	_ =	sdelay $0x1  }
0x14f: {  	[tilespmem:v4+s26+$0x0] =	vst.idx.msk $0xffff, v2  }
0x150: {  	v2 =	vld.idx.msk [tilespmem:v3+s7+$0x0], $0xffff;
	_ =	sdelay $0x4  }
0x151: {  	v3 =	vor.u32 $0x9, v25;
	v2 =	vadd.f32 v2, v27;
	_ =	sdelay $0x1  }
0x152: {  	v2 =	vmul.f32 $5.000000000e-01, v2;
	_ =	sdelay $0x1  }
0x153: {  	[tilespmem:v6+s26+$0x0] =	vst.idx.msk $0xffff, v2  }
0x154: {  	v2 =	vld.idx.msk [tilespmem:v3+s7+$0x0], $0xffff;
	_ =	sdelay $0x4  }
0x155: {  	v3 =	vor.u32 $0xA, v25;
	v2 =	vadd.f32 v2, v28;
	_ =	sdelay $0x1  }
0x156: {  	v2 =	vmul.f32 $5.000000000e-01, v2;
	_ =	sdelay $0x1  }
0x157: {  	[tilespmem:v7+s26+$0x0] =	vst.idx.msk $0xffff, v2  }
0x158: {  	v2 =	vld.idx.msk [tilespmem:v3+s7+$0x0], $0xffff;
	_ =	sdelay $0x4  }
0x159: {  	v3 =	vor.u32 $0xB, v25;
	v2 =	vadd.f32 v2, v29;
	_ =	sdelay $0x1  }
0x15a: {  	v2 =	vmul.f32 $5.000000000e-01, v2;
	_ =	sdelay $0x1  }
0x15b: {  	[tilespmem:v9+s26+$0x0] =	vst.idx.msk $0xffff, v2  }
0x15c: {  	v2 =	vld.idx.msk [tilespmem:v3+s7+$0x0], $0xffff;
	_ =	sdelay $0x4  }
0x15d: {  	v3 =	vor.u32 $0xC, v25;
	v2 =	vadd.f32 v2, v30;
	_ =	sdelay $0x1  }
0x15e: {  	v2 =	vmul.f32 $5.000000000e-01, v2;
	_ =	sdelay $0x1  }
0x15f: {  	[tilespmem:v11+s26+$0x0] =	vst.idx.msk $0xffff, v2  }
0x160: {  	v2 =	vld.idx.msk [tilespmem:v3+s7+$0x0], $0xffff;
	_ =	sdelay $0x4  }
0x161: {  	v3 =	vor.u32 $0xD, v25;
	v2 =	vadd.f32 v2, v31;
	_ =	sdelay $0x1  }
0x162: {  	v2 =	vmul.f32 $5.000000000e-01, v2;
	_ =	sdelay $0x1  }
0x163: {  	[tilespmem:v13+s26+$0x0] =	vst.idx.msk $0xffff, v2  }
0x164: {  	v2 =	vld.idx.msk [tilespmem:v3+s7+$0x0], $0xffff;
	_ =	sdelay $0x4  }
0x165: {  	v3 =	vor.u32 $0xE, v25;
	v2 =	vadd.f32 v2, v32;
	_ =	sdelay $0x1  }
0x166: {  	v2 =	vmul.f32 $5.000000000e-01, v2;
	_ =	sdelay $0x1  }
0x167: {  	[tilespmem:v14+s26+$0x0] =	vst.idx.msk $0xffff, v2  }
0x168: {  	v2 =	vld.idx.msk [tilespmem:v3+s7+$0x0], $0xffff;
	_ =	sdelay $0x4  }
0x169: {  	v3 =	vor.u32 $0xF, v25;
	v2 =	vadd.f32 v2, v33;
	_ =	sdelay $0x1  }
0x16a: {  	v2 =	vmul.f32 $5.000000000e-01, v2;
	_ =	sdelay $0x1  }
0x16b: {  	[tilespmem:v16+s26+$0x0] =	vst.idx.msk $0xffff, v2  }
0x16c: {  	v2 =	vld.idx.msk [tilespmem:v3+s7+$0x0], $0xffff;
	_ =	sdelay $0x2  }
0x16d: {  	s0 =	sadd.s32 $0x1, s0  }
0x16e: {  	p0 =	sne.s32 s0, $0x8  }
.Ltmp2:
0x16f: {  	v2 =	vadd.f32 v2, v34;
	(pc) =	sbr.rel @p0 .LBB2_4-.Ltmp2, $3  }
0x170: {  	vm15 =	vgt.s32 v55, $0x1  }
0x171: {  	v3 =	vmpcnt.ones.xlane vm15;
	v2 =	vmul.f32 $5.000000000e-01, v2;
	_ =	sdelay $0x1  }
0x172: {  	v1 =	vadd.s32 v1, v3;
	[tilespmem:v17+s26+$0x0] =	vst.idx.msk $0xffff, v2  }
0x173: {  	s0 =	simm.s32 $0x0;
	s1 =	rddreg [dreg:$0x8]  }
0x174: {  	[hbm4b:s1+s0] =	stream.linear.scatter [tilespmem:s25], [sflag:$0x2], $0xA00, $0x38;
	[tilespmem:$0xD910] =	vst v63  }
0x175: {  	_ =	swait.ge [sflag:s2], $0xA00  }
0x176: {  	[sflag:s2] =	ssyncset.done $0x0  }
0x177: {  	s9 =	rddreg [dreg:$0x9];
	[sflag:s2] =	ssyncadd.s32 $0xFFFFF600  }
0x178: {  	[hbm4b:s9+s0] =	stream.linear.scatter [tilespmem:s28], [sflag:$0x2], $0x80, $0x38;
	[tilespmem:$0xD910] =	vst v63  }
0x179: {  	_ =	swait.ge [sflag:s2], $0x80  }
0x17a: {  	[sflag:s2] =	ssyncset.done $0x0  }
0x17b: {  	s31 =	rddreg [dreg:$0xa];
	[sflag:s2] =	ssyncadd.s32 $0xFFFFFF80  }
0x17c: {  	[hbm4b:s31+s0] =	stream.linear.scatter [tilespmem:s29], [sflag:$0x2], $0x80, $0x38;
	[tilespmem:$0xD910] =	vst v63  }
0x17d: {  	_ =	swait.ge [sflag:s2], $0x80  }
0x17e: {  	[sflag:s2] =	ssyncset.done $0x0  }
0x17f: {  	s6 =	rddreg [dreg:$0x1b];
	[sflag:s2] =	ssyncadd.s32 $0xFFFFFF80  }
0x180: {  	[hbm4b:s6+s0] =	stream.linear.scatter [tilespmem:s26], [sflag:$0x2], $0x800, $0x38;
	[tilespmem:$0xD910] =	vst v63  }
0x181: {  	_ =	swait.ge [sflag:s2], $0x800  }
0x182: {  	[sflag:s2] =	ssyncset.done $0x0  }
0x183: {  	s8 =	rddreg [dreg:$0xb];
	[sflag:s2] =	ssyncadd.s32 $0xFFFFF800  }
0x184: {  	[tilespmem:s0], [sflag:$0x2] =	stream.linear.gather [hbm4b:s8+s0], $0xA00, $0x38;
	[tilespmem:$0xD910] =	vst v63  }
0x185: {  	_ =	swait.ge [sflag:s2], $0xA00  }
0x186: {  	[sflag:s2] =	ssyncset.done $0x0  }
0x187: {  	s9 =	rddreg [dreg:$0xc];
	[sflag:s2] =	ssyncadd.s32 $0xFFFFF600  }
0x188: {  	[tilespmem:s3], [sflag:$0x2] =	stream.linear.gather [hbm4b:s9+s0], $0xA00, $0x38;
	[tilespmem:$0xD910] =	vst v63  }
0x189: {  	_ =	swait.ge [sflag:s2], $0xA00  }
0x18a: {  	[sflag:s2] =	ssyncset.done $0x0  }
0x18b: {  	s31 =	rddreg [dreg:$0x1c];
	[sflag:s2] =	ssyncadd.s32 $0xFFFFF600  }
0x18c: {  	[tilespmem:s4], [sflag:$0x2] =	stream.linear.gather [hbm4b:s31+s0], $0x800, $0x38;
	[tilespmem:$0xD910] =	vst v63  }
0x18d: {  	_ =	swait.ge [sflag:s2], $0x800  }
0x18e: {  	[sflag:s2] =	ssyncset.done $0x0  }
0x18f: {  	s0 =	simm.s32 $0x0;
	[sflag:s2] =	ssyncadd.s32 $0xFFFFF800  }
0x190: {  	v2 =	vld [tilespmem:s0+$0x0];
	_ =	sdelay $0x2  }
0x191: {  	s1 =	simm.s32 $0x40  }
.LBB2_8:
0x192: {  	p0 =	sne.s32 s1, $0x27C0  }
.Ltmp3:
0x193: {  	s6 =	sshra.s32 s1, $0x2;
	s1 =	sadd.s32 $0x40, s1;
	v3 =	vshll.u32 v2, $0x3;
	(pc) =	sbr.rel @p0 .LBB2_8-.Ltmp3, $4  }
0x194: {  	v4 =	vand.u32 $0xFFFFF800, v2;
	v5 =	vshrl.u32 v2, $0x8;
	v3 =	vand.u32 $0x7F8, v3;
	v2 =	vld [tilespmem:s6+$0x0]  }
0x195: {  	v3 =	vor.u32 v4, v3;
	v4 =	vand.u32 $0x7, v5  }
0x196: {  	v3 =	vor.u32 v4, v3  }
0x197: {  	[tilespmem:s0+$0xA00] =	vst v3;
	s0 =	smov.u32 s6  }
0x198: {  	_ = 	snop  }
0x199: {  	v3 =	vshll.u32 v2, $0x3  }
0x19a: {  	v4 =	vand.u32 $0xFFFFF800, v2;
	v2 =	vshrl.u32 v2, $0x8;
	v3 =	vand.u32 $0x7F8, v3  }
0x19b: {  	v2 =	vand.u32 $0x7, v2;
	v3 =	vor.u32 v4, v3  }
0x19c: {  	v2 =	vor.u32 v2, v3  }
0x19d: {  	s8 =	simm.s32 $0xA00;
	[tilespmem:s0+$0xA00] =	vst v2  }
0x19e: {  	[tilespmem:s7], [sflag:$0x1] =	stream.indirect.gather [hbm4b:s24+s5], $0x10, s8, s5, $0xb8;
	[tilespmem:$0xD910] =	vst v63  }
0x19f: {  	s9 =	simm.s32 $0xA80;
	s1 =	simm.s32 $0x1C00  }
0x1a0: {  	[tilespmem:s1], [sflag:$0x1] =	stream.indirect.gather [hbm4b:s24+s5], $0x10, s9, s5, $0xb8;
	[tilespmem:$0xD910] =	vst v63  }
0x1a1: {  	s6 =	simm.s32 $0x2400;
	s1 =	simm.s32 $0xB00  }
0x1a2: {  	[tilespmem:s6], [sflag:$0x1] =	stream.indirect.gather [hbm4b:s24+s5], $0x10, s1, s5, $0xb8;
	[tilespmem:$0xD910] =	vst v63  }
0x1a3: {  	s8 =	simm.s32 $0xB80;
	s9 =	simm.s32 $0x2C00  }
0x1a4: {  	[tilespmem:s9], [sflag:$0x1] =	stream.indirect.gather [hbm4b:s24+s5], $0x10, s8, s5, $0xb8;
	[tilespmem:$0xD910] =	vst v63  }
0x1a5: {  	s1 =	simm.s32 $0xC00;
	s6 =	simm.s32 $0x3400  }
0x1a6: {  	[tilespmem:s6], [sflag:$0x1] =	stream.indirect.gather [hbm4b:s24+s5], $0x10, s1, s5, $0xb8;
	[tilespmem:$0xD910] =	vst v63  }
0x1a7: {  	s8 =	simm.s32 $0xC80;
	s9 =	simm.s32 $0x3C00  }
0x1a8: {  	[tilespmem:s9], [sflag:$0x1] =	stream.indirect.gather [hbm4b:s24+s5], $0x10, s8, s5, $0xb8;
	[tilespmem:$0xD910] =	vst v63  }
0x1a9: {  	s1 =	simm.s32 $0xD00;
	s6 =	simm.s32 $0x4400  }
0x1aa: {  	[tilespmem:s6], [sflag:$0x1] =	stream.indirect.gather [hbm4b:s24+s5], $0x10, s1, s5, $0xb8;
	[tilespmem:$0xD910] =	vst v63  }
0x1ab: {  	s8 =	simm.s32 $0xD80;
	s9 =	simm.s32 $0x4C00  }
0x1ac: {  	[tilespmem:s9], [sflag:$0x1] =	stream.indirect.gather [hbm4b:s24+s5], $0x10, s8, s5, $0xb8;
	[tilespmem:$0xD910] =	vst v63  }
0x1ad: {  	s1 =	simm.s32 $0xE00;
	s6 =	simm.s32 $0x5400  }
0x1ae: {  	[tilespmem:s6], [sflag:$0x1] =	stream.indirect.gather [hbm4b:s24+s5], $0x10, s1, s5, $0xb8;
	[tilespmem:$0xD910] =	vst v63  }
0x1af: {  	s8 =	simm.s32 $0xE80;
	s9 =	simm.s32 $0x5C00  }
0x1b0: {  	[tilespmem:s9], [sflag:$0x1] =	stream.indirect.gather [hbm4b:s24+s5], $0x10, s8, s5, $0xb8;
	[tilespmem:$0xD910] =	vst v63  }
0x1b1: {  	s1 =	simm.s32 $0xF00;
	s6 =	simm.s32 $0x6400  }
0x1b2: {  	[tilespmem:s6], [sflag:$0x1] =	stream.indirect.gather [hbm4b:s24+s5], $0x10, s1, s5, $0xb8;
	[tilespmem:$0xD910] =	vst v63  }
0x1b3: {  	s8 =	simm.s32 $0xF80;
	s9 =	simm.s32 $0x6C00  }
0x1b4: {  	[tilespmem:s9], [sflag:$0x1] =	stream.indirect.gather [hbm4b:s24+s5], $0x10, s8, s5, $0xb8;
	[tilespmem:$0xD910] =	vst v63  }
0x1b5: {  	s1 =	simm.s32 $0x1000;
	s6 =	simm.s32 $0x7400  }
0x1b6: {  	[tilespmem:s6], [sflag:$0x1] =	stream.indirect.gather [hbm4b:s24+s5], $0x10, s1, s5, $0xb8;
	[tilespmem:$0xD910] =	vst v63  }
0x1b7: {  	s8 =	simm.s32 $0x1080;
	s9 =	simm.s32 $0x7C00  }
0x1b8: {  	[tilespmem:s9], [sflag:$0x1] =	stream.indirect.gather [hbm4b:s24+s5], $0x10, s8, s5, $0xb8;
	[tilespmem:$0xD910] =	vst v63  }
0x1b9: {  	_ = 	snop  }
0x1ba: {  	[tilespmem:s11], [sflag:$0x1] =	stream.indirect.gather [hbm4b:s24+s5], $0x10, s10, s5, $0xb8;
	[tilespmem:$0xD910] =	vst v63  }
0x1bb: {  	_ = 	snop  }
0x1bc: {  	[tilespmem:s13], [sflag:$0x1] =	stream.indirect.gather [hbm4b:s24+s5], $0x10, s12, s5, $0xb8;
	[tilespmem:$0xD910] =	vst v63  }
0x1bd: {  	_ = 	snop  }
0x1be: {  	[tilespmem:s15], [sflag:$0x1] =	stream.indirect.gather [hbm4b:s24+s5], $0x10, s14, s5, $0xb8;
	[tilespmem:$0xD910] =	vst v63  }
0x1bf: {  	_ = 	snop  }
0x1c0: {  	[tilespmem:s17], [sflag:$0x1] =	stream.indirect.gather [hbm4b:s24+s5], $0x10, s16, s5, $0xb8;
	[tilespmem:$0xD910] =	vst v63  }
0x1c1: {  	_ = 	snop  }
0x1c2: {  	[tilespmem:s20], [sflag:$0x1] =	stream.indirect.gather [hbm4b:s24+s5], $0x10, s18, s5, $0xb8;
	[tilespmem:$0xD910] =	vst v63  }
0x1c3: {  	_ = 	snop  }
0x1c4: {  	[tilespmem:s22], [sflag:$0x1] =	stream.indirect.gather [hbm4b:s24+s5], $0x10, s21, s5, $0xb8;
	[tilespmem:$0xD910] =	vst v63  }
0x1c5: {  	_ =	swait.ge [sflag:s23], $0x800  }
0x1c6: {  	[sflag:s23] =	ssyncset.done $0x0  }
0x1c7: {  	[sflag:s23] =	ssyncadd.s32 $0xFFFFF800  }
0x1c8: {  	_ =	swait.ge [sflag:s23], $0x800  }
0x1c9: {  	[sflag:s23] =	ssyncset.done $0x0  }
0x1ca: {  	[sflag:s23] =	ssyncadd.s32 $0xFFFFF800  }
0x1cb: {  	_ =	swait.ge [sflag:s23], $0x800  }
0x1cc: {  	[sflag:s23] =	ssyncset.done $0x0  }
0x1cd: {  	[sflag:s23] =	ssyncadd.s32 $0xFFFFF800  }
0x1ce: {  	_ =	swait.ge [sflag:s23], $0x800  }
0x1cf: {  	[sflag:s23] =	ssyncset.done $0x0  }
0x1d0: {  	[sflag:s23] =	ssyncadd.s32 $0xFFFFF800  }
0x1d1: {  	_ =	swait.ge [sflag:s23], $0x800  }
0x1d2: {  	[sflag:s23] =	ssyncset.done $0x0  }
0x1d3: {  	[sflag:s23] =	ssyncadd.s32 $0xFFFFF800  }
0x1d4: {  	_ =	swait.ge [sflag:s23], $0x800  }
0x1d5: {  	[sflag:s23] =	ssyncset.done $0x0  }
0x1d6: {  	[sflag:s23] =	ssyncadd.s32 $0xFFFFF800  }
0x1d7: {  	_ =	swait.ge [sflag:s23], $0x800  }
0x1d8: {  	[sflag:s23] =	ssyncset.done $0x0  }
0x1d9: {  	[sflag:s23] =	ssyncadd.s32 $0xFFFFF800  }
0x1da: {  	_ =	swait.ge [sflag:s23], $0x800  }
0x1db: {  	[sflag:s23] =	ssyncset.done $0x0  }
0x1dc: {  	[sflag:s23] =	ssyncadd.s32 $0xFFFFF800  }
0x1dd: {  	_ =	swait.ge [sflag:s23], $0x800  }
0x1de: {  	[sflag:s23] =	ssyncset.done $0x0  }
0x1df: {  	[sflag:s23] =	ssyncadd.s32 $0xFFFFF800  }
0x1e0: {  	_ =	swait.ge [sflag:s23], $0x800  }
0x1e1: {  	[sflag:s23] =	ssyncset.done $0x0  }
0x1e2: {  	[sflag:s23] =	ssyncadd.s32 $0xFFFFF800  }
0x1e3: {  	_ =	swait.ge [sflag:s23], $0x800  }
0x1e4: {  	[sflag:s23] =	ssyncset.done $0x0  }
0x1e5: {  	[sflag:s23] =	ssyncadd.s32 $0xFFFFF800  }
0x1e6: {  	_ =	swait.ge [sflag:s23], $0x800  }
0x1e7: {  	[sflag:s23] =	ssyncset.done $0x0  }
0x1e8: {  	[sflag:s23] =	ssyncadd.s32 $0xFFFFF800  }
0x1e9: {  	_ =	swait.ge [sflag:s23], $0x800  }
0x1ea: {  	[sflag:s23] =	ssyncset.done $0x0  }
0x1eb: {  	[sflag:s23] =	ssyncadd.s32 $0xFFFFF800  }
0x1ec: {  	_ =	swait.ge [sflag:s23], $0x800  }
0x1ed: {  	[sflag:s23] =	ssyncset.done $0x0  }
0x1ee: {  	[sflag:s23] =	ssyncadd.s32 $0xFFFFF800  }
0x1ef: {  	_ =	swait.ge [sflag:s23], $0x800  }
0x1f0: {  	[sflag:s23] =	ssyncset.done $0x0  }
0x1f1: {  	[sflag:s23] =	ssyncadd.s32 $0xFFFFF800  }
0x1f2: {  	_ =	swait.ge [sflag:s23], $0x800  }
0x1f3: {  	[sflag:s23] =	ssyncset.done $0x0  }
0x1f4: {  	[sflag:s23] =	ssyncadd.s32 $0xFFFFF800  }
0x1f5: {  	_ =	swait.ge [sflag:s23], $0x800  }
0x1f6: {  	[sflag:s23] =	ssyncset.done $0x0  }
0x1f7: {  	[sflag:s23] =	ssyncadd.s32 $0xFFFFF800  }
0x1f8: {  	_ =	swait.ge [sflag:s23], $0x800  }
0x1f9: {  	[sflag:s23] =	ssyncset.done $0x0  }
0x1fa: {  	[sflag:s23] =	ssyncadd.s32 $0xFFFFF800  }
0x1fb: {  	_ =	swait.ge [sflag:s23], $0x800  }
0x1fc: {  	[sflag:s23] =	ssyncset.done $0x0  }
0x1fd: {  	[sflag:s23] =	ssyncadd.s32 $0xFFFFF800  }
0x1fe: {  	_ =	swait.ge [sflag:s23], $0x800  }
0x1ff: {  	[sflag:s23] =	ssyncset.done $0x0  }
0x200: {  	s31 =	simm.s32 $0x0;
	s0 =	simm.s32 $0x0;
	[sflag:s23] =	ssyncadd.s32 $0xFFFFF800  }
.LBB2_10:
0x201: {  	s1 =	sshll.u32 s0, $0x4  }
0x202: {  	v2 =	vor.u32 s1, v0  }
0x203: {  	v25 =	vmul.u32 $0x14, v2  }
0x204: {  	v16 =	vshll.u32 v2, $0x4  }
0x205: {  	v12 =	vor.u32 $0x1, v16;
	v35 =	vadd.s32 s31, v25  }
0x206: {  	v34 =	vshll.u32 v35, $0x4  }
0x207: {  	v2 =	vor.u32 $0x1, v34  }
0x208: {  	v10 =	vor.u32 $0x2, v16  }
0x209: {  	v4 =	vor.u32 $0x2, v34;
	v26 =	vld.idx.msk [tilespmem:v16+s4+$0x0], $0xffff  }
0x20a: {  	v8 =	vor.u32 $0x3, v16;
	v19 =	vld.idx.msk [tilespmem:v12+s4+$0x0], $0xffff  }
0x20b: {  	v7 =	vor.u32 $0x3, v34;
	v6 =	vld.idx.msk [tilespmem:v34+s7+$0x0], $0xffff  }
0x20c: {  	v5 =	vor.u32 $0x4, v16;
	v9 =	vld.idx.msk [tilespmem:v2+s7+$0x0], $0xffff  }
0x20d: {  	v11 =	vor.u32 $0x4, v34;
	v22 =	vld.idx.msk [tilespmem:v10+s4+$0x0], $0xffff  }
0x20e: {  	v3 =	vor.u32 $0x5, v16;
	v13 =	vld.idx.msk [tilespmem:v4+s7+$0x0], $0xffff  }
0x20f: {  	v14 =	vor.u32 $0x5, v34;
	v20 =	vld.idx.msk [tilespmem:v8+s4+$0x0], $0xffff  }
0x210: {  	v15 =	vor.u32 $0x6, v34;
	v7 =	vld.idx.msk [tilespmem:v7+s7+$0x0], $0xffff  }
0x211: {  	v18 =	vld.idx.msk [tilespmem:v5+s4+$0x0], $0xffff;
	v2 =	vor.u32 $0x6, v16;
	v6 =	vmul.f32 v6, v26;
	v9 =	vmul.f32 v9, v19  }
0x212: {  	v17 =	vor.u32 $0x7, v34;
	v11 =	vld.idx.msk [tilespmem:v11+s7+$0x0], $0xffff  }
0x213: {  	v21 =	vld.idx.msk [tilespmem:v3+s4+$0x0], $0xffff;
	v4 =	vor.u32 $0x7, v16;
	v13 =	vmul.f32 v13, v22;
	v9 =	vadd.f32 v9, v6  }
0x214: {  	v28 =	vor.u32 $0x8, v34;
	v14 =	vld.idx.msk [tilespmem:v14+s7+$0x0], $0xffff  }
0x215: {  	v15 =	vld.idx.msk [tilespmem:v15+s7+$0x0], $0xffff;
	v6 =	vor.u32 $0x8, v16;
	v9 =	vadd.f32 v13, v9;
	v13 =	vmul.f32 v7, v20  }
0x216: {  	v29 =	vor.u32 $0x9, v34;
	v23 =	vld.idx.msk [tilespmem:v2+s4+$0x0], $0xffff  }
0x217: {  	v17 =	vld.idx.msk [tilespmem:v17+s7+$0x0], $0xffff;
	v11 =	vmul.f32 v11, v18;
	v7 =	vor.u32 $0x9, v16;
	v13 =	vadd.f32 v13, v9  }
0x218: {  	v30 =	vor.u32 $0xA, v34;
	v24 =	vld.idx.msk [tilespmem:v4+s4+$0x0], $0xffff  }
0x219: {  	v31 =	vld.idx.msk [tilespmem:v28+s7+$0x0], $0xffff;
	v14 =	vmul.f32 v14, v21;
	v9 =	vor.u32 $0xA, v16;
	v13 =	vadd.f32 v11, v13  }
0x21a: {  	v32 =	vor.u32 $0xB, v34;
	v27 =	vld.idx.msk [tilespmem:v6+s4+$0x0], $0xffff  }
0x21b: {  	v33 =	vld.idx.msk [tilespmem:v29+s7+$0x0], $0xffff;
	v15 =	vmul.f32 v15, v23;
	v11 =	vor.u32 $0xB, v16;
	v14 =	vadd.f32 v14, v13  }
0x21c: {  	v36 =	vor.u32 $0xC, v34;
	v28 =	vld.idx.msk [tilespmem:v7+s4+$0x0], $0xffff  }
0x21d: {  	v37 =	vld.idx.msk [tilespmem:v30+s7+$0x0], $0xffff;
	v17 =	vmul.f32 v17, v24;
	v13 =	vor.u32 $0xC, v16;
	v15 =	vadd.f32 v15, v14  }
0x21e: {  	v38 =	vor.u32 $0xD, v34;
	v29 =	vld.idx.msk [tilespmem:v9+s4+$0x0], $0xffff  }
0x21f: {  	v39 =	vld.idx.msk [tilespmem:v32+s7+$0x0], $0xffff;
	v14 =	vor.u32 $0xD, v16;
	v31 =	vmul.f32 v31, v27;
	v17 =	vadd.f32 v17, v15  }
0x220: {  	v40 =	vor.u32 $0xE, v34;
	v30 =	vld.idx.msk [tilespmem:v11+s4+$0x0], $0xffff  }
0x221: {  	v36 =	vld.idx.msk [tilespmem:v36+s7+$0x0], $0xffff;
	v15 =	vor.u32 $0xE, v16;
	v17 =	vadd.f32 v31, v17;
	v31 =	vmul.f32 v33, v28  }
0x222: {  	v61 =	vor.u32 $0xF, v34;
	v32 =	vld.idx.msk [tilespmem:v13+s4+$0x0], $0xffff  }
0x223: {  	v38 =	vld.idx.msk [tilespmem:v38+s7+$0x0], $0xffff;
	v37 =	vmul.f32 v37, v29;
	v41 =	vadd.f32 v31, v17;
	v17 =	vor.u32 $0xF, v16  }
0x224: {  	v33 =	vld.idx.msk [tilespmem:v14+s4+$0x0], $0xffff  }
0x225: {  	v42 =	vld.idx.msk [tilespmem:v40+s7+$0x0], $0xffff;
	v39 =	vmul.f32 v39, v30;
	v37 =	vadd.f32 v37, v41  }
0x226: {  	v31 =	vld.idx.msk [tilespmem:v15+s4+$0x0], $0xffff  }
0x227: {  	v36 =	vmul.f32 v36, v32;
	v62 =	vadd.f32 v39, v37;
	v39 =	vld.idx.msk [tilespmem:v61+s7+$0x0], $0xffff  }
0x228: {  	v34 =	vld.idx.msk [tilespmem:v17+s4+$0x0], $0xffff  }
0x229: {  	v38 =	vmul.f32 v38, v33;
	v63 =	vadd.f32 v36, v62;
	_ =	sdelay $0x1  }
0x22a: {  	s6 =	simm.s32 $0x1;
	v41 =	vmul.f32 v42, v31;
	v40 =	vadd.f32 v38, v63  }
0x22b: {  	s9 =	simm.s32 $0x2;
	s8 =	simm.s32 $0x0;
	v37 =	vimm.s32 $0x0;
	v36 =	vimm.f32 $-Inf;
	v38 =	vadd.s32 s6, v25  }
.LBB2_11:
0x22c: {  	p0 =	sne.s32 s9, $0x13;
	v42 =	vshll.u32 v38, $0x4;
	v40 =	vadd.f32 v41, v40;
	v39 =	vmul.f32 v39, v34  }
0x22d: {  	v41 =	vor.u32 $0x1, v42  }
0x22e: {  	v39 =	vadd.f32 v39, v40  }
0x22f: {  	v40 =	vor.u32 $0x2, v42  }
0x230: {  	[tilespmem:v35+s25+$0x0] =	vst.idx.msk $0xffff, v39  }
0x231: {  	v44 =	vor.u32 $0x3, v42;
	v43 =	vld.idx.msk [tilespmem:v42+s7+$0x0], $0xffff  }
0x232: {  	v41 =	vld.idx.msk [tilespmem:v41+s7+$0x0], $0xffff  }
0x233: {  	v45 =	vor.u32 $0x4, v42;
	v46 =	vld.idx.msk [tilespmem:v35+s3+$0x0], $0xffff;
	v35 =	vmov v38  }
0x234: {  	v38 =	vld.idx.msk [tilespmem:v40+s7+$0x0], $0xffff  }
0x235: {  	v40 =	vor.u32 $0x5, v42  }
0x236: {  	v44 =	vld.idx.msk [tilespmem:v44+s7+$0x0], $0xffff  }
0x237: {  	v47 =	vor.u32 $0x6, v42  }
0x238: {  	v43 =	vmul.f32 v43, v26;
	v41 =	vmul.f32 v41, v19;
	v45 =	vld.idx.msk [tilespmem:v45+s7+$0x0], $0xffff  }
0x239: {  	v48 =	vor.u32 $0x7, v42;
	v39 =	vadd.f32 v46, v39  }
0x23a: {  	v41 =	vadd.f32 v41, v43;
	v38 =	vmul.f32 v38, v22;
	v40 =	vld.idx.msk [tilespmem:v40+s7+$0x0], $0xffff  }
0x23b: {  	v43 =	vor.u32 $0x8, v42;
	vm0 =	vgt.f32 v39, v36  }
0x23c: {  	v38 =	vadd.f32 v38, v41;
	v41 =	vmul.f32 v44, v20;
	v36 =	vsel vm0, v39, v36;
	v44 =	vld.idx.msk [tilespmem:v47+s7+$0x0], $0xffff  }
0x23d: {  	v39 =	vor.u32 $0x9, v42;
	v37 =	vsel vm0, s8, v37;
	s8 =	smov.u32 s6;
	s6 =	smov.u32 s9  }
0x23e: {  	v38 =	vadd.f32 v41, v38;
	v41 =	vmul.f32 v45, v18;
	v45 =	vld.idx.msk [tilespmem:v48+s7+$0x0], $0xffff  }
0x23f: {  	v46 =	vor.u32 $0xA, v42  }
0x240: {  	v38 =	vadd.f32 v41, v38;
	v40 =	vmul.f32 v40, v21;
	v41 =	vld.idx.msk [tilespmem:v43+s7+$0x0], $0xffff  }
0x241: {  	v43 =	vor.u32 $0xB, v42  }
0x242: {  	v38 =	vadd.f32 v40, v38;
	v40 =	vmul.f32 v44, v23;
	v39 =	vld.idx.msk [tilespmem:v39+s7+$0x0], $0xffff  }
0x243: {  	v44 =	vor.u32 $0xC, v42  }
0x244: {  	v38 =	vadd.f32 v40, v38;
	v40 =	vmul.f32 v45, v24;
	v45 =	vld.idx.msk [tilespmem:v46+s7+$0x0], $0xffff  }
0x245: {  	v46 =	vor.u32 $0xD, v42  }
0x246: {  	v38 =	vadd.f32 v40, v38;
	v40 =	vmul.f32 v41, v27;
	v41 =	vld.idx.msk [tilespmem:v43+s7+$0x0], $0xffff  }
0x247: {  	v43 =	vor.u32 $0xE, v42  }
0x248: {  	v38 =	vadd.f32 v40, v38;
	v39 =	vmul.f32 v39, v28;
	v40 =	vld.idx.msk [tilespmem:v44+s7+$0x0], $0xffff  }
0x249: {  	v42 =	vor.u32 $0xF, v42  }
0x24a: {  	v38 =	vadd.f32 v39, v38;
	v39 =	vmul.f32 v45, v29;
	v44 =	vld.idx.msk [tilespmem:v46+s7+$0x0], $0xffff;
	_ =	sdelay $0x1  }
0x24b: {  	v38 =	vadd.f32 v39, v38;
	v39 =	vmul.f32 v41, v30;
	v41 =	vld.idx.msk [tilespmem:v43+s7+$0x0], $0xffff;
	_ =	sdelay $0x1  }
0x24c: {  	v38 =	vadd.f32 v39, v38;
	v40 =	vmul.f32 v40, v32;
	v39 =	vld.idx.msk [tilespmem:v42+s7+$0x0], $0xffff  }
.Ltmp4:
0x24d: {  	(pc) =	sbr.rel @p0 .LBB2_11-.Ltmp4, $3  }
0x24e: {  	v38 =	vadd.f32 v40, v38;
	v40 =	vmul.f32 v44, v33;
	_ =	sdelay $0x1  }
0x24f: {  	v40 =	vadd.f32 v40, v38;
	v41 =	vmul.f32 v41, v31  }
0x250: {  	s9 =	sadd.s32 $0x1, s9;
	v38 =	vadd.s32 s6, v25  }
0x251: {  	v42 =	vshll.u32 v38, $0x4;
	v40 =	vadd.f32 v41, v40;
	v39 =	vmul.f32 v39, v34  }
0x252: {  	v51 =	vor.u32 $0x1, v42  }
0x253: {  	v39 =	vadd.f32 v39, v40  }
0x254: {  	v52 =	vor.u32 $0x2, v42  }
0x255: {  	[tilespmem:v35+s25+$0x0] =	vst.idx.msk $0xffff, v39  }
0x256: {  	v44 =	vor.u32 $0x3, v42;
	v43 =	vld.idx.msk [tilespmem:v42+s7+$0x0], $0xffff  }
0x257: {  	v41 =	vld.idx.msk [tilespmem:v51+s7+$0x0], $0xffff  }
0x258: {  	v45 =	vor.u32 $0x4, v42  }
0x259: {  	v40 =	vld.idx.msk [tilespmem:v52+s7+$0x0], $0xffff  }
0x25a: {  	v46 =	vor.u32 $0x5, v42  }
0x25b: {  	v44 =	vld.idx.msk [tilespmem:v44+s7+$0x0], $0xffff  }
0x25c: {  	v47 =	vor.u32 $0x6, v42;
	v43 =	vmul.f32 v43, v26;
	v41 =	vmul.f32 v41, v19  }
0x25d: {  	v45 =	vld.idx.msk [tilespmem:v45+s7+$0x0], $0xffff  }
0x25e: {  	v48 =	vor.u32 $0x7, v42;
	v40 =	vmul.f32 v40, v22;
	v41 =	vadd.f32 v41, v43  }
0x25f: {  	v53 =	vld.idx.msk [tilespmem:v46+s7+$0x0], $0xffff  }
0x260: {  	v54 =	vor.u32 $0x8, v42;
	v55 =	vmul.f32 v44, v20;
	v40 =	vadd.f32 v40, v41  }
0x261: {  	v56 =	vld.idx.msk [tilespmem:v47+s7+$0x0], $0xffff  }
0x262: {  	v57 =	vor.u32 $0x9, v42;
	v58 =	vmul.f32 v45, v18;
	v40 =	vadd.f32 v55, v40  }
0x263: {  	v59 =	vld.idx.msk [tilespmem:v48+s7+$0x0], $0xffff  }
0x264: {  	v60 =	vor.u32 $0xA, v42;
	v61 =	vmul.f32 v53, v21;
	v40 =	vadd.f32 v58, v40  }
0x265: {  	v62 =	vld.idx.msk [tilespmem:v54+s7+$0x0], $0xffff  }
0x266: {  	v63 =	vor.u32 $0xB, v42;
	v51 =	vmul.f32 v56, v23;
	v40 =	vadd.f32 v61, v40  }
0x267: {  	v52 =	vld.idx.msk [tilespmem:v57+s7+$0x0], $0xffff  }
0x268: {  	v53 =	vor.u32 $0xC, v42;
	v54 =	vmul.f32 v59, v24;
	v40 =	vadd.f32 v51, v40  }
0x269: {  	v55 =	vld.idx.msk [tilespmem:v60+s7+$0x0], $0xffff  }
0x26a: {  	v56 =	vor.u32 $0xD, v42;
	v57 =	vmul.f32 v62, v27;
	v40 =	vadd.f32 v54, v40  }
0x26b: {  	v58 =	vld.idx.msk [tilespmem:v63+s7+$0x0], $0xffff  }
0x26c: {  	v59 =	vor.u32 $0xE, v42;
	v60 =	vmul.f32 v52, v28;
	v40 =	vadd.f32 v57, v40  }
0x26d: {  	v61 =	vld.idx.msk [tilespmem:v53+s7+$0x0], $0xffff  }
0x26e: {  	v42 =	vor.u32 $0xF, v42;
	v62 =	vmul.f32 v55, v29;
	v40 =	vadd.f32 v60, v40  }
0x26f: {  	v63 =	vld.idx.msk [tilespmem:v56+s7+$0x0], $0xffff  }
0x270: {  	v48 =	vmul.f32 v58, v30;
	v40 =	vadd.f32 v62, v40  }
0x271: {  	v49 =	vld.idx.msk [tilespmem:v59+s7+$0x0], $0xffff  }
0x272: {  	v50 =	vmul.f32 v61, v32;
	v40 =	vadd.f32 v48, v40  }
0x273: {  	v42 =	vld.idx.msk [tilespmem:v42+s7+$0x0], $0xffff  }
0x274: {  	v51 =	vmul.f32 v63, v33;
	v40 =	vadd.f32 v50, v40;
	_ =	sdelay $0x1  }
0x275: {  	v52 =	vmul.f32 v49, v31;
	v40 =	vadd.f32 v51, v40;
	_ =	sdelay $0x1  }
0x276: {  	v53 =	vmul.f32 v42, v34;
	v40 =	vadd.f32 v52, v40;
	_ =	sdelay $0x1  }
0x277: {  	v40 =	vadd.f32 v53, v40  }
0x278: {  	v35 =	vld.idx.msk [tilespmem:v35+s3+$0x0], $0xffff  }
0x279: {  	[tilespmem:v38+s25+$0x0] =	vst.idx.msk $0xffff, v40  }
0x27a: {  	v38 =	vld.idx.msk [tilespmem:v38+s3+$0x0], $0xffff;
	_ =	sdelay $0x2  }
0x27b: {  	v35 =	vadd.f32 v35, v39;
	_ =	sdelay $0x1  }
0x27c: {  	vm0 =	vgt.f32 v35, v36;
	v38 =	vadd.f32 v38, v40  }
0x27d: {  	v35 =	vsel vm0, v35, v36  }
0x27e: {  	v54 =	vsel vm0, s8, v37;
	vm14 =	vgt.f32 v38, v35  }
0x27f: {  	v35 =	vsel vm14, s6, v54  }
0x280: {  	v25 =	vadd.s32 v25, v35;
	_ =	sdelay $0x4  }
0x281: {  	v55 =	vld.idx.msk [tilespmem:v25+s19+$0x0], $0xffff  }
0x282: {  	v25 =	vshll.u32 v25, $0x4;
	_ =	sdelay $0x2  }
0x283: {  	[tilespmem:s1+$0xD000] =	vst v35  }
0x284: {  	[tilespmem:s1+$0xD080] =	vst v55  }
0x285: {  	v35 =	vld.idx.msk [tilespmem:v25+s7+$0x0], $0xffff;
	_ =	sdelay $0x4  }
0x286: {  	v57 =	vor.u32 $0x1, v25;
	v56 =	vadd.f32 v35, v26;
	_ =	sdelay $0x1  }
0x287: {  	v26 =	vmul.f32 $5.000000000e-01, v56;
	_ =	sdelay $0x1  }
0x288: {  	[tilespmem:v16+s26+$0x0] =	vst.idx.msk $0xffff, v26  }
0x289: {  	v16 =	vld.idx.msk [tilespmem:v57+s7+$0x0], $0xffff;
	_ =	sdelay $0x4  }
0x28a: {  	v58 =	vor.u32 $0x2, v25;
	v16 =	vadd.f32 v16, v19;
	_ =	sdelay $0x1  }
0x28b: {  	v16 =	vmul.f32 $5.000000000e-01, v16;
	_ =	sdelay $0x1  }
0x28c: {  	[tilespmem:v12+s26+$0x0] =	vst.idx.msk $0xffff, v16  }
0x28d: {  	v12 =	vld.idx.msk [tilespmem:v58+s7+$0x0], $0xffff;
	_ =	sdelay $0x4  }
0x28e: {  	v59 =	vor.u32 $0x3, v25;
	v12 =	vadd.f32 v12, v22;
	_ =	sdelay $0x1  }
0x28f: {  	v12 =	vmul.f32 $5.000000000e-01, v12;
	_ =	sdelay $0x1  }
0x290: {  	[tilespmem:v10+s26+$0x0] =	vst.idx.msk $0xffff, v12  }
0x291: {  	v10 =	vld.idx.msk [tilespmem:v59+s7+$0x0], $0xffff;
	_ =	sdelay $0x4  }
0x292: {  	v60 =	vor.u32 $0x4, v25;
	v10 =	vadd.f32 v10, v20;
	_ =	sdelay $0x1  }
0x293: {  	v10 =	vmul.f32 $5.000000000e-01, v10;
	_ =	sdelay $0x1  }
0x294: {  	[tilespmem:v8+s26+$0x0] =	vst.idx.msk $0xffff, v10  }
0x295: {  	v8 =	vld.idx.msk [tilespmem:v60+s7+$0x0], $0xffff;
	_ =	sdelay $0x4  }
0x296: {  	v61 =	vor.u32 $0x5, v25;
	v8 =	vadd.f32 v8, v18;
	_ =	sdelay $0x1  }
0x297: {  	v8 =	vmul.f32 $5.000000000e-01, v8;
	_ =	sdelay $0x1  }
0x298: {  	[tilespmem:v5+s26+$0x0] =	vst.idx.msk $0xffff, v8  }
0x299: {  	v5 =	vld.idx.msk [tilespmem:v61+s7+$0x0], $0xffff;
	_ =	sdelay $0x4  }
0x29a: {  	v62 =	vor.u32 $0x6, v25;
	v5 =	vadd.f32 v5, v21;
	_ =	sdelay $0x1  }
0x29b: {  	v5 =	vmul.f32 $5.000000000e-01, v5;
	_ =	sdelay $0x1  }
0x29c: {  	[tilespmem:v3+s26+$0x0] =	vst.idx.msk $0xffff, v5  }
0x29d: {  	v3 =	vld.idx.msk [tilespmem:v62+s7+$0x0], $0xffff;
	_ =	sdelay $0x4  }
0x29e: {  	v63 =	vor.u32 $0x7, v25;
	v3 =	vadd.f32 v3, v23;
	_ =	sdelay $0x1  }
0x29f: {  	v3 =	vmul.f32 $5.000000000e-01, v3;
	_ =	sdelay $0x1  }
0x2a0: {  	[tilespmem:v2+s26+$0x0] =	vst.idx.msk $0xffff, v3  }
0x2a1: {  	v2 =	vld.idx.msk [tilespmem:v63+s7+$0x0], $0xffff;
	_ =	sdelay $0x4  }
0x2a2: {  	v3 =	vor.u32 $0x8, v25;
	v2 =	vadd.f32 v2, v24;
	_ =	sdelay $0x1  }
0x2a3: {  	v2 =	vmul.f32 $5.000000000e-01, v2;
	_ =	sdelay $0x1  }
0x2a4: {  	[tilespmem:v4+s26+$0x0] =	vst.idx.msk $0xffff, v2  }
0x2a5: {  	v2 =	vld.idx.msk [tilespmem:v3+s7+$0x0], $0xffff;
	_ =	sdelay $0x4  }
0x2a6: {  	v3 =	vor.u32 $0x9, v25;
	v2 =	vadd.f32 v2, v27;
	_ =	sdelay $0x1  }
0x2a7: {  	v2 =	vmul.f32 $5.000000000e-01, v2;
	_ =	sdelay $0x1  }
0x2a8: {  	[tilespmem:v6+s26+$0x0] =	vst.idx.msk $0xffff, v2  }
0x2a9: {  	v2 =	vld.idx.msk [tilespmem:v3+s7+$0x0], $0xffff;
	_ =	sdelay $0x4  }
0x2aa: {  	v3 =	vor.u32 $0xA, v25;
	v2 =	vadd.f32 v2, v28;
	_ =	sdelay $0x1  }
0x2ab: {  	v2 =	vmul.f32 $5.000000000e-01, v2;
	_ =	sdelay $0x1  }
0x2ac: {  	[tilespmem:v7+s26+$0x0] =	vst.idx.msk $0xffff, v2  }
0x2ad: {  	v2 =	vld.idx.msk [tilespmem:v3+s7+$0x0], $0xffff;
	_ =	sdelay $0x4  }
0x2ae: {  	v3 =	vor.u32 $0xB, v25;
	v2 =	vadd.f32 v2, v29;
	_ =	sdelay $0x1  }
0x2af: {  	v2 =	vmul.f32 $5.000000000e-01, v2;
	_ =	sdelay $0x1  }
0x2b0: {  	[tilespmem:v9+s26+$0x0] =	vst.idx.msk $0xffff, v2  }
0x2b1: {  	v2 =	vld.idx.msk [tilespmem:v3+s7+$0x0], $0xffff;
	_ =	sdelay $0x4  }
0x2b2: {  	v3 =	vor.u32 $0xC, v25;
	v2 =	vadd.f32 v2, v30;
	_ =	sdelay $0x1  }
0x2b3: {  	v2 =	vmul.f32 $5.000000000e-01, v2;
	_ =	sdelay $0x1  }
0x2b4: {  	[tilespmem:v11+s26+$0x0] =	vst.idx.msk $0xffff, v2  }
0x2b5: {  	v2 =	vld.idx.msk [tilespmem:v3+s7+$0x0], $0xffff;
	_ =	sdelay $0x4  }
0x2b6: {  	v3 =	vor.u32 $0xD, v25;
	v2 =	vadd.f32 v2, v32;
	_ =	sdelay $0x1  }
0x2b7: {  	v2 =	vmul.f32 $5.000000000e-01, v2;
	_ =	sdelay $0x1  }
0x2b8: {  	[tilespmem:v13+s26+$0x0] =	vst.idx.msk $0xffff, v2  }
0x2b9: {  	v2 =	vld.idx.msk [tilespmem:v3+s7+$0x0], $0xffff;
	_ =	sdelay $0x4  }
0x2ba: {  	v3 =	vor.u32 $0xE, v25;
	v2 =	vadd.f32 v2, v33;
	_ =	sdelay $0x1  }
0x2bb: {  	v2 =	vmul.f32 $5.000000000e-01, v2;
	_ =	sdelay $0x1  }
0x2bc: {  	[tilespmem:v14+s26+$0x0] =	vst.idx.msk $0xffff, v2  }
0x2bd: {  	v2 =	vld.idx.msk [tilespmem:v3+s7+$0x0], $0xffff;
	_ =	sdelay $0x4  }
0x2be: {  	v3 =	vor.u32 $0xF, v25;
	v2 =	vadd.f32 v2, v31;
	_ =	sdelay $0x1  }
0x2bf: {  	v2 =	vmul.f32 $5.000000000e-01, v2;
	_ =	sdelay $0x1  }
0x2c0: {  	[tilespmem:v15+s26+$0x0] =	vst.idx.msk $0xffff, v2  }
0x2c1: {  	v2 =	vld.idx.msk [tilespmem:v3+s7+$0x0], $0xffff;
	_ =	sdelay $0x2  }
0x2c2: {  	s0 =	sadd.s32 $0x1, s0  }
0x2c3: {  	p0 =	sne.s32 s0, $0x8  }
.Ltmp5:
0x2c4: {  	v2 =	vadd.f32 v2, v34;
	(pc) =	sbr.rel @p0 .LBB2_10-.Ltmp5, $3  }
0x2c5: {  	vm15 =	vgt.s32 v55, $0x1  }
0x2c6: {  	v3 =	vmpcnt.ones.xlane vm15;
	v2 =	vmul.f32 $5.000000000e-01, v2;
	_ =	sdelay $0x1  }
0x2c7: {  	v1 =	vadd.s32 v1, v3;
	[tilespmem:v17+s26+$0x0] =	vst.idx.msk $0xffff, v2  }
0x2c8: {  	s0 =	simm.s32 $0x0;
	s1 =	rddreg [dreg:$0xd]  }
0x2c9: {  	[hbm4b:s1+s0] =	stream.linear.scatter [tilespmem:s25], [sflag:$0x2], $0xA00, $0x38;
	[tilespmem:$0xD910] =	vst v63  }
0x2ca: {  	_ =	swait.ge [sflag:s2], $0xA00  }
0x2cb: {  	[sflag:s2] =	ssyncset.done $0x0  }
0x2cc: {  	s9 =	rddreg [dreg:$0x14];
	[sflag:s2] =	ssyncadd.s32 $0xFFFFF600  }
0x2cd: {  	[hbm4b:s9+s0] =	stream.linear.scatter [tilespmem:s28], [sflag:$0x2], $0x80, $0x38;
	[tilespmem:$0xD910] =	vst v63  }
0x2ce: {  	_ =	swait.ge [sflag:s2], $0x80  }
0x2cf: {  	[sflag:s2] =	ssyncset.done $0x0  }
0x2d0: {  	s31 =	rddreg [dreg:$0x15];
	[sflag:s2] =	ssyncadd.s32 $0xFFFFFF80  }
0x2d1: {  	[hbm4b:s31+s0] =	stream.linear.scatter [tilespmem:s29], [sflag:$0x2], $0x80, $0x38;
	[tilespmem:$0xD910] =	vst v63  }
0x2d2: {  	_ =	swait.ge [sflag:s2], $0x80  }
0x2d3: {  	[sflag:s2] =	ssyncset.done $0x0  }
0x2d4: {  	s6 =	rddreg [dreg:$0x1d];
	[sflag:s2] =	ssyncadd.s32 $0xFFFFFF80  }
0x2d5: {  	[hbm4b:s6+s0] =	stream.linear.scatter [tilespmem:s26], [sflag:$0x2], $0x800, $0x38;
	[tilespmem:$0xD910] =	vst v63  }
0x2d6: {  	_ =	swait.ge [sflag:s2], $0x800  }
0x2d7: {  	[sflag:s2] =	ssyncset.done $0x0  }
0x2d8: {  	s8 =	rddreg [dreg:$0xe];
	[sflag:s2] =	ssyncadd.s32 $0xFFFFF800  }
0x2d9: {  	[tilespmem:s0], [sflag:$0x2] =	stream.linear.gather [hbm4b:s8+s0], $0xA00, $0x38;
	[tilespmem:$0xD910] =	vst v63  }
0x2da: {  	_ =	swait.ge [sflag:s2], $0xA00  }
0x2db: {  	[sflag:s2] =	ssyncset.done $0x0  }
0x2dc: {  	s9 =	rddreg [dreg:$0xf];
	[sflag:s2] =	ssyncadd.s32 $0xFFFFF600  }
0x2dd: {  	[tilespmem:s3], [sflag:$0x2] =	stream.linear.gather [hbm4b:s9+s0], $0xA00, $0x38;
	[tilespmem:$0xD910] =	vst v63  }
0x2de: {  	_ =	swait.ge [sflag:s2], $0xA00  }
0x2df: {  	[sflag:s2] =	ssyncset.done $0x0  }
0x2e0: {  	s31 =	rddreg [dreg:$0x1e];
	[sflag:s2] =	ssyncadd.s32 $0xFFFFF600  }
0x2e1: {  	[tilespmem:s4], [sflag:$0x2] =	stream.linear.gather [hbm4b:s31+s0], $0x800, $0x38;
	[tilespmem:$0xD910] =	vst v63  }
0x2e2: {  	_ =	swait.ge [sflag:s2], $0x800  }
0x2e3: {  	[sflag:s2] =	ssyncset.done $0x0  }
0x2e4: {  	s0 =	simm.s32 $0x0;
	[sflag:s2] =	ssyncadd.s32 $0xFFFFF800  }
0x2e5: {  	v2 =	vld [tilespmem:s0+$0x0];
	_ =	sdelay $0x2  }
0x2e6: {  	s1 =	simm.s32 $0x40  }
.LBB2_14:
0x2e7: {  	p0 =	sne.s32 s1, $0x27C0  }
.Ltmp6:
0x2e8: {  	s6 =	sshra.s32 s1, $0x2;
	s1 =	sadd.s32 $0x40, s1;
	v3 =	vshll.u32 v2, $0x3;
	(pc) =	sbr.rel @p0 .LBB2_14-.Ltmp6, $4  }
0x2e9: {  	v4 =	vand.u32 $0xFFFFF800, v2;
	v5 =	vshrl.u32 v2, $0x8;
	v3 =	vand.u32 $0x7F8, v3;
	v2 =	vld [tilespmem:s6+$0x0]  }
0x2ea: {  	v3 =	vor.u32 v4, v3;
	v4 =	vand.u32 $0x7, v5  }
0x2eb: {  	v3 =	vor.u32 v4, v3  }
0x2ec: {  	[tilespmem:s0+$0xA00] =	vst v3;
	s0 =	smov.u32 s6  }
0x2ed: {  	_ = 	snop  }
0x2ee: {  	v3 =	vshll.u32 v2, $0x3  }
0x2ef: {  	v4 =	vand.u32 $0xFFFFF800, v2;
	v2 =	vshrl.u32 v2, $0x8;
	v3 =	vand.u32 $0x7F8, v3  }
0x2f0: {  	v2 =	vand.u32 $0x7, v2;
	v3 =	vor.u32 v4, v3  }
0x2f1: {  	v2 =	vor.u32 v2, v3  }
0x2f2: {  	s8 =	simm.s32 $0xA00;
	[tilespmem:s0+$0xA00] =	vst v2  }
0x2f3: {  	[tilespmem:s7], [sflag:$0x1] =	stream.indirect.gather [hbm4b:s24+s5], $0x10, s8, s5, $0xb8;
	[tilespmem:$0xD910] =	vst v63  }
0x2f4: {  	s9 =	simm.s32 $0xA80;
	s1 =	simm.s32 $0x1C00  }
0x2f5: {  	[tilespmem:s1], [sflag:$0x1] =	stream.indirect.gather [hbm4b:s24+s5], $0x10, s9, s5, $0xb8;
	[tilespmem:$0xD910] =	vst v63  }
0x2f6: {  	s6 =	simm.s32 $0x2400;
	s1 =	simm.s32 $0xB00  }
0x2f7: {  	[tilespmem:s6], [sflag:$0x1] =	stream.indirect.gather [hbm4b:s24+s5], $0x10, s1, s5, $0xb8;
	[tilespmem:$0xD910] =	vst v63  }
0x2f8: {  	s8 =	simm.s32 $0xB80;
	s9 =	simm.s32 $0x2C00  }
0x2f9: {  	[tilespmem:s9], [sflag:$0x1] =	stream.indirect.gather [hbm4b:s24+s5], $0x10, s8, s5, $0xb8;
	[tilespmem:$0xD910] =	vst v63  }
0x2fa: {  	s1 =	simm.s32 $0xC00;
	s6 =	simm.s32 $0x3400  }
0x2fb: {  	[tilespmem:s6], [sflag:$0x1] =	stream.indirect.gather [hbm4b:s24+s5], $0x10, s1, s5, $0xb8;
	[tilespmem:$0xD910] =	vst v63  }
0x2fc: {  	s8 =	simm.s32 $0xC80;
	s9 =	simm.s32 $0x3C00  }
0x2fd: {  	[tilespmem:s9], [sflag:$0x1] =	stream.indirect.gather [hbm4b:s24+s5], $0x10, s8, s5, $0xb8;
	[tilespmem:$0xD910] =	vst v63  }
0x2fe: {  	s1 =	simm.s32 $0xD00;
	s6 =	simm.s32 $0x4400  }
0x2ff: {  	[tilespmem:s6], [sflag:$0x1] =	stream.indirect.gather [hbm4b:s24+s5], $0x10, s1, s5, $0xb8;
	[tilespmem:$0xD910] =	vst v63  }
0x300: {  	s8 =	simm.s32 $0xD80;
	s9 =	simm.s32 $0x4C00  }
0x301: {  	[tilespmem:s9], [sflag:$0x1] =	stream.indirect.gather [hbm4b:s24+s5], $0x10, s8, s5, $0xb8;
	[tilespmem:$0xD910] =	vst v63  }
0x302: {  	s1 =	simm.s32 $0xE00;
	s6 =	simm.s32 $0x5400  }
0x303: {  	[tilespmem:s6], [sflag:$0x1] =	stream.indirect.gather [hbm4b:s24+s5], $0x10, s1, s5, $0xb8;
	[tilespmem:$0xD910] =	vst v63  }
0x304: {  	s8 =	simm.s32 $0xE80;
	s9 =	simm.s32 $0x5C00  }
0x305: {  	[tilespmem:s9], [sflag:$0x1] =	stream.indirect.gather [hbm4b:s24+s5], $0x10, s8, s5, $0xb8;
	[tilespmem:$0xD910] =	vst v63  }
0x306: {  	s1 =	simm.s32 $0xF00;
	s6 =	simm.s32 $0x6400  }
0x307: {  	[tilespmem:s6], [sflag:$0x1] =	stream.indirect.gather [hbm4b:s24+s5], $0x10, s1, s5, $0xb8;
	[tilespmem:$0xD910] =	vst v63  }
0x308: {  	s8 =	simm.s32 $0xF80;
	s9 =	simm.s32 $0x6C00  }
0x309: {  	[tilespmem:s9], [sflag:$0x1] =	stream.indirect.gather [hbm4b:s24+s5], $0x10, s8, s5, $0xb8;
	[tilespmem:$0xD910] =	vst v63  }
0x30a: {  	s1 =	simm.s32 $0x1000;
	s6 =	simm.s32 $0x7400  }
0x30b: {  	[tilespmem:s6], [sflag:$0x1] =	stream.indirect.gather [hbm4b:s24+s5], $0x10, s1, s5, $0xb8;
	[tilespmem:$0xD910] =	vst v63  }
0x30c: {  	s8 =	simm.s32 $0x1080;
	s9 =	simm.s32 $0x7C00  }
0x30d: {  	[tilespmem:s9], [sflag:$0x1] =	stream.indirect.gather [hbm4b:s24+s5], $0x10, s8, s5, $0xb8;
	[tilespmem:$0xD910] =	vst v63  }
0x30e: {  	_ = 	snop  }
0x30f: {  	[tilespmem:s11], [sflag:$0x1] =	stream.indirect.gather [hbm4b:s24+s5], $0x10, s10, s5, $0xb8;
	[tilespmem:$0xD910] =	vst v63  }
0x310: {  	_ = 	snop  }
0x311: {  	[tilespmem:s13], [sflag:$0x1] =	stream.indirect.gather [hbm4b:s24+s5], $0x10, s12, s5, $0xb8;
	[tilespmem:$0xD910] =	vst v63  }
0x312: {  	_ = 	snop  }
0x313: {  	[tilespmem:s15], [sflag:$0x1] =	stream.indirect.gather [hbm4b:s24+s5], $0x10, s14, s5, $0xb8;
	[tilespmem:$0xD910] =	vst v63  }
0x314: {  	_ = 	snop  }
0x315: {  	[tilespmem:s17], [sflag:$0x1] =	stream.indirect.gather [hbm4b:s24+s5], $0x10, s16, s5, $0xb8;
	[tilespmem:$0xD910] =	vst v63  }
0x316: {  	_ = 	snop  }
0x317: {  	[tilespmem:s20], [sflag:$0x1] =	stream.indirect.gather [hbm4b:s24+s5], $0x10, s18, s5, $0xb8;
	[tilespmem:$0xD910] =	vst v63  }
0x318: {  	_ = 	snop  }
0x319: {  	[tilespmem:s22], [sflag:$0x1] =	stream.indirect.gather [hbm4b:s24+s5], $0x10, s21, s5, $0xb8;
	[tilespmem:$0xD910] =	vst v63  }
0x31a: {  	_ =	swait.ge [sflag:s23], $0x800  }
0x31b: {  	[sflag:s23] =	ssyncset.done $0x0  }
0x31c: {  	[sflag:s23] =	ssyncadd.s32 $0xFFFFF800  }
0x31d: {  	_ =	swait.ge [sflag:s23], $0x800  }
0x31e: {  	[sflag:s23] =	ssyncset.done $0x0  }
0x31f: {  	[sflag:s23] =	ssyncadd.s32 $0xFFFFF800  }
0x320: {  	_ =	swait.ge [sflag:s23], $0x800  }
0x321: {  	[sflag:s23] =	ssyncset.done $0x0  }
0x322: {  	[sflag:s23] =	ssyncadd.s32 $0xFFFFF800  }
0x323: {  	_ =	swait.ge [sflag:s23], $0x800  }
0x324: {  	[sflag:s23] =	ssyncset.done $0x0  }
0x325: {  	[sflag:s23] =	ssyncadd.s32 $0xFFFFF800  }
0x326: {  	_ =	swait.ge [sflag:s23], $0x800  }
0x327: {  	[sflag:s23] =	ssyncset.done $0x0  }
0x328: {  	[sflag:s23] =	ssyncadd.s32 $0xFFFFF800  }
0x329: {  	_ =	swait.ge [sflag:s23], $0x800  }
0x32a: {  	[sflag:s23] =	ssyncset.done $0x0  }
0x32b: {  	[sflag:s23] =	ssyncadd.s32 $0xFFFFF800  }
0x32c: {  	_ =	swait.ge [sflag:s23], $0x800  }
0x32d: {  	[sflag:s23] =	ssyncset.done $0x0  }
0x32e: {  	[sflag:s23] =	ssyncadd.s32 $0xFFFFF800  }
0x32f: {  	_ =	swait.ge [sflag:s23], $0x800  }
0x330: {  	[sflag:s23] =	ssyncset.done $0x0  }
0x331: {  	[sflag:s23] =	ssyncadd.s32 $0xFFFFF800  }
0x332: {  	_ =	swait.ge [sflag:s23], $0x800  }
0x333: {  	[sflag:s23] =	ssyncset.done $0x0  }
0x334: {  	[sflag:s23] =	ssyncadd.s32 $0xFFFFF800  }
0x335: {  	_ =	swait.ge [sflag:s23], $0x800  }
0x336: {  	[sflag:s23] =	ssyncset.done $0x0  }
0x337: {  	[sflag:s23] =	ssyncadd.s32 $0xFFFFF800  }
0x338: {  	_ =	swait.ge [sflag:s23], $0x800  }
0x339: {  	[sflag:s23] =	ssyncset.done $0x0  }
0x33a: {  	[sflag:s23] =	ssyncadd.s32 $0xFFFFF800  }
0x33b: {  	_ =	swait.ge [sflag:s23], $0x800  }
0x33c: {  	[sflag:s23] =	ssyncset.done $0x0  }
0x33d: {  	[sflag:s23] =	ssyncadd.s32 $0xFFFFF800  }
0x33e: {  	_ =	swait.ge [sflag:s23], $0x800  }
0x33f: {  	[sflag:s23] =	ssyncset.done $0x0  }
0x340: {  	[sflag:s23] =	ssyncadd.s32 $0xFFFFF800  }
0x341: {  	_ =	swait.ge [sflag:s23], $0x800  }
0x342: {  	[sflag:s23] =	ssyncset.done $0x0  }
0x343: {  	[sflag:s23] =	ssyncadd.s32 $0xFFFFF800  }
0x344: {  	_ =	swait.ge [sflag:s23], $0x800  }
0x345: {  	[sflag:s23] =	ssyncset.done $0x0  }
0x346: {  	[sflag:s23] =	ssyncadd.s32 $0xFFFFF800  }
0x347: {  	_ =	swait.ge [sflag:s23], $0x800  }
0x348: {  	[sflag:s23] =	ssyncset.done $0x0  }
0x349: {  	[sflag:s23] =	ssyncadd.s32 $0xFFFFF800  }
0x34a: {  	_ =	swait.ge [sflag:s23], $0x800  }
0x34b: {  	[sflag:s23] =	ssyncset.done $0x0  }
0x34c: {  	[sflag:s23] =	ssyncadd.s32 $0xFFFFF800  }
0x34d: {  	_ =	swait.ge [sflag:s23], $0x800  }
0x34e: {  	[sflag:s23] =	ssyncset.done $0x0  }
0x34f: {  	[sflag:s23] =	ssyncadd.s32 $0xFFFFF800  }
0x350: {  	_ =	swait.ge [sflag:s23], $0x800  }
0x351: {  	[sflag:s23] =	ssyncset.done $0x0  }
0x352: {  	[sflag:s23] =	ssyncadd.s32 $0xFFFFF800  }
0x353: {  	_ =	swait.ge [sflag:s23], $0x800  }
0x354: {  	[sflag:s23] =	ssyncset.done $0x0  }
0x355: {  	s31 =	simm.s32 $0x0;
	s0 =	simm.s32 $0x0;
	[sflag:s23] =	ssyncadd.s32 $0xFFFFF800  }
.LBB2_16:
0x356: {  	s1 =	sshll.u32 s0, $0x4  }
0x357: {  	v2 =	vor.u32 s1, v0  }
0x358: {  	v25 =	vmul.u32 $0x14, v2  }
0x359: {  	v16 =	vshll.u32 v2, $0x4  }
0x35a: {  	v12 =	vor.u32 $0x1, v16;
	v35 =	vadd.s32 s31, v25  }
0x35b: {  	v34 =	vshll.u32 v35, $0x4  }
0x35c: {  	v2 =	vor.u32 $0x1, v34  }
0x35d: {  	v10 =	vor.u32 $0x2, v16  }
0x35e: {  	v4 =	vor.u32 $0x2, v34;
	v26 =	vld.idx.msk [tilespmem:v16+s4+$0x0], $0xffff  }
0x35f: {  	v8 =	vor.u32 $0x3, v16;
	v19 =	vld.idx.msk [tilespmem:v12+s4+$0x0], $0xffff  }
0x360: {  	v7 =	vor.u32 $0x3, v34;
	v6 =	vld.idx.msk [tilespmem:v34+s7+$0x0], $0xffff  }
0x361: {  	v5 =	vor.u32 $0x4, v16;
	v9 =	vld.idx.msk [tilespmem:v2+s7+$0x0], $0xffff  }
0x362: {  	v11 =	vor.u32 $0x4, v34;
	v22 =	vld.idx.msk [tilespmem:v10+s4+$0x0], $0xffff  }
0x363: {  	v3 =	vor.u32 $0x5, v16;
	v13 =	vld.idx.msk [tilespmem:v4+s7+$0x0], $0xffff  }
0x364: {  	v14 =	vor.u32 $0x5, v34;
	v20 =	vld.idx.msk [tilespmem:v8+s4+$0x0], $0xffff  }
0x365: {  	v15 =	vor.u32 $0x6, v34;
	v7 =	vld.idx.msk [tilespmem:v7+s7+$0x0], $0xffff  }
0x366: {  	v18 =	vld.idx.msk [tilespmem:v5+s4+$0x0], $0xffff;
	v2 =	vor.u32 $0x6, v16;
	v6 =	vmul.f32 v6, v26;
	v9 =	vmul.f32 v9, v19  }
0x367: {  	v17 =	vor.u32 $0x7, v34;
	v11 =	vld.idx.msk [tilespmem:v11+s7+$0x0], $0xffff  }
0x368: {  	v21 =	vld.idx.msk [tilespmem:v3+s4+$0x0], $0xffff;
	v4 =	vor.u32 $0x7, v16;
	v13 =	vmul.f32 v13, v22;
	v9 =	vadd.f32 v9, v6  }
0x369: {  	v28 =	vor.u32 $0x8, v34;
	v14 =	vld.idx.msk [tilespmem:v14+s7+$0x0], $0xffff  }
0x36a: {  	v15 =	vld.idx.msk [tilespmem:v15+s7+$0x0], $0xffff;
	v6 =	vor.u32 $0x8, v16;
	v9 =	vadd.f32 v13, v9;
	v13 =	vmul.f32 v7, v20  }
0x36b: {  	v29 =	vor.u32 $0x9, v34;
	v23 =	vld.idx.msk [tilespmem:v2+s4+$0x0], $0xffff  }
0x36c: {  	v17 =	vld.idx.msk [tilespmem:v17+s7+$0x0], $0xffff;
	v11 =	vmul.f32 v11, v18;
	v7 =	vor.u32 $0x9, v16;
	v13 =	vadd.f32 v13, v9  }
0x36d: {  	v30 =	vor.u32 $0xA, v34;
	v24 =	vld.idx.msk [tilespmem:v4+s4+$0x0], $0xffff  }
0x36e: {  	v31 =	vld.idx.msk [tilespmem:v28+s7+$0x0], $0xffff;
	v14 =	vmul.f32 v14, v21;
	v9 =	vor.u32 $0xA, v16;
	v13 =	vadd.f32 v11, v13  }
0x36f: {  	v32 =	vor.u32 $0xB, v34;
	v27 =	vld.idx.msk [tilespmem:v6+s4+$0x0], $0xffff  }
0x370: {  	v33 =	vld.idx.msk [tilespmem:v29+s7+$0x0], $0xffff;
	v15 =	vmul.f32 v15, v23;
	v11 =	vor.u32 $0xB, v16;
	v14 =	vadd.f32 v14, v13  }
0x371: {  	v36 =	vor.u32 $0xC, v34;
	v28 =	vld.idx.msk [tilespmem:v7+s4+$0x0], $0xffff  }
0x372: {  	v37 =	vld.idx.msk [tilespmem:v30+s7+$0x0], $0xffff;
	v17 =	vmul.f32 v17, v24;
	v13 =	vor.u32 $0xC, v16;
	v15 =	vadd.f32 v15, v14  }
0x373: {  	v38 =	vor.u32 $0xD, v34;
	v29 =	vld.idx.msk [tilespmem:v9+s4+$0x0], $0xffff  }
0x374: {  	v39 =	vld.idx.msk [tilespmem:v32+s7+$0x0], $0xffff;
	v14 =	vor.u32 $0xD, v16;
	v31 =	vmul.f32 v31, v27;
	v17 =	vadd.f32 v17, v15  }
0x375: {  	v40 =	vor.u32 $0xE, v34;
	v30 =	vld.idx.msk [tilespmem:v11+s4+$0x0], $0xffff  }
0x376: {  	v36 =	vld.idx.msk [tilespmem:v36+s7+$0x0], $0xffff;
	v15 =	vor.u32 $0xE, v16;
	v17 =	vadd.f32 v31, v17;
	v31 =	vmul.f32 v33, v28  }
0x377: {  	v61 =	vor.u32 $0xF, v34;
	v32 =	vld.idx.msk [tilespmem:v13+s4+$0x0], $0xffff  }
0x378: {  	v38 =	vld.idx.msk [tilespmem:v38+s7+$0x0], $0xffff;
	v37 =	vmul.f32 v37, v29;
	v41 =	vadd.f32 v31, v17;
	v17 =	vor.u32 $0xF, v16  }
0x379: {  	v33 =	vld.idx.msk [tilespmem:v14+s4+$0x0], $0xffff  }
0x37a: {  	v42 =	vld.idx.msk [tilespmem:v40+s7+$0x0], $0xffff;
	v39 =	vmul.f32 v39, v30;
	v37 =	vadd.f32 v37, v41  }
0x37b: {  	v31 =	vld.idx.msk [tilespmem:v15+s4+$0x0], $0xffff  }
0x37c: {  	v36 =	vmul.f32 v36, v32;
	v62 =	vadd.f32 v39, v37;
	v39 =	vld.idx.msk [tilespmem:v61+s7+$0x0], $0xffff  }
0x37d: {  	v34 =	vld.idx.msk [tilespmem:v17+s4+$0x0], $0xffff  }
0x37e: {  	v38 =	vmul.f32 v38, v33;
	v63 =	vadd.f32 v36, v62;
	_ =	sdelay $0x1  }
0x37f: {  	s6 =	simm.s32 $0x1;
	v41 =	vmul.f32 v42, v31;
	v40 =	vadd.f32 v38, v63  }
0x380: {  	s9 =	simm.s32 $0x2;
	s8 =	simm.s32 $0x0;
	v37 =	vimm.s32 $0x0;
	v36 =	vimm.f32 $-Inf;
	v38 =	vadd.s32 s6, v25  }
.LBB2_17:
0x381: {  	p0 =	sne.s32 s9, $0x13;
	v42 =	vshll.u32 v38, $0x4;
	v40 =	vadd.f32 v41, v40;
	v39 =	vmul.f32 v39, v34  }
0x382: {  	v41 =	vor.u32 $0x1, v42  }
0x383: {  	v39 =	vadd.f32 v39, v40  }
0x384: {  	v40 =	vor.u32 $0x2, v42  }
0x385: {  	[tilespmem:v35+s25+$0x0] =	vst.idx.msk $0xffff, v39  }
0x386: {  	v44 =	vor.u32 $0x3, v42;
	v43 =	vld.idx.msk [tilespmem:v42+s7+$0x0], $0xffff  }
0x387: {  	v41 =	vld.idx.msk [tilespmem:v41+s7+$0x0], $0xffff  }
0x388: {  	v45 =	vor.u32 $0x4, v42;
	v46 =	vld.idx.msk [tilespmem:v35+s3+$0x0], $0xffff;
	v35 =	vmov v38  }
0x389: {  	v38 =	vld.idx.msk [tilespmem:v40+s7+$0x0], $0xffff  }
0x38a: {  	v40 =	vor.u32 $0x5, v42  }
0x38b: {  	v44 =	vld.idx.msk [tilespmem:v44+s7+$0x0], $0xffff  }
0x38c: {  	v47 =	vor.u32 $0x6, v42  }
0x38d: {  	v43 =	vmul.f32 v43, v26;
	v41 =	vmul.f32 v41, v19;
	v45 =	vld.idx.msk [tilespmem:v45+s7+$0x0], $0xffff  }
0x38e: {  	v48 =	vor.u32 $0x7, v42;
	v39 =	vadd.f32 v46, v39  }
0x38f: {  	v41 =	vadd.f32 v41, v43;
	v38 =	vmul.f32 v38, v22;
	v40 =	vld.idx.msk [tilespmem:v40+s7+$0x0], $0xffff  }
0x390: {  	v43 =	vor.u32 $0x8, v42;
	vm0 =	vgt.f32 v39, v36  }
0x391: {  	v38 =	vadd.f32 v38, v41;
	v41 =	vmul.f32 v44, v20;
	v36 =	vsel vm0, v39, v36;
	v44 =	vld.idx.msk [tilespmem:v47+s7+$0x0], $0xffff  }
0x392: {  	v39 =	vor.u32 $0x9, v42;
	v37 =	vsel vm0, s8, v37;
	s8 =	smov.u32 s6;
	s6 =	smov.u32 s9  }
0x393: {  	v38 =	vadd.f32 v41, v38;
	v41 =	vmul.f32 v45, v18;
	v45 =	vld.idx.msk [tilespmem:v48+s7+$0x0], $0xffff  }
0x394: {  	v46 =	vor.u32 $0xA, v42  }
0x395: {  	v38 =	vadd.f32 v41, v38;
	v40 =	vmul.f32 v40, v21;
	v41 =	vld.idx.msk [tilespmem:v43+s7+$0x0], $0xffff  }
0x396: {  	v43 =	vor.u32 $0xB, v42  }
0x397: {  	v38 =	vadd.f32 v40, v38;
	v40 =	vmul.f32 v44, v23;
	v39 =	vld.idx.msk [tilespmem:v39+s7+$0x0], $0xffff  }
0x398: {  	v44 =	vor.u32 $0xC, v42  }
0x399: {  	v38 =	vadd.f32 v40, v38;
	v40 =	vmul.f32 v45, v24;
	v45 =	vld.idx.msk [tilespmem:v46+s7+$0x0], $0xffff  }
0x39a: {  	v46 =	vor.u32 $0xD, v42  }
0x39b: {  	v38 =	vadd.f32 v40, v38;
	v40 =	vmul.f32 v41, v27;
	v41 =	vld.idx.msk [tilespmem:v43+s7+$0x0], $0xffff  }
0x39c: {  	v43 =	vor.u32 $0xE, v42  }
0x39d: {  	v38 =	vadd.f32 v40, v38;
	v39 =	vmul.f32 v39, v28;
	v40 =	vld.idx.msk [tilespmem:v44+s7+$0x0], $0xffff  }
0x39e: {  	v42 =	vor.u32 $0xF, v42  }
0x39f: {  	v38 =	vadd.f32 v39, v38;
	v39 =	vmul.f32 v45, v29;
	v44 =	vld.idx.msk [tilespmem:v46+s7+$0x0], $0xffff;
	_ =	sdelay $0x1  }
0x3a0: {  	v38 =	vadd.f32 v39, v38;
	v39 =	vmul.f32 v41, v30;
	v41 =	vld.idx.msk [tilespmem:v43+s7+$0x0], $0xffff;
	_ =	sdelay $0x1  }
0x3a1: {  	v38 =	vadd.f32 v39, v38;
	v40 =	vmul.f32 v40, v32;
	v39 =	vld.idx.msk [tilespmem:v42+s7+$0x0], $0xffff  }
.Ltmp7:
0x3a2: {  	(pc) =	sbr.rel @p0 .LBB2_17-.Ltmp7, $3  }
0x3a3: {  	v38 =	vadd.f32 v40, v38;
	v40 =	vmul.f32 v44, v33;
	_ =	sdelay $0x1  }
0x3a4: {  	v40 =	vadd.f32 v40, v38;
	v41 =	vmul.f32 v41, v31  }
0x3a5: {  	s9 =	sadd.s32 $0x1, s9;
	v38 =	vadd.s32 s6, v25  }
0x3a6: {  	v42 =	vshll.u32 v38, $0x4;
	v40 =	vadd.f32 v41, v40;
	v39 =	vmul.f32 v39, v34  }
0x3a7: {  	v51 =	vor.u32 $0x1, v42  }
0x3a8: {  	v39 =	vadd.f32 v39, v40  }
0x3a9: {  	v52 =	vor.u32 $0x2, v42  }
0x3aa: {  	[tilespmem:v35+s25+$0x0] =	vst.idx.msk $0xffff, v39  }
0x3ab: {  	v44 =	vor.u32 $0x3, v42;
	v43 =	vld.idx.msk [tilespmem:v42+s7+$0x0], $0xffff  }
0x3ac: {  	v41 =	vld.idx.msk [tilespmem:v51+s7+$0x0], $0xffff  }
0x3ad: {  	v45 =	vor.u32 $0x4, v42  }
0x3ae: {  	v40 =	vld.idx.msk [tilespmem:v52+s7+$0x0], $0xffff  }
0x3af: {  	v46 =	vor.u32 $0x5, v42  }
0x3b0: {  	v44 =	vld.idx.msk [tilespmem:v44+s7+$0x0], $0xffff  }
0x3b1: {  	v47 =	vor.u32 $0x6, v42;
	v43 =	vmul.f32 v43, v26;
	v41 =	vmul.f32 v41, v19  }
0x3b2: {  	v45 =	vld.idx.msk [tilespmem:v45+s7+$0x0], $0xffff  }
0x3b3: {  	v48 =	vor.u32 $0x7, v42;
	v40 =	vmul.f32 v40, v22;
	v41 =	vadd.f32 v41, v43  }
0x3b4: {  	v53 =	vld.idx.msk [tilespmem:v46+s7+$0x0], $0xffff  }
0x3b5: {  	v54 =	vor.u32 $0x8, v42;
	v55 =	vmul.f32 v44, v20;
	v40 =	vadd.f32 v40, v41  }
0x3b6: {  	v56 =	vld.idx.msk [tilespmem:v47+s7+$0x0], $0xffff  }
0x3b7: {  	v57 =	vor.u32 $0x9, v42;
	v58 =	vmul.f32 v45, v18;
	v40 =	vadd.f32 v55, v40  }
0x3b8: {  	v59 =	vld.idx.msk [tilespmem:v48+s7+$0x0], $0xffff  }
0x3b9: {  	v60 =	vor.u32 $0xA, v42;
	v61 =	vmul.f32 v53, v21;
	v40 =	vadd.f32 v58, v40  }
0x3ba: {  	v62 =	vld.idx.msk [tilespmem:v54+s7+$0x0], $0xffff  }
0x3bb: {  	v63 =	vor.u32 $0xB, v42;
	v51 =	vmul.f32 v56, v23;
	v40 =	vadd.f32 v61, v40  }
0x3bc: {  	v52 =	vld.idx.msk [tilespmem:v57+s7+$0x0], $0xffff  }
0x3bd: {  	v53 =	vor.u32 $0xC, v42;
	v54 =	vmul.f32 v59, v24;
	v40 =	vadd.f32 v51, v40  }
0x3be: {  	v55 =	vld.idx.msk [tilespmem:v60+s7+$0x0], $0xffff  }
0x3bf: {  	v56 =	vor.u32 $0xD, v42;
	v57 =	vmul.f32 v62, v27;
	v40 =	vadd.f32 v54, v40  }
0x3c0: {  	v58 =	vld.idx.msk [tilespmem:v63+s7+$0x0], $0xffff  }
0x3c1: {  	v59 =	vor.u32 $0xE, v42;
	v60 =	vmul.f32 v52, v28;
	v40 =	vadd.f32 v57, v40  }
0x3c2: {  	v61 =	vld.idx.msk [tilespmem:v53+s7+$0x0], $0xffff  }
0x3c3: {  	v42 =	vor.u32 $0xF, v42;
	v62 =	vmul.f32 v55, v29;
	v40 =	vadd.f32 v60, v40  }
0x3c4: {  	v63 =	vld.idx.msk [tilespmem:v56+s7+$0x0], $0xffff  }
0x3c5: {  	v48 =	vmul.f32 v58, v30;
	v40 =	vadd.f32 v62, v40  }
0x3c6: {  	v49 =	vld.idx.msk [tilespmem:v59+s7+$0x0], $0xffff  }
0x3c7: {  	v50 =	vmul.f32 v61, v32;
	v40 =	vadd.f32 v48, v40  }
0x3c8: {  	v42 =	vld.idx.msk [tilespmem:v42+s7+$0x0], $0xffff  }
0x3c9: {  	v51 =	vmul.f32 v63, v33;
	v40 =	vadd.f32 v50, v40;
	_ =	sdelay $0x1  }
0x3ca: {  	v52 =	vmul.f32 v49, v31;
	v40 =	vadd.f32 v51, v40;
	_ =	sdelay $0x1  }
0x3cb: {  	v53 =	vmul.f32 v42, v34;
	v40 =	vadd.f32 v52, v40;
	_ =	sdelay $0x1  }
0x3cc: {  	v40 =	vadd.f32 v53, v40  }
0x3cd: {  	v35 =	vld.idx.msk [tilespmem:v35+s3+$0x0], $0xffff  }
0x3ce: {  	[tilespmem:v38+s25+$0x0] =	vst.idx.msk $0xffff, v40  }
0x3cf: {  	v38 =	vld.idx.msk [tilespmem:v38+s3+$0x0], $0xffff;
	_ =	sdelay $0x2  }
0x3d0: {  	v35 =	vadd.f32 v35, v39;
	_ =	sdelay $0x1  }
0x3d1: {  	vm0 =	vgt.f32 v35, v36;
	v38 =	vadd.f32 v38, v40  }
0x3d2: {  	v35 =	vsel vm0, v35, v36  }
0x3d3: {  	v54 =	vsel vm0, s8, v37;
	vm14 =	vgt.f32 v38, v35  }
0x3d4: {  	v35 =	vsel vm14, s6, v54  }
0x3d5: {  	v25 =	vadd.s32 v25, v35;
	_ =	sdelay $0x4  }
0x3d6: {  	v55 =	vld.idx.msk [tilespmem:v25+s19+$0x0], $0xffff  }
0x3d7: {  	v25 =	vshll.u32 v25, $0x4;
	_ =	sdelay $0x2  }
0x3d8: {  	[tilespmem:s1+$0xD000] =	vst v35  }
0x3d9: {  	[tilespmem:s1+$0xD080] =	vst v55  }
0x3da: {  	v35 =	vld.idx.msk [tilespmem:v25+s7+$0x0], $0xffff;
	_ =	sdelay $0x4  }
0x3db: {  	v57 =	vor.u32 $0x1, v25;
	v56 =	vadd.f32 v35, v26;
	_ =	sdelay $0x1  }
0x3dc: {  	v26 =	vmul.f32 $5.000000000e-01, v56;
	_ =	sdelay $0x1  }
0x3dd: {  	[tilespmem:v16+s26+$0x0] =	vst.idx.msk $0xffff, v26  }
0x3de: {  	v16 =	vld.idx.msk [tilespmem:v57+s7+$0x0], $0xffff;
	_ =	sdelay $0x4  }
0x3df: {  	v58 =	vor.u32 $0x2, v25;
	v16 =	vadd.f32 v16, v19;
	_ =	sdelay $0x1  }
0x3e0: {  	v16 =	vmul.f32 $5.000000000e-01, v16;
	_ =	sdelay $0x1  }
0x3e1: {  	[tilespmem:v12+s26+$0x0] =	vst.idx.msk $0xffff, v16  }
0x3e2: {  	v12 =	vld.idx.msk [tilespmem:v58+s7+$0x0], $0xffff;
	_ =	sdelay $0x4  }
0x3e3: {  	v59 =	vor.u32 $0x3, v25;
	v12 =	vadd.f32 v12, v22;
	_ =	sdelay $0x1  }
0x3e4: {  	v12 =	vmul.f32 $5.000000000e-01, v12;
	_ =	sdelay $0x1  }
0x3e5: {  	[tilespmem:v10+s26+$0x0] =	vst.idx.msk $0xffff, v12  }
0x3e6: {  	v10 =	vld.idx.msk [tilespmem:v59+s7+$0x0], $0xffff;
	_ =	sdelay $0x4  }
0x3e7: {  	v60 =	vor.u32 $0x4, v25;
	v10 =	vadd.f32 v10, v20;
	_ =	sdelay $0x1  }
0x3e8: {  	v10 =	vmul.f32 $5.000000000e-01, v10;
	_ =	sdelay $0x1  }
0x3e9: {  	[tilespmem:v8+s26+$0x0] =	vst.idx.msk $0xffff, v10  }
0x3ea: {  	v8 =	vld.idx.msk [tilespmem:v60+s7+$0x0], $0xffff;
	_ =	sdelay $0x4  }
0x3eb: {  	v61 =	vor.u32 $0x5, v25;
	v8 =	vadd.f32 v8, v18;
	_ =	sdelay $0x1  }
0x3ec: {  	v8 =	vmul.f32 $5.000000000e-01, v8;
	_ =	sdelay $0x1  }
0x3ed: {  	[tilespmem:v5+s26+$0x0] =	vst.idx.msk $0xffff, v8  }
0x3ee: {  	v5 =	vld.idx.msk [tilespmem:v61+s7+$0x0], $0xffff;
	_ =	sdelay $0x4  }
0x3ef: {  	v62 =	vor.u32 $0x6, v25;
	v5 =	vadd.f32 v5, v21;
	_ =	sdelay $0x1  }
0x3f0: {  	v5 =	vmul.f32 $5.000000000e-01, v5;
	_ =	sdelay $0x1  }
0x3f1: {  	[tilespmem:v3+s26+$0x0] =	vst.idx.msk $0xffff, v5  }
0x3f2: {  	v3 =	vld.idx.msk [tilespmem:v62+s7+$0x0], $0xffff;
	_ =	sdelay $0x4  }
0x3f3: {  	v63 =	vor.u32 $0x7, v25;
	v3 =	vadd.f32 v3, v23;
	_ =	sdelay $0x1  }
0x3f4: {  	v3 =	vmul.f32 $5.000000000e-01, v3;
	_ =	sdelay $0x1  }
0x3f5: {  	[tilespmem:v2+s26+$0x0] =	vst.idx.msk $0xffff, v3  }
0x3f6: {  	v2 =	vld.idx.msk [tilespmem:v63+s7+$0x0], $0xffff;
	_ =	sdelay $0x4  }
0x3f7: {  	v3 =	vor.u32 $0x8, v25;
	v2 =	vadd.f32 v2, v24;
	_ =	sdelay $0x1  }
0x3f8: {  	v2 =	vmul.f32 $5.000000000e-01, v2;
	_ =	sdelay $0x1  }
0x3f9: {  	[tilespmem:v4+s26+$0x0] =	vst.idx.msk $0xffff, v2  }
0x3fa: {  	v2 =	vld.idx.msk [tilespmem:v3+s7+$0x0], $0xffff;
	_ =	sdelay $0x4  }
0x3fb: {  	v3 =	vor.u32 $0x9, v25;
	v2 =	vadd.f32 v2, v27;
	_ =	sdelay $0x1  }
0x3fc: {  	v2 =	vmul.f32 $5.000000000e-01, v2;
	_ =	sdelay $0x1  }
0x3fd: {  	[tilespmem:v6+s26+$0x0] =	vst.idx.msk $0xffff, v2  }
0x3fe: {  	v2 =	vld.idx.msk [tilespmem:v3+s7+$0x0], $0xffff;
	_ =	sdelay $0x4  }
0x3ff: {  	v3 =	vor.u32 $0xA, v25;
	v2 =	vadd.f32 v2, v28;
	_ =	sdelay $0x1  }
0x400: {  	v2 =	vmul.f32 $5.000000000e-01, v2;
	_ =	sdelay $0x1  }
0x401: {  	[tilespmem:v7+s26+$0x0] =	vst.idx.msk $0xffff, v2  }
0x402: {  	v2 =	vld.idx.msk [tilespmem:v3+s7+$0x0], $0xffff;
	_ =	sdelay $0x4  }
0x403: {  	v3 =	vor.u32 $0xB, v25;
	v2 =	vadd.f32 v2, v29;
	_ =	sdelay $0x1  }
0x404: {  	v2 =	vmul.f32 $5.000000000e-01, v2;
	_ =	sdelay $0x1  }
0x405: {  	[tilespmem:v9+s26+$0x0] =	vst.idx.msk $0xffff, v2  }
0x406: {  	v2 =	vld.idx.msk [tilespmem:v3+s7+$0x0], $0xffff;
	_ =	sdelay $0x4  }
0x407: {  	v3 =	vor.u32 $0xC, v25;
	v2 =	vadd.f32 v2, v30;
	_ =	sdelay $0x1  }
0x408: {  	v2 =	vmul.f32 $5.000000000e-01, v2;
	_ =	sdelay $0x1  }
0x409: {  	[tilespmem:v11+s26+$0x0] =	vst.idx.msk $0xffff, v2  }
0x40a: {  	v2 =	vld.idx.msk [tilespmem:v3+s7+$0x0], $0xffff;
	_ =	sdelay $0x4  }
0x40b: {  	v3 =	vor.u32 $0xD, v25;
	v2 =	vadd.f32 v2, v32;
	_ =	sdelay $0x1  }
0x40c: {  	v2 =	vmul.f32 $5.000000000e-01, v2;
	_ =	sdelay $0x1  }
0x40d: {  	[tilespmem:v13+s26+$0x0] =	vst.idx.msk $0xffff, v2  }
0x40e: {  	v2 =	vld.idx.msk [tilespmem:v3+s7+$0x0], $0xffff;
	_ =	sdelay $0x4  }
0x40f: {  	v3 =	vor.u32 $0xE, v25;
	v2 =	vadd.f32 v2, v33;
	_ =	sdelay $0x1  }
0x410: {  	v2 =	vmul.f32 $5.000000000e-01, v2;
	_ =	sdelay $0x1  }
0x411: {  	[tilespmem:v14+s26+$0x0] =	vst.idx.msk $0xffff, v2  }
0x412: {  	v2 =	vld.idx.msk [tilespmem:v3+s7+$0x0], $0xffff;
	_ =	sdelay $0x4  }
0x413: {  	v3 =	vor.u32 $0xF, v25;
	v2 =	vadd.f32 v2, v31;
	_ =	sdelay $0x1  }
0x414: {  	v2 =	vmul.f32 $5.000000000e-01, v2;
	_ =	sdelay $0x1  }
0x415: {  	[tilespmem:v15+s26+$0x0] =	vst.idx.msk $0xffff, v2  }
0x416: {  	v2 =	vld.idx.msk [tilespmem:v3+s7+$0x0], $0xffff;
	_ =	sdelay $0x2  }
0x417: {  	s0 =	sadd.s32 $0x1, s0  }
0x418: {  	p0 =	sne.s32 s0, $0x8  }
.Ltmp8:
0x419: {  	v2 =	vadd.f32 v2, v34;
	(pc) =	sbr.rel @p0 .LBB2_16-.Ltmp8, $3  }
0x41a: {  	vm15 =	vgt.s32 v55, $0x1  }
0x41b: {  	v3 =	vmpcnt.ones.xlane vm15;
	v2 =	vmul.f32 $5.000000000e-01, v2;
	_ =	sdelay $0x1  }
0x41c: {  	v1 =	vadd.s32 v1, v3;
	[tilespmem:v17+s26+$0x0] =	vst.idx.msk $0xffff, v2  }
0x41d: {  	s0 =	simm.s32 $0x0;
	s1 =	rddreg [dreg:$0x10]  }
0x41e: {  	[hbm4b:s1+s0] =	stream.linear.scatter [tilespmem:s25], [sflag:$0x2], $0xA00, $0x38;
	[tilespmem:$0xD910] =	vst v63  }
0x41f: {  	_ =	swait.ge [sflag:s2], $0xA00  }
0x420: {  	[sflag:s2] =	ssyncset.done $0x0  }
0x421: {  	s9 =	rddreg [dreg:$0x16];
	[sflag:s2] =	ssyncadd.s32 $0xFFFFF600  }
0x422: {  	[hbm4b:s9+s0] =	stream.linear.scatter [tilespmem:s28], [sflag:$0x2], $0x80, $0x38;
	[tilespmem:$0xD910] =	vst v63  }
0x423: {  	_ =	swait.ge [sflag:s2], $0x80  }
0x424: {  	[sflag:s2] =	ssyncset.done $0x0  }
0x425: {  	s31 =	rddreg [dreg:$0x17];
	[sflag:s2] =	ssyncadd.s32 $0xFFFFFF80  }
0x426: {  	[hbm4b:s31+s0] =	stream.linear.scatter [tilespmem:s29], [sflag:$0x2], $0x80, $0x38;
	[tilespmem:$0xD910] =	vst v63  }
0x427: {  	_ =	swait.ge [sflag:s2], $0x80  }
0x428: {  	[sflag:s2] =	ssyncset.done $0x0  }
0x429: {  	s6 =	rddreg [dreg:$0x1f];
	[sflag:s2] =	ssyncadd.s32 $0xFFFFFF80  }
0x42a: {  	[hbm4b:s6+s0] =	stream.linear.scatter [tilespmem:s26], [sflag:$0x2], $0x800, $0x38;
	[tilespmem:$0xD910] =	vst v63  }
0x42b: {  	_ =	swait.ge [sflag:s2], $0x800  }
0x42c: {  	[sflag:s2] =	ssyncset.done $0x0  }
0x42d: {  	s8 =	rddreg [dreg:$0x11];
	[sflag:s2] =	ssyncadd.s32 $0xFFFFF800  }
0x42e: {  	[tilespmem:s0], [sflag:$0x2] =	stream.linear.gather [hbm4b:s8+s0], $0xA00, $0x38;
	[tilespmem:$0xD910] =	vst v63  }
0x42f: {  	_ =	swait.ge [sflag:s2], $0xA00  }
0x430: {  	[sflag:s2] =	ssyncset.done $0x0  }
0x431: {  	s9 =	rddreg [dreg:$0x12];
	[sflag:s2] =	ssyncadd.s32 $0xFFFFF600  }
0x432: {  	[tilespmem:s3], [sflag:$0x2] =	stream.linear.gather [hbm4b:s9+s0], $0xA00, $0x38;
	[tilespmem:$0xD910] =	vst v63  }
0x433: {  	_ =	swait.ge [sflag:s2], $0xA00  }
0x434: {  	s31 =	sld [smem:$0x7FA]  }
0x435: {  	[sflag:s2] =	ssyncset.done $0x0  }
0x436: {  	[sflag:s2] =	ssyncadd.s32 $0xFFFFF600  }
0x437: {  	[tilespmem:s4], [sflag:$0x2] =	stream.linear.gather [hbm4b:s31+s0], $0x800, $0x38;
	[tilespmem:$0xD910] =	vst v63  }
0x438: {  	_ =	swait.ge [sflag:s2], $0x800  }
0x439: {  	[sflag:s2] =	ssyncset.done $0x0  }
0x43a: {  	s0 =	simm.s32 $0x0;
	[sflag:s2] =	ssyncadd.s32 $0xFFFFF800  }
0x43b: {  	v2 =	vld [tilespmem:s0+$0x0];
	_ =	sdelay $0x2  }
0x43c: {  	s1 =	simm.s32 $0x40  }
.LBB2_20:
0x43d: {  	p0 =	sne.s32 s1, $0x27C0  }
.Ltmp9:
0x43e: {  	s6 =	sshra.s32 s1, $0x2;
	s1 =	sadd.s32 $0x40, s1;
	v3 =	vshll.u32 v2, $0x3;
	(pc) =	sbr.rel @p0 .LBB2_20-.Ltmp9, $4  }
0x43f: {  	v4 =	vand.u32 $0xFFFFF800, v2;
	v5 =	vshrl.u32 v2, $0x8;
	v3 =	vand.u32 $0x7F8, v3;
	v2 =	vld [tilespmem:s6+$0x0]  }
0x440: {  	v3 =	vor.u32 v4, v3;
	v4 =	vand.u32 $0x7, v5  }
0x441: {  	v3 =	vor.u32 v4, v3  }
0x442: {  	[tilespmem:s0+$0xA00] =	vst v3;
	s0 =	smov.u32 s6  }
0x443: {  	_ = 	snop  }
0x444: {  	v3 =	vshll.u32 v2, $0x3  }
0x445: {  	v4 =	vand.u32 $0xFFFFF800, v2;
	v2 =	vshrl.u32 v2, $0x8;
	v3 =	vand.u32 $0x7F8, v3  }
0x446: {  	v2 =	vand.u32 $0x7, v2;
	v3 =	vor.u32 v4, v3  }
0x447: {  	v2 =	vor.u32 v2, v3  }
0x448: {  	s8 =	simm.s32 $0xA00;
	[tilespmem:s0+$0xA00] =	vst v2  }
0x449: {  	[tilespmem:s7], [sflag:$0x1] =	stream.indirect.gather [hbm4b:s24+s5], $0x10, s8, s5, $0xb8;
	[tilespmem:$0xD910] =	vst v63  }
0x44a: {  	s9 =	simm.s32 $0xA80;
	s1 =	simm.s32 $0x1C00  }
0x44b: {  	[tilespmem:s1], [sflag:$0x1] =	stream.indirect.gather [hbm4b:s24+s5], $0x10, s9, s5, $0xb8;
	[tilespmem:$0xD910] =	vst v63  }
0x44c: {  	s6 =	simm.s32 $0x2400;
	s1 =	simm.s32 $0xB00  }
0x44d: {  	[tilespmem:s6], [sflag:$0x1] =	stream.indirect.gather [hbm4b:s24+s5], $0x10, s1, s5, $0xb8;
	[tilespmem:$0xD910] =	vst v63  }
0x44e: {  	s8 =	simm.s32 $0xB80;
	s9 =	simm.s32 $0x2C00  }
0x44f: {  	[tilespmem:s9], [sflag:$0x1] =	stream.indirect.gather [hbm4b:s24+s5], $0x10, s8, s5, $0xb8;
	[tilespmem:$0xD910] =	vst v63  }
0x450: {  	s1 =	simm.s32 $0xC00;
	s6 =	simm.s32 $0x3400  }
0x451: {  	[tilespmem:s6], [sflag:$0x1] =	stream.indirect.gather [hbm4b:s24+s5], $0x10, s1, s5, $0xb8;
	[tilespmem:$0xD910] =	vst v63  }
0x452: {  	s8 =	simm.s32 $0xC80;
	s9 =	simm.s32 $0x3C00  }
0x453: {  	[tilespmem:s9], [sflag:$0x1] =	stream.indirect.gather [hbm4b:s24+s5], $0x10, s8, s5, $0xb8;
	[tilespmem:$0xD910] =	vst v63  }
0x454: {  	s1 =	simm.s32 $0xD00;
	s6 =	simm.s32 $0x4400  }
0x455: {  	[tilespmem:s6], [sflag:$0x1] =	stream.indirect.gather [hbm4b:s24+s5], $0x10, s1, s5, $0xb8;
	[tilespmem:$0xD910] =	vst v63  }
0x456: {  	s8 =	simm.s32 $0xD80;
	s9 =	simm.s32 $0x4C00  }
0x457: {  	[tilespmem:s9], [sflag:$0x1] =	stream.indirect.gather [hbm4b:s24+s5], $0x10, s8, s5, $0xb8;
	[tilespmem:$0xD910] =	vst v63  }
0x458: {  	s1 =	simm.s32 $0xE00;
	s6 =	simm.s32 $0x5400  }
0x459: {  	[tilespmem:s6], [sflag:$0x1] =	stream.indirect.gather [hbm4b:s24+s5], $0x10, s1, s5, $0xb8;
	[tilespmem:$0xD910] =	vst v63  }
0x45a: {  	s8 =	simm.s32 $0xE80;
	s9 =	simm.s32 $0x5C00  }
0x45b: {  	[tilespmem:s9], [sflag:$0x1] =	stream.indirect.gather [hbm4b:s24+s5], $0x10, s8, s5, $0xb8;
	[tilespmem:$0xD910] =	vst v63  }
0x45c: {  	s1 =	simm.s32 $0xF00;
	s6 =	simm.s32 $0x6400  }
0x45d: {  	[tilespmem:s6], [sflag:$0x1] =	stream.indirect.gather [hbm4b:s24+s5], $0x10, s1, s5, $0xb8;
	[tilespmem:$0xD910] =	vst v63  }
0x45e: {  	s8 =	simm.s32 $0xF80;
	s9 =	simm.s32 $0x6C00  }
0x45f: {  	[tilespmem:s9], [sflag:$0x1] =	stream.indirect.gather [hbm4b:s24+s5], $0x10, s8, s5, $0xb8;
	[tilespmem:$0xD910] =	vst v63  }
0x460: {  	s1 =	simm.s32 $0x1000;
	s6 =	simm.s32 $0x7400  }
0x461: {  	[tilespmem:s6], [sflag:$0x1] =	stream.indirect.gather [hbm4b:s24+s5], $0x10, s1, s5, $0xb8;
	[tilespmem:$0xD910] =	vst v63  }
0x462: {  	s8 =	simm.s32 $0x1080;
	s9 =	simm.s32 $0x7C00  }
0x463: {  	[tilespmem:s9], [sflag:$0x1] =	stream.indirect.gather [hbm4b:s24+s5], $0x10, s8, s5, $0xb8;
	[tilespmem:$0xD910] =	vst v63  }
0x464: {  	_ = 	snop  }
0x465: {  	[tilespmem:s11], [sflag:$0x1] =	stream.indirect.gather [hbm4b:s24+s5], $0x10, s10, s5, $0xb8;
	[tilespmem:$0xD910] =	vst v63  }
0x466: {  	_ = 	snop  }
0x467: {  	[tilespmem:s13], [sflag:$0x1] =	stream.indirect.gather [hbm4b:s24+s5], $0x10, s12, s5, $0xb8;
	[tilespmem:$0xD910] =	vst v63  }
0x468: {  	_ = 	snop  }
0x469: {  	[tilespmem:s15], [sflag:$0x1] =	stream.indirect.gather [hbm4b:s24+s5], $0x10, s14, s5, $0xb8;
	[tilespmem:$0xD910] =	vst v63  }
0x46a: {  	_ = 	snop  }
0x46b: {  	[tilespmem:s17], [sflag:$0x1] =	stream.indirect.gather [hbm4b:s24+s5], $0x10, s16, s5, $0xb8;
	[tilespmem:$0xD910] =	vst v63  }
0x46c: {  	_ = 	snop  }
0x46d: {  	[tilespmem:s20], [sflag:$0x1] =	stream.indirect.gather [hbm4b:s24+s5], $0x10, s18, s5, $0xb8;
	[tilespmem:$0xD910] =	vst v63  }
0x46e: {  	_ = 	snop  }
0x46f: {  	[tilespmem:s22], [sflag:$0x1] =	stream.indirect.gather [hbm4b:s24+s5], $0x10, s21, s5, $0xb8;
	[tilespmem:$0xD910] =	vst v63  }
0x470: {  	_ =	swait.ge [sflag:s23], $0x800  }
0x471: {  	[sflag:s23] =	ssyncset.done $0x0  }
0x472: {  	[sflag:s23] =	ssyncadd.s32 $0xFFFFF800  }
0x473: {  	_ =	swait.ge [sflag:s23], $0x800  }
0x474: {  	[sflag:s23] =	ssyncset.done $0x0  }
0x475: {  	[sflag:s23] =	ssyncadd.s32 $0xFFFFF800  }
0x476: {  	_ =	swait.ge [sflag:s23], $0x800  }
0x477: {  	[sflag:s23] =	ssyncset.done $0x0  }
0x478: {  	[sflag:s23] =	ssyncadd.s32 $0xFFFFF800  }
0x479: {  	_ =	swait.ge [sflag:s23], $0x800  }
0x47a: {  	[sflag:s23] =	ssyncset.done $0x0  }
0x47b: {  	[sflag:s23] =	ssyncadd.s32 $0xFFFFF800  }
0x47c: {  	_ =	swait.ge [sflag:s23], $0x800  }
0x47d: {  	[sflag:s23] =	ssyncset.done $0x0  }
0x47e: {  	[sflag:s23] =	ssyncadd.s32 $0xFFFFF800  }
0x47f: {  	_ =	swait.ge [sflag:s23], $0x800  }
0x480: {  	[sflag:s23] =	ssyncset.done $0x0  }
0x481: {  	[sflag:s23] =	ssyncadd.s32 $0xFFFFF800  }
0x482: {  	_ =	swait.ge [sflag:s23], $0x800  }
0x483: {  	[sflag:s23] =	ssyncset.done $0x0  }
0x484: {  	[sflag:s23] =	ssyncadd.s32 $0xFFFFF800  }
0x485: {  	_ =	swait.ge [sflag:s23], $0x800  }
0x486: {  	[sflag:s23] =	ssyncset.done $0x0  }
0x487: {  	[sflag:s23] =	ssyncadd.s32 $0xFFFFF800  }
0x488: {  	_ =	swait.ge [sflag:s23], $0x800  }
0x489: {  	[sflag:s23] =	ssyncset.done $0x0  }
0x48a: {  	[sflag:s23] =	ssyncadd.s32 $0xFFFFF800  }
0x48b: {  	_ =	swait.ge [sflag:s23], $0x800  }
0x48c: {  	[sflag:s23] =	ssyncset.done $0x0  }
0x48d: {  	[sflag:s23] =	ssyncadd.s32 $0xFFFFF800  }
0x48e: {  	_ =	swait.ge [sflag:s23], $0x800  }
0x48f: {  	[sflag:s23] =	ssyncset.done $0x0  }
0x490: {  	[sflag:s23] =	ssyncadd.s32 $0xFFFFF800  }
0x491: {  	_ =	swait.ge [sflag:s23], $0x800  }
0x492: {  	[sflag:s23] =	ssyncset.done $0x0  }
0x493: {  	[sflag:s23] =	ssyncadd.s32 $0xFFFFF800  }
0x494: {  	_ =	swait.ge [sflag:s23], $0x800  }
0x495: {  	[sflag:s23] =	ssyncset.done $0x0  }
0x496: {  	[sflag:s23] =	ssyncadd.s32 $0xFFFFF800  }
0x497: {  	_ =	swait.ge [sflag:s23], $0x800  }
0x498: {  	[sflag:s23] =	ssyncset.done $0x0  }
0x499: {  	[sflag:s23] =	ssyncadd.s32 $0xFFFFF800  }
0x49a: {  	_ =	swait.ge [sflag:s23], $0x800  }
0x49b: {  	[sflag:s23] =	ssyncset.done $0x0  }
0x49c: {  	[sflag:s23] =	ssyncadd.s32 $0xFFFFF800  }
0x49d: {  	_ =	swait.ge [sflag:s23], $0x800  }
0x49e: {  	[sflag:s23] =	ssyncset.done $0x0  }
0x49f: {  	[sflag:s23] =	ssyncadd.s32 $0xFFFFF800  }
0x4a0: {  	_ =	swait.ge [sflag:s23], $0x800  }
0x4a1: {  	[sflag:s23] =	ssyncset.done $0x0  }
0x4a2: {  	[sflag:s23] =	ssyncadd.s32 $0xFFFFF800  }
0x4a3: {  	_ =	swait.ge [sflag:s23], $0x800  }
0x4a4: {  	[sflag:s23] =	ssyncset.done $0x0  }
0x4a5: {  	[sflag:s23] =	ssyncadd.s32 $0xFFFFF800  }
0x4a6: {  	_ =	swait.ge [sflag:s23], $0x800  }
0x4a7: {  	[sflag:s23] =	ssyncset.done $0x0  }
0x4a8: {  	[sflag:s23] =	ssyncadd.s32 $0xFFFFF800  }
0x4a9: {  	_ =	swait.ge [sflag:s23], $0x800  }
0x4aa: {  	[sflag:s23] =	ssyncset.done $0x0  }
0x4ab: {  	s31 =	simm.s32 $0x0;
	s0 =	simm.s32 $0x0;
	[sflag:s23] =	ssyncadd.s32 $0xFFFFF800  }
.LBB2_22:
0x4ac: {  	s1 =	sshll.u32 s0, $0x4  }
0x4ad: {  	v2 =	vor.u32 s1, v0  }
0x4ae: {  	v25 =	vmul.u32 $0x14, v2  }
0x4af: {  	v16 =	vshll.u32 v2, $0x4  }
0x4b0: {  	v12 =	vor.u32 $0x1, v16;
	v35 =	vadd.s32 s31, v25  }
0x4b1: {  	v34 =	vshll.u32 v35, $0x4  }
0x4b2: {  	v2 =	vor.u32 $0x1, v34  }
0x4b3: {  	v10 =	vor.u32 $0x2, v16  }
0x4b4: {  	v4 =	vor.u32 $0x2, v34;
	v26 =	vld.idx.msk [tilespmem:v16+s4+$0x0], $0xffff  }
0x4b5: {  	v8 =	vor.u32 $0x3, v16;
	v19 =	vld.idx.msk [tilespmem:v12+s4+$0x0], $0xffff  }
0x4b6: {  	v7 =	vor.u32 $0x3, v34;
	v6 =	vld.idx.msk [tilespmem:v34+s7+$0x0], $0xffff  }
0x4b7: {  	v5 =	vor.u32 $0x4, v16;
	v9 =	vld.idx.msk [tilespmem:v2+s7+$0x0], $0xffff  }
0x4b8: {  	v11 =	vor.u32 $0x4, v34;
	v22 =	vld.idx.msk [tilespmem:v10+s4+$0x0], $0xffff  }
0x4b9: {  	v3 =	vor.u32 $0x5, v16;
	v13 =	vld.idx.msk [tilespmem:v4+s7+$0x0], $0xffff  }
0x4ba: {  	v14 =	vor.u32 $0x5, v34;
	v20 =	vld.idx.msk [tilespmem:v8+s4+$0x0], $0xffff  }
0x4bb: {  	v15 =	vor.u32 $0x6, v34;
	v7 =	vld.idx.msk [tilespmem:v7+s7+$0x0], $0xffff  }
0x4bc: {  	v18 =	vld.idx.msk [tilespmem:v5+s4+$0x0], $0xffff;
	v2 =	vor.u32 $0x6, v16;
	v6 =	vmul.f32 v6, v26;
	v9 =	vmul.f32 v9, v19  }
0x4bd: {  	v17 =	vor.u32 $0x7, v34;
	v11 =	vld.idx.msk [tilespmem:v11+s7+$0x0], $0xffff  }
0x4be: {  	v21 =	vld.idx.msk [tilespmem:v3+s4+$0x0], $0xffff;
	v4 =	vor.u32 $0x7, v16;
	v13 =	vmul.f32 v13, v22;
	v9 =	vadd.f32 v9, v6  }
0x4bf: {  	v28 =	vor.u32 $0x8, v34;
	v14 =	vld.idx.msk [tilespmem:v14+s7+$0x0], $0xffff  }
0x4c0: {  	v15 =	vld.idx.msk [tilespmem:v15+s7+$0x0], $0xffff;
	v6 =	vor.u32 $0x8, v16;
	v9 =	vadd.f32 v13, v9;
	v13 =	vmul.f32 v7, v20  }
0x4c1: {  	v29 =	vor.u32 $0x9, v34;
	v23 =	vld.idx.msk [tilespmem:v2+s4+$0x0], $0xffff  }
0x4c2: {  	v17 =	vld.idx.msk [tilespmem:v17+s7+$0x0], $0xffff;
	v11 =	vmul.f32 v11, v18;
	v7 =	vor.u32 $0x9, v16;
	v13 =	vadd.f32 v13, v9  }
0x4c3: {  	v30 =	vor.u32 $0xA, v34;
	v24 =	vld.idx.msk [tilespmem:v4+s4+$0x0], $0xffff  }
0x4c4: {  	v31 =	vld.idx.msk [tilespmem:v28+s7+$0x0], $0xffff;
	v14 =	vmul.f32 v14, v21;
	v9 =	vor.u32 $0xA, v16;
	v13 =	vadd.f32 v11, v13  }
0x4c5: {  	v32 =	vor.u32 $0xB, v34;
	v27 =	vld.idx.msk [tilespmem:v6+s4+$0x0], $0xffff  }
0x4c6: {  	v33 =	vld.idx.msk [tilespmem:v29+s7+$0x0], $0xffff;
	v15 =	vmul.f32 v15, v23;
	v11 =	vor.u32 $0xB, v16;
	v14 =	vadd.f32 v14, v13  }
0x4c7: {  	v36 =	vor.u32 $0xC, v34;
	v28 =	vld.idx.msk [tilespmem:v7+s4+$0x0], $0xffff  }
0x4c8: {  	v37 =	vld.idx.msk [tilespmem:v30+s7+$0x0], $0xffff;
	v17 =	vmul.f32 v17, v24;
	v13 =	vor.u32 $0xC, v16;
	v15 =	vadd.f32 v15, v14  }
0x4c9: {  	v38 =	vor.u32 $0xD, v34;
	v29 =	vld.idx.msk [tilespmem:v9+s4+$0x0], $0xffff  }
0x4ca: {  	v39 =	vld.idx.msk [tilespmem:v32+s7+$0x0], $0xffff;
	v14 =	vor.u32 $0xD, v16;
	v31 =	vmul.f32 v31, v27;
	v17 =	vadd.f32 v17, v15  }
0x4cb: {  	v40 =	vor.u32 $0xE, v34;
	v30 =	vld.idx.msk [tilespmem:v11+s4+$0x0], $0xffff  }
0x4cc: {  	v36 =	vld.idx.msk [tilespmem:v36+s7+$0x0], $0xffff;
	v15 =	vor.u32 $0xE, v16;
	v17 =	vadd.f32 v31, v17;
	v31 =	vmul.f32 v33, v28  }
0x4cd: {  	v61 =	vor.u32 $0xF, v34;
	v32 =	vld.idx.msk [tilespmem:v13+s4+$0x0], $0xffff  }
0x4ce: {  	v38 =	vld.idx.msk [tilespmem:v38+s7+$0x0], $0xffff;
	v37 =	vmul.f32 v37, v29;
	v41 =	vadd.f32 v31, v17;
	v17 =	vor.u32 $0xF, v16  }
0x4cf: {  	v33 =	vld.idx.msk [tilespmem:v14+s4+$0x0], $0xffff  }
0x4d0: {  	v42 =	vld.idx.msk [tilespmem:v40+s7+$0x0], $0xffff;
	v39 =	vmul.f32 v39, v30;
	v37 =	vadd.f32 v37, v41  }
0x4d1: {  	v31 =	vld.idx.msk [tilespmem:v15+s4+$0x0], $0xffff  }
0x4d2: {  	v36 =	vmul.f32 v36, v32;
	v62 =	vadd.f32 v39, v37;
	v39 =	vld.idx.msk [tilespmem:v61+s7+$0x0], $0xffff  }
0x4d3: {  	v34 =	vld.idx.msk [tilespmem:v17+s4+$0x0], $0xffff  }
0x4d4: {  	v38 =	vmul.f32 v38, v33;
	v63 =	vadd.f32 v36, v62;
	_ =	sdelay $0x1  }
0x4d5: {  	s6 =	simm.s32 $0x1;
	v41 =	vmul.f32 v42, v31;
	v40 =	vadd.f32 v38, v63  }
0x4d6: {  	s9 =	simm.s32 $0x2;
	s8 =	simm.s32 $0x0;
	v37 =	vimm.s32 $0x0;
	v36 =	vimm.f32 $-Inf;
	v38 =	vadd.s32 s6, v25  }
.LBB2_23:
0x4d7: {  	p0 =	sne.s32 s9, $0x13;
	v42 =	vshll.u32 v38, $0x4;
	v40 =	vadd.f32 v41, v40;
	v39 =	vmul.f32 v39, v34  }
0x4d8: {  	v41 =	vor.u32 $0x1, v42  }
0x4d9: {  	v39 =	vadd.f32 v39, v40  }
0x4da: {  	v40 =	vor.u32 $0x2, v42  }
0x4db: {  	[tilespmem:v35+s25+$0x0] =	vst.idx.msk $0xffff, v39  }
0x4dc: {  	v44 =	vor.u32 $0x3, v42;
	v43 =	vld.idx.msk [tilespmem:v42+s7+$0x0], $0xffff  }
0x4dd: {  	v41 =	vld.idx.msk [tilespmem:v41+s7+$0x0], $0xffff  }
0x4de: {  	v45 =	vor.u32 $0x4, v42;
	v46 =	vld.idx.msk [tilespmem:v35+s3+$0x0], $0xffff;
	v35 =	vmov v38  }
0x4df: {  	v38 =	vld.idx.msk [tilespmem:v40+s7+$0x0], $0xffff  }
0x4e0: {  	v40 =	vor.u32 $0x5, v42  }
0x4e1: {  	v44 =	vld.idx.msk [tilespmem:v44+s7+$0x0], $0xffff  }
0x4e2: {  	v47 =	vor.u32 $0x6, v42  }
0x4e3: {  	v43 =	vmul.f32 v43, v26;
	v41 =	vmul.f32 v41, v19;
	v45 =	vld.idx.msk [tilespmem:v45+s7+$0x0], $0xffff  }
0x4e4: {  	v48 =	vor.u32 $0x7, v42;
	v39 =	vadd.f32 v46, v39  }
0x4e5: {  	v41 =	vadd.f32 v41, v43;
	v38 =	vmul.f32 v38, v22;
	v40 =	vld.idx.msk [tilespmem:v40+s7+$0x0], $0xffff  }
0x4e6: {  	v43 =	vor.u32 $0x8, v42;
	vm0 =	vgt.f32 v39, v36  }
0x4e7: {  	v38 =	vadd.f32 v38, v41;
	v41 =	vmul.f32 v44, v20;
	v36 =	vsel vm0, v39, v36;
	v44 =	vld.idx.msk [tilespmem:v47+s7+$0x0], $0xffff  }
0x4e8: {  	v39 =	vor.u32 $0x9, v42;
	v37 =	vsel vm0, s8, v37;
	s8 =	smov.u32 s6;
	s6 =	smov.u32 s9  }
0x4e9: {  	v38 =	vadd.f32 v41, v38;
	v41 =	vmul.f32 v45, v18;
	v45 =	vld.idx.msk [tilespmem:v48+s7+$0x0], $0xffff  }
0x4ea: {  	v46 =	vor.u32 $0xA, v42  }
0x4eb: {  	v38 =	vadd.f32 v41, v38;
	v40 =	vmul.f32 v40, v21;
	v41 =	vld.idx.msk [tilespmem:v43+s7+$0x0], $0xffff  }
0x4ec: {  	v43 =	vor.u32 $0xB, v42  }
0x4ed: {  	v38 =	vadd.f32 v40, v38;
	v40 =	vmul.f32 v44, v23;
	v39 =	vld.idx.msk [tilespmem:v39+s7+$0x0], $0xffff  }
0x4ee: {  	v44 =	vor.u32 $0xC, v42  }
0x4ef: {  	v38 =	vadd.f32 v40, v38;
	v40 =	vmul.f32 v45, v24;
	v45 =	vld.idx.msk [tilespmem:v46+s7+$0x0], $0xffff  }
0x4f0: {  	v46 =	vor.u32 $0xD, v42  }
0x4f1: {  	v38 =	vadd.f32 v40, v38;
	v40 =	vmul.f32 v41, v27;
	v41 =	vld.idx.msk [tilespmem:v43+s7+$0x0], $0xffff  }
0x4f2: {  	v43 =	vor.u32 $0xE, v42  }
0x4f3: {  	v38 =	vadd.f32 v40, v38;
	v39 =	vmul.f32 v39, v28;
	v40 =	vld.idx.msk [tilespmem:v44+s7+$0x0], $0xffff  }
0x4f4: {  	v42 =	vor.u32 $0xF, v42  }
0x4f5: {  	v38 =	vadd.f32 v39, v38;
	v39 =	vmul.f32 v45, v29;
	v44 =	vld.idx.msk [tilespmem:v46+s7+$0x0], $0xffff;
	_ =	sdelay $0x1  }
0x4f6: {  	v38 =	vadd.f32 v39, v38;
	v39 =	vmul.f32 v41, v30;
	v41 =	vld.idx.msk [tilespmem:v43+s7+$0x0], $0xffff;
	_ =	sdelay $0x1  }
0x4f7: {  	v38 =	vadd.f32 v39, v38;
	v40 =	vmul.f32 v40, v32;
	v39 =	vld.idx.msk [tilespmem:v42+s7+$0x0], $0xffff  }
.Ltmp10:
0x4f8: {  	(pc) =	sbr.rel @p0 .LBB2_23-.Ltmp10, $3  }
0x4f9: {  	v38 =	vadd.f32 v40, v38;
	v40 =	vmul.f32 v44, v33;
	_ =	sdelay $0x1  }
0x4fa: {  	v40 =	vadd.f32 v40, v38;
	v41 =	vmul.f32 v41, v31  }
0x4fb: {  	s9 =	sadd.s32 $0x1, s9;
	v38 =	vadd.s32 s6, v25  }
0x4fc: {  	v42 =	vshll.u32 v38, $0x4;
	v40 =	vadd.f32 v41, v40;
	v39 =	vmul.f32 v39, v34  }
0x4fd: {  	v51 =	vor.u32 $0x1, v42  }
0x4fe: {  	v39 =	vadd.f32 v39, v40  }
0x4ff: {  	v52 =	vor.u32 $0x2, v42  }
0x500: {  	[tilespmem:v35+s25+$0x0] =	vst.idx.msk $0xffff, v39  }
0x501: {  	v44 =	vor.u32 $0x3, v42;
	v43 =	vld.idx.msk [tilespmem:v42+s7+$0x0], $0xffff  }
0x502: {  	v41 =	vld.idx.msk [tilespmem:v51+s7+$0x0], $0xffff  }
0x503: {  	v45 =	vor.u32 $0x4, v42  }
0x504: {  	v40 =	vld.idx.msk [tilespmem:v52+s7+$0x0], $0xffff  }
0x505: {  	v46 =	vor.u32 $0x5, v42  }
0x506: {  	v44 =	vld.idx.msk [tilespmem:v44+s7+$0x0], $0xffff  }
0x507: {  	v47 =	vor.u32 $0x6, v42;
	v43 =	vmul.f32 v43, v26;
	v41 =	vmul.f32 v41, v19  }
0x508: {  	v45 =	vld.idx.msk [tilespmem:v45+s7+$0x0], $0xffff  }
0x509: {  	v48 =	vor.u32 $0x7, v42;
	v40 =	vmul.f32 v40, v22;
	v41 =	vadd.f32 v41, v43  }
0x50a: {  	v53 =	vld.idx.msk [tilespmem:v46+s7+$0x0], $0xffff  }
0x50b: {  	v54 =	vor.u32 $0x8, v42;
	v55 =	vmul.f32 v44, v20;
	v40 =	vadd.f32 v40, v41  }
0x50c: {  	v56 =	vld.idx.msk [tilespmem:v47+s7+$0x0], $0xffff  }
0x50d: {  	v57 =	vor.u32 $0x9, v42;
	v58 =	vmul.f32 v45, v18;
	v40 =	vadd.f32 v55, v40  }
0x50e: {  	v59 =	vld.idx.msk [tilespmem:v48+s7+$0x0], $0xffff  }
0x50f: {  	v60 =	vor.u32 $0xA, v42;
	v61 =	vmul.f32 v53, v21;
	v40 =	vadd.f32 v58, v40  }
0x510: {  	v62 =	vld.idx.msk [tilespmem:v54+s7+$0x0], $0xffff  }
0x511: {  	v63 =	vor.u32 $0xB, v42;
	v51 =	vmul.f32 v56, v23;
	v40 =	vadd.f32 v61, v40  }
0x512: {  	v52 =	vld.idx.msk [tilespmem:v57+s7+$0x0], $0xffff  }
0x513: {  	v53 =	vor.u32 $0xC, v42;
	v54 =	vmul.f32 v59, v24;
	v40 =	vadd.f32 v51, v40  }
0x514: {  	v55 =	vld.idx.msk [tilespmem:v60+s7+$0x0], $0xffff  }
0x515: {  	v56 =	vor.u32 $0xD, v42;
	v57 =	vmul.f32 v62, v27;
	v40 =	vadd.f32 v54, v40  }
0x516: {  	v58 =	vld.idx.msk [tilespmem:v63+s7+$0x0], $0xffff  }
0x517: {  	v59 =	vor.u32 $0xE, v42;
	v60 =	vmul.f32 v52, v28;
	v40 =	vadd.f32 v57, v40  }
0x518: {  	v61 =	vld.idx.msk [tilespmem:v53+s7+$0x0], $0xffff  }
0x519: {  	v42 =	vor.u32 $0xF, v42;
	v62 =	vmul.f32 v55, v29;
	v40 =	vadd.f32 v60, v40  }
0x51a: {  	v63 =	vld.idx.msk [tilespmem:v56+s7+$0x0], $0xffff  }
0x51b: {  	v48 =	vmul.f32 v58, v30;
	v40 =	vadd.f32 v62, v40  }
0x51c: {  	v49 =	vld.idx.msk [tilespmem:v59+s7+$0x0], $0xffff  }
0x51d: {  	v50 =	vmul.f32 v61, v32;
	v40 =	vadd.f32 v48, v40  }
0x51e: {  	v42 =	vld.idx.msk [tilespmem:v42+s7+$0x0], $0xffff  }
0x51f: {  	v51 =	vmul.f32 v63, v33;
	v40 =	vadd.f32 v50, v40;
	_ =	sdelay $0x1  }
0x520: {  	v52 =	vmul.f32 v49, v31;
	v40 =	vadd.f32 v51, v40;
	_ =	sdelay $0x1  }
0x521: {  	v53 =	vmul.f32 v42, v34;
	v40 =	vadd.f32 v52, v40;
	_ =	sdelay $0x1  }
0x522: {  	v40 =	vadd.f32 v53, v40  }
0x523: {  	v35 =	vld.idx.msk [tilespmem:v35+s3+$0x0], $0xffff  }
0x524: {  	[tilespmem:v38+s25+$0x0] =	vst.idx.msk $0xffff, v40  }
0x525: {  	v38 =	vld.idx.msk [tilespmem:v38+s3+$0x0], $0xffff;
	_ =	sdelay $0x2  }
0x526: {  	v35 =	vadd.f32 v35, v39;
	_ =	sdelay $0x1  }
0x527: {  	vm0 =	vgt.f32 v35, v36;
	v38 =	vadd.f32 v38, v40  }
0x528: {  	v35 =	vsel vm0, v35, v36  }
0x529: {  	v54 =	vsel vm0, s8, v37;
	vm14 =	vgt.f32 v38, v35  }
0x52a: {  	v35 =	vsel vm14, s6, v54  }
0x52b: {  	v25 =	vadd.s32 v25, v35;
	_ =	sdelay $0x4  }
0x52c: {  	v55 =	vld.idx.msk [tilespmem:v25+s19+$0x0], $0xffff  }
0x52d: {  	v25 =	vshll.u32 v25, $0x4;
	_ =	sdelay $0x2  }
0x52e: {  	[tilespmem:s1+$0xD000] =	vst v35  }
0x52f: {  	[tilespmem:s1+$0xD080] =	vst v55  }
0x530: {  	v35 =	vld.idx.msk [tilespmem:v25+s7+$0x0], $0xffff;
	_ =	sdelay $0x4  }
0x531: {  	v57 =	vor.u32 $0x1, v25;
	v56 =	vadd.f32 v35, v26;
	_ =	sdelay $0x1  }
0x532: {  	v26 =	vmul.f32 $5.000000000e-01, v56;
	_ =	sdelay $0x1  }
0x533: {  	[tilespmem:v16+s26+$0x0] =	vst.idx.msk $0xffff, v26  }
0x534: {  	v16 =	vld.idx.msk [tilespmem:v57+s7+$0x0], $0xffff;
	_ =	sdelay $0x4  }
0x535: {  	v58 =	vor.u32 $0x2, v25;
	v16 =	vadd.f32 v16, v19;
	_ =	sdelay $0x1  }
0x536: {  	v16 =	vmul.f32 $5.000000000e-01, v16;
	_ =	sdelay $0x1  }
0x537: {  	[tilespmem:v12+s26+$0x0] =	vst.idx.msk $0xffff, v16  }
0x538: {  	v12 =	vld.idx.msk [tilespmem:v58+s7+$0x0], $0xffff;
	_ =	sdelay $0x4  }
0x539: {  	v59 =	vor.u32 $0x3, v25;
	v12 =	vadd.f32 v12, v22;
	_ =	sdelay $0x1  }
0x53a: {  	v12 =	vmul.f32 $5.000000000e-01, v12;
	_ =	sdelay $0x1  }
0x53b: {  	[tilespmem:v10+s26+$0x0] =	vst.idx.msk $0xffff, v12  }
0x53c: {  	v10 =	vld.idx.msk [tilespmem:v59+s7+$0x0], $0xffff;
	_ =	sdelay $0x4  }
0x53d: {  	v60 =	vor.u32 $0x4, v25;
	v10 =	vadd.f32 v10, v20;
	_ =	sdelay $0x1  }
0x53e: {  	v10 =	vmul.f32 $5.000000000e-01, v10;
	_ =	sdelay $0x1  }
0x53f: {  	[tilespmem:v8+s26+$0x0] =	vst.idx.msk $0xffff, v10  }
0x540: {  	v8 =	vld.idx.msk [tilespmem:v60+s7+$0x0], $0xffff;
	_ =	sdelay $0x4  }
0x541: {  	v61 =	vor.u32 $0x5, v25;
	v8 =	vadd.f32 v8, v18;
	_ =	sdelay $0x1  }
0x542: {  	v8 =	vmul.f32 $5.000000000e-01, v8;
	_ =	sdelay $0x1  }
0x543: {  	[tilespmem:v5+s26+$0x0] =	vst.idx.msk $0xffff, v8  }
0x544: {  	v5 =	vld.idx.msk [tilespmem:v61+s7+$0x0], $0xffff;
	_ =	sdelay $0x4  }
0x545: {  	v62 =	vor.u32 $0x6, v25;
	v5 =	vadd.f32 v5, v21;
	_ =	sdelay $0x1  }
0x546: {  	v5 =	vmul.f32 $5.000000000e-01, v5;
	_ =	sdelay $0x1  }
0x547: {  	[tilespmem:v3+s26+$0x0] =	vst.idx.msk $0xffff, v5  }
0x548: {  	v3 =	vld.idx.msk [tilespmem:v62+s7+$0x0], $0xffff;
	_ =	sdelay $0x4  }
0x549: {  	v63 =	vor.u32 $0x7, v25;
	v3 =	vadd.f32 v3, v23;
	_ =	sdelay $0x1  }
0x54a: {  	v3 =	vmul.f32 $5.000000000e-01, v3;
	_ =	sdelay $0x1  }
0x54b: {  	[tilespmem:v2+s26+$0x0] =	vst.idx.msk $0xffff, v3  }
0x54c: {  	v2 =	vld.idx.msk [tilespmem:v63+s7+$0x0], $0xffff;
	_ =	sdelay $0x4  }
0x54d: {  	v3 =	vor.u32 $0x8, v25;
	v2 =	vadd.f32 v2, v24;
	_ =	sdelay $0x1  }
0x54e: {  	v2 =	vmul.f32 $5.000000000e-01, v2;
	_ =	sdelay $0x1  }
0x54f: {  	[tilespmem:v4+s26+$0x0] =	vst.idx.msk $0xffff, v2  }
0x550: {  	v2 =	vld.idx.msk [tilespmem:v3+s7+$0x0], $0xffff;
	_ =	sdelay $0x4  }
0x551: {  	v3 =	vor.u32 $0x9, v25;
	v2 =	vadd.f32 v2, v27;
	_ =	sdelay $0x1  }
0x552: {  	v2 =	vmul.f32 $5.000000000e-01, v2;
	_ =	sdelay $0x1  }
0x553: {  	[tilespmem:v6+s26+$0x0] =	vst.idx.msk $0xffff, v2  }
0x554: {  	v2 =	vld.idx.msk [tilespmem:v3+s7+$0x0], $0xffff;
	_ =	sdelay $0x4  }
0x555: {  	v3 =	vor.u32 $0xA, v25;
	v2 =	vadd.f32 v2, v28;
	_ =	sdelay $0x1  }
0x556: {  	v2 =	vmul.f32 $5.000000000e-01, v2;
	_ =	sdelay $0x1  }
0x557: {  	[tilespmem:v7+s26+$0x0] =	vst.idx.msk $0xffff, v2  }
0x558: {  	v2 =	vld.idx.msk [tilespmem:v3+s7+$0x0], $0xffff;
	_ =	sdelay $0x4  }
0x559: {  	v3 =	vor.u32 $0xB, v25;
	v2 =	vadd.f32 v2, v29;
	_ =	sdelay $0x1  }
0x55a: {  	v2 =	vmul.f32 $5.000000000e-01, v2;
	_ =	sdelay $0x1  }
0x55b: {  	[tilespmem:v9+s26+$0x0] =	vst.idx.msk $0xffff, v2  }
0x55c: {  	v2 =	vld.idx.msk [tilespmem:v3+s7+$0x0], $0xffff;
	_ =	sdelay $0x4  }
0x55d: {  	v3 =	vor.u32 $0xC, v25;
	v2 =	vadd.f32 v2, v30;
	_ =	sdelay $0x1  }
0x55e: {  	v2 =	vmul.f32 $5.000000000e-01, v2;
	_ =	sdelay $0x1  }
0x55f: {  	[tilespmem:v11+s26+$0x0] =	vst.idx.msk $0xffff, v2  }
0x560: {  	v2 =	vld.idx.msk [tilespmem:v3+s7+$0x0], $0xffff;
	_ =	sdelay $0x4  }
0x561: {  	v3 =	vor.u32 $0xD, v25;
	v2 =	vadd.f32 v2, v32;
	_ =	sdelay $0x1  }
0x562: {  	v2 =	vmul.f32 $5.000000000e-01, v2;
	_ =	sdelay $0x1  }
0x563: {  	[tilespmem:v13+s26+$0x0] =	vst.idx.msk $0xffff, v2  }
0x564: {  	v2 =	vld.idx.msk [tilespmem:v3+s7+$0x0], $0xffff;
	_ =	sdelay $0x4  }
0x565: {  	v3 =	vor.u32 $0xE, v25;
	v2 =	vadd.f32 v2, v33;
	_ =	sdelay $0x1  }
0x566: {  	v2 =	vmul.f32 $5.000000000e-01, v2;
	_ =	sdelay $0x1  }
0x567: {  	[tilespmem:v14+s26+$0x0] =	vst.idx.msk $0xffff, v2  }
0x568: {  	v2 =	vld.idx.msk [tilespmem:v3+s7+$0x0], $0xffff;
	_ =	sdelay $0x4  }
0x569: {  	v3 =	vor.u32 $0xF, v25;
	v2 =	vadd.f32 v2, v31;
	_ =	sdelay $0x1  }
0x56a: {  	v2 =	vmul.f32 $5.000000000e-01, v2;
	_ =	sdelay $0x1  }
0x56b: {  	[tilespmem:v15+s26+$0x0] =	vst.idx.msk $0xffff, v2  }
0x56c: {  	v2 =	vld.idx.msk [tilespmem:v3+s7+$0x0], $0xffff;
	_ =	sdelay $0x2  }
0x56d: {  	s0 =	sadd.s32 $0x1, s0  }
0x56e: {  	p0 =	sne.s32 s0, $0x8  }
.Ltmp11:
0x56f: {  	v2 =	vadd.f32 v2, v34;
	(pc) =	sbr.rel @p0 .LBB2_22-.Ltmp11, $3  }
0x570: {  	vm15 =	vgt.s32 v55, $0x1  }
0x571: {  	v3 =	vmpcnt.ones.xlane vm15;
	v2 =	vmul.f32 $5.000000000e-01, v2;
	_ =	sdelay $0x1  }
0x572: {  	v1 =	vadd.s32 v1, v3;
	[tilespmem:v17+s26+$0x0] =	vst.idx.msk $0xffff, v2  }
0x573: {  	s0 =	rddreg [dreg:$0x13]  }
0x574: {  	[hbm4b:s0+s19] =	stream.linear.scatter [tilespmem:s25], [sflag:$0x2], $0xA00, $0x38;
	[tilespmem:$0xD910] =	vst v63  }
0x575: {  	_ =	swait.ge [sflag:s2], $0xA00  }
0x576: {  	[sflag:s2] =	ssyncset.done $0x0  }
0x577: {  	s1 =	rddreg [dreg:$0x18];
	[sflag:s2] =	ssyncadd.s32 $0xFFFFF600  }
0x578: {  	[hbm4b:s1+s19] =	stream.linear.scatter [tilespmem:s28], [sflag:$0x2], $0x80, $0x38;
	[tilespmem:$0xD910] =	vst v63  }
0x579: {  	_ =	swait.ge [sflag:s2], $0x80  }
0x57a: {  	[sflag:s2] =	ssyncset.done $0x0  }
0x57b: {  	s6 =	rddreg [dreg:$0x19];
	[sflag:s2] =	ssyncadd.s32 $0xFFFFFF80  }
0x57c: {  	[hbm4b:s6+s19] =	stream.linear.scatter [tilespmem:s29], [sflag:$0x2], $0x80, $0x38;
	[tilespmem:$0xD910] =	vst v63  }
0x57d: {  	_ =	swait.ge [sflag:s2], $0x80  }
0x57e: {  	s8 =	sld [smem:$0x7FB]  }
0x57f: {  	[sflag:s2] =	ssyncset.done $0x0  }
0x580: {  	[sflag:s2] =	ssyncadd.s32 $0xFFFFFF80  }
0x581: {  	[hbm4b:s8+s19] =	stream.linear.scatter [tilespmem:s26], [sflag:$0x2], $0x800, $0x38;
	[tilespmem:$0xD910] =	vst v63  }
0x582: {  	_ =	swait.ge [sflag:s2], $0x800  }
0x583: {  	v1 =	vcvt.s32.f32 v1;
	[sflag:s2] =	ssyncset.done $0x0;
	s9 =	sld [smem:$0x7FC]  }
0x584: {  	[sflag:s2] =	ssyncadd.s32 $0xFFFFF800  }
0x585: {  	s1 =	simm.s32 $0xD900;
	[tilespmem:$0xD900] =	vst v1  }
0x586: {  	[hbm4b:s9+s19] =	stream.linear.scatter [tilespmem:s1], [sflag:$0x2], $0x10, $0x38;
	[tilespmem:$0xD910] =	vst v63  }
0x587: {  	_ =	swait.ge [sflag:s2], $0x10  }
0x588: {  	s31 =	sld [smem:$0x7FD];
	_ =	sdelay $0x1  }
0x589: {  	s30 =	sadd.s32 $0x1, s30  }
0x58a: {  	p0 =	sne.s32 s30, s31  }
.Ltmp12:
0x58b: {  	_ = 	snop;
	(pc) =	sbr.rel @p0 .LBB2_1-.Ltmp12, $3  }
0x58c: {  	_ =	sdelay $0x1  }
0x58d: {  	[sflag:s2] =	ssyncset.done $0x0  }
0x58e: {  	[sflag:s2] =	ssyncadd.s32 $0xFFFFFFF0  }
0x58f: {  	_ =	sfence.sel $0x180000  }
0x590: {  	[bflag:$0x0] =	sbarrier.arrive $0xFFFF  }
0x591: {  	_ =	strace $0x90000047  }
0x592: {  	s0 =	stileid.u32;
	[bflag:$0x2] =	sbarrier.arrive $0xFFFF  }
0x593: {  	p0 =	sne.s32 s0, $0x0;
	s0 =	rddreg [dreg:$0x5]  }
0x594: {  	s0 =	sadd.s32 @!p0 $0x100000, s0  }
0x595: {  	[sflag:s0] =	ssyncadd.tile.s32 @!p0 $0x1;
	_ =	shalt  }
.Lfunc_end2:
_tile_overlayer_lowered:
.L_overlay_start_2:
0x596: {  	(tag) =	ssettag $0x2  }
0x597: {  	s0 =	rddreg [dreg:$0x0];
	s2 =	stileid.u32  }
0x598: {  	s1 =	rddreg [dreg:$0x1];
	p0 =	sne.s32 s2, $0x0  }
0x599: {  	s3 =	rddreg [dreg:$0x2];
	[bflag:$0x3] =	sbarrier.arrive $0xFFFF;
	s2 =	simm.s32 @!p0 $0x1C02  }
0x59a: {  	[timem:s3], [sflag:s2] =	dma.local @!p0 [hbm:s0], s1  }
0x59b: {  	s0 =	simm.s32 @!p0 $0x2  }
0x59c: {  	_ =	swait.ge @!p0 [sflag:s0], s1  }
0x59d: {  	s1 =	ssub.s32 @!p0 $0x0, s1;
	[sflag:s0] =	ssyncset.done @!p0 $0x0  }
0x59e: {  	[sflag:s0] =	ssyncadd.s32 @!p0 s1  }
0x59f: {  	[bflag:$0x3] =	sbarrier.arrive $0xFFFF  }
0x5a0: {  	_ =	shalt  }

</sc_bundles>
